<compile_context>
chip_gen: v7x
topology: tpu7x:2x2x1
jax: 0.10.2.dev20260603
libtpu: 0.0.44.dev20260713+nightly
codegen_flags: <defaults>
</compile_context>

<pallas_src>
import jax
import jax.numpy as jnp
from jax import lax
from jax.experimental import pallas as pl
from jax.experimental.pallas import tpu as pltpu
from jax.experimental.pallas import tpu_sc as plsc

_NC, _NS, _L = 2, 16, 16
_B = 256
_N1, _N2 = 2000, 500
_N1P, _N2P = 2048, 512
_H = 2
_CH = 128
_SUP = 4


def _make_sc_segment_sum(n_rows, lanes, e_pad):
  per_core = e_pad // _NC
  n_chunks = per_core // _CH
  q = lanes // _L
  n_sup = n_chunks // _SUP
  sup_groups = _SUP * _CH // _L

  mesh = plsc.VectorSubcoreMesh(core_axis_name="c", subcore_axis_name="s",
                                num_cores=_NC, num_subcores=_NS)

  def body(table, src, dst, out_sum, out_cnt,
           src_v, dst_v, rows_v, acc, cacc,
           semg0, semg1, semi0, semi1):
    c = lax.axis_index("c")
    s = lax.axis_index("s")
    zrow = jnp.zeros((_L,), jnp.float32)
    ones = jnp.ones((_L,), jnp.float32)
    iota = lax.iota(jnp.int32, _L)
    kvecs = [jnp.full((_L,), k, jnp.int32) for k in range(_L)]
    semg = [semg0, semg1]
    semi = [semi0, semi1]

    def zero(i, carry):
      for u in range(q):
        acc[i, pl.ds(u * _L, _L)] = zrow
      cacc[i] = zrow
      return carry

    lax.fori_loop(0, n_rows, zero, 0)

    cbase = c * n_chunks
    tbl = table.at[s]

    def issue_idx(slot, g):
      cb = cbase + g * _SUP
      pltpu.async_copy(src.at[pl.ds(cb, _SUP)], src_v.at[slot], semi[slot])
      pltpu.async_copy(dst.at[pl.ds(cb, _SUP)], dst_v.at[slot], semi[slot])

    def drain_idx(slot):
      pltpu.make_async_copy(src.at[pl.ds(0, _SUP)], src_v.at[slot],
                            semi[slot]).wait()
      pltpu.make_async_copy(dst.at[pl.ds(0, _SUP)], dst_v.at[slot],
                            semi[slot]).wait()

    def fire_gathers(slot):
      for i in range(_SUP):
        pltpu.async_copy(tbl.at[src_v.at[slot, i]], rows_v.at[slot, i],
                         semg[slot])

    def drain_gathers(slot):
      for i in range(_SUP):
        pltpu.make_async_copy(tbl.at[src_v.at[slot, i]], rows_v.at[slot, i],
                              semg[slot]).wait()

    def compute(slot, g):
      def group(gg, carry2):
        i = gg >> 3
        e0 = (gg & 7) * _L
        dvec = dst_v[slot, i, pl.ds(e0, _L)]
        dbks = []
        vals = []
        for k in range(_L):
          dbks.append(lax.gather(
              dvec, kvecs[k][:, None],
              lax.GatherDimensionNumbers(offset_dims=(),
                                         collapsed_slice_dims=(0,),
                                         start_index_map=(0,)),
              slice_sizes=(1,),
              mode=lax.GatherScatterMode.PROMISE_IN_BOUNDS))
          vals.append([rows_v[slot, i, e0 + k, pl.ds(u * _L, _L)]
                       for u in range(q)])
        for k in range(_L):
          for u in range(q):
            plsc.addupdate_scatter(acc, [dbks[k], iota + u * _L], vals[k][u])

        @pl.when((gg & 15) == s)
        def _():
          plsc.addupdate_scatter(cacc, [dvec, dvec & 15], ones)

        return carry2

      lax.fori_loop(0, sup_groups, group, 0)

    issue_idx(0, 0)
    drain_idx(0)
    fire_gathers(0)
    issue_idx(1, 1)

    def step(g, carry):
      for slot in range(2):
        @pl.when((g & 1) == slot)
        def _():
          other = 1 - slot
          drain_gathers(slot)

          @pl.when(g + 1 < n_sup)
          def _():
            drain_idx(other)
            fire_gathers(other)

          compute(slot, g)

          @pl.when(g + 2 < n_sup)
          def _():
            issue_idx(slot, g + 2)

      return carry

    lax.fori_loop(0, n_sup, step, 0)
    pltpu.sync_copy(acc, out_sum.at[c, s])
    pltpu.sync_copy(cacc, out_cnt.at[c, s])

  return pl.kernel(
      body,
      out_type=(jax.ShapeDtypeStruct((_NC, _NS, n_rows, lanes), jnp.float32),
                jax.ShapeDtypeStruct((_NC, _NS, n_rows, 16), jnp.float32)),
      mesh=mesh,
      compiler_params=pltpu.CompilerParams(use_tc_tiling_on_sc=False,
                                           needs_layout_passes=False),
      scratch_types=[
          pltpu.VMEM((2, _SUP, _CH), jnp.int32),
          pltpu.VMEM((2, _SUP, _CH), jnp.int32),
          pltpu.VMEM((2, _SUP, _CH, lanes), jnp.float32),
          pltpu.VMEM((n_rows, lanes), jnp.float32),
          pltpu.VMEM((n_rows, 16), jnp.float32),
          pltpu.SemaphoreType.DMA,
          pltpu.SemaphoreType.DMA,
          pltpu.SemaphoreType.DMA,
          pltpu.SemaphoreType.DMA,
      ],
  )


def _unswizzle_cnt(c_ref):
  cnt16 = jnp.sum(jnp.sum(c_ref[...], axis=0), axis=0)
  blk = cnt16.shape[0]
  rid = lax.broadcasted_iota(jnp.int32, (blk, 16), 0)
  cid = lax.broadcasted_iota(jnp.int32, (blk, 16), 1)
  mask = (cid == (rid % 16)).astype(jnp.float32)
  return jnp.maximum(jnp.sum(cnt16 * mask, axis=1, keepdims=True), 1.0)


def _layer1_body(s_ref, c_ref, w_ref, y_ref):
  cnt = _unswizzle_cnt(c_ref)
  gs = [(s_ref[0, s] + s_ref[1, s]) / cnt for s in range(_NS)]
  gmn = gs[0].min(axis=1, keepdims=True)
  gmx = gs[0].max(axis=1, keepdims=True)
  for s in range(1, _NS):
    gmn = jnp.minimum(gmn, gs[s].min(axis=1, keepdims=True))
    gmx = jnp.maximum(gmx, gs[s].max(axis=1, keepdims=True))
  for h in range(_H):
    w = w_ref[0, h]
    mn = jnp.minimum(w * gmn, w * gmx)
    mx = jnp.maximum(w * gmn, w * gmx)
    inv = 1.0 / (mx - mn + 1e-8)
    for s in range(_NS):
      y_ref[s, :, h * _L:(h + 1) * _L] = jnp.maximum(
          (gs[s] * w - mn) * inv, 0.0)


def _layer2_body(s_ref, c_ref, w_ref, a0_ref, a1_ref, b_ref, o_ref):
  cnt = _unswizzle_cnt(c_ref)
  g0 = jnp.concatenate(
      [s_ref[0, s, :, 0:_L] + s_ref[1, s, :, 0:_L] for s in range(_NS)],
      axis=1) / cnt
  g1 = jnp.concatenate(
      [s_ref[0, s, :, _L:2 * _L] + s_ref[1, s, :, _L:2 * _L]
       for s in range(_NS)], axis=1) / cnt
  ah0 = g0 * w_ref[0, 0] + g1 * w_ref[1, 0]
  ah1 = g0 * w_ref[0, 1] + g1 * w_ref[1, 1]

  def _mm(v):
    mn = jnp.min(v, axis=1, keepdims=True)
    mx = jnp.max(v, axis=1, keepdims=True)
    return jnp.maximum((v - mn) / (mx - mn + 1e-8), 0.0)

  x0 = _mm(ah0)
  x1 = _mm(ah1)
  acc = lax.dot_general(x0, a0_ref[...], (((0,), (0,)), ((), ())),
                        preferred_element_type=jnp.float32,
                        precision=lax.Precision.HIGHEST)
  acc = acc + lax.dot_general(x1, a1_ref[...], (((0,), (0,)), ((), ())),
                              preferred_element_type=jnp.float32,
                              precision=lax.Precision.HIGHEST)
  o_ref[...] = acc + b_ref[...]


def _pad_edges(edge_index, e_pad, n_src, scrap_dst):
  e = edge_index.shape[1]
  pad = e_pad - e
  pad_src = (jnp.arange(pad, dtype=jnp.int32) % n_src)
  src = jnp.concatenate([edge_index[0], pad_src])
  dst = jnp.concatenate(
      [edge_index[1], jnp.full((pad,), scrap_dst, jnp.int32)])
  return src, dst


def kernel(data, edge_index_1, edge_index_2, W1, W2, W_out, b_out):
  n0 = data.shape[1]
  e1, e2 = edge_index_1.shape[1], edge_index_2.shape[1]
  step = _NC * _SUP * _CH
  e1p = -(-e1 // step) * step
  e2p = -(-e2 // step) * step

  data_cs = jnp.transpose(data.reshape(_NS, _L, n0), (0, 2, 1))
  src1, dst1 = _pad_edges(edge_index_1, e1p, n0, _N1P - 1)
  src2, dst2 = _pad_edges(edge_index_2, e2p, _N1, _N2P - 1)

  seg1 = _make_sc_segment_sum(_N1P, _L, e1p)
  sums1, cnts1 = seg1(data_cs, src1.reshape(-1, _CH), dst1.reshape(-1, _CH))

  blk = 256
  y1 = pl.pallas_call(
      _layer1_body,
      grid=(_N1P // blk,),
      in_specs=[pl.BlockSpec((_NC, _NS, blk, _L), lambda i: (0, 0, i, 0)),
                pl.BlockSpec((_NC, _NS, blk, 16), lambda i: (0, 0, i, 0)),
                pl.BlockSpec((1, _H), lambda i: (0, 0))],
      out_specs=pl.BlockSpec((_NS, blk, _H * _L), lambda i: (0, i, 0)),
      out_shape=jax.ShapeDtypeStruct((_NS, _N1P, _H * _L), jnp.float32),
  )(sums1, cnts1, W1)

  seg2 = _make_sc_segment_sum(_N2P, _H * _L, e2p)
  sums2, cnts2 = seg2(y1, src2.reshape(-1, _CH), dst2.reshape(-1, _CH))

  c = W_out.shape[1]
  a0 = jnp.zeros((_N2P, c), jnp.float32).at[:_N2].set(W_out[0::2])
  a1 = jnp.zeros((_N2P, c), jnp.float32).at[:_N2].set(W_out[1::2])
  out = pl.pallas_call(
      _layer2_body,
      out_shape=jax.ShapeDtypeStruct((_B, c), jnp.float32),
  )(sums2, cnts2, W2, a0, a1, b_out.reshape(1, c))
  return out

# --- scband reference (transcript-rebuilt; emitter-appended) ---
"""Pipeline reference for scband-gnn-1382979470013 (READ-ONLY COPY).

The authoritative reference and input builder live on the scoring server;
editing this copy changes nothing except your own understanding.
"""

import jax, jax.numpy as jnp
import numpy as np

B, N0, N1, N2 = 256, 10000, 2000, 500
E1, E2 = 50000, 10000
H = 2
C = 10


def setup_inputs(seed: int = 0) -> dict:
    key = jax.random.key(seed)
    ks = jax.random.split(key, 8)
    data = jax.random.normal(ks[0], (B, N0), dtype=jnp.float32)
    src1 = jax.random.randint(ks[1], (E1,), 0, N0, dtype=jnp.int32)
    dst1 = jax.random.randint(ks[2], (E1,), 0, N1, dtype=jnp.int32)
    edge_index_1 = jnp.stack([src1, dst1], axis=0)
    src2 = jax.random.randint(ks[3], (E2,), 0, N1, dtype=jnp.int32)
    dst2 = jax.random.randint(ks[4], (E2,), 0, N2, dtype=jnp.int32)
    edge_index_2 = jnp.stack([src2, dst2], axis=0)
    # learned params: pre-scatter Linears (no bias, torch Linear(in, H)) and output Linear
    W1 = jax.random.normal(ks[5], (1, H), dtype=jnp.float32) * 0.1   # layer0: in_dim=1 -> H
    W2 = jax.random.normal(ks[6], (H, H), dtype=jnp.float32) * 0.1   # layer1: H -> H
    W_out = jax.random.normal(ks[7], (N2 * H, C), dtype=jnp.float32) * 0.02
    b_out = jnp.zeros((C,), dtype=jnp.float32)
    return {
        'data': data,
        'edge_index_1': edge_index_1,
        'edge_index_2': edge_index_2,
        'W1': W1,
        'W2': W2,
        'W_out': W_out,
        'b_out': b_out,
    }


def _scatter_mean(lifted, dst, num_segments):
    # lifted: [B, E, H]; scatter-mean along axis 1 by dst -> [B, num_segments, H]
    s = jax.ops.segment_sum(jnp.swapaxes(lifted, 0, 1), dst, num_segments=num_segments)
    cnt = jax.ops.segment_sum(jnp.ones_like(dst, dtype=lifted.dtype), dst, num_segments=num_segments)
    cnt = jnp.clip(cnt, 1.0, None)
    return jnp.swapaxes(s, 0, 1) / cnt[None, :, None]


def _minmax(x):
    # RunningMinMaxScaler (training-mode batch statistics): per-feature min-max scaling
    mn = jnp.min(x, axis=0, keepdims=True)
    mx = jnp.max(x, axis=0, keepdims=True)
    return (x - mn) / (mx - mn + 1e-8)


def reference(data, edge_index_1, edge_index_2, W1, W2, W_out, b_out):
    x = data[:, :, None]                      # [B, N0, 1]
    # ---- ontology layer 1 ----
    t = x @ W1                                # [B, N0, H]
    lifted = jnp.take(t, edge_index_1[0], axis=1)   # [B, E1, H]
    agg = _scatter_mean(lifted, edge_index_1[1], N1)  # [B, N1, H]
    flat = _minmax(agg.reshape(B, -1))
    x = jax.nn.relu(flat.reshape(B, N1, H))
    # ---- ontology layer 2 ----
    t = x @ W2                                # [B, N1, H]
    lifted = jnp.take(t, edge_index_2[0], axis=1)   # [B, E2, H]
    agg = _scatter_mean(lifted, edge_index_2[1], N2)  # [B, N2, H]
    flat = _minmax(agg.reshape(B, -1))
    x = jax.nn.relu(flat.reshape(B, N2, H))
    # ---- readout ----
    out = x.reshape(B, -1) @ W_out + b_out    # [B, C]
    if out.shape[-1] == 1:
        out = jnp.squeeze(out, axis=-1)
    return out

if __name__ == "__main__":
    import jax
    _d = setup_inputs()
    print(jax.jit(kernel)(*tuple(_d.values())))

</pallas_src>

<mosaic_0001>
#map = affine_map<(d0, d1) -> (0, 0, 0)>
#map1 = affine_map<(d0, d1) -> (0, 0)>
#map2 = affine_map<(d0, d1) -> (0, 0, 0, 0)>
module attributes {stable_mosaic.version = 14 : i64} {
  func.func @body(%arg0: i32, %arg1: i32, %arg2: memref<16x2048x32xf32, #tpu.memory_space<hbm>>, %arg3: memref<80x128xi32, #tpu.memory_space<hbm>>, %arg4: memref<80x128xi32, #tpu.memory_space<hbm>>, %arg5: memref<2x16x512x32xf32, #tpu.memory_space<hbm>>, %arg6: memref<2x16x512x16xf32, #tpu.memory_space<hbm>>, %arg7: memref<2x4x128xi32, #tpu.memory_space<vmem>>, %arg8: memref<2x4x128xi32, #tpu.memory_space<vmem>>, %arg9: memref<2x4x128x32xf32, #tpu.memory_space<vmem>>, %arg10: memref<512x32xf32, #tpu.memory_space<vmem>>, %arg11: memref<512x16xf32, #tpu.memory_space<vmem>>, %arg12: memref<!tpu.dma_semaphore, #tpu.memory_space<semaphore_mem>>, %arg13: memref<!tpu.dma_semaphore, #tpu.memory_space<semaphore_mem>>, %arg14: memref<!tpu.dma_semaphore, #tpu.memory_space<semaphore_mem>>, %arg15: memref<!tpu.dma_semaphore, #tpu.memory_space<semaphore_mem>>) attributes {dimension_semantics = [#tpu.dimension_semantics<core_parallel>, #tpu.dimension_semantics<subcore_parallel>], iteration_bounds = array<i64: 2, 16>, scalar_prefetch = 0 : i64, scratch_operands = 9 : i64, tpu.core_type = #tpu.core_type<sc_vector_subcore>, window_params = [{transform_indices = #map}, {transform_indices = #map1}, {transform_indices = #map1}, {transform_indices = #map2}, {transform_indices = #map2}]} {
    %broadcast_in_dim3A = arith.constant 0.000000e+00 : f32
    %broadcast_in_dim3A_0 = vector.broadcast %broadcast_in_dim3A : f32 to vector<16xf32>
    %broadcast_in_dim3A_1 = arith.constant 1.000000e+00 : f32
    %broadcast_in_dim3A_2 = vector.broadcast %broadcast_in_dim3A_1 : f32 to vector<16xf32>
    %iota3A = tpu.iota {dimensions = array<i32: 0>} : vector<16xi32>
    %broadcast_in_dim3A_3 = arith.constant 0 : i32
    %broadcast_in_dim3A_4 = vector.broadcast %broadcast_in_dim3A_3 : i32 to vector<16xi32>
    %broadcast_in_dim3A_5 = arith.constant 1 : i32
    %broadcast_in_dim3A_6 = vector.broadcast %broadcast_in_dim3A_5 : i32 to vector<16xi32>
    %broadcast_in_dim3A_7 = arith.constant 2 : i32
    %broadcast_in_dim3A_8 = vector.broadcast %broadcast_in_dim3A_7 : i32 to vector<16xi32>
    %broadcast_in_dim3A_9 = arith.constant 3 : i32
    %broadcast_in_dim3A_10 = vector.broadcast %broadcast_in_dim3A_9 : i32 to vector<16xi32>
    %broadcast_in_dim3A_11 = arith.constant 4 : i32
    %broadcast_in_dim3A_12 = vector.broadcast %broadcast_in_dim3A_11 : i32 to vector<16xi32>
    %broadcast_in_dim3A_13 = arith.constant 5 : i32
    %broadcast_in_dim3A_14 = vector.broadcast %broadcast_in_dim3A_13 : i32 to vector<16xi32>
    %broadcast_in_dim3A_15 = arith.constant 6 : i32
    %broadcast_in_dim3A_16 = vector.broadcast %broadcast_in_dim3A_15 : i32 to vector<16xi32>
    %broadcast_in_dim3A_17 = arith.constant 7 : i32
    %broadcast_in_dim3A_18 = vector.broadcast %broadcast_in_dim3A_17 : i32 to vector<16xi32>
    %broadcast_in_dim3A_19 = arith.constant 8 : i32
    %broadcast_in_dim3A_20 = vector.broadcast %broadcast_in_dim3A_19 : i32 to vector<16xi32>
    %broadcast_in_dim3A_21 = arith.constant 9 : i32
    %broadcast_in_dim3A_22 = vector.broadcast %broadcast_in_dim3A_21 : i32 to vector<16xi32>
    %broadcast_in_dim3A_23 = arith.constant 10 : i32
    %broadcast_in_dim3A_24 = vector.broadcast %broadcast_in_dim3A_23 : i32 to vector<16xi32>
    %broadcast_in_dim3A_25 = arith.constant 11 : i32
    %broadcast_in_dim3A_26 = vector.broadcast %broadcast_in_dim3A_25 : i32 to vector<16xi32>
    %broadcast_in_dim3A_27 = arith.constant 12 : i32
    %broadcast_in_dim3A_28 = vector.broadcast %broadcast_in_dim3A_27 : i32 to vector<16xi32>
    %broadcast_in_dim3A_29 = arith.constant 13 : i32
    %broadcast_in_dim3A_30 = vector.broadcast %broadcast_in_dim3A_29 : i32 to vector<16xi32>
    %broadcast_in_dim3A_31 = arith.constant 14 : i32
    %broadcast_in_dim3A_32 = vector.broadcast %broadcast_in_dim3A_31 : i32 to vector<16xi32>
    %broadcast_in_dim3A_33 = arith.constant 15 : i32
    %broadcast_in_dim3A_34 = vector.broadcast %broadcast_in_dim3A_33 : i32 to vector<16xi32>
    %scan3A = arith.constant 0 : i32
    %scan3A_35 = arith.constant 0 : i32
    %scan3A_36 = arith.constant 512 : i32
    %scan3A_37 = arith.addi %scan3A_35, %scan3A_36 : i32
    %scan3A_38 = arith.constant 1 : i32
    scf.for %scan3A_202 = %scan3A_35 to %scan3A_37 step %scan3A_38  : i32 {
      %swap3A = arith.index_cast %scan3A_202 : i32 to index
      %swap3A_203 = arith.constant 0 : index
      %swap3A_204 = tpu.vector_load %arg10[%swap3A, %swap3A_203] {strides = array<i32>} : memref<512x32xf32, #tpu.memory_space<vmem>>, vector<16xf32>,
      tpu.vector_store %arg10[%swap3A, %swap3A_203], %broadcast_in_dim3A_0 {strides = array<i32>} : memref<512x32xf32, #tpu.memory_space<vmem>>, vector<16xf32>,
      %swap3A_205 = arith.index_cast %scan3A_202 : i32 to index
      %swap3A_206 = arith.constant 16 : index
      %swap3A_207 = tpu.vector_load %arg10[%swap3A_205, %swap3A_206] {strides = array<i32>} : memref<512x32xf32, #tpu.memory_space<vmem>>, vector<16xf32>,
      tpu.vector_store %arg10[%swap3A_205, %swap3A_206], %broadcast_in_dim3A_0 {strides = array<i32>} : memref<512x32xf32, #tpu.memory_space<vmem>>, vector<16xf32>,
      %swap3A_208 = arith.index_cast %scan3A_202 : i32 to index
      %swap3A_209 = arith.constant 0 : index
      %swap3A_210 = tpu.vector_load %arg11[%swap3A_208, %swap3A_209] {strides = array<i32>} : memref<512x16xf32, #tpu.memory_space<vmem>>, vector<16xf32>,
      tpu.vector_store %arg11[%swap3A_208, %swap3A_209], %broadcast_in_dim3A_0 {strides = array<i32>} : memref<512x16xf32, #tpu.memory_space<vmem>>, vector<16xf32>,
    }
    %scan3A_39 = arith.constant 512 : i32
    %mul3A = arith.constant 40 : i32
    %mul3A_40 = arith.muli %arg0, %mul3A : i32
    %add3A = arith.constant 0 : i32
    %add3A_41 = arith.addi %mul3A_40, %add3A : i32
    %dma_start3A = arith.constant 0 : i32
    %dma_start3A_42 = arith.constant 0 : i32
    %dma_start3A_43 = arith.constant 0 : i32
    %dma_start3A_44 = tpu.memref_slice %arg7[%dma_start3A, %dma_start3A_42, %dma_start3A_43] : memref<2x4x128xi32, #tpu.memory_space<vmem>> -> memref<1x4x128xi32, #tpu.memory_space<vmem>>
    %dma_start3A_45 = tpu.memref_squeeze %dma_start3A_44 : memref<1x4x128xi32, #tpu.memory_space<vmem>> -> memref<4x128xi32, #tpu.memory_space<vmem>>
    %dma_start3A_46 = arith.constant 0 : i32
    %dma_start3A_47 = tpu.memref_slice %arg3[%add3A_41, %dma_start3A_46] : memref<80x128xi32, #tpu.memory_space<hbm>> -> memref<4x128xi32, #tpu.memory_space<hbm>>
    %dma_start3A_48 = arith.constant 0 : i32
    %dma_start3A_49 = arith.constant 0 : i32
    %dma_start3A_50 = tpu.memref_slice %arg7[%dma_start3A, %dma_start3A_48, %dma_start3A_49] : memref<2x4x128xi32, #tpu.memory_space<vmem>> -> memref<1x4x128xi32, #tpu.memory_space<vmem>>
    %dma_start3A_51 = tpu.memref_squeeze %dma_start3A_50 : memref<1x4x128xi32, #tpu.memory_space<vmem>> -> memref<4x128xi32, #tpu.memory_space<vmem>>
    %dma_start3A_52 = arith.constant 0 : i32
    %dma_start3A_53 = tpu.memref_slice %arg3[%add3A_41, %dma_start3A_52] : memref<80x128xi32, #tpu.memory_space<hbm>> -> memref<4x128xi32, #tpu.memory_space<hbm>>
    tpu.enqueue_dma source(%dma_start3A_53 : memref<4x128xi32, #tpu.memory_space<hbm>>) target(%dma_start3A_51 : memref<4x128xi32, #tpu.memory_space<vmem>>) target_semaphore(%arg14 : memref<!tpu.dma_semaphore, #tpu.memory_space<semaphore_mem>>)
    %dma_start3A_54 = arith.constant 0 : i32
    %dma_start3A_55 = arith.constant 0 : i32
    %dma_start3A_56 = arith.constant 0 : i32
    %dma_start3A_57 = tpu.memref_slice %arg8[%dma_start3A_54, %dma_start3A_55, %dma_start3A_56] : memref<2x4x128xi32, #tpu.memory_space<vmem>> -> memref<1x4x128xi32, #tpu.memory_space<vmem>>
    %dma_start3A_58 = tpu.memref_squeeze %dma_start3A_57 : memref<1x4x128xi32, #tpu.memory_space<vmem>> -> memref<4x128xi32, #tpu.memory_space<vmem>>
    %dma_start3A_59 = arith.constant 0 : i32
    %dma_start3A_60 = tpu.memref_slice %arg4[%add3A_41, %dma_start3A_59] : memref<80x128xi32, #tpu.memory_space<hbm>> -> memref<4x128xi32, #tpu.memory_space<hbm>>
    %dma_start3A_61 = arith.constant 0 : i32
    %dma_start3A_62 = arith.constant 0 : i32
    %dma_start3A_63 = tpu.memref_slice %arg8[%dma_start3A_54, %dma_start3A_61, %dma_start3A_62] : memref<2x4x128xi32, #tpu.memory_space<vmem>> -> memref<1x4x128xi32, #tpu.memory_space<vmem>>
    %dma_start3A_64 = tpu.memref_squeeze %dma_start3A_63 : memref<1x4x128xi32, #tpu.memory_space<vmem>> -> memref<4x128xi32, #tpu.memory_space<vmem>>
    %dma_start3A_65 = arith.constant 0 : i32
    %dma_start3A_66 = tpu.memref_slice %arg4[%add3A_41, %dma_start3A_65] : memref<80x128xi32, #tpu.memory_space<hbm>> -> memref<4x128xi32, #tpu.memory_space<hbm>>
    tpu.enqueue_dma source(%dma_start3A_66 : memref<4x128xi32, #tpu.memory_space<hbm>>) target(%dma_start3A_64 : memref<4x128xi32, #tpu.memory_space<vmem>>) target_semaphore(%arg14 : memref<!tpu.dma_semaphore, #tpu.memory_space<semaphore_mem>>)
    %dma_wait3A = arith.constant 0 : i32
    %dma_wait3A_67 = arith.constant 0 : i32
    %dma_wait3A_68 = arith.constant 0 : i32
    %dma_wait3A_69 = tpu.memref_slice %arg7[%dma_wait3A, %dma_wait3A_67, %dma_wait3A_68] : memref<2x4x128xi32, #tpu.memory_space<vmem>> -> memref<1x4x128xi32, #tpu.memory_space<vmem>>
    %dma_wait3A_70 = tpu.memref_squeeze %dma_wait3A_69 : memref<1x4x128xi32, #tpu.memory_space<vmem>> -> memref<4x128xi32, #tpu.memory_space<vmem>>
    %dma_wait3A_71 = arith.constant 0 : i32
    %dma_wait3A_72 = arith.constant 0 : i32
    %dma_wait3A_73 = tpu.memref_slice %arg3[%dma_wait3A_71, %dma_wait3A_72] : memref<80x128xi32, #tpu.memory_space<hbm>> -> memref<4x128xi32, #tpu.memory_space<hbm>>
    %dma_wait3A_74 = arith.constant 0 : i32
    %dma_wait3A_75 = arith.constant 0 : i32
    %dma_wait3A_76 = tpu.memref_slice %arg7[%dma_wait3A, %dma_wait3A_74, %dma_wait3A_75] : memref<2x4x128xi32, #tpu.memory_space<vmem>> -> memref<1x4x128xi32, #tpu.memory_space<vmem>>
    %dma_wait3A_77 = tpu.memref_squeeze %dma_wait3A_76 : memref<1x4x128xi32, #tpu.memory_space<vmem>> -> memref<4x128xi32, #tpu.memory_space<vmem>>
    %dma_wait3A_78 = arith.constant 0 : i32
    %dma_wait3A_79 = arith.constant 0 : i32
    %dma_wait3A_80 = tpu.memref_slice %arg3[%dma_wait3A_78, %dma_wait3A_79] : memref<80x128xi32, #tpu.memory_space<hbm>> -> memref<4x128xi32, #tpu.memory_space<hbm>>
    tpu.wait_dma2 semaphore(%arg14 : memref<!tpu.dma_semaphore, #tpu.memory_space<semaphore_mem>>) src(%dma_wait3A_80 : memref<4x128xi32, #tpu.memory_space<hbm>>) dst(%dma_wait3A_77 : memref<4x128xi32, #tpu.memory_space<vmem>>)
    %dma_wait3A_81 = arith.constant 0 : i32
    %dma_wait3A_82 = arith.constant 0 : i32
    %dma_wait3A_83 = arith.constant 0 : i32
    %dma_wait3A_84 = tpu.memref_slice %arg8[%dma_wait3A_81, %dma_wait3A_82, %dma_wait3A_83] : memref<2x4x128xi32, #tpu.memory_space<vmem>> -> memref<1x4x128xi32, #tpu.memory_space<vmem>>
    %dma_wait3A_85 = tpu.memref_squeeze %dma_wait3A_84 : memref<1x4x128xi32, #tpu.memory_space<vmem>> -> memref<4x128xi32, #tpu.memory_space<vmem>>
    %dma_wait3A_86 = arith.constant 0 : i32
    %dma_wait3A_87 = arith.constant 0 : i32
    %dma_wait3A_88 = tpu.memref_slice %arg4[%dma_wait3A_86, %dma_wait3A_87] : memref<80x128xi32, #tpu.memory_space<hbm>> -> memref<4x128xi32, #tpu.memory_space<hbm>>
    %dma_wait3A_89 = arith.constant 0 : i32
    %dma_wait3A_90 = arith.constant 0 : i32
    %dma_wait3A_91 = tpu.memref_slice %arg8[%dma_wait3A_81, %dma_wait3A_89, %dma_wait3A_90] : memref<2x4x128xi32, #tpu.memory_space<vmem>> -> memref<1x4x128xi32, #tpu.memory_space<vmem>>
    %dma_wait3A_92 = tpu.memref_squeeze %dma_wait3A_91 : memref<1x4x128xi32, #tpu.memory_space<vmem>> -> memref<4x128xi32, #tpu.memory_space<vmem>>
    %dma_wait3A_93 = arith.constant 0 : i32
    %dma_wait3A_94 = arith.constant 0 : i32
    %dma_wait3A_95 = tpu.memref_slice %arg4[%dma_wait3A_93, %dma_wait3A_94] : memref<80x128xi32, #tpu.memory_space<hbm>> -> memref<4x128xi32, #tpu.memory_space<hbm>>
    tpu.wait_dma2 semaphore(%arg14 : memref<!tpu.dma_semaphore, #tpu.memory_space<semaphore_mem>>) src(%dma_wait3A_95 : memref<4x128xi32, #tpu.memory_space<hbm>>) dst(%dma_wait3A_92 : memref<4x128xi32, #tpu.memory_space<vmem>>)
    %dma_start3A_96 = arith.constant 0 : i32
    %dma_start3A_97 = arith.constant 0 : i32
    %dma_start3A_98 = arith.constant 0 : i32
    %dma_start3A_99 = arith.constant 0 : i32
    %dma_start3A_100 = arith.constant 0 : i32
    %dma_start3A_101 = arith.constant 0 : i32
    %dma_start3A_102 = tpu.memref_slice %arg9[%dma_start3A_98, %dma_start3A_99, %dma_start3A_100, %dma_start3A_101] : memref<2x4x128x32xf32, #tpu.memory_space<vmem>> -> memref<1x1x128x32xf32, #tpu.memory_space<vmem>>
    %dma_start3A_103 = tpu.memref_squeeze %dma_start3A_102 : memref<1x1x128x32xf32, #tpu.memory_space<vmem>> -> memref<128x32xf32, #tpu.memory_space<vmem>>
    %dma_start3A_104 = arith.constant 0 : i32
    %dma_start3A_105 = tpu.memref_slice %arg7[%dma_start3A_96, %dma_start3A_97, %dma_start3A_104] : memref<2x4x128xi32, #tpu.memory_space<vmem>> -> memref<1x1x128xi32, #tpu.memory_space<vmem>>
    %dma_start3A_106 = tpu.memref_squeeze %dma_start3A_105 : memref<1x1x128xi32, #tpu.memory_space<vmem>> -> memref<128xi32, #tpu.memory_space<vmem>>
    %dma_start3A_107 = arith.constant 0 : i32
    %dma_start3A_108 = arith.constant 0 : i32
    %dma_start3A_109 = tpu.memref_slice %arg2[%arg1, %dma_start3A_107, %dma_start3A_108] : memref<16x2048x32xf32, #tpu.memory_space<hbm>> -> memref<1x2048x32xf32, #tpu.memory_space<hbm>>
    %dma_start3A_110 = tpu.memref_squeeze %dma_start3A_109 : memref<1x2048x32xf32, #tpu.memory_space<hbm>> -> memref<2048x32xf32, #tpu.memory_space<hbm>>
    %dma_start3A_111 = arith.constant 0 : i32
    %dma_start3A_112 = arith.constant 0 : i32
    %dma_start3A_113 = tpu.memref_slice %dma_start3A_110[%dma_start3A_111, %dma_start3A_112] : memref<2048x32xf32, #tpu.memory_space<hbm>> -> memref<2048x32xf32, #tpu.memory_space<hbm>>
    tpu.enqueue_indirect_dma source(%dma_start3A_113 : memref<2048x32xf32, #tpu.memory_space<hbm>>) target(%dma_start3A_103 : memref<128x32xf32, #tpu.memory_space<vmem>>) offsets(%dma_start3A_106 : memref<128xi32, #tpu.memory_space<vmem>>) semaphore(%arg12 : memref<!tpu.dma_semaphore, #tpu.memory_space<semaphore_mem>>)
    %dma_start3A_114 = arith.constant 0 : i32
    %dma_start3A_115 = arith.constant 1 : i32
    %dma_start3A_116 = arith.constant 0 : i32
    %dma_start3A_117 = arith.constant 1 : i32
    %dma_start3A_118 = arith.constant 0 : i32
    %dma_start3A_119 = arith.constant 0 : i32
    %dma_start3A_120 = tpu.memref_slice %arg9[%dma_start3A_116, %dma_start3A_117, %dma_start3A_118, %dma_start3A_119] : memref<2x4x128x32xf32, #tpu.memory_space<vmem>> -> memref<1x1x128x32xf32, #tpu.memory_space<vmem>>
    %dma_start3A_121 = tpu.memref_squeeze %dma_start3A_120 : memref<1x1x128x32xf32, #tpu.memory_space<vmem>> -> memref<128x32xf32, #tpu.memory_space<vmem>>
    %dma_start3A_122 = arith.constant 0 : i32
    %dma_start3A_123 = tpu.memref_slice %arg7[%dma_start3A_114, %dma_start3A_115, %dma_start3A_122] : memref<2x4x128xi32, #tpu.memory_space<vmem>> -> memref<1x1x128xi32, #tpu.memory_space<vmem>>
    %dma_start3A_124 = tpu.memref_squeeze %dma_start3A_123 : memref<1x1x128xi32, #tpu.memory_space<vmem>> -> memref<128xi32, #tpu.memory_space<vmem>>
    %dma_start3A_125 = arith.constant 0 : i32
    %dma_start3A_126 = arith.constant 0 : i32
    %dma_start3A_127 = tpu.memref_slice %arg2[%arg1, %dma_start3A_125, %dma_start3A_126] : memref<16x2048x32xf32, #tpu.memory_space<hbm>> -> memref<1x2048x32xf32, #tpu.memory_space<hbm>>
    %dma_start3A_128 = tpu.memref_squeeze %dma_start3A_127 : memref<1x2048x32xf32, #tpu.memory_space<hbm>> -> memref<2048x32xf32, #tpu.memory_space<hbm>>
    %dma_start3A_129 = arith.constant 0 : i32
    %dma_start3A_130 = arith.constant 0 : i32
    %dma_start3A_131 = tpu.memref_slice %dma_start3A_128[%dma_start3A_129, %dma_start3A_130] : memref<2048x32xf32, #tpu.memory_space<hbm>> -> memref<2048x32xf32, #tpu.memory_space<hbm>>
    tpu.enqueue_indirect_dma source(%dma_start3A_131 : memref<2048x32xf32, #tpu.memory_space<hbm>>) target(%dma_start3A_121 : memref<128x32xf32, #tpu.memory_space<vmem>>) offsets(%dma_start3A_124 : memref<128xi32, #tpu.memory_space<vmem>>) semaphore(%arg12 : memref<!tpu.dma_semaphore, #tpu.memory_space<semaphore_mem>>)
    %dma_start3A_132 = arith.constant 0 : i32
    %dma_start3A_133 = arith.constant 2 : i32
    %dma_start3A_134 = arith.constant 0 : i32
    %dma_start3A_135 = arith.constant 2 : i32
    %dma_start3A_136 = arith.constant 0 : i32
    %dma_start3A_137 = arith.constant 0 : i32
    %dma_start3A_138 = tpu.memref_slice %arg9[%dma_start3A_134, %dma_start3A_135, %dma_start3A_136, %dma_start3A_137] : memref<2x4x128x32xf32, #tpu.memory_space<vmem>> -> memref<1x1x128x32xf32, #tpu.memory_space<vmem>>
    %dma_start3A_139 = tpu.memref_squeeze %dma_start3A_138 : memref<1x1x128x32xf32, #tpu.memory_space<vmem>> -> memref<128x32xf32, #tpu.memory_space<vmem>>
    %dma_start3A_140 = arith.constant 0 : i32
    %dma_start3A_141 = tpu.memref_slice %arg7[%dma_start3A_132, %dma_start3A_133, %dma_start3A_140] : memref<2x4x128xi32, #tpu.memory_space<vmem>> -> memref<1x1x128xi32, #tpu.memory_space<vmem>>
    %dma_start3A_142 = tpu.memref_squeeze %dma_start3A_141 : memref<1x1x128xi32, #tpu.memory_space<vmem>> -> memref<128xi32, #tpu.memory_space<vmem>>
    %dma_start3A_143 = arith.constant 0 : i32
    %dma_start3A_144 = arith.constant 0 : i32
    %dma_start3A_145 = tpu.memref_slice %arg2[%arg1, %dma_start3A_143, %dma_start3A_144] : memref<16x2048x32xf32, #tpu.memory_space<hbm>> -> memref<1x2048x32xf32, #tpu.memory_space<hbm>>
    %dma_start3A_146 = tpu.memref_squeeze %dma_start3A_145 : memref<1x2048x32xf32, #tpu.memory_space<hbm>> -> memref<2048x32xf32, #tpu.memory_space<hbm>>
    %dma_start3A_147 = arith.constant 0 : i32
    %dma_start3A_148 = arith.constant 0 : i32
    %dma_start3A_149 = tpu.memref_slice %dma_start3A_146[%dma_start3A_147, %dma_start3A_148] : memref<2048x32xf32, #tpu.memory_space<hbm>> -> memref<2048x32xf32, #tpu.memory_space<hbm>>
    tpu.enqueue_indirect_dma source(%dma_start3A_149 : memref<2048x32xf32, #tpu.memory_space<hbm>>) target(%dma_start3A_139 : memref<128x32xf32, #tpu.memory_space<vmem>>) offsets(%dma_start3A_142 : memref<128xi32, #tpu.memory_space<vmem>>) semaphore(%arg12 : memref<!tpu.dma_semaphore, #tpu.memory_space<semaphore_mem>>)
    %dma_start3A_150 = arith.constant 0 : i32
    %dma_start3A_151 = arith.constant 3 : i32
    %dma_start3A_152 = arith.constant 0 : i32
    %dma_start3A_153 = arith.constant 3 : i32
    %dma_start3A_154 = arith.constant 0 : i32
    %dma_start3A_155 = arith.constant 0 : i32
    %dma_start3A_156 = tpu.memref_slice %arg9[%dma_start3A_152, %dma_start3A_153, %dma_start3A_154, %dma_start3A_155] : memref<2x4x128x32xf32, #tpu.memory_space<vmem>> -> memref<1x1x128x32xf32, #tpu.memory_space<vmem>>
    %dma_start3A_157 = tpu.memref_squeeze %dma_start3A_156 : memref<1x1x128x32xf32, #tpu.memory_space<vmem>> -> memref<128x32xf32, #tpu.memory_space<vmem>>
    %dma_start3A_158 = arith.constant 0 : i32
    %dma_start3A_159 = tpu.memref_slice %arg7[%dma_start3A_150, %dma_start3A_151, %dma_start3A_158] : memref<2x4x128xi32, #tpu.memory_space<vmem>> -> memref<1x1x128xi32, #tpu.memory_space<vmem>>
    %dma_start3A_160 = tpu.memref_squeeze %dma_start3A_159 : memref<1x1x128xi32, #tpu.memory_space<vmem>> -> memref<128xi32, #tpu.memory_space<vmem>>
    %dma_start3A_161 = arith.constant 0 : i32
    %dma_start3A_162 = arith.constant 0 : i32
    %dma_start3A_163 = tpu.memref_slice %arg2[%arg1, %dma_start3A_161, %dma_start3A_162] : memref<16x2048x32xf32, #tpu.memory_space<hbm>> -> memref<1x2048x32xf32, #tpu.memory_space<hbm>>
    %dma_start3A_164 = tpu.memref_squeeze %dma_start3A_163 : memref<1x2048x32xf32, #tpu.memory_space<hbm>> -> memref<2048x32xf32, #tpu.memory_space<hbm>>
    %dma_start3A_165 = arith.constant 0 : i32
    %dma_start3A_166 = arith.constant 0 : i32
    %dma_start3A_167 = tpu.memref_slice %dma_start3A_164[%dma_start3A_165, %dma_start3A_166] : memref<2048x32xf32, #tpu.memory_space<hbm>> -> memref<2048x32xf32, #tpu.memory_space<hbm>>
    tpu.enqueue_indirect_dma source(%dma_start3A_167 : memref<2048x32xf32, #tpu.memory_space<hbm>>) target(%dma_start3A_157 : memref<128x32xf32, #tpu.memory_space<vmem>>) offsets(%dma_start3A_160 : memref<128xi32, #tpu.memory_space<vmem>>) semaphore(%arg12 : memref<!tpu.dma_semaphore, #tpu.memory_space<semaphore_mem>>)
    %add3A_168 = arith.constant 4 : i32
    %add3A_169 = arith.addi %mul3A_40, %add3A_168 : i32
    %dma_start3A_170 = arith.constant 1 : i32
    %dma_start3A_171 = arith.constant 0 : i32
    %dma_start3A_172 = arith.constant 0 : i32
    %dma_start3A_173 = tpu.memref_slice %arg7[%dma_start3A_170, %dma_start3A_171, %dma_start3A_172] : memref<2x4x128xi32, #tpu.memory_space<vmem>> -> memref<1x4x128xi32, #tpu.memory_space<vmem>>
    %dma_start3A_174 = tpu.memref_squeeze %dma_start3A_173 : memref<1x4x128xi32, #tpu.memory_space<vmem>> -> memref<4x128xi32, #tpu.memory_space<vmem>>
    %dma_start3A_175 = arith.constant 0 : i32
    %dma_start3A_176 = tpu.memref_slice %arg3[%add3A_169, %dma_start3A_175] : memref<80x128xi32, #tpu.memory_space<hbm>> -> memref<4x128xi32, #tpu.memory_space<hbm>>
    %dma_start3A_177 = arith.constant 0 : i32
    %dma_start3A_178 = arith.constant 0 : i32
    %dma_start3A_179 = tpu.memref_slice %arg7[%dma_start3A_170, %dma_start3A_177, %dma_start3A_178] : memref<2x4x128xi32, #tpu.memory_space<vmem>> -> memref<1x4x128xi32, #tpu.memory_space<vmem>>
    %dma_start3A_180 = tpu.memref_squeeze %dma_start3A_179 : memref<1x4x128xi32, #tpu.memory_space<vmem>> -> memref<4x128xi32, #tpu.memory_space<vmem>>
    %dma_start3A_181 = arith.constant 0 : i32
    %dma_start3A_182 = tpu.memref_slice %arg3[%add3A_169, %dma_start3A_181] : memref<80x128xi32, #tpu.memory_space<hbm>> -> memref<4x128xi32, #tpu.memory_space<hbm>>
    tpu.enqueue_dma source(%dma_start3A_182 : memref<4x128xi32, #tpu.memory_space<hbm>>) target(%dma_start3A_180 : memref<4x128xi32, #tpu.memory_space<vmem>>) target_semaphore(%arg15 : memref<!tpu.dma_semaphore, #tpu.memory_space<semaphore_mem>>)
    %dma_start3A_183 = arith.constant 1 : i32
    %dma_start3A_184 = arith.constant 0 : i32
    %dma_start3A_185 = arith.constant 0 : i32
    %dma_start3A_186 = tpu.memref_slice %arg8[%dma_start3A_183, %dma_start3A_184, %dma_start3A_185] : memref<2x4x128xi32, #tpu.memory_space<vmem>> -> memref<1x4x128xi32, #tpu.memory_space<vmem>>
    %dma_start3A_187 = tpu.memref_squeeze %dma_start3A_186 : memref<1x4x128xi32, #tpu.memory_space<vmem>> -> memref<4x128xi32, #tpu.memory_space<vmem>>
    %dma_start3A_188 = arith.constant 0 : i32
    %dma_start3A_189 = tpu.memref_slice %arg4[%add3A_169, %dma_start3A_188] : memref<80x128xi32, #tpu.memory_space<hbm>> -> memref<4x128xi32, #tpu.memory_space<hbm>>
    %dma_start3A_190 = arith.constant 0 : i32
    %dma_start3A_191 = arith.constant 0 : i32
    %dma_start3A_192 = tpu.memref_slice %arg8[%dma_start3A_183, %dma_start3A_190, %dma_start3A_191] : memref<2x4x128xi32, #tpu.memory_space<vmem>> -> memref<1x4x128xi32, #tpu.memory_space<vmem>>
    %dma_start3A_193 = tpu.memref_squeeze %dma_start3A_192 : memref<1x4x128xi32, #tpu.memory_space<vmem>> -> memref<4x128xi32, #tpu.memory_space<vmem>>
    %dma_start3A_194 = arith.constant 0 : i32
    %dma_start3A_195 = tpu.memref_slice %arg4[%add3A_169, %dma_start3A_194] : memref<80x128xi32, #tpu.memory_space<hbm>> -> memref<4x128xi32, #tpu.memory_space<hbm>>
    tpu.enqueue_dma source(%dma_start3A_195 : memref<4x128xi32, #tpu.memory_space<hbm>>) target(%dma_start3A_193 : memref<4x128xi32, #tpu.memory_space<vmem>>) target_semaphore(%arg15 : memref<!tpu.dma_semaphore, #tpu.memory_space<semaphore_mem>>)
    %scan3A_196 = arith.constant 0 : i32
    %scan3A_197 = arith.constant 0 : i32
    %scan3A_198 = arith.constant 10 : i32
    %scan3A_199 = arith.addi %scan3A_197, %scan3A_198 : i32
    %scan3A_200 = arith.constant 1 : i32
    scf.for %scan3A_202 = %scan3A_197 to %scan3A_199 step %scan3A_200  : i32 {
      %and3A = arith.constant 1 : i32
      %and3A_203 = arith.andi %scan3A_202, %and3A : i32
      %eq3A = arith.constant 0 : i32
      %eq3A_204 = arith.cmpi eq, %and3A_203, %eq3A : i32
      %convert_element_type3A = arith.extui %eq3A_204 : i1 to i32
      %cond3A = arith.constant 0 : i32
      %cond3A_205 = arith.cmpi ne, %convert_element_type3A, %cond3A : i32
      scf.if %cond3A_205 {
        %dma_wait3A_213 = arith.constant 0 : i32
        %dma_wait3A_214 = arith.constant 0 : i32
        %dma_wait3A_215 = arith.constant 0 : i32
        %dma_wait3A_216 = arith.constant 0 : i32
        %dma_wait3A_217 = arith.constant 0 : i32
        %dma_wait3A_218 = arith.constant 0 : i32
        %dma_wait3A_219 = tpu.memref_slice %arg9[%dma_wait3A_215, %dma_wait3A_216, %dma_wait3A_217, %dma_wait3A_218] : memref<2x4x128x32xf32, #tpu.memory_space<vmem>> -> memref<1x1x128x32xf32, #tpu.memory_space<vmem>>
        %dma_wait3A_220 = tpu.memref_squeeze %dma_wait3A_219 : memref<1x1x128x32xf32, #tpu.memory_space<vmem>> -> memref<128x32xf32, #tpu.memory_space<vmem>>
        %dma_wait3A_221 = arith.constant 0 : i32
        %dma_wait3A_222 = tpu.memref_slice %arg7[%dma_wait3A_213, %dma_wait3A_214, %dma_wait3A_221] : memref<2x4x128xi32, #tpu.memory_space<vmem>> -> memref<1x1x128xi32, #tpu.memory_space<vmem>>
        %dma_wait3A_223 = tpu.memref_squeeze %dma_wait3A_222 : memref<1x1x128xi32, #tpu.memory_space<vmem>> -> memref<128xi32, #tpu.memory_space<vmem>>
        %dma_wait3A_224 = arith.constant 0 : i32
        %dma_wait3A_225 = arith.constant 0 : i32
        %dma_wait3A_226 = tpu.memref_slice %arg2[%arg1, %dma_wait3A_224, %dma_wait3A_225] : memref<16x2048x32xf32, #tpu.memory_space<hbm>> -> memref<1x2048x32xf32, #tpu.memory_space<hbm>>
        %dma_wait3A_227 = tpu.memref_squeeze %dma_wait3A_226 : memref<1x2048x32xf32, #tpu.memory_space<hbm>> -> memref<2048x32xf32, #tpu.memory_space<hbm>>
        %dma_wait3A_228 = arith.constant 0 : i32
        %dma_wait3A_229 = arith.constant 0 : i32
        %dma_wait3A_230 = tpu.memref_slice %dma_wait3A_227[%dma_wait3A_228, %dma_wait3A_229] : memref<2048x32xf32, #tpu.memory_space<hbm>> -> memref<2048x32xf32, #tpu.memory_space<hbm>>
        tpu.wait_indirect_dma semaphore(%arg12 : memref<!tpu.dma_semaphore, #tpu.memory_space<semaphore_mem>>) src(%dma_wait3A_230 : memref<2048x32xf32, #tpu.memory_space<hbm>>) dst(%dma_wait3A_220 : memref<128x32xf32, #tpu.memory_space<vmem>>)
        %dma_wait3A_231 = arith.constant 0 : i32
        %dma_wait3A_232 = arith.constant 1 : i32
        %dma_wait3A_233 = arith.constant 0 : i32
        %dma_wait3A_234 = arith.constant 1 : i32
        %dma_wait3A_235 = arith.constant 0 : i32
        %dma_wait3A_236 = arith.constant 0 : i32
        %dma_wait3A_237 = tpu.memref_slice %arg9[%dma_wait3A_233, %dma_wait3A_234, %dma_wait3A_235, %dma_wait3A_236] : memref<2x4x128x32xf32, #tpu.memory_space<vmem>> -> memref<1x1x128x32xf32, #tpu.memory_space<vmem>>
        %dma_wait3A_238 = tpu.memref_squeeze %dma_wait3A_237 : memref<1x1x128x32xf32, #tpu.memory_space<vmem>> -> memref<128x32xf32, #tpu.memory_space<vmem>>
        %dma_wait3A_239 = arith.constant 0 : i32
        %dma_wait3A_240 = tpu.memref_slice %arg7[%dma_wait3A_231, %dma_wait3A_232, %dma_wait3A_239] : memref<2x4x128xi32, #tpu.memory_space<vmem>> -> memref<1x1x128xi32, #tpu.memory_space<vmem>>
        %dma_wait3A_241 = tpu.memref_squeeze %dma_wait3A_240 : memref<1x1x128xi32, #tpu.memory_space<vmem>> -> memref<128xi32, #tpu.memory_space<vmem>>
        %dma_wait3A_242 = arith.constant 0 : i32
        %dma_wait3A_243 = arith.constant 0 : i32
        %dma_wait3A_244 = tpu.memref_slice %arg2[%arg1, %dma_wait3A_242, %dma_wait3A_243] : memref<16x2048x32xf32, #tpu.memory_space<hbm>> -> memref<1x2048x32xf32, #tpu.memory_space<hbm>>
        %dma_wait3A_245 = tpu.memref_squeeze %dma_wait3A_244 : memref<1x2048x32xf32, #tpu.memory_space<hbm>> -> memref<2048x32xf32, #tpu.memory_space<hbm>>
        %dma_wait3A_246 = arith.constant 0 : i32
        %dma_wait3A_247 = arith.constant 0 : i32
        %dma_wait3A_248 = tpu.memref_slice %dma_wait3A_245[%dma_wait3A_246, %dma_wait3A_247] : memref<2048x32xf32, #tpu.memory_space<hbm>> -> memref<2048x32xf32, #tpu.memory_space<hbm>>
        tpu.wait_indirect_dma semaphore(%arg12 : memref<!tpu.dma_semaphore, #tpu.memory_space<semaphore_mem>>) src(%dma_wait3A_248 : memref<2048x32xf32, #tpu.memory_space<hbm>>) dst(%dma_wait3A_238 : memref<128x32xf32, #tpu.memory_space<vmem>>)
        %dma_wait3A_249 = arith.constant 0 : i32
        %dma_wait3A_250 = arith.constant 2 : i32
        %dma_wait3A_251 = arith.constant 0 : i32
        %dma_wait3A_252 = arith.constant 2 : i32
        %dma_wait3A_253 = arith.constant 0 : i32
        %dma_wait3A_254 = arith.constant 0 : i32
        %dma_wait3A_255 = tpu.memref_slice %arg9[%dma_wait3A_251, %dma_wait3A_252, %dma_wait3A_253, %dma_wait3A_254] : memref<2x4x128x32xf32, #tpu.memory_space<vmem>> -> memref<1x1x128x32xf32, #tpu.memory_space<vmem>>
        %dma_wait3A_256 = tpu.memref_squeeze %dma_wait3A_255 : memref<1x1x128x32xf32, #tpu.memory_space<vmem>> -> memref<128x32xf32, #tpu.memory_space<vmem>>
        %dma_wait3A_257 = arith.constant 0 : i32
        %dma_wait3A_258 = tpu.memref_slice %arg7[%dma_wait3A_249, %dma_wait3A_250, %dma_wait3A_257] : memref<2x4x128xi32, #tpu.memory_space<vmem>> -> memref<1x1x128xi32, #tpu.memory_space<vmem>>
        %dma_wait3A_259 = tpu.memref_squeeze %dma_wait3A_258 : memref<1x1x128xi32, #tpu.memory_space<vmem>> -> memref<128xi32, #tpu.memory_space<vmem>>
        %dma_wait3A_260 = arith.constant 0 : i32
        %dma_wait3A_261 = arith.constant 0 : i32
        %dma_wait3A_262 = tpu.memref_slice %arg2[%arg1, %dma_wait3A_260, %dma_wait3A_261] : memref<16x2048x32xf32, #tpu.memory_space<hbm>> -> memref<1x2048x32xf32, #tpu.memory_space<hbm>>
        %dma_wait3A_263 = tpu.memref_squeeze %dma_wait3A_262 : memref<1x2048x32xf32, #tpu.memory_space<hbm>> -> memref<2048x32xf32, #tpu.memory_space<hbm>>
        %dma_wait3A_264 = arith.constant 0 : i32
        %dma_wait3A_265 = arith.constant 0 : i32
        %dma_wait3A_266 = tpu.memref_slice %dma_wait3A_263[%dma_wait3A_264, %dma_wait3A_265] : memref<2048x32xf32, #tpu.memory_space<hbm>> -> memref<2048x32xf32, #tpu.memory_space<hbm>>
        tpu.wait_indirect_dma semaphore(%arg12 : memref<!tpu.dma_semaphore, #tpu.memory_space<semaphore_mem>>) src(%dma_wait3A_266 : memref<2048x32xf32, #tpu.memory_space<hbm>>) dst(%dma_wait3A_256 : memref<128x32xf32, #tpu.memory_space<vmem>>)
        %dma_wait3A_267 = arith.constant 0 : i32
        %dma_wait3A_268 = arith.constant 3 : i32
        %dma_wait3A_269 = arith.constant 0 : i32
        %dma_wait3A_270 = arith.constant 3 : i32
        %dma_wait3A_271 = arith.constant 0 : i32
        %dma_wait3A_272 = arith.constant 0 : i32
        %dma_wait3A_273 = tpu.memref_slice %arg9[%dma_wait3A_269, %dma_wait3A_270, %dma_wait3A_271, %dma_wait3A_272] : memref<2x4x128x32xf32, #tpu.memory_space<vmem>> -> memref<1x1x128x32xf32, #tpu.memory_space<vmem>>
        %dma_wait3A_274 = tpu.memref_squeeze %dma_wait3A_273 : memref<1x1x128x32xf32, #tpu.memory_space<vmem>> -> memref<128x32xf32, #tpu.memory_space<vmem>>
        %dma_wait3A_275 = arith.constant 0 : i32
        %dma_wait3A_276 = tpu.memref_slice %arg7[%dma_wait3A_267, %dma_wait3A_268, %dma_wait3A_275] : memref<2x4x128xi32, #tpu.memory_space<vmem>> -> memref<1x1x128xi32, #tpu.memory_space<vmem>>
        %dma_wait3A_277 = tpu.memref_squeeze %dma_wait3A_276 : memref<1x1x128xi32, #tpu.memory_space<vmem>> -> memref<128xi32, #tpu.memory_space<vmem>>
        %dma_wait3A_278 = arith.constant 0 : i32
        %dma_wait3A_279 = arith.constant 0 : i32
        %dma_wait3A_280 = tpu.memref_slice %arg2[%arg1, %dma_wait3A_278, %dma_wait3A_279] : memref<16x2048x32xf32, #tpu.memory_space<hbm>> -> memref<1x2048x32xf32, #tpu.memory_space<hbm>>
        %dma_wait3A_281 = tpu.memref_squeeze %dma_wait3A_280 : memref<1x2048x32xf32, #tpu.memory_space<hbm>> -> memref<2048x32xf32, #tpu.memory_space<hbm>>
        %dma_wait3A_282 = arith.constant 0 : i32
        %dma_wait3A_283 = arith.constant 0 : i32
        %dma_wait3A_284 = tpu.memref_slice %dma_wait3A_281[%dma_wait3A_282, %dma_wait3A_283] : memref<2048x32xf32, #tpu.memory_space<hbm>> -> memref<2048x32xf32, #tpu.memory_space<hbm>>
        tpu.wait_indirect_dma semaphore(%arg12 : memref<!tpu.dma_semaphore, #tpu.memory_space<semaphore_mem>>) src(%dma_wait3A_284 : memref<2048x32xf32, #tpu.memory_space<hbm>>) dst(%dma_wait3A_274 : memref<128x32xf32, #tpu.memory_space<vmem>>)
        %add3A_285 = arith.constant 1 : i32
        %add3A_286 = arith.addi %scan3A_202, %add3A_285 : i32
        %lt3A = arith.constant 10 : i32
        %lt3A_287 = arith.cmpi slt, %add3A_286, %lt3A : i32
        %convert_element_type3A_288 = arith.extui %lt3A_287 : i1 to i32
        %cond3A_289 = arith.constant 0 : i32
        %cond3A_290 = arith.cmpi ne, %convert_element_type3A_288, %cond3A_289 : i32
        scf.if %cond3A_290 {
          %dma_wait3A_304 = arith.constant 1 : i32
          %dma_wait3A_305 = arith.constant 0 : i32
          %dma_wait3A_306 = arith.constant 0 : i32
          %dma_wait3A_307 = tpu.memref_slice %arg7[%dma_wait3A_304, %dma_wait3A_305, %dma_wait3A_306] : memref<2x4x128xi32, #tpu.memory_space<vmem>> -> memref<1x4x128xi32, #tpu.memory_space<vmem>>
          %dma_wait3A_308 = tpu.memref_squeeze %dma_wait3A_307 : memref<1x4x128xi32, #tpu.memory_space<vmem>> -> memref<4x128xi32, #tpu.memory_space<vmem>>
          %dma_wait3A_309 = arith.constant 0 : i32
          %dma_wait3A_310 = arith.constant 0 : i32
          %dma_wait3A_311 = tpu.memref_slice %arg3[%dma_wait3A_309, %dma_wait3A_310] : memref<80x128xi32, #tpu.memory_space<hbm>> -> memref<4x128xi32, #tpu.memory_space<hbm>>
          %dma_wait3A_312 = arith.constant 0 : i32
          %dma_wait3A_313 = arith.constant 0 : i32
          %dma_wait3A_314 = tpu.memref_slice %arg7[%dma_wait3A_304, %dma_wait3A_312, %dma_wait3A_313] : memref<2x4x128xi32, #tpu.memory_space<vmem>> -> memref<1x4x128xi32, #tpu.memory_space<vmem>>
          %dma_wait3A_315 = tpu.memref_squeeze %dma_wait3A_314 : memref<1x4x128xi32, #tpu.memory_space<vmem>> -> memref<4x128xi32, #tpu.memory_space<vmem>>
          %dma_wait3A_316 = arith.constant 0 : i32
          %dma_wait3A_317 = arith.constant 0 : i32
          %dma_wait3A_318 = tpu.memref_slice %arg3[%dma_wait3A_316, %dma_wait3A_317] : memref<80x128xi32, #tpu.memory_space<hbm>> -> memref<4x128xi32, #tpu.memory_space<hbm>>
          tpu.wait_dma2 semaphore(%arg15 : memref<!tpu.dma_semaphore, #tpu.memory_space<semaphore_mem>>) src(%dma_wait3A_318 : memref<4x128xi32, #tpu.memory_space<hbm>>) dst(%dma_wait3A_315 : memref<4x128xi32, #tpu.memory_space<vmem>>)
          %dma_wait3A_319 = arith.constant 1 : i32
          %dma_wait3A_320 = arith.constant 0 : i32
          %dma_wait3A_321 = arith.constant 0 : i32
          %dma_wait3A_322 = tpu.memref_slice %arg8[%dma_wait3A_319, %dma_wait3A_320, %dma_wait3A_321] : memref<2x4x128xi32, #tpu.memory_space<vmem>> -> memref<1x4x128xi32, #tpu.memory_space<vmem>>
          %dma_wait3A_323 = tpu.memref_squeeze %dma_wait3A_322 : memref<1x4x128xi32, #tpu.memory_space<vmem>> -> memref<4x128xi32, #tpu.memory_space<vmem>>
          %dma_wait3A_324 = arith.constant 0 : i32
          %dma_wait3A_325 = arith.constant 0 : i32
          %dma_wait3A_326 = tpu.memref_slice %arg4[%dma_wait3A_324, %dma_wait3A_325] : memref<80x128xi32, #tpu.memory_space<hbm>> -> memref<4x128xi32, #tpu.memory_space<hbm>>
          %dma_wait3A_327 = arith.constant 0 : i32
          %dma_wait3A_328 = arith.constant 0 : i32
          %dma_wait3A_329 = tpu.memref_slice %arg8[%dma_wait3A_319, %dma_wait3A_327, %dma_wait3A_328] : memref<2x4x128xi32, #tpu.memory_space<vmem>> -> memref<1x4x128xi32, #tpu.memory_space<vmem>>
          %dma_wait3A_330 = tpu.memref_squeeze %dma_wait3A_329 : memref<1x4x128xi32, #tpu.memory_space<vmem>> -> memref<4x128xi32, #tpu.memory_space<vmem>>
          %dma_wait3A_331 = arith.constant 0 : i32
          %dma_wait3A_332 = arith.constant 0 : i32
          %dma_wait3A_333 = tpu.memref_slice %arg4[%dma_wait3A_331, %dma_wait3A_332] : memref<80x128xi32, #tpu.memory_space<hbm>> -> memref<4x128xi32, #tpu.memory_space<hbm>>
          tpu.wait_dma2 semaphore(%arg15 : memref<!tpu.dma_semaphore, #tpu.memory_space<semaphore_mem>>) src(%dma_wait3A_333 : memref<4x128xi32, #tpu.memory_space<hbm>>) dst(%dma_wait3A_330 : memref<4x128xi32, #tpu.memory_space<vmem>>)
          %dma_start3A_334 = arith.constant 1 : i32
          %dma_start3A_335 = arith.constant 0 : i32
          %dma_start3A_336 = arith.constant 1 : i32
          %dma_start3A_337 = arith.constant 0 : i32
          %dma_start3A_338 = arith.constant 0 : i32
          %dma_start3A_339 = arith.constant 0 : i32
          %dma_start3A_340 = tpu.memref_slice %arg9[%dma_start3A_336, %dma_start3A_337, %dma_start3A_338, %dma_start3A_339] : memref<2x4x128x32xf32, #tpu.memory_space<vmem>> -> memref<1x1x128x32xf32, #tpu.memory_space<vmem>>
          %dma_start3A_341 = tpu.memref_squeeze %dma_start3A_340 : memref<1x1x128x32xf32, #tpu.memory_space<vmem>> -> memref<128x32xf32, #tpu.memory_space<vmem>>
          %dma_start3A_342 = arith.constant 0 : i32
          %dma_start3A_343 = tpu.memref_slice %arg7[%dma_start3A_334, %dma_start3A_335, %dma_start3A_342] : memref<2x4x128xi32, #tpu.memory_space<vmem>> -> memref<1x1x128xi32, #tpu.memory_space<vmem>>
          %dma_start3A_344 = tpu.memref_squeeze %dma_start3A_343 : memref<1x1x128xi32, #tpu.memory_space<vmem>> -> memref<128xi32, #tpu.memory_space<vmem>>
          %dma_start3A_345 = arith.constant 0 : i32
          %dma_start3A_346 = arith.constant 0 : i32
          %dma_start3A_347 = tpu.memref_slice %arg2[%arg1, %dma_start3A_345, %dma_start3A_346] : memref<16x2048x32xf32, #tpu.memory_space<hbm>> -> memref<1x2048x32xf32, #tpu.memory_space<hbm>>
          %dma_start3A_348 = tpu.memref_squeeze %dma_start3A_347 : memref<1x2048x32xf32, #tpu.memory_space<hbm>> -> memref<2048x32xf32, #tpu.memory_space<hbm>>
          %dma_start3A_349 = arith.constant 0 : i32
          %dma_start3A_350 = arith.constant 0 : i32
          %dma_start3A_351 = tpu.memref_slice %dma_start3A_348[%dma_start3A_349, %dma_start3A_350] : memref<2048x32xf32, #tpu.memory_space<hbm>> -> memref<2048x32xf32, #tpu.memory_space<hbm>>
          tpu.enqueue_indirect_dma source(%dma_start3A_351 : memref<2048x32xf32, #tpu.memory_space<hbm>>) target(%dma_start3A_341 : memref<128x32xf32, #tpu.memory_space<vmem>>) offsets(%dma_start3A_344 : memref<128xi32, #tpu.memory_space<vmem>>) semaphore(%arg13 : memref<!tpu.dma_semaphore, #tpu.memory_space<semaphore_mem>>)
          %dma_start3A_352 = arith.constant 1 : i32
          %dma_start3A_353 = arith.constant 1 : i32
          %dma_start3A_354 = arith.constant 1 : i32
          %dma_start3A_355 = arith.constant 1 : i32
          %dma_start3A_356 = arith.constant 0 : i32
          %dma_start3A_357 = arith.constant 0 : i32
          %dma_start3A_358 = tpu.memref_slice %arg9[%dma_start3A_354, %dma_start3A_355, %dma_start3A_356, %dma_start3A_357] : memref<2x4x128x32xf32, #tpu.memory_space<vmem>> -> memref<1x1x128x32xf32, #tpu.memory_space<vmem>>
          %dma_start3A_359 = tpu.memref_squeeze %dma_start3A_358 : memref<1x1x128x32xf32, #tpu.memory_space<vmem>> -> memref<128x32xf32, #tpu.memory_space<vmem>>
          %dma_start3A_360 = arith.constant 0 : i32
          %dma_start3A_361 = tpu.memref_slice %arg7[%dma_start3A_352, %dma_start3A_353, %dma_start3A_360] : memref<2x4x128xi32, #tpu.memory_space<vmem>> -> memref<1x1x128xi32, #tpu.memory_space<vmem>>
          %dma_start3A_362 = tpu.memref_squeeze %dma_start3A_361 : memref<1x1x128xi32, #tpu.memory_space<vmem>> -> memref<128xi32, #tpu.memory_space<vmem>>
          %dma_start3A_363 = arith.constant 0 : i32
          %dma_start3A_364 = arith.constant 0 : i32
          %dma_start3A_365 = tpu.memref_slice %arg2[%arg1, %dma_start3A_363, %dma_start3A_364] : memref<16x2048x32xf32, #tpu.memory_space<hbm>> -> memref<1x2048x32xf32, #tpu.memory_space<hbm>>
          %dma_start3A_366 = tpu.memref_squeeze %dma_start3A_365 : memref<1x2048x32xf32, #tpu.memory_space<hbm>> -> memref<2048x32xf32, #tpu.memory_space<hbm>>
          %dma_start3A_367 = arith.constant 0 : i32
          %dma_start3A_368 = arith.constant 0 : i32
          %dma_start3A_369 = tpu.memref_slice %dma_start3A_366[%dma_start3A_367, %dma_start3A_368] : memref<2048x32xf32, #tpu.memory_space<hbm>> -> memref<2048x32xf32, #tpu.memory_space<hbm>>
          tpu.enqueue_indirect_dma source(%dma_start3A_369 : memref<2048x32xf32, #tpu.memory_space<hbm>>) target(%dma_start3A_359 : memref<128x32xf32, #tpu.memory_space<vmem>>) offsets(%dma_start3A_362 : memref<128xi32, #tpu.memory_space<vmem>>) semaphore(%arg13 : memref<!tpu.dma_semaphore, #tpu.memory_space<semaphore_mem>>)
          %dma_start3A_370 = arith.constant 1 : i32
          %dma_start3A_371 = arith.constant 2 : i32
          %dma_start3A_372 = arith.constant 1 : i32
          %dma_start3A_373 = arith.constant 2 : i32
          %dma_start3A_374 = arith.constant 0 : i32
          %dma_start3A_375 = arith.constant 0 : i32
          %dma_start3A_376 = tpu.memref_slice %arg9[%dma_start3A_372, %dma_start3A_373, %dma_start3A_374, %dma_start3A_375] : memref<2x4x128x32xf32, #tpu.memory_space<vmem>> -> memref<1x1x128x32xf32, #tpu.memory_space<vmem>>
          %dma_start3A_377 = tpu.memref_squeeze %dma_start3A_376 : memref<1x1x128x32xf32, #tpu.memory_space<vmem>> -> memref<128x32xf32, #tpu.memory_space<vmem>>
          %dma_start3A_378 = arith.constant 0 : i32
          %dma_start3A_379 = tpu.memref_slice %arg7[%dma_start3A_370, %dma_start3A_371, %dma_start3A_378] : memref<2x4x128xi32, #tpu.memory_space<vmem>> -> memref<1x1x128xi32, #tpu.memory_space<vmem>>
          %dma_start3A_380 = tpu.memref_squeeze %dma_start3A_379 : memref<1x1x128xi32, #tpu.memory_space<vmem>> -> memref<128xi32, #tpu.memory_space<vmem>>
          %dma_start3A_381 = arith.constant 0 : i32
          %dma_start3A_382 = arith.constant 0 : i32
          %dma_start3A_383 = tpu.memref_slice %arg2[%arg1, %dma_start3A_381, %dma_start3A_382] : memref<16x2048x32xf32, #tpu.memory_space<hbm>> -> memref<1x2048x32xf32, #tpu.memory_space<hbm>>
          %dma_start3A_384 = tpu.memref_squeeze %dma_start3A_383 : memref<1x2048x32xf32, #tpu.memory_space<hbm>> -> memref<2048x32xf32, #tpu.memory_space<hbm>>
          %dma_start3A_385 = arith.constant 0 : i32
          %dma_start3A_386 = arith.constant 0 : i32
          %dma_start3A_387 = tpu.memref_slice %dma_start3A_384[%dma_start3A_385, %dma_start3A_386] : memref<2048x32xf32, #tpu.memory_space<hbm>> -> memref<2048x32xf32, #tpu.memory_space<hbm>>
          tpu.enqueue_indirect_dma source(%dma_start3A_387 : memref<2048x32xf32, #tpu.memory_space<hbm>>) target(%dma_start3A_377 : memref<128x32xf32, #tpu.memory_space<vmem>>) offsets(%dma_start3A_380 : memref<128xi32, #tpu.memory_space<vmem>>) semaphore(%arg13 : memref<!tpu.dma_semaphore, #tpu.memory_space<semaphore_mem>>)
          %dma_start3A_388 = arith.constant 1 : i32
          %dma_start3A_389 = arith.constant 3 : i32
          %dma_start3A_390 = arith.constant 1 : i32
          %dma_start3A_391 = arith.constant 3 : i32
          %dma_start3A_392 = arith.constant 0 : i32
          %dma_start3A_393 = arith.constant 0 : i32
          %dma_start3A_394 = tpu.memref_slice %arg9[%dma_start3A_390, %dma_start3A_391, %dma_start3A_392, %dma_start3A_393] : memref<2x4x128x32xf32, #tpu.memory_space<vmem>> -> memref<1x1x128x32xf32, #tpu.memory_space<vmem>>
          %dma_start3A_395 = tpu.memref_squeeze %dma_start3A_394 : memref<1x1x128x32xf32, #tpu.memory_space<vmem>> -> memref<128x32xf32, #tpu.memory_space<vmem>>
          %dma_start3A_396 = arith.constant 0 : i32
          %dma_start3A_397 = tpu.memref_slice %arg7[%dma_start3A_388, %dma_start3A_389, %dma_start3A_396] : memref<2x4x128xi32, #tpu.memory_space<vmem>> -> memref<1x1x128xi32, #tpu.memory_space<vmem>>
          %dma_start3A_398 = tpu.memref_squeeze %dma_start3A_397 : memref<1x1x128xi32, #tpu.memory_space<vmem>> -> memref<128xi32, #tpu.memory_space<vmem>>
          %dma_start3A_399 = arith.constant 0 : i32
          %dma_start3A_400 = arith.constant 0 : i32
          %dma_start3A_401 = tpu.memref_slice %arg2[%arg1, %dma_start3A_399, %dma_start3A_400] : memref<16x2048x32xf32, #tpu.memory_space<hbm>> -> memref<1x2048x32xf32, #tpu.memory_space<hbm>>
          %dma_start3A_402 = tpu.memref_squeeze %dma_start3A_401 : memref<1x2048x32xf32, #tpu.memory_space<hbm>> -> memref<2048x32xf32, #tpu.memory_space<hbm>>
          %dma_start3A_403 = arith.constant 0 : i32
          %dma_start3A_404 = arith.constant 0 : i32
          %dma_start3A_405 = tpu.memref_slice %dma_start3A_402[%dma_start3A_403, %dma_start3A_404] : memref<2048x32xf32, #tpu.memory_space<hbm>> -> memref<2048x32xf32, #tpu.memory_space<hbm>>
          tpu.enqueue_indirect_dma source(%dma_start3A_405 : memref<2048x32xf32, #tpu.memory_space<hbm>>) target(%dma_start3A_395 : memref<128x32xf32, #tpu.memory_space<vmem>>) offsets(%dma_start3A_398 : memref<128xi32, #tpu.memory_space<vmem>>) semaphore(%arg13 : memref<!tpu.dma_semaphore, #tpu.memory_space<semaphore_mem>>)
        } else {
        }
        %scan3A_291 = arith.constant 0 : i32
        %scan3A_292 = arith.constant 0 : i32
        %scan3A_293 = arith.constant 32 : i32
        %scan3A_294 = arith.addi %scan3A_292, %scan3A_293 : i32
        %scan3A_295 = arith.constant 1 : i32
        scf.for %scan3A_304 = %scan3A_292 to %scan3A_294 step %scan3A_295  : i32 {
          %shift_right_arithmetic3A = arith.constant 3 : i32
          %shift_right_arithmetic3A_305 = arith.shrsi %scan3A_304, %shift_right_arithmetic3A : i32
          %and3A_306 = arith.constant 7 : i32
          %and3A_307 = arith.andi %scan3A_304, %and3A_306 : i32
          %mul3A_308 = arith.constant 16 : i32
          %mul3A_309 = arith.muli %and3A_307, %mul3A_308 : i32
          %get3A = arith.constant 0 : i32
          %get3A_310 = arith.index_cast %get3A : i32 to index
          %get3A_311 = arith.index_cast %shift_right_arithmetic3A_305 : i32 to index
          %get3A_312 = arith.index_cast %mul3A_309 : i32 to index
          %get3A_313 = tpu.vector_load %arg8[%get3A_310, %get3A_311, %get3A_312] {strides = array<i32>} : memref<2x4x128xi32, #tpu.memory_space<vmem>>, vector<16xi32>,
          %broadcast_in_dim3A_314 = vector.shape_cast %broadcast_in_dim3A_4 : vector<16xi32> to vector<16x1xi32>
          %gather3A = vector.shape_cast %broadcast_in_dim3A_314 : vector<16x1xi32> to vector<16xi32>
          %gather3A_315 = tpu.dynamic_gather %get3A_313[%gather3A] in [0] : vector<16xi32>, vector<16xi32> -> vector<16xi32>
          %add3A_316 = arith.constant 0 : i32
          %add3A_317 = arith.addi %mul3A_309, %add3A_316 : i32
          %get3A_318 = arith.constant 0 : i32
          %get3A_319 = arith.index_cast %get3A_318 : i32 to index
          %get3A_320 = arith.index_cast %shift_right_arithmetic3A_305 : i32 to index
          %get3A_321 = arith.index_cast %add3A_317 : i32 to index
          %get3A_322 = arith.constant 0 : index
          %get3A_323 = tpu.vector_load %arg9[%get3A_319, %get3A_320, %get3A_321, %get3A_322] {strides = array<i32>} : memref<2x4x128x32xf32, #tpu.memory_space<vmem>>, vector<16xf32>,
          %add3A_324 = arith.constant 0 : i32
          %add3A_325 = arith.addi %mul3A_309, %add3A_324 : i32
          %get3A_326 = arith.constant 0 : i32
          %get3A_327 = arith.index_cast %get3A_326 : i32 to index
          %get3A_328 = arith.index_cast %shift_right_arithmetic3A_305 : i32 to index
          %get3A_329 = arith.index_cast %add3A_325 : i32 to index
          %get3A_330 = arith.constant 16 : index
          %get3A_331 = tpu.vector_load %arg9[%get3A_327, %get3A_328, %get3A_329, %get3A_330] {strides = array<i32>} : memref<2x4x128x32xf32, #tpu.memory_space<vmem>>, vector<16xf32>,
          %broadcast_in_dim3A_332 = vector.shape_cast %broadcast_in_dim3A_6 : vector<16xi32> to vector<16x1xi32>
          %gather3A_333 = vector.shape_cast %broadcast_in_dim3A_332 : vector<16x1xi32> to vector<16xi32>
          %gather3A_334 = tpu.dynamic_gather %get3A_313[%gather3A_333] in [0] : vector<16xi32>, vector<16xi32> -> vector<16xi32>
          %add3A_335 = arith.constant 1 : i32
          %add3A_336 = arith.addi %mul3A_309, %add3A_335 : i32
          %get3A_337 = arith.constant 0 : i32
          %get3A_338 = arith.index_cast %get3A_337 : i32 to index
          %get3A_339 = arith.index_cast %shift_right_arithmetic3A_305 : i32 to index
          %get3A_340 = arith.index_cast %add3A_336 : i32 to index
          %get3A_341 = arith.constant 0 : index
          %get3A_342 = tpu.vector_load %arg9[%get3A_338, %get3A_339, %get3A_340, %get3A_341] {strides = array<i32>} : memref<2x4x128x32xf32, #tpu.memory_space<vmem>>, vector<16xf32>,
          %add3A_343 = arith.constant 1 : i32
          %add3A_344 = arith.addi %mul3A_309, %add3A_343 : i32
          %get3A_345 = arith.constant 0 : i32
          %get3A_346 = arith.index_cast %get3A_345 : i32 to index
          %get3A_347 = arith.index_cast %shift_right_arithmetic3A_305 : i32 to index
          %get3A_348 = arith.index_cast %add3A_344 : i32 to index
          %get3A_349 = arith.constant 16 : index
          %get3A_350 = tpu.vector_load %arg9[%get3A_346, %get3A_347, %get3A_348, %get3A_349] {strides = array<i32>} : memref<2x4x128x32xf32, #tpu.memory_space<vmem>>, vector<16xf32>,
          %broadcast_in_dim3A_351 = vector.shape_cast %broadcast_in_dim3A_8 : vector<16xi32> to vector<16x1xi32>
          %gather3A_352 = vector.shape_cast %broadcast_in_dim3A_351 : vector<16x1xi32> to vector<16xi32>
          %gather3A_353 = tpu.dynamic_gather %get3A_313[%gather3A_352] in [0] : vector<16xi32>, vector<16xi32> -> vector<16xi32>
          %add3A_354 = arith.constant 2 : i32
          %add3A_355 = arith.addi %mul3A_309, %add3A_354 : i32
          %get3A_356 = arith.constant 0 : i32
          %get3A_357 = arith.index_cast %get3A_356 : i32 to index
          %get3A_358 = arith.index_cast %shift_right_arithmetic3A_305 : i32 to index
          %get3A_359 = arith.index_cast %add3A_355 : i32 to index
          %get3A_360 = arith.constant 0 : index
          %get3A_361 = tpu.vector_load %arg9[%get3A_357, %get3A_358, %get3A_359, %get3A_360] {strides = array<i32>} : memref<2x4x128x32xf32, #tpu.memory_space<vmem>>, vector<16xf32>,
          %add3A_362 = arith.constant 2 : i32
          %add3A_363 = arith.addi %mul3A_309, %add3A_362 : i32
          %get3A_364 = arith.constant 0 : i32
          %get3A_365 = arith.index_cast %get3A_364 : i32 to index
          %get3A_366 = arith.index_cast %shift_right_arithmetic3A_305 : i32 to index
          %get3A_367 = arith.index_cast %add3A_363 : i32 to index
          %get3A_368 = arith.constant 16 : index
          %get3A_369 = tpu.vector_load %arg9[%get3A_365, %get3A_366, %get3A_367, %get3A_368] {strides = array<i32>} : memref<2x4x128x32xf32, #tpu.memory_space<vmem>>, vector<16xf32>,
          %broadcast_in_dim3A_370 = vector.shape_cast %broadcast_in_dim3A_10 : vector<16xi32> to vector<16x1xi32>
          %gather3A_371 = vector.shape_cast %broadcast_in_dim3A_370 : vector<16x1xi32> to vector<16xi32>
          %gather3A_372 = tpu.dynamic_gather %get3A_313[%gather3A_371] in [0] : vector<16xi32>, vector<16xi32> -> vector<16xi32>
          %add3A_373 = arith.constant 3 : i32
          %add3A_374 = arith.addi %mul3A_309, %add3A_373 : i32
          %get3A_375 = arith.constant 0 : i32
          %get3A_376 = arith.index_cast %get3A_375 : i32 to index
          %get3A_377 = arith.index_cast %shift_right_arithmetic3A_305 : i32 to index
          %get3A_378 = arith.index_cast %add3A_374 : i32 to index
          %get3A_379 = arith.constant 0 : index
          %get3A_380 = tpu.vector_load %arg9[%get3A_376, %get3A_377, %get3A_378, %get3A_379] {strides = array<i32>} : memref<2x4x128x32xf32, #tpu.memory_space<vmem>>, vector<16xf32>,
          %add3A_381 = arith.constant 3 : i32
          %add3A_382 = arith.addi %mul3A_309, %add3A_381 : i32
          %get3A_383 = arith.constant 0 : i32
          %get3A_384 = arith.index_cast %get3A_383 : i32 to index
          %get3A_385 = arith.index_cast %shift_right_arithmetic3A_305 : i32 to index
          %get3A_386 = arith.index_cast %add3A_382 : i32 to index
          %get3A_387 = arith.constant 16 : index
          %get3A_388 = tpu.vector_load %arg9[%get3A_384, %get3A_385, %get3A_386, %get3A_387] {strides = array<i32>} : memref<2x4x128x32xf32, #tpu.memory_space<vmem>>, vector<16xf32>,
          %broadcast_in_dim3A_389 = vector.shape_cast %broadcast_in_dim3A_12 : vector<16xi32> to vector<16x1xi32>
          %gather3A_390 = vector.shape_cast %broadcast_in_dim3A_389 : vector<16x1xi32> to vector<16xi32>
          %gather3A_391 = tpu.dynamic_gather %get3A_313[%gather3A_390] in [0] : vector<16xi32>, vector<16xi32> -> vector<16xi32>
          %add3A_392 = arith.constant 4 : i32
          %add3A_393 = arith.addi %mul3A_309, %add3A_392 : i32
          %get3A_394 = arith.constant 0 : i32
          %get3A_395 = arith.index_cast %get3A_394 : i32 to index
          %get3A_396 = arith.index_cast %shift_right_arithmetic3A_305 : i32 to index
          %get3A_397 = arith.index_cast %add3A_393 : i32 to index
          %get3A_398 = arith.constant 0 : index
          %get3A_399 = tpu.vector_load %arg9[%get3A_395, %get3A_396, %get3A_397, %get3A_398] {strides = array<i32>} : memref<2x4x128x32xf32, #tpu.memory_space<vmem>>, vector<16xf32>,
          %add3A_400 = arith.constant 4 : i32
          %add3A_401 = arith.addi %mul3A_309, %add3A_400 : i32
          %get3A_402 = arith.constant 0 : i32
          %get3A_403 = arith.index_cast %get3A_402 : i32 to index
          %get3A_404 = arith.index_cast %shift_right_arithmetic3A_305 : i32 to index
          %get3A_405 = arith.index_cast %add3A_401 : i32 to index
          %get3A_406 = arith.constant 16 : index
          %get3A_407 = tpu.vector_load %arg9[%get3A_403, %get3A_404, %get3A_405, %get3A_406] {strides = array<i32>} : memref<2x4x128x32xf32, #tpu.memory_space<vmem>>, vector<16xf32>,
          %broadcast_in_dim3A_408 = vector.shape_cast %broadcast_in_dim3A_14 : vector<16xi32> to vector<16x1xi32>
          %gather3A_409 = vector.shape_cast %broadcast_in_dim3A_408 : vector<16x1xi32> to vector<16xi32>
          %gather3A_410 = tpu.dynamic_gather %get3A_313[%gather3A_409] in [0] : vector<16xi32>, vector<16xi32> -> vector<16xi32>
          %add3A_411 = arith.constant 5 : i32
          %add3A_412 = arith.addi %mul3A_309, %add3A_411 : i32
          %get3A_413 = arith.constant 0 : i32
          %get3A_414 = arith.index_cast %get3A_413 : i32 to index
          %get3A_415 = arith.index_cast %shift_right_arithmetic3A_305 : i32 to index
          %get3A_416 = arith.index_cast %add3A_412 : i32 to index
          %get3A_417 = arith.constant 0 : index
          %get3A_418 = tpu.vector_load %arg9[%get3A_414, %get3A_415, %get3A_416, %get3A_417] {strides = array<i32>} : memref<2x4x128x32xf32, #tpu.memory_space<vmem>>, vector<16xf32>,
          %add3A_419 = arith.constant 5 : i32
          %add3A_420 = arith.addi %mul3A_309, %add3A_419 : i32
          %get3A_421 = arith.constant 0 : i32
          %get3A_422 = arith.index_cast %get3A_421 : i32 to index
          %get3A_423 = arith.index_cast %shift_right_arithmetic3A_305 : i32 to index
          %get3A_424 = arith.index_cast %add3A_420 : i32 to index
          %get3A_425 = arith.constant 16 : index
          %get3A_426 = tpu.vector_load %arg9[%get3A_422, %get3A_423, %get3A_424, %get3A_425] {strides = array<i32>} : memref<2x4x128x32xf32, #tpu.memory_space<vmem>>, vector<16xf32>,
          %broadcast_in_dim3A_427 = vector.shape_cast %broadcast_in_dim3A_16 : vector<16xi32> to vector<16x1xi32>
          %gather3A_428 = vector.shape_cast %broadcast_in_dim3A_427 : vector<16x1xi32> to vector<16xi32>
          %gather3A_429 = tpu.dynamic_gather %get3A_313[%gather3A_428] in [0] : vector<16xi32>, vector<16xi32> -> vector<16xi32>
          %add3A_430 = arith.constant 6 : i32
          %add3A_431 = arith.addi %mul3A_309, %add3A_430 : i32
          %get3A_432 = arith.constant 0 : i32
          %get3A_433 = arith.index_cast %get3A_432 : i32 to index
          %get3A_434 = arith.index_cast %shift_right_arithmetic3A_305 : i32 to index
          %get3A_435 = arith.index_cast %add3A_431 : i32 to index
          %get3A_436 = arith.constant 0 : index
          %get3A_437 = tpu.vector_load %arg9[%get3A_433, %get3A_434, %get3A_435, %get3A_436] {strides = array<i32>} : memref<2x4x128x32xf32, #tpu.memory_space<vmem>>, vector<16xf32>,
          %add3A_438 = arith.constant 6 : i32
          %add3A_439 = arith.addi %mul3A_309, %add3A_438 : i32
          %get3A_440 = arith.constant 0 : i32
          %get3A_441 = arith.index_cast %get3A_440 : i32 to index
          %get3A_442 = arith.index_cast %shift_right_arithmetic3A_305 : i32 to index
          %get3A_443 = arith.index_cast %add3A_439 : i32 to index
          %get3A_444 = arith.constant 16 : index
          %get3A_445 = tpu.vector_load %arg9[%get3A_441, %get3A_442, %get3A_443, %get3A_444] {strides = array<i32>} : memref<2x4x128x32xf32, #tpu.memory_space<vmem>>, vector<16xf32>,
          %broadcast_in_dim3A_446 = vector.shape_cast %broadcast_in_dim3A_18 : vector<16xi32> to vector<16x1xi32>
          %gather3A_447 = vector.shape_cast %broadcast_in_dim3A_446 : vector<16x1xi32> to vector<16xi32>
          %gather3A_448 = tpu.dynamic_gather %get3A_313[%gather3A_447] in [0] : vector<16xi32>, vector<16xi32> -> vector<16xi32>
          %add3A_449 = arith.constant 7 : i32
          %add3A_450 = arith.addi %mul3A_309, %add3A_449 : i32
          %get3A_451 = arith.constant 0 : i32
          %get3A_452 = arith.index_cast %get3A_451 : i32 to index
          %get3A_453 = arith.index_cast %shift_right_arithmetic3A_305 : i32 to index
          %get3A_454 = arith.index_cast %add3A_450 : i32 to index
          %get3A_455 = arith.constant 0 : index
          %get3A_456 = tpu.vector_load %arg9[%get3A_452, %get3A_453, %get3A_454, %get3A_455] {strides = array<i32>} : memref<2x4x128x32xf32, #tpu.memory_space<vmem>>, vector<16xf32>,
          %add3A_457 = arith.constant 7 : i32
          %add3A_458 = arith.addi %mul3A_309, %add3A_457 : i32
          %get3A_459 = arith.constant 0 : i32
          %get3A_460 = arith.index_cast %get3A_459 : i32 to index
          %get3A_461 = arith.index_cast %shift_right_arithmetic3A_305 : i32 to index
          %get3A_462 = arith.index_cast %add3A_458 : i32 to index
          %get3A_463 = arith.constant 16 : index
          %get3A_464 = tpu.vector_load %arg9[%get3A_460, %get3A_461, %get3A_462, %get3A_463] {strides = array<i32>} : memref<2x4x128x32xf32, #tpu.memory_space<vmem>>, vector<16xf32>,
          %broadcast_in_dim3A_465 = vector.shape_cast %broadcast_in_dim3A_20 : vector<16xi32> to vector<16x1xi32>
          %gather3A_466 = vector.shape_cast %broadcast_in_dim3A_465 : vector<16x1xi32> to vector<16xi32>
          %gather3A_467 = tpu.dynamic_gather %get3A_313[%gather3A_466] in [0] : vector<16xi32>, vector<16xi32> -> vector<16xi32>
          %add3A_468 = arith.constant 8 : i32
          %add3A_469 = arith.addi %mul3A_309, %add3A_468 : i32
          %get3A_470 = arith.constant 0 : i32
          %get3A_471 = arith.index_cast %get3A_470 : i32 to index
          %get3A_472 = arith.index_cast %shift_right_arithmetic3A_305 : i32 to index
          %get3A_473 = arith.index_cast %add3A_469 : i32 to index
          %get3A_474 = arith.constant 0 : index
          %get3A_475 = tpu.vector_load %arg9[%get3A_471, %get3A_472, %get3A_473, %get3A_474] {strides = array<i32>} : memref<2x4x128x32xf32, #tpu.memory_space<vmem>>, vector<16xf32>,
          %add3A_476 = arith.constant 8 : i32
          %add3A_477 = arith.addi %mul3A_309, %add3A_476 : i32
          %get3A_478 = arith.constant 0 : i32
          %get3A_479 = arith.index_cast %get3A_478 : i32 to index
          %get3A_480 = arith.index_cast %shift_right_arithmetic3A_305 : i32 to index
          %get3A_481 = arith.index_cast %add3A_477 : i32 to index
          %get3A_482 = arith.constant 16 : index
          %get3A_483 = tpu.vector_load %arg9[%get3A_479, %get3A_480, %get3A_481, %get3A_482] {strides = array<i32>} : memref<2x4x128x32xf32, #tpu.memory_space<vmem>>, vector<16xf32>,
          %broadcast_in_dim3A_484 = vector.shape_cast %broadcast_in_dim3A_22 : vector<16xi32> to vector<16x1xi32>
          %gather3A_485 = vector.shape_cast %broadcast_in_dim3A_484 : vector<16x1xi32> to vector<16xi32>
          %gather3A_486 = tpu.dynamic_gather %get3A_313[%gather3A_485] in [0] : vector<16xi32>, vector<16xi32> -> vector<16xi32>
          %add3A_487 = arith.constant 9 : i32
          %add3A_488 = arith.addi %mul3A_309, %add3A_487 : i32
          %get3A_489 = arith.constant 0 : i32
          %get3A_490 = arith.index_cast %get3A_489 : i32 to index
          %get3A_491 = arith.index_cast %shift_right_arithmetic3A_305 : i32 to index
          %get3A_492 = arith.index_cast %add3A_488 : i32 to index
          %get3A_493 = arith.constant 0 : index
          %get3A_494 = tpu.vector_load %arg9[%get3A_490, %get3A_491, %get3A_492, %get3A_493] {strides = array<i32>} : memref<2x4x128x32xf32, #tpu.memory_space<vmem>>, vector<16xf32>,
          %add3A_495 = arith.constant 9 : i32
          %add3A_496 = arith.addi %mul3A_309, %add3A_495 : i32
          %get3A_497 = arith.constant 0 : i32
          %get3A_498 = arith.index_cast %get3A_497 : i32 to index
          %get3A_499 = arith.index_cast %shift_right_arithmetic3A_305 : i32 to index
          %get3A_500 = arith.index_cast %add3A_496 : i32 to index
          %get3A_501 = arith.constant 16 : index
          %get3A_502 = tpu.vector_load %arg9[%get3A_498, %get3A_499, %get3A_500, %get3A_501] {strides = array<i32>} : memref<2x4x128x32xf32, #tpu.memory_space<vmem>>, vector<16xf32>,
          %broadcast_in_dim3A_503 = vector.shape_cast %broadcast_in_dim3A_24 : vector<16xi32> to vector<16x1xi32>
          %gather3A_504 = vector.shape_cast %broadcast_in_dim3A_503 : vector<16x1xi32> to vector<16xi32>
          %gather3A_505 = tpu.dynamic_gather %get3A_313[%gather3A_504] in [0] : vector<16xi32>, vector<16xi32> -> vector<16xi32>
          %add3A_506 = arith.constant 10 : i32
          %add3A_507 = arith.addi %mul3A_309, %add3A_506 : i32
          %get3A_508 = arith.constant 0 : i32
          %get3A_509 = arith.index_cast %get3A_508 : i32 to index
          %get3A_510 = arith.index_cast %shift_right_arithmetic3A_305 : i32 to index
          %get3A_511 = arith.index_cast %add3A_507 : i32 to index
          %get3A_512 = arith.constant 0 : index
          %get3A_513 = tpu.vector_load %arg9[%get3A_509, %get3A_510, %get3A_511, %get3A_512] {strides = array<i32>} : memref<2x4x128x32xf32, #tpu.memory_space<vmem>>, vector<16xf32>,
          %add3A_514 = arith.constant 10 : i32
          %add3A_515 = arith.addi %mul3A_309, %add3A_514 : i32
          %get3A_516 = arith.constant 0 : i32
          %get3A_517 = arith.index_cast %get3A_516 : i32 to index
          %get3A_518 = arith.index_cast %shift_right_arithmetic3A_305 : i32 to index
          %get3A_519 = arith.index_cast %add3A_515 : i32 to index
          %get3A_520 = arith.constant 16 : index
          %get3A_521 = tpu.vector_load %arg9[%get3A_517, %get3A_518, %get3A_519, %get3A_520] {strides = array<i32>} : memref<2x4x128x32xf32, #tpu.memory_space<vmem>>, vector<16xf32>,
          %broadcast_in_dim3A_522 = vector.shape_cast %broadcast_in_dim3A_26 : vector<16xi32> to vector<16x1xi32>
          %gather3A_523 = vector.shape_cast %broadcast_in_dim3A_522 : vector<16x1xi32> to vector<16xi32>
          %gather3A_524 = tpu.dynamic_gather %get3A_313[%gather3A_523] in [0] : vector<16xi32>, vector<16xi32> -> vector<16xi32>
          %add3A_525 = arith.constant 11 : i32
          %add3A_526 = arith.addi %mul3A_309, %add3A_525 : i32
          %get3A_527 = arith.constant 0 : i32
          %get3A_528 = arith.index_cast %get3A_527 : i32 to index
          %get3A_529 = arith.index_cast %shift_right_arithmetic3A_305 : i32 to index
          %get3A_530 = arith.index_cast %add3A_526 : i32 to index
          %get3A_531 = arith.constant 0 : index
          %get3A_532 = tpu.vector_load %arg9[%get3A_528, %get3A_529, %get3A_530, %get3A_531] {strides = array<i32>} : memref<2x4x128x32xf32, #tpu.memory_space<vmem>>, vector<16xf32>,
          %add3A_533 = arith.constant 11 : i32
          %add3A_534 = arith.addi %mul3A_309, %add3A_533 : i32
          %get3A_535 = arith.constant 0 : i32
          %get3A_536 = arith.index_cast %get3A_535 : i32 to index
          %get3A_537 = arith.index_cast %shift_right_arithmetic3A_305 : i32 to index
          %get3A_538 = arith.index_cast %add3A_534 : i32 to index
          %get3A_539 = arith.constant 16 : index
          %get3A_540 = tpu.vector_load %arg9[%get3A_536, %get3A_537, %get3A_538, %get3A_539] {strides = array<i32>} : memref<2x4x128x32xf32, #tpu.memory_space<vmem>>, vector<16xf32>,
          %broadcast_in_dim3A_541 = vector.shape_cast %broadcast_in_dim3A_28 : vector<16xi32> to vector<16x1xi32>
          %gather3A_542 = vector.shape_cast %broadcast_in_dim3A_541 : vector<16x1xi32> to vector<16xi32>
          %gather3A_543 = tpu.dynamic_gather %get3A_313[%gather3A_542] in [0] : vector<16xi32>, vector<16xi32> -> vector<16xi32>
          %add3A_544 = arith.constant 12 : i32
          %add3A_545 = arith.addi %mul3A_309, %add3A_544 : i32
          %get3A_546 = arith.constant 0 : i32
          %get3A_547 = arith.index_cast %get3A_546 : i32 to index
          %get3A_548 = arith.index_cast %shift_right_arithmetic3A_305 : i32 to index
          %get3A_549 = arith.index_cast %add3A_545 : i32 to index
          %get3A_550 = arith.constant 0 : index
          %get3A_551 = tpu.vector_load %arg9[%get3A_547, %get3A_548, %get3A_549, %get3A_550] {strides = array<i32>} : memref<2x4x128x32xf32, #tpu.memory_space<vmem>>, vector<16xf32>,
          %add3A_552 = arith.constant 12 : i32
          %add3A_553 = arith.addi %mul3A_309, %add3A_552 : i32
          %get3A_554 = arith.constant 0 : i32
          %get3A_555 = arith.index_cast %get3A_554 : i32 to index
          %get3A_556 = arith.index_cast %shift_right_arithmetic3A_305 : i32 to index
          %get3A_557 = arith.index_cast %add3A_553 : i32 to index
          %get3A_558 = arith.constant 16 : index
          %get3A_559 = tpu.vector_load %arg9[%get3A_555, %get3A_556, %get3A_557, %get3A_558] {strides = array<i32>} : memref<2x4x128x32xf32, #tpu.memory_space<vmem>>, vector<16xf32>,
          %broadcast_in_dim3A_560 = vector.shape_cast %broadcast_in_dim3A_30 : vector<16xi32> to vector<16x1xi32>
          %gather3A_561 = vector.shape_cast %broadcast_in_dim3A_560 : vector<16x1xi32> to vector<16xi32>
          %gather3A_562 = tpu.dynamic_gather %get3A_313[%gather3A_561] in [0] : vector<16xi32>, vector<16xi32> -> vector<16xi32>
          %add3A_563 = arith.constant 13 : i32
          %add3A_564 = arith.addi %mul3A_309, %add3A_563 : i32
          %get3A_565 = arith.constant 0 : i32
          %get3A_566 = arith.index_cast %get3A_565 : i32 to index
          %get3A_567 = arith.index_cast %shift_right_arithmetic3A_305 : i32 to index
          %get3A_568 = arith.index_cast %add3A_564 : i32 to index
          %get3A_569 = arith.constant 0 : index
          %get3A_570 = tpu.vector_load %arg9[%get3A_566, %get3A_567, %get3A_568, %get3A_569] {strides = array<i32>} : memref<2x4x128x32xf32, #tpu.memory_space<vmem>>, vector<16xf32>,
          %add3A_571 = arith.constant 13 : i32
          %add3A_572 = arith.addi %mul3A_309, %add3A_571 : i32
          %get3A_573 = arith.constant 0 : i32
          %get3A_574 = arith.index_cast %get3A_573 : i32 to index
          %get3A_575 = arith.index_cast %shift_right_arithmetic3A_305 : i32 to index
          %get3A_576 = arith.index_cast %add3A_572 : i32 to index
          %get3A_577 = arith.constant 16 : index
          %get3A_578 = tpu.vector_load %arg9[%get3A_574, %get3A_575, %get3A_576, %get3A_577] {strides = array<i32>} : memref<2x4x128x32xf32, #tpu.memory_space<vmem>>, vector<16xf32>,
          %broadcast_in_dim3A_579 = vector.shape_cast %broadcast_in_dim3A_32 : vector<16xi32> to vector<16x1xi32>
          %gather3A_580 = vector.shape_cast %broadcast_in_dim3A_579 : vector<16x1xi32> to vector<16xi32>
          %gather3A_581 = tpu.dynamic_gather %get3A_313[%gather3A_580] in [0] : vector<16xi32>, vector<16xi32> -> vector<16xi32>
          %add3A_582 = arith.constant 14 : i32
          %add3A_583 = arith.addi %mul3A_309, %add3A_582 : i32
          %get3A_584 = arith.constant 0 : i32
          %get3A_585 = arith.index_cast %get3A_584 : i32 to index
          %get3A_586 = arith.index_cast %shift_right_arithmetic3A_305 : i32 to index
          %get3A_587 = arith.index_cast %add3A_583 : i32 to index
          %get3A_588 = arith.constant 0 : index
          %get3A_589 = tpu.vector_load %arg9[%get3A_585, %get3A_586, %get3A_587, %get3A_588] {strides = array<i32>} : memref<2x4x128x32xf32, #tpu.memory_space<vmem>>, vector<16xf32>,
          %add3A_590 = arith.constant 14 : i32
          %add3A_591 = arith.addi %mul3A_309, %add3A_590 : i32
          %get3A_592 = arith.constant 0 : i32
          %get3A_593 = arith.index_cast %get3A_592 : i32 to index
          %get3A_594 = arith.index_cast %shift_right_arithmetic3A_305 : i32 to index
          %get3A_595 = arith.index_cast %add3A_591 : i32 to index
          %get3A_596 = arith.constant 16 : index
          %get3A_597 = tpu.vector_load %arg9[%get3A_593, %get3A_594, %get3A_595, %get3A_596] {strides = array<i32>} : memref<2x4x128x32xf32, #tpu.memory_space<vmem>>, vector<16xf32>,
          %broadcast_in_dim3A_598 = vector.shape_cast %broadcast_in_dim3A_34 : vector<16xi32> to vector<16x1xi32>
          %gather3A_599 = vector.shape_cast %broadcast_in_dim3A_598 : vector<16x1xi32> to vector<16xi32>
          %gather3A_600 = tpu.dynamic_gather %get3A_313[%gather3A_599] in [0] : vector<16xi32>, vector<16xi32> -> vector<16xi32>
          %add3A_601 = arith.constant 15 : i32
          %add3A_602 = arith.addi %mul3A_309, %add3A_601 : i32
          %get3A_603 = arith.constant 0 : i32
          %get3A_604 = arith.index_cast %get3A_603 : i32 to index
          %get3A_605 = arith.index_cast %shift_right_arithmetic3A_305 : i32 to index
          %get3A_606 = arith.index_cast %add3A_602 : i32 to index
          %get3A_607 = arith.constant 0 : index
          %get3A_608 = tpu.vector_load %arg9[%get3A_604, %get3A_605, %get3A_606, %get3A_607] {strides = array<i32>} : memref<2x4x128x32xf32, #tpu.memory_space<vmem>>, vector<16xf32>,
          %add3A_609 = arith.constant 15 : i32
          %add3A_610 = arith.addi %mul3A_309, %add3A_609 : i32
          %get3A_611 = arith.constant 0 : i32
          %get3A_612 = arith.index_cast %get3A_611 : i32 to index
          %get3A_613 = arith.index_cast %shift_right_arithmetic3A_305 : i32 to index
          %get3A_614 = arith.index_cast %add3A_610 : i32 to index
          %get3A_615 = arith.constant 16 : index
          %get3A_616 = tpu.vector_load %arg9[%get3A_612, %get3A_613, %get3A_614, %get3A_615] {strides = array<i32>} : memref<2x4x128x32xf32, #tpu.memory_space<vmem>>, vector<16xf32>,
          %add3A_617 = arith.constant 0 : i32
          %add3A_618 = vector.broadcast %add3A_617 : i32 to vector<16xi32>
          %add3A_619 = arith.addi %iota3A, %add3A_618 : vector<16xi32>
          tpu.vector_store_idx %arg10[%gather3A_315, %add3A_619], %get3A_323 {add = true} : memref<512x32xf32, #tpu.memory_space<vmem>>[vector<16xi32>, vector<16xi32>], vector<16xf32>,
          %add3A_620 = arith.constant 16 : i32
          %add3A_621 = vector.broadcast %add3A_620 : i32 to vector<16xi32>
          %add3A_622 = arith.addi %iota3A, %add3A_621 : vector<16xi32>
          tpu.vector_store_idx %arg10[%gather3A_315, %add3A_622], %get3A_331 {add = true} : memref<512x32xf32, #tpu.memory_space<vmem>>[vector<16xi32>, vector<16xi32>], vector<16xf32>,
          %add3A_623 = arith.constant 0 : i32
          %add3A_624 = vector.broadcast %add3A_623 : i32 to vector<16xi32>
          %add3A_625 = arith.addi %iota3A, %add3A_624 : vector<16xi32>
          tpu.vector_store_idx %arg10[%gather3A_334, %add3A_625], %get3A_342 {add = true} : memref<512x32xf32, #tpu.memory_space<vmem>>[vector<16xi32>, vector<16xi32>], vector<16xf32>,
          %add3A_626 = arith.constant 16 : i32
          %add3A_627 = vector.broadcast %add3A_626 : i32 to vector<16xi32>
          %add3A_628 = arith.addi %iota3A, %add3A_627 : vector<16xi32>
          tpu.vector_store_idx %arg10[%gather3A_334, %add3A_628], %get3A_350 {add = true} : memref<512x32xf32, #tpu.memory_space<vmem>>[vector<16xi32>, vector<16xi32>], vector<16xf32>,
          %add3A_629 = arith.constant 0 : i32
          %add3A_630 = vector.broadcast %add3A_629 : i32 to vector<16xi32>
          %add3A_631 = arith.addi %iota3A, %add3A_630 : vector<16xi32>
          tpu.vector_store_idx %arg10[%gather3A_353, %add3A_631], %get3A_361 {add = true} : memref<512x32xf32, #tpu.memory_space<vmem>>[vector<16xi32>, vector<16xi32>], vector<16xf32>,
          %add3A_632 = arith.constant 16 : i32
          %add3A_633 = vector.broadcast %add3A_632 : i32 to vector<16xi32>
          %add3A_634 = arith.addi %iota3A, %add3A_633 : vector<16xi32>
          tpu.vector_store_idx %arg10[%gather3A_353, %add3A_634], %get3A_369 {add = true} : memref<512x32xf32, #tpu.memory_space<vmem>>[vector<16xi32>, vector<16xi32>], vector<16xf32>,
          %add3A_635 = arith.constant 0 : i32
          %add3A_636 = vector.broadcast %add3A_635 : i32 to vector<16xi32>
          %add3A_637 = arith.addi %iota3A, %add3A_636 : vector<16xi32>
          tpu.vector_store_idx %arg10[%gather3A_372, %add3A_637], %get3A_380 {add = true} : memref<512x32xf32, #tpu.memory_space<vmem>>[vector<16xi32>, vector<16xi32>], vector<16xf32>,
          %add3A_638 = arith.constant 16 : i32
          %add3A_639 = vector.broadcast %add3A_638 : i32 to vector<16xi32>
          %add3A_640 = arith.addi %iota3A, %add3A_639 : vector<16xi32>
          tpu.vector_store_idx %arg10[%gather3A_372, %add3A_640], %get3A_388 {add = true} : memref<512x32xf32, #tpu.memory_space<vmem>>[vector<16xi32>, vector<16xi32>], vector<16xf32>,
          %add3A_641 = arith.constant 0 : i32
          %add3A_642 = vector.broadcast %add3A_641 : i32 to vector<16xi32>
          %add3A_643 = arith.addi %iota3A, %add3A_642 : vector<16xi32>
          tpu.vector_store_idx %arg10[%gather3A_391, %add3A_643], %get3A_399 {add = true} : memref<512x32xf32, #tpu.memory_space<vmem>>[vector<16xi32>, vector<16xi32>], vector<16xf32>,
          %add3A_644 = arith.constant 16 : i32
          %add3A_645 = vector.broadcast %add3A_644 : i32 to vector<16xi32>
          %add3A_646 = arith.addi %iota3A, %add3A_645 : vector<16xi32>
          tpu.vector_store_idx %arg10[%gather3A_391, %add3A_646], %get3A_407 {add = true} : memref<512x32xf32, #tpu.memory_space<vmem>>[vector<16xi32>, vector<16xi32>], vector<16xf32>,
          %add3A_647 = arith.constant 0 : i32
          %add3A_648 = vector.broadcast %add3A_647 : i32 to vector<16xi32>
          %add3A_649 = arith.addi %iota3A, %add3A_648 : vector<16xi32>
          tpu.vector_store_idx %arg10[%gather3A_410, %add3A_649], %get3A_418 {add = true} : memref<512x32xf32, #tpu.memory_space<vmem>>[vector<16xi32>, vector<16xi32>], vector<16xf32>,
          %add3A_650 = arith.constant 16 : i32
          %add3A_651 = vector.broadcast %add3A_650 : i32 to vector<16xi32>
          %add3A_652 = arith.addi %iota3A, %add3A_651 : vector<16xi32>
          tpu.vector_store_idx %arg10[%gather3A_410, %add3A_652], %get3A_426 {add = true} : memref<512x32xf32, #tpu.memory_space<vmem>>[vector<16xi32>, vector<16xi32>], vector<16xf32>,
          %add3A_653 = arith.constant 0 : i32
          %add3A_654 = vector.broadcast %add3A_653 : i32 to vector<16xi32>
          %add3A_655 = arith.addi %iota3A, %add3A_654 : vector<16xi32>
          tpu.vector_store_idx %arg10[%gather3A_429, %add3A_655], %get3A_437 {add = true} : memref<512x32xf32, #tpu.memory_space<vmem>>[vector<16xi32>, vector<16xi32>], vector<16xf32>,
          %add3A_656 = arith.constant 16 : i32
          %add3A_657 = vector.broadcast %add3A_656 : i32 to vector<16xi32>
          %add3A_658 = arith.addi %iota3A, %add3A_657 : vector<16xi32>
          tpu.vector_store_idx %arg10[%gather3A_429, %add3A_658], %get3A_445 {add = true} : memref<512x32xf32, #tpu.memory_space<vmem>>[vector<16xi32>, vector<16xi32>], vector<16xf32>,
          %add3A_659 = arith.constant 0 : i32
          %add3A_660 = vector.broadcast %add3A_659 : i32 to vector<16xi32>
          %add3A_661 = arith.addi %iota3A, %add3A_660 : vector<16xi32>
          tpu.vector_store_idx %arg10[%gather3A_448, %add3A_661], %get3A_456 {add = true} : memref<512x32xf32, #tpu.memory_space<vmem>>[vector<16xi32>, vector<16xi32>], vector<16xf32>,
          %add3A_662 = arith.constant 16 : i32
          %add3A_663 = vector.broadcast %add3A_662 : i32 to vector<16xi32>
          %add3A_664 = arith.addi %iota3A, %add3A_663 : vector<16xi32>
          tpu.vector_store_idx %arg10[%gather3A_448, %add3A_664], %get3A_464 {add = true} : memref<512x32xf32, #tpu.memory_space<vmem>>[vector<16xi32>, vector<16xi32>], vector<16xf32>,
          %add3A_665 = arith.constant 0 : i32
          %add3A_666 = vector.broadcast %add3A_665 : i32 to vector<16xi32>
          %add3A_667 = arith.addi %iota3A, %add3A_666 : vector<16xi32>
          tpu.vector_store_idx %arg10[%gather3A_467, %add3A_667], %get3A_475 {add = true} : memref<512x32xf32, #tpu.memory_space<vmem>>[vector<16xi32>, vector<16xi32>], vector<16xf32>,
          %add3A_668 = arith.constant 16 : i32
          %add3A_669 = vector.broadcast %add3A_668 : i32 to vector<16xi32>
          %add3A_670 = arith.addi %iota3A, %add3A_669 : vector<16xi32>
          tpu.vector_store_idx %arg10[%gather3A_467, %add3A_670], %get3A_483 {add = true} : memref<512x32xf32, #tpu.memory_space<vmem>>[vector<16xi32>, vector<16xi32>], vector<16xf32>,
          %add3A_671 = arith.constant 0 : i32
          %add3A_672 = vector.broadcast %add3A_671 : i32 to vector<16xi32>
          %add3A_673 = arith.addi %iota3A, %add3A_672 : vector<16xi32>
          tpu.vector_store_idx %arg10[%gather3A_486, %add3A_673], %get3A_494 {add = true} : memref<512x32xf32, #tpu.memory_space<vmem>>[vector<16xi32>, vector<16xi32>], vector<16xf32>,
          %add3A_674 = arith.constant 16 : i32
          %add3A_675 = vector.broadcast %add3A_674 : i32 to vector<16xi32>
          %add3A_676 = arith.addi %iota3A, %add3A_675 : vector<16xi32>
          tpu.vector_store_idx %arg10[%gather3A_486, %add3A_676], %get3A_502 {add = true} : memref<512x32xf32, #tpu.memory_space<vmem>>[vector<16xi32>, vector<16xi32>], vector<16xf32>,
          %add3A_677 = arith.constant 0 : i32
          %add3A_678 = vector.broadcast %add3A_677 : i32 to vector<16xi32>
          %add3A_679 = arith.addi %iota3A, %add3A_678 : vector<16xi32>
          tpu.vector_store_idx %arg10[%gather3A_505, %add3A_679], %get3A_513 {add = true} : memref<512x32xf32, #tpu.memory_space<vmem>>[vector<16xi32>, vector<16xi32>], vector<16xf32>,
          %add3A_680 = arith.constant 16 : i32
          %add3A_681 = vector.broadcast %add3A_680 : i32 to vector<16xi32>
          %add3A_682 = arith.addi %iota3A, %add3A_681 : vector<16xi32>
          tpu.vector_store_idx %arg10[%gather3A_505, %add3A_682], %get3A_521 {add = true} : memref<512x32xf32, #tpu.memory_space<vmem>>[vector<16xi32>, vector<16xi32>], vector<16xf32>,
          %add3A_683 = arith.constant 0 : i32
          %add3A_684 = vector.broadcast %add3A_683 : i32 to vector<16xi32>
          %add3A_685 = arith.addi %iota3A, %add3A_684 : vector<16xi32>
          tpu.vector_store_idx %arg10[%gather3A_524, %add3A_685], %get3A_532 {add = true} : memref<512x32xf32, #tpu.memory_space<vmem>>[vector<16xi32>, vector<16xi32>], vector<16xf32>,
          %add3A_686 = arith.constant 16 : i32
          %add3A_687 = vector.broadcast %add3A_686 : i32 to vector<16xi32>
          %add3A_688 = arith.addi %iota3A, %add3A_687 : vector<16xi32>
          tpu.vector_store_idx %arg10[%gather3A_524, %add3A_688], %get3A_540 {add = true} : memref<512x32xf32, #tpu.memory_space<vmem>>[vector<16xi32>, vector<16xi32>], vector<16xf32>,
          %add3A_689 = arith.constant 0 : i32
          %add3A_690 = vector.broadcast %add3A_689 : i32 to vector<16xi32>
          %add3A_691 = arith.addi %iota3A, %add3A_690 : vector<16xi32>
          tpu.vector_store_idx %arg10[%gather3A_543, %add3A_691], %get3A_551 {add = true} : memref<512x32xf32, #tpu.memory_space<vmem>>[vector<16xi32>, vector<16xi32>], vector<16xf32>,
          %add3A_692 = arith.constant 16 : i32
          %add3A_693 = vector.broadcast %add3A_692 : i32 to vector<16xi32>
          %add3A_694 = arith.addi %iota3A, %add3A_693 : vector<16xi32>
          tpu.vector_store_idx %arg10[%gather3A_543, %add3A_694], %get3A_559 {add = true} : memref<512x32xf32, #tpu.memory_space<vmem>>[vector<16xi32>, vector<16xi32>], vector<16xf32>,
          %add3A_695 = arith.constant 0 : i32
          %add3A_696 = vector.broadcast %add3A_695 : i32 to vector<16xi32>
          %add3A_697 = arith.addi %iota3A, %add3A_696 : vector<16xi32>
          tpu.vector_store_idx %arg10[%gather3A_562, %add3A_697], %get3A_570 {add = true} : memref<512x32xf32, #tpu.memory_space<vmem>>[vector<16xi32>, vector<16xi32>], vector<16xf32>,
          %add3A_698 = arith.constant 16 : i32
          %add3A_699 = vector.broadcast %add3A_698 : i32 to vector<16xi32>
          %add3A_700 = arith.addi %iota3A, %add3A_699 : vector<16xi32>
          tpu.vector_store_idx %arg10[%gather3A_562, %add3A_700], %get3A_578 {add = true} : memref<512x32xf32, #tpu.memory_space<vmem>>[vector<16xi32>, vector<16xi32>], vector<16xf32>,
          %add3A_701 = arith.constant 0 : i32
          %add3A_702 = vector.broadcast %add3A_701 : i32 to vector<16xi32>
          %add3A_703 = arith.addi %iota3A, %add3A_702 : vector<16xi32>
          tpu.vector_store_idx %arg10[%gather3A_581, %add3A_703], %get3A_589 {add = true} : memref<512x32xf32, #tpu.memory_space<vmem>>[vector<16xi32>, vector<16xi32>], vector<16xf32>,
          %add3A_704 = arith.constant 16 : i32
          %add3A_705 = vector.broadcast %add3A_704 : i32 to vector<16xi32>
          %add3A_706 = arith.addi %iota3A, %add3A_705 : vector<16xi32>
          tpu.vector_store_idx %arg10[%gather3A_581, %add3A_706], %get3A_597 {add = true} : memref<512x32xf32, #tpu.memory_space<vmem>>[vector<16xi32>, vector<16xi32>], vector<16xf32>,
          %add3A_707 = arith.constant 0 : i32
          %add3A_708 = vector.broadcast %add3A_707 : i32 to vector<16xi32>
          %add3A_709 = arith.addi %iota3A, %add3A_708 : vector<16xi32>
          tpu.vector_store_idx %arg10[%gather3A_600, %add3A_709], %get3A_608 {add = true} : memref<512x32xf32, #tpu.memory_space<vmem>>[vector<16xi32>, vector<16xi32>], vector<16xf32>,
          %add3A_710 = arith.constant 16 : i32
          %add3A_711 = vector.broadcast %add3A_710 : i32 to vector<16xi32>
          %add3A_712 = arith.addi %iota3A, %add3A_711 : vector<16xi32>
          tpu.vector_store_idx %arg10[%gather3A_600, %add3A_712], %get3A_616 {add = true} : memref<512x32xf32, #tpu.memory_space<vmem>>[vector<16xi32>, vector<16xi32>], vector<16xf32>,
          %and3A_713 = arith.constant 15 : i32
          %and3A_714 = arith.andi %scan3A_304, %and3A_713 : i32
          %eq3A_715 = arith.cmpi eq, %and3A_714, %arg1 : i32
          %convert_element_type3A_716 = arith.extui %eq3A_715 : i1 to i32
          %cond3A_717 = arith.constant 0 : i32
          %cond3A_718 = arith.cmpi ne, %convert_element_type3A_716, %cond3A_717 : i32
          scf.if %cond3A_718 {
            %and3A_719 = arith.constant 15 : i32
            %and3A_720 = vector.broadcast %and3A_719 : i32 to vector<16xi32>
            %and3A_721 = arith.andi %get3A_313, %and3A_720 : vector<16xi32>
            tpu.vector_store_idx %arg11[%get3A_313, %and3A_721], %broadcast_in_dim3A_2 {add = true} : memref<512x16xf32, #tpu.memory_space<vmem>>[vector<16xi32>, vector<16xi32>], vector<16xf32>,
          } else {
          }
        }
        %scan3A_296 = arith.constant 32 : i32
        %add3A_297 = arith.constant 2 : i32
        %add3A_298 = arith.addi %scan3A_202, %add3A_297 : i32
        %lt3A_299 = arith.constant 10 : i32
        %lt3A_300 = arith.cmpi slt, %add3A_298, %lt3A_299 : i32
        %convert_element_type3A_301 = arith.extui %lt3A_300 : i1 to i32
        %cond3A_302 = arith.constant 0 : i32
        %cond3A_303 = arith.cmpi ne, %convert_element_type3A_301, %cond3A_302 : i32
        scf.if %cond3A_303 {
          %add3A_304 = arith.constant 2 : i32
          %add3A_305 = arith.addi %scan3A_202, %add3A_304 : i32
          %mul3A_306 = arith.constant 4 : i32
          %mul3A_307 = arith.muli %add3A_305, %mul3A_306 : i32
          %add3A_308 = arith.addi %mul3A_40, %mul3A_307 : i32
          %dma_start3A_309 = arith.constant 0 : i32
          %dma_start3A_310 = arith.constant 0 : i32
          %dma_start3A_311 = arith.constant 0 : i32
          %dma_start3A_312 = tpu.memref_slice %arg7[%dma_start3A_309, %dma_start3A_310, %dma_start3A_311] : memref<2x4x128xi32, #tpu.memory_space<vmem>> -> memref<1x4x128xi32, #tpu.memory_space<vmem>>
          %dma_start3A_313 = tpu.memref_squeeze %dma_start3A_312 : memref<1x4x128xi32, #tpu.memory_space<vmem>> -> memref<4x128xi32, #tpu.memory_space<vmem>>
          %dma_start3A_314 = arith.constant 0 : i32
          %dma_start3A_315 = tpu.memref_slice %arg3[%add3A_308, %dma_start3A_314] : memref<80x128xi32, #tpu.memory_space<hbm>> -> memref<4x128xi32, #tpu.memory_space<hbm>>
          %dma_start3A_316 = arith.constant 0 : i32
          %dma_start3A_317 = arith.constant 0 : i32
          %dma_start3A_318 = tpu.memref_slice %arg7[%dma_start3A_309, %dma_start3A_316, %dma_start3A_317] : memref<2x4x128xi32, #tpu.memory_space<vmem>> -> memref<1x4x128xi32, #tpu.memory_space<vmem>>
          %dma_start3A_319 = tpu.memref_squeeze %dma_start3A_318 : memref<1x4x128xi32, #tpu.memory_space<vmem>> -> memref<4x128xi32, #tpu.memory_space<vmem>>
          %dma_start3A_320 = arith.constant 0 : i32
          %dma_start3A_321 = tpu.memref_slice %arg3[%add3A_308, %dma_start3A_320] : memref<80x128xi32, #tpu.memory_space<hbm>> -> memref<4x128xi32, #tpu.memory_space<hbm>>
          tpu.enqueue_dma source(%dma_start3A_321 : memref<4x128xi32, #tpu.memory_space<hbm>>) target(%dma_start3A_319 : memref<4x128xi32, #tpu.memory_space<vmem>>) target_semaphore(%arg14 : memref<!tpu.dma_semaphore, #tpu.memory_space<semaphore_mem>>)
          %dma_start3A_322 = arith.constant 0 : i32
          %dma_start3A_323 = arith.constant 0 : i32
          %dma_start3A_324 = arith.constant 0 : i32
          %dma_start3A_325 = tpu.memref_slice %arg8[%dma_start3A_322, %dma_start3A_323, %dma_start3A_324] : memref<2x4x128xi32, #tpu.memory_space<vmem>> -> memref<1x4x128xi32, #tpu.memory_space<vmem>>
          %dma_start3A_326 = tpu.memref_squeeze %dma_start3A_325 : memref<1x4x128xi32, #tpu.memory_space<vmem>> -> memref<4x128xi32, #tpu.memory_space<vmem>>
          %dma_start3A_327 = arith.constant 0 : i32
          %dma_start3A_328 = tpu.memref_slice %arg4[%add3A_308, %dma_start3A_327] : memref<80x128xi32, #tpu.memory_space<hbm>> -> memref<4x128xi32, #tpu.memory_space<hbm>>
          %dma_start3A_329 = arith.constant 0 : i32
          %dma_start3A_330 = arith.constant 0 : i32
          %dma_start3A_331 = tpu.memref_slice %arg8[%dma_start3A_322, %dma_start3A_329, %dma_start3A_330] : memref<2x4x128xi32, #tpu.memory_space<vmem>> -> memref<1x4x128xi32, #tpu.memory_space<vmem>>
          %dma_start3A_332 = tpu.memref_squeeze %dma_start3A_331 : memref<1x4x128xi32, #tpu.memory_space<vmem>> -> memref<4x128xi32, #tpu.memory_space<vmem>>
          %dma_start3A_333 = arith.constant 0 : i32
          %dma_start3A_334 = tpu.memref_slice %arg4[%add3A_308, %dma_start3A_333] : memref<80x128xi32, #tpu.memory_space<hbm>> -> memref<4x128xi32, #tpu.memory_space<hbm>>
          tpu.enqueue_dma source(%dma_start3A_334 : memref<4x128xi32, #tpu.memory_space<hbm>>) target(%dma_start3A_332 : memref<4x128xi32, #tpu.memory_space<vmem>>) target_semaphore(%arg14 : memref<!tpu.dma_semaphore, #tpu.memory_space<semaphore_mem>>)
        } else {
        }
      } else {
      }
      %and3A_206 = arith.constant 1 : i32
      %and3A_207 = arith.andi %scan3A_202, %and3A_206 : i32
      %eq3A_208 = arith.constant 1 : i32
      %eq3A_209 = arith.cmpi eq, %and3A_207, %eq3A_208 : i32
      %convert_element_type3A_210 = arith.extui %eq3A_209 : i1 to i32
      %cond3A_211 = arith.constant 0 : i32
      %cond3A_212 = arith.cmpi ne, %convert_element_type3A_210, %cond3A_211 : i32
      scf.if %cond3A_212 {
        %dma_wait3A_213 = arith.constant 1 : i32
        %dma_wait3A_214 = arith.constant 0 : i32
        %dma_wait3A_215 = arith.constant 1 : i32
        %dma_wait3A_216 = arith.constant 0 : i32
        %dma_wait3A_217 = arith.constant 0 : i32
        %dma_wait3A_218 = arith.constant 0 : i32
        %dma_wait3A_219 = tpu.memref_slice %arg9[%dma_wait3A_215, %dma_wait3A_216, %dma_wait3A_217, %dma_wait3A_218] : memref<2x4x128x32xf32, #tpu.memory_space<vmem>> -> memref<1x1x128x32xf32, #tpu.memory_space<vmem>>
        %dma_wait3A_220 = tpu.memref_squeeze %dma_wait3A_219 : memref<1x1x128x32xf32, #tpu.memory_space<vmem>> -> memref<128x32xf32, #tpu.memory_space<vmem>>
        %dma_wait3A_221 = arith.constant 0 : i32
        %dma_wait3A_222 = tpu.memref_slice %arg7[%dma_wait3A_213, %dma_wait3A_214, %dma_wait3A_221] : memref<2x4x128xi32, #tpu.memory_space<vmem>> -> memref<1x1x128xi32, #tpu.memory_space<vmem>>
        %dma_wait3A_223 = tpu.memref_squeeze %dma_wait3A_222 : memref<1x1x128xi32, #tpu.memory_space<vmem>> -> memref<128xi32, #tpu.memory_space<vmem>>
        %dma_wait3A_224 = arith.constant 0 : i32
        %dma_wait3A_225 = arith.constant 0 : i32
        %dma_wait3A_226 = tpu.memref_slice %arg2[%arg1, %dma_wait3A_224, %dma_wait3A_225] : memref<16x2048x32xf32, #tpu.memory_space<hbm>> -> memref<1x2048x32xf32, #tpu.memory_space<hbm>>
        %dma_wait3A_227 = tpu.memref_squeeze %dma_wait3A_226 : memref<1x2048x32xf32, #tpu.memory_space<hbm>> -> memref<2048x32xf32, #tpu.memory_space<hbm>>
        %dma_wait3A_228 = arith.constant 0 : i32
        %dma_wait3A_229 = arith.constant 0 : i32
        %dma_wait3A_230 = tpu.memref_slice %dma_wait3A_227[%dma_wait3A_228, %dma_wait3A_229] : memref<2048x32xf32, #tpu.memory_space<hbm>> -> memref<2048x32xf32, #tpu.memory_space<hbm>>
        tpu.wait_indirect_dma semaphore(%arg13 : memref<!tpu.dma_semaphore, #tpu.memory_space<semaphore_mem>>) src(%dma_wait3A_230 : memref<2048x32xf32, #tpu.memory_space<hbm>>) dst(%dma_wait3A_220 : memref<128x32xf32, #tpu.memory_space<vmem>>)
        %dma_wait3A_231 = arith.constant 1 : i32
        %dma_wait3A_232 = arith.constant 1 : i32
        %dma_wait3A_233 = arith.constant 1 : i32
        %dma_wait3A_234 = arith.constant 1 : i32
        %dma_wait3A_235 = arith.constant 0 : i32
        %dma_wait3A_236 = arith.constant 0 : i32
        %dma_wait3A_237 = tpu.memref_slice %arg9[%dma_wait3A_233, %dma_wait3A_234, %dma_wait3A_235, %dma_wait3A_236] : memref<2x4x128x32xf32, #tpu.memory_space<vmem>> -> memref<1x1x128x32xf32, #tpu.memory_space<vmem>>
        %dma_wait3A_238 = tpu.memref_squeeze %dma_wait3A_237 : memref<1x1x128x32xf32, #tpu.memory_space<vmem>> -> memref<128x32xf32, #tpu.memory_space<vmem>>
        %dma_wait3A_239 = arith.constant 0 : i32
        %dma_wait3A_240 = tpu.memref_slice %arg7[%dma_wait3A_231, %dma_wait3A_232, %dma_wait3A_239] : memref<2x4x128xi32, #tpu.memory_space<vmem>> -> memref<1x1x128xi32, #tpu.memory_space<vmem>>
        %dma_wait3A_241 = tpu.memref_squeeze %dma_wait3A_240 : memref<1x1x128xi32, #tpu.memory_space<vmem>> -> memref<128xi32, #tpu.memory_space<vmem>>
        %dma_wait3A_242 = arith.constant 0 : i32
        %dma_wait3A_243 = arith.constant 0 : i32
        %dma_wait3A_244 = tpu.memref_slice %arg2[%arg1, %dma_wait3A_242, %dma_wait3A_243] : memref<16x2048x32xf32, #tpu.memory_space<hbm>> -> memref<1x2048x32xf32, #tpu.memory_space<hbm>>
        %dma_wait3A_245 = tpu.memref_squeeze %dma_wait3A_244 : memref<1x2048x32xf32, #tpu.memory_space<hbm>> -> memref<2048x32xf32, #tpu.memory_space<hbm>>
        %dma_wait3A_246 = arith.constant 0 : i32
        %dma_wait3A_247 = arith.constant 0 : i32
        %dma_wait3A_248 = tpu.memref_slice %dma_wait3A_245[%dma_wait3A_246, %dma_wait3A_247] : memref<2048x32xf32, #tpu.memory_space<hbm>> -> memref<2048x32xf32, #tpu.memory_space<hbm>>
        tpu.wait_indirect_dma semaphore(%arg13 : memref<!tpu.dma_semaphore, #tpu.memory_space<semaphore_mem>>) src(%dma_wait3A_248 : memref<2048x32xf32, #tpu.memory_space<hbm>>) dst(%dma_wait3A_238 : memref<128x32xf32, #tpu.memory_space<vmem>>)
        %dma_wait3A_249 = arith.constant 1 : i32
        %dma_wait3A_250 = arith.constant 2 : i32
        %dma_wait3A_251 = arith.constant 1 : i32
        %dma_wait3A_252 = arith.constant 2 : i32
        %dma_wait3A_253 = arith.constant 0 : i32
        %dma_wait3A_254 = arith.constant 0 : i32
        %dma_wait3A_255 = tpu.memref_slice %arg9[%dma_wait3A_251, %dma_wait3A_252, %dma_wait3A_253, %dma_wait3A_254] : memref<2x4x128x32xf32, #tpu.memory_space<vmem>> -> memref<1x1x128x32xf32, #tpu.memory_space<vmem>>
        %dma_wait3A_256 = tpu.memref_squeeze %dma_wait3A_255 : memref<1x1x128x32xf32, #tpu.memory_space<vmem>> -> memref<128x32xf32, #tpu.memory_space<vmem>>
        %dma_wait3A_257 = arith.constant 0 : i32
        %dma_wait3A_258 = tpu.memref_slice %arg7[%dma_wait3A_249, %dma_wait3A_250, %dma_wait3A_257] : memref<2x4x128xi32, #tpu.memory_space<vmem>> -> memref<1x1x128xi32, #tpu.memory_space<vmem>>
        %dma_wait3A_259 = tpu.memref_squeeze %dma_wait3A_258 : memref<1x1x128xi32, #tpu.memory_space<vmem>> -> memref<128xi32, #tpu.memory_space<vmem>>
        %dma_wait3A_260 = arith.constant 0 : i32
        %dma_wait3A_261 = arith.constant 0 : i32
        %dma_wait3A_262 = tpu.memref_slice %arg2[%arg1, %dma_wait3A_260, %dma_wait3A_261] : memref<16x2048x32xf32, #tpu.memory_space<hbm>> -> memref<1x2048x32xf32, #tpu.memory_space<hbm>>
        %dma_wait3A_263 = tpu.memref_squeeze %dma_wait3A_262 : memref<1x2048x32xf32, #tpu.memory_space<hbm>> -> memref<2048x32xf32, #tpu.memory_space<hbm>>
        %dma_wait3A_264 = arith.constant 0 : i32
        %dma_wait3A_265 = arith.constant 0 : i32
        %dma_wait3A_266 = tpu.memref_slice %dma_wait3A_263[%dma_wait3A_264, %dma_wait3A_265] : memref<2048x32xf32, #tpu.memory_space<hbm>> -> memref<2048x32xf32, #tpu.memory_space<hbm>>
        tpu.wait_indirect_dma semaphore(%arg13 : memref<!tpu.dma_semaphore, #tpu.memory_space<semaphore_mem>>) src(%dma_wait3A_266 : memref<2048x32xf32, #tpu.memory_space<hbm>>) dst(%dma_wait3A_256 : memref<128x32xf32, #tpu.memory_space<vmem>>)
        %dma_wait3A_267 = arith.constant 1 : i32
        %dma_wait3A_268 = arith.constant 3 : i32
        %dma_wait3A_269 = arith.constant 1 : i32
        %dma_wait3A_270 = arith.constant 3 : i32
        %dma_wait3A_271 = arith.constant 0 : i32
        %dma_wait3A_272 = arith.constant 0 : i32
        %dma_wait3A_273 = tpu.memref_slice %arg9[%dma_wait3A_269, %dma_wait3A_270, %dma_wait3A_271, %dma_wait3A_272] : memref<2x4x128x32xf32, #tpu.memory_space<vmem>> -> memref<1x1x128x32xf32, #tpu.memory_space<vmem>>
        %dma_wait3A_274 = tpu.memref_squeeze %dma_wait3A_273 : memref<1x1x128x32xf32, #tpu.memory_space<vmem>> -> memref<128x32xf32, #tpu.memory_space<vmem>>
        %dma_wait3A_275 = arith.constant 0 : i32
        %dma_wait3A_276 = tpu.memref_slice %arg7[%dma_wait3A_267, %dma_wait3A_268, %dma_wait3A_275] : memref<2x4x128xi32, #tpu.memory_space<vmem>> -> memref<1x1x128xi32, #tpu.memory_space<vmem>>
        %dma_wait3A_277 = tpu.memref_squeeze %dma_wait3A_276 : memref<1x1x128xi32, #tpu.memory_space<vmem>> -> memref<128xi32, #tpu.memory_space<vmem>>
        %dma_wait3A_278 = arith.constant 0 : i32
        %dma_wait3A_279 = arith.constant 0 : i32
        %dma_wait3A_280 = tpu.memref_slice %arg2[%arg1, %dma_wait3A_278, %dma_wait3A_279] : memref<16x2048x32xf32, #tpu.memory_space<hbm>> -> memref<1x2048x32xf32, #tpu.memory_space<hbm>>
        %dma_wait3A_281 = tpu.memref_squeeze %dma_wait3A_280 : memref<1x2048x32xf32, #tpu.memory_space<hbm>> -> memref<2048x32xf32, #tpu.memory_space<hbm>>
        %dma_wait3A_282 = arith.constant 0 : i32
        %dma_wait3A_283 = arith.constant 0 : i32
        %dma_wait3A_284 = tpu.memref_slice %dma_wait3A_281[%dma_wait3A_282, %dma_wait3A_283] : memref<2048x32xf32, #tpu.memory_space<hbm>> -> memref<2048x32xf32, #tpu.memory_space<hbm>>
        tpu.wait_indirect_dma semaphore(%arg13 : memref<!tpu.dma_semaphore, #tpu.memory_space<semaphore_mem>>) src(%dma_wait3A_284 : memref<2048x32xf32, #tpu.memory_space<hbm>>) dst(%dma_wait3A_274 : memref<128x32xf32, #tpu.memory_space<vmem>>)
        %add3A_285 = arith.constant 1 : i32
        %add3A_286 = arith.addi %scan3A_202, %add3A_285 : i32
        %lt3A = arith.constant 10 : i32
        %lt3A_287 = arith.cmpi slt, %add3A_286, %lt3A : i32
        %convert_element_type3A_288 = arith.extui %lt3A_287 : i1 to i32
        %cond3A_289 = arith.constant 0 : i32
        %cond3A_290 = arith.cmpi ne, %convert_element_type3A_288, %cond3A_289 : i32
        scf.if %cond3A_290 {
          %dma_wait3A_304 = arith.constant 0 : i32
          %dma_wait3A_305 = arith.constant 0 : i32
          %dma_wait3A_306 = arith.constant 0 : i32
          %dma_wait3A_307 = tpu.memref_slice %arg7[%dma_wait3A_304, %dma_wait3A_305, %dma_wait3A_306] : memref<2x4x128xi32, #tpu.memory_space<vmem>> -> memref<1x4x128xi32, #tpu.memory_space<vmem>>
          %dma_wait3A_308 = tpu.memref_squeeze %dma_wait3A_307 : memref<1x4x128xi32, #tpu.memory_space<vmem>> -> memref<4x128xi32, #tpu.memory_space<vmem>>
          %dma_wait3A_309 = arith.constant 0 : i32
          %dma_wait3A_310 = arith.constant 0 : i32
          %dma_wait3A_311 = tpu.memref_slice %arg3[%dma_wait3A_309, %dma_wait3A_310] : memref<80x128xi32, #tpu.memory_space<hbm>> -> memref<4x128xi32, #tpu.memory_space<hbm>>
          %dma_wait3A_312 = arith.constant 0 : i32
          %dma_wait3A_313 = arith.constant 0 : i32
          %dma_wait3A_314 = tpu.memref_slice %arg7[%dma_wait3A_304, %dma_wait3A_312, %dma_wait3A_313] : memref<2x4x128xi32, #tpu.memory_space<vmem>> -> memref<1x4x128xi32, #tpu.memory_space<vmem>>
          %dma_wait3A_315 = tpu.memref_squeeze %dma_wait3A_314 : memref<1x4x128xi32, #tpu.memory_space<vmem>> -> memref<4x128xi32, #tpu.memory_space<vmem>>
          %dma_wait3A_316 = arith.constant 0 : i32
          %dma_wait3A_317 = arith.constant 0 : i32
          %dma_wait3A_318 = tpu.memref_slice %arg3[%dma_wait3A_316, %dma_wait3A_317] : memref<80x128xi32, #tpu.memory_space<hbm>> -> memref<4x128xi32, #tpu.memory_space<hbm>>
          tpu.wait_dma2 semaphore(%arg14 : memref<!tpu.dma_semaphore, #tpu.memory_space<semaphore_mem>>) src(%dma_wait3A_318 : memref<4x128xi32, #tpu.memory_space<hbm>>) dst(%dma_wait3A_315 : memref<4x128xi32, #tpu.memory_space<vmem>>)
          %dma_wait3A_319 = arith.constant 0 : i32
          %dma_wait3A_320 = arith.constant 0 : i32
          %dma_wait3A_321 = arith.constant 0 : i32
          %dma_wait3A_322 = tpu.memref_slice %arg8[%dma_wait3A_319, %dma_wait3A_320, %dma_wait3A_321] : memref<2x4x128xi32, #tpu.memory_space<vmem>> -> memref<1x4x128xi32, #tpu.memory_space<vmem>>
          %dma_wait3A_323 = tpu.memref_squeeze %dma_wait3A_322 : memref<1x4x128xi32, #tpu.memory_space<vmem>> -> memref<4x128xi32, #tpu.memory_space<vmem>>
          %dma_wait3A_324 = arith.constant 0 : i32
          %dma_wait3A_325 = arith.constant 0 : i32
          %dma_wait3A_326 = tpu.memref_slice %arg4[%dma_wait3A_324, %dma_wait3A_325] : memref<80x128xi32, #tpu.memory_space<hbm>> -> memref<4x128xi32, #tpu.memory_space<hbm>>
          %dma_wait3A_327 = arith.constant 0 : i32
          %dma_wait3A_328 = arith.constant 0 : i32
          %dma_wait3A_329 = tpu.memref_slice %arg8[%dma_wait3A_319, %dma_wait3A_327, %dma_wait3A_328] : memref<2x4x128xi32, #tpu.memory_space<vmem>> -> memref<1x4x128xi32, #tpu.memory_space<vmem>>
          %dma_wait3A_330 = tpu.memref_squeeze %dma_wait3A_329 : memref<1x4x128xi32, #tpu.memory_space<vmem>> -> memref<4x128xi32, #tpu.memory_space<vmem>>
          %dma_wait3A_331 = arith.constant 0 : i32
          %dma_wait3A_332 = arith.constant 0 : i32
          %dma_wait3A_333 = tpu.memref_slice %arg4[%dma_wait3A_331, %dma_wait3A_332] : memref<80x128xi32, #tpu.memory_space<hbm>> -> memref<4x128xi32, #tpu.memory_space<hbm>>
          tpu.wait_dma2 semaphore(%arg14 : memref<!tpu.dma_semaphore, #tpu.memory_space<semaphore_mem>>) src(%dma_wait3A_333 : memref<4x128xi32, #tpu.memory_space<hbm>>) dst(%dma_wait3A_330 : memref<4x128xi32, #tpu.memory_space<vmem>>)
          %dma_start3A_334 = arith.constant 0 : i32
          %dma_start3A_335 = arith.constant 0 : i32
          %dma_start3A_336 = arith.constant 0 : i32
          %dma_start3A_337 = arith.constant 0 : i32
          %dma_start3A_338 = arith.constant 0 : i32
          %dma_start3A_339 = arith.constant 0 : i32
          %dma_start3A_340 = tpu.memref_slice %arg9[%dma_start3A_336, %dma_start3A_337, %dma_start3A_338, %dma_start3A_339] : memref<2x4x128x32xf32, #tpu.memory_space<vmem>> -> memref<1x1x128x32xf32, #tpu.memory_space<vmem>>
          %dma_start3A_341 = tpu.memref_squeeze %dma_start3A_340 : memref<1x1x128x32xf32, #tpu.memory_space<vmem>> -> memref<128x32xf32, #tpu.memory_space<vmem>>
          %dma_start3A_342 = arith.constant 0 : i32
          %dma_start3A_343 = tpu.memref_slice %arg7[%dma_start3A_334, %dma_start3A_335, %dma_start3A_342] : memref<2x4x128xi32, #tpu.memory_space<vmem>> -> memref<1x1x128xi32, #tpu.memory_space<vmem>>
          %dma_start3A_344 = tpu.memref_squeeze %dma_start3A_343 : memref<1x1x128xi32, #tpu.memory_space<vmem>> -> memref<128xi32, #tpu.memory_space<vmem>>
          %dma_start3A_345 = arith.constant 0 : i32
          %dma_start3A_346 = arith.constant 0 : i32
          %dma_start3A_347 = tpu.memref_slice %arg2[%arg1, %dma_start3A_345, %dma_start3A_346] : memref<16x2048x32xf32, #tpu.memory_space<hbm>> -> memref<1x2048x32xf32, #tpu.memory_space<hbm>>
          %dma_start3A_348 = tpu.memref_squeeze %dma_start3A_347 : memref<1x2048x32xf32, #tpu.memory_space<hbm>> -> memref<2048x32xf32, #tpu.memory_space<hbm>>
          %dma_start3A_349 = arith.constant 0 : i32
          %dma_start3A_350 = arith.constant 0 : i32
          %dma_start3A_351 = tpu.memref_slice %dma_start3A_348[%dma_start3A_349, %dma_start3A_350] : memref<2048x32xf32, #tpu.memory_space<hbm>> -> memref<2048x32xf32, #tpu.memory_space<hbm>>
          tpu.enqueue_indirect_dma source(%dma_start3A_351 : memref<2048x32xf32, #tpu.memory_space<hbm>>) target(%dma_start3A_341 : memref<128x32xf32, #tpu.memory_space<vmem>>) offsets(%dma_start3A_344 : memref<128xi32, #tpu.memory_space<vmem>>) semaphore(%arg12 : memref<!tpu.dma_semaphore, #tpu.memory_space<semaphore_mem>>)
          %dma_start3A_352 = arith.constant 0 : i32
          %dma_start3A_353 = arith.constant 1 : i32
          %dma_start3A_354 = arith.constant 0 : i32
          %dma_start3A_355 = arith.constant 1 : i32
          %dma_start3A_356 = arith.constant 0 : i32
          %dma_start3A_357 = arith.constant 0 : i32
          %dma_start3A_358 = tpu.memref_slice %arg9[%dma_start3A_354, %dma_start3A_355, %dma_start3A_356, %dma_start3A_357] : memref<2x4x128x32xf32, #tpu.memory_space<vmem>> -> memref<1x1x128x32xf32, #tpu.memory_space<vmem>>
          %dma_start3A_359 = tpu.memref_squeeze %dma_start3A_358 : memref<1x1x128x32xf32, #tpu.memory_space<vmem>> -> memref<128x32xf32, #tpu.memory_space<vmem>>
          %dma_start3A_360 = arith.constant 0 : i32
          %dma_start3A_361 = tpu.memref_slice %arg7[%dma_start3A_352, %dma_start3A_353, %dma_start3A_360] : memref<2x4x128xi32, #tpu.memory_space<vmem>> -> memref<1x1x128xi32, #tpu.memory_space<vmem>>
          %dma_start3A_362 = tpu.memref_squeeze %dma_start3A_361 : memref<1x1x128xi32, #tpu.memory_space<vmem>> -> memref<128xi32, #tpu.memory_space<vmem>>
          %dma_start3A_363 = arith.constant 0 : i32
          %dma_start3A_364 = arith.constant 0 : i32
          %dma_start3A_365 = tpu.memref_slice %arg2[%arg1, %dma_start3A_363, %dma_start3A_364] : memref<16x2048x32xf32, #tpu.memory_space<hbm>> -> memref<1x2048x32xf32, #tpu.memory_space<hbm>>
          %dma_start3A_366 = tpu.memref_squeeze %dma_start3A_365 : memref<1x2048x32xf32, #tpu.memory_space<hbm>> -> memref<2048x32xf32, #tpu.memory_space<hbm>>
          %dma_start3A_367 = arith.constant 0 : i32
          %dma_start3A_368 = arith.constant 0 : i32
          %dma_start3A_369 = tpu.memref_slice %dma_start3A_366[%dma_start3A_367, %dma_start3A_368] : memref<2048x32xf32, #tpu.memory_space<hbm>> -> memref<2048x32xf32, #tpu.memory_space<hbm>>
          tpu.enqueue_indirect_dma source(%dma_start3A_369 : memref<2048x32xf32, #tpu.memory_space<hbm>>) target(%dma_start3A_359 : memref<128x32xf32, #tpu.memory_space<vmem>>) offsets(%dma_start3A_362 : memref<128xi32, #tpu.memory_space<vmem>>) semaphore(%arg12 : memref<!tpu.dma_semaphore, #tpu.memory_space<semaphore_mem>>)
          %dma_start3A_370 = arith.constant 0 : i32
          %dma_start3A_371 = arith.constant 2 : i32
          %dma_start3A_372 = arith.constant 0 : i32
          %dma_start3A_373 = arith.constant 2 : i32
          %dma_start3A_374 = arith.constant 0 : i32
          %dma_start3A_375 = arith.constant 0 : i32
          %dma_start3A_376 = tpu.memref_slice %arg9[%dma_start3A_372, %dma_start3A_373, %dma_start3A_374, %dma_start3A_375] : memref<2x4x128x32xf32, #tpu.memory_space<vmem>> -> memref<1x1x128x32xf32, #tpu.memory_space<vmem>>
          %dma_start3A_377 = tpu.memref_squeeze %dma_start3A_376 : memref<1x1x128x32xf32, #tpu.memory_space<vmem>> -> memref<128x32xf32, #tpu.memory_space<vmem>>
          %dma_start3A_378 = arith.constant 0 : i32
          %dma_start3A_379 = tpu.memref_slice %arg7[%dma_start3A_370, %dma_start3A_371, %dma_start3A_378] : memref<2x4x128xi32, #tpu.memory_space<vmem>> -> memref<1x1x128xi32, #tpu.memory_space<vmem>>
          %dma_start3A_380 = tpu.memref_squeeze %dma_start3A_379 : memref<1x1x128xi32, #tpu.memory_space<vmem>> -> memref<128xi32, #tpu.memory_space<vmem>>
          %dma_start3A_381 = arith.constant 0 : i32
          %dma_start3A_382 = arith.constant 0 : i32
          %dma_start3A_383 = tpu.memref_slice %arg2[%arg1, %dma_start3A_381, %dma_start3A_382] : memref<16x2048x32xf32, #tpu.memory_space<hbm>> -> memref<1x2048x32xf32, #tpu.memory_space<hbm>>
          %dma_start3A_384 = tpu.memref_squeeze %dma_start3A_383 : memref<1x2048x32xf32, #tpu.memory_space<hbm>> -> memref<2048x32xf32, #tpu.memory_space<hbm>>
          %dma_start3A_385 = arith.constant 0 : i32
          %dma_start3A_386 = arith.constant 0 : i32
          %dma_start3A_387 = tpu.memref_slice %dma_start3A_384[%dma_start3A_385, %dma_start3A_386] : memref<2048x32xf32, #tpu.memory_space<hbm>> -> memref<2048x32xf32, #tpu.memory_space<hbm>>
          tpu.enqueue_indirect_dma source(%dma_start3A_387 : memref<2048x32xf32, #tpu.memory_space<hbm>>) target(%dma_start3A_377 : memref<128x32xf32, #tpu.memory_space<vmem>>) offsets(%dma_start3A_380 : memref<128xi32, #tpu.memory_space<vmem>>) semaphore(%arg12 : memref<!tpu.dma_semaphore, #tpu.memory_space<semaphore_mem>>)
          %dma_start3A_388 = arith.constant 0 : i32
          %dma_start3A_389 = arith.constant 3 : i32
          %dma_start3A_390 = arith.constant 0 : i32
          %dma_start3A_391 = arith.constant 3 : i32
          %dma_start3A_392 = arith.constant 0 : i32
          %dma_start3A_393 = arith.constant 0 : i32
          %dma_start3A_394 = tpu.memref_slice %arg9[%dma_start3A_390, %dma_start3A_391, %dma_start3A_392, %dma_start3A_393] : memref<2x4x128x32xf32, #tpu.memory_space<vmem>> -> memref<1x1x128x32xf32, #tpu.memory_space<vmem>>
          %dma_start3A_395 = tpu.memref_squeeze %dma_start3A_394 : memref<1x1x128x32xf32, #tpu.memory_space<vmem>> -> memref<128x32xf32, #tpu.memory_space<vmem>>
          %dma_start3A_396 = arith.constant 0 : i32
          %dma_start3A_397 = tpu.memref_slice %arg7[%dma_start3A_388, %dma_start3A_389, %dma_start3A_396] : memref<2x4x128xi32, #tpu.memory_space<vmem>> -> memref<1x1x128xi32, #tpu.memory_space<vmem>>
          %dma_start3A_398 = tpu.memref_squeeze %dma_start3A_397 : memref<1x1x128xi32, #tpu.memory_space<vmem>> -> memref<128xi32, #tpu.memory_space<vmem>>
          %dma_start3A_399 = arith.constant 0 : i32
          %dma_start3A_400 = arith.constant 0 : i32
          %dma_start3A_401 = tpu.memref_slice %arg2[%arg1, %dma_start3A_399, %dma_start3A_400] : memref<16x2048x32xf32, #tpu.memory_space<hbm>> -> memref<1x2048x32xf32, #tpu.memory_space<hbm>>
          %dma_start3A_402 = tpu.memref_squeeze %dma_start3A_401 : memref<1x2048x32xf32, #tpu.memory_space<hbm>> -> memref<2048x32xf32, #tpu.memory_space<hbm>>
          %dma_start3A_403 = arith.constant 0 : i32
          %dma_start3A_404 = arith.constant 0 : i32
          %dma_start3A_405 = tpu.memref_slice %dma_start3A_402[%dma_start3A_403, %dma_start3A_404] : memref<2048x32xf32, #tpu.memory_space<hbm>> -> memref<2048x32xf32, #tpu.memory_space<hbm>>
          tpu.enqueue_indirect_dma source(%dma_start3A_405 : memref<2048x32xf32, #tpu.memory_space<hbm>>) target(%dma_start3A_395 : memref<128x32xf32, #tpu.memory_space<vmem>>) offsets(%dma_start3A_398 : memref<128xi32, #tpu.memory_space<vmem>>) semaphore(%arg12 : memref<!tpu.dma_semaphore, #tpu.memory_space<semaphore_mem>>)
        } else {
        }
        %scan3A_291 = arith.constant 0 : i32
        %scan3A_292 = arith.constant 0 : i32
        %scan3A_293 = arith.constant 32 : i32
        %scan3A_294 = arith.addi %scan3A_292, %scan3A_293 : i32
        %scan3A_295 = arith.constant 1 : i32
        scf.for %scan3A_304 = %scan3A_292 to %scan3A_294 step %scan3A_295  : i32 {
          %shift_right_arithmetic3A = arith.constant 3 : i32
          %shift_right_arithmetic3A_305 = arith.shrsi %scan3A_304, %shift_right_arithmetic3A : i32
          %and3A_306 = arith.constant 7 : i32
          %and3A_307 = arith.andi %scan3A_304, %and3A_306 : i32
          %mul3A_308 = arith.constant 16 : i32
          %mul3A_309 = arith.muli %and3A_307, %mul3A_308 : i32
          %get3A = arith.constant 1 : i32
          %get3A_310 = arith.index_cast %get3A : i32 to index
          %get3A_311 = arith.index_cast %shift_right_arithmetic3A_305 : i32 to index
          %get3A_312 = arith.index_cast %mul3A_309 : i32 to index
          %get3A_313 = tpu.vector_load %arg8[%get3A_310, %get3A_311, %get3A_312] {strides = array<i32>} : memref<2x4x128xi32, #tpu.memory_space<vmem>>, vector<16xi32>,
          %broadcast_in_dim3A_314 = vector.shape_cast %broadcast_in_dim3A_4 : vector<16xi32> to vector<16x1xi32>
          %gather3A = vector.shape_cast %broadcast_in_dim3A_314 : vector<16x1xi32> to vector<16xi32>
          %gather3A_315 = tpu.dynamic_gather %get3A_313[%gather3A] in [0] : vector<16xi32>, vector<16xi32> -> vector<16xi32>
          %add3A_316 = arith.constant 0 : i32
          %add3A_317 = arith.addi %mul3A_309, %add3A_316 : i32
          %get3A_318 = arith.constant 1 : i32
          %get3A_319 = arith.index_cast %get3A_318 : i32 to index
          %get3A_320 = arith.index_cast %shift_right_arithmetic3A_305 : i32 to index
          %get3A_321 = arith.index_cast %add3A_317 : i32 to index
          %get3A_322 = arith.constant 0 : index
          %get3A_323 = tpu.vector_load %arg9[%get3A_319, %get3A_320, %get3A_321, %get3A_322] {strides = array<i32>} : memref<2x4x128x32xf32, #tpu.memory_space<vmem>>, vector<16xf32>,
          %add3A_324 = arith.constant 0 : i32
          %add3A_325 = arith.addi %mul3A_309, %add3A_324 : i32
          %get3A_326 = arith.constant 1 : i32
          %get3A_327 = arith.index_cast %get3A_326 : i32 to index
          %get3A_328 = arith.index_cast %shift_right_arithmetic3A_305 : i32 to index
          %get3A_329 = arith.index_cast %add3A_325 : i32 to index
          %get3A_330 = arith.constant 16 : index
          %get3A_331 = tpu.vector_load %arg9[%get3A_327, %get3A_328, %get3A_329, %get3A_330] {strides = array<i32>} : memref<2x4x128x32xf32, #tpu.memory_space<vmem>>, vector<16xf32>,
          %broadcast_in_dim3A_332 = vector.shape_cast %broadcast_in_dim3A_6 : vector<16xi32> to vector<16x1xi32>
          %gather3A_333 = vector.shape_cast %broadcast_in_dim3A_332 : vector<16x1xi32> to vector<16xi32>
          %gather3A_334 = tpu.dynamic_gather %get3A_313[%gather3A_333] in [0] : vector<16xi32>, vector<16xi32> -> vector<16xi32>
          %add3A_335 = arith.constant 1 : i32
          %add3A_336 = arith.addi %mul3A_309, %add3A_335 : i32
          %get3A_337 = arith.constant 1 : i32
          %get3A_338 = arith.index_cast %get3A_337 : i32 to index
          %get3A_339 = arith.index_cast %shift_right_arithmetic3A_305 : i32 to index
          %get3A_340 = arith.index_cast %add3A_336 : i32 to index
          %get3A_341 = arith.constant 0 : index
          %get3A_342 = tpu.vector_load %arg9[%get3A_338, %get3A_339, %get3A_340, %get3A_341] {strides = array<i32>} : memref<2x4x128x32xf32, #tpu.memory_space<vmem>>, vector<16xf32>,
          %add3A_343 = arith.constant 1 : i32
          %add3A_344 = arith.addi %mul3A_309, %add3A_343 : i32
          %get3A_345 = arith.constant 1 : i32
          %get3A_346 = arith.index_cast %get3A_345 : i32 to index
          %get3A_347 = arith.index_cast %shift_right_arithmetic3A_305 : i32 to index
          %get3A_348 = arith.index_cast %add3A_344 : i32 to index
          %get3A_349 = arith.constant 16 : index
          %get3A_350 = tpu.vector_load %arg9[%get3A_346, %get3A_347, %get3A_348, %get3A_349] {strides = array<i32>} : memref<2x4x128x32xf32, #tpu.memory_space<vmem>>, vector<16xf32>,
          %broadcast_in_dim3A_351 = vector.shape_cast %broadcast_in_dim3A_8 : vector<16xi32> to vector<16x1xi32>
          %gather3A_352 = vector.shape_cast %broadcast_in_dim3A_351 : vector<16x1xi32> to vector<16xi32>
          %gather3A_353 = tpu.dynamic_gather %get3A_313[%gather3A_352] in [0] : vector<16xi32>, vector<16xi32> -> vector<16xi32>
          %add3A_354 = arith.constant 2 : i32
          %add3A_355 = arith.addi %mul3A_309, %add3A_354 : i32
          %get3A_356 = arith.constant 1 : i32
          %get3A_357 = arith.index_cast %get3A_356 : i32 to index
          %get3A_358 = arith.index_cast %shift_right_arithmetic3A_305 : i32 to index
          %get3A_359 = arith.index_cast %add3A_355 : i32 to index
          %get3A_360 = arith.constant 0 : index
          %get3A_361 = tpu.vector_load %arg9[%get3A_357, %get3A_358, %get3A_359, %get3A_360] {strides = array<i32>} : memref<2x4x128x32xf32, #tpu.memory_space<vmem>>, vector<16xf32>,
          %add3A_362 = arith.constant 2 : i32
          %add3A_363 = arith.addi %mul3A_309, %add3A_362 : i32
          %get3A_364 = arith.constant 1 : i32
          %get3A_365 = arith.index_cast %get3A_364 : i32 to index
          %get3A_366 = arith.index_cast %shift_right_arithmetic3A_305 : i32 to index
          %get3A_367 = arith.index_cast %add3A_363 : i32 to index
          %get3A_368 = arith.constant 16 : index
          %get3A_369 = tpu.vector_load %arg9[%get3A_365, %get3A_366, %get3A_367, %get3A_368] {strides = array<i32>} : memref<2x4x128x32xf32, #tpu.memory_space<vmem>>, vector<16xf32>,
          %broadcast_in_dim3A_370 = vector.shape_cast %broadcast_in_dim3A_10 : vector<16xi32> to vector<16x1xi32>
          %gather3A_371 = vector.shape_cast %broadcast_in_dim3A_370 : vector<16x1xi32> to vector<16xi32>
          %gather3A_372 = tpu.dynamic_gather %get3A_313[%gather3A_371] in [0] : vector<16xi32>, vector<16xi32> -> vector<16xi32>
          %add3A_373 = arith.constant 3 : i32
          %add3A_374 = arith.addi %mul3A_309, %add3A_373 : i32
          %get3A_375 = arith.constant 1 : i32
          %get3A_376 = arith.index_cast %get3A_375 : i32 to index
          %get3A_377 = arith.index_cast %shift_right_arithmetic3A_305 : i32 to index
          %get3A_378 = arith.index_cast %add3A_374 : i32 to index
          %get3A_379 = arith.constant 0 : index
          %get3A_380 = tpu.vector_load %arg9[%get3A_376, %get3A_377, %get3A_378, %get3A_379] {strides = array<i32>} : memref<2x4x128x32xf32, #tpu.memory_space<vmem>>, vector<16xf32>,
          %add3A_381 = arith.constant 3 : i32
          %add3A_382 = arith.addi %mul3A_309, %add3A_381 : i32
          %get3A_383 = arith.constant 1 : i32
          %get3A_384 = arith.index_cast %get3A_383 : i32 to index
          %get3A_385 = arith.index_cast %shift_right_arithmetic3A_305 : i32 to index
          %get3A_386 = arith.index_cast %add3A_382 : i32 to index
          %get3A_387 = arith.constant 16 : index
          %get3A_388 = tpu.vector_load %arg9[%get3A_384, %get3A_385, %get3A_386, %get3A_387] {strides = array<i32>} : memref<2x4x128x32xf32, #tpu.memory_space<vmem>>, vector<16xf32>,
          %broadcast_in_dim3A_389 = vector.shape_cast %broadcast_in_dim3A_12 : vector<16xi32> to vector<16x1xi32>
          %gather3A_390 = vector.shape_cast %broadcast_in_dim3A_389 : vector<16x1xi32> to vector<16xi32>
          %gather3A_391 = tpu.dynamic_gather %get3A_313[%gather3A_390] in [0] : vector<16xi32>, vector<16xi32> -> vector<16xi32>
          %add3A_392 = arith.constant 4 : i32
          %add3A_393 = arith.addi %mul3A_309, %add3A_392 : i32
          %get3A_394 = arith.constant 1 : i32
          %get3A_395 = arith.index_cast %get3A_394 : i32 to index
          %get3A_396 = arith.index_cast %shift_right_arithmetic3A_305 : i32 to index
          %get3A_397 = arith.index_cast %add3A_393 : i32 to index
          %get3A_398 = arith.constant 0 : index
          %get3A_399 = tpu.vector_load %arg9[%get3A_395, %get3A_396, %get3A_397, %get3A_398] {strides = array<i32>} : memref<2x4x128x32xf32, #tpu.memory_space<vmem>>, vector<16xf32>,
          %add3A_400 = arith.constant 4 : i32
          %add3A_401 = arith.addi %mul3A_309, %add3A_400 : i32
          %get3A_402 = arith.constant 1 : i32
          %get3A_403 = arith.index_cast %get3A_402 : i32 to index
          %get3A_404 = arith.index_cast %shift_right_arithmetic3A_305 : i32 to index
          %get3A_405 = arith.index_cast %add3A_401 : i32 to index
          %get3A_406 = arith.constant 16 : index
          %get3A_407 = tpu.vector_load %arg9[%get3A_403, %get3A_404, %get3A_405, %get3A_406] {strides = array<i32>} : memref<2x4x128x32xf32, #tpu.memory_space<vmem>>, vector<16xf32>,
          %broadcast_in_dim3A_408 = vector.shape_cast %broadcast_in_dim3A_14 : vector<16xi32> to vector<16x1xi32>
          %gather3A_409 = vector.shape_cast %broadcast_in_dim3A_408 : vector<16x1xi32> to vector<16xi32>
          %gather3A_410 = tpu.dynamic_gather %get3A_313[%gather3A_409] in [0] : vector<16xi32>, vector<16xi32> -> vector<16xi32>
          %add3A_411 = arith.constant 5 : i32
          %add3A_412 = arith.addi %mul3A_309, %add3A_411 : i32
          %get3A_413 = arith.constant 1 : i32
          %get3A_414 = arith.index_cast %get3A_413 : i32 to index
          %get3A_415 = arith.index_cast %shift_right_arithmetic3A_305 : i32 to index
          %get3A_416 = arith.index_cast %add3A_412 : i32 to index
          %get3A_417 = arith.constant 0 : index
          %get3A_418 = tpu.vector_load %arg9[%get3A_414, %get3A_415, %get3A_416, %get3A_417] {strides = array<i32>} : memref<2x4x128x32xf32, #tpu.memory_space<vmem>>, vector<16xf32>,
          %add3A_419 = arith.constant 5 : i32
          %add3A_420 = arith.addi %mul3A_309, %add3A_419 : i32
          %get3A_421 = arith.constant 1 : i32
          %get3A_422 = arith.index_cast %get3A_421 : i32 to index
          %get3A_423 = arith.index_cast %shift_right_arithmetic3A_305 : i32 to index
          %get3A_424 = arith.index_cast %add3A_420 : i32 to index
          %get3A_425 = arith.constant 16 : index
          %get3A_426 = tpu.vector_load %arg9[%get3A_422, %get3A_423, %get3A_424, %get3A_425] {strides = array<i32>} : memref<2x4x128x32xf32, #tpu.memory_space<vmem>>, vector<16xf32>,
          %broadcast_in_dim3A_427 = vector.shape_cast %broadcast_in_dim3A_16 : vector<16xi32> to vector<16x1xi32>
          %gather3A_428 = vector.shape_cast %broadcast_in_dim3A_427 : vector<16x1xi32> to vector<16xi32>
          %gather3A_429 = tpu.dynamic_gather %get3A_313[%gather3A_428] in [0] : vector<16xi32>, vector<16xi32> -> vector<16xi32>
          %add3A_430 = arith.constant 6 : i32
          %add3A_431 = arith.addi %mul3A_309, %add3A_430 : i32
          %get3A_432 = arith.constant 1 : i32
          %get3A_433 = arith.index_cast %get3A_432 : i32 to index
          %get3A_434 = arith.index_cast %shift_right_arithmetic3A_305 : i32 to index
          %get3A_435 = arith.index_cast %add3A_431 : i32 to index
          %get3A_436 = arith.constant 0 : index
          %get3A_437 = tpu.vector_load %arg9[%get3A_433, %get3A_434, %get3A_435, %get3A_436] {strides = array<i32>} : memref<2x4x128x32xf32, #tpu.memory_space<vmem>>, vector<16xf32>,
          %add3A_438 = arith.constant 6 : i32
          %add3A_439 = arith.addi %mul3A_309, %add3A_438 : i32
          %get3A_440 = arith.constant 1 : i32
          %get3A_441 = arith.index_cast %get3A_440 : i32 to index
          %get3A_442 = arith.index_cast %shift_right_arithmetic3A_305 : i32 to index
          %get3A_443 = arith.index_cast %add3A_439 : i32 to index
          %get3A_444 = arith.constant 16 : index
          %get3A_445 = tpu.vector_load %arg9[%get3A_441, %get3A_442, %get3A_443, %get3A_444] {strides = array<i32>} : memref<2x4x128x32xf32, #tpu.memory_space<vmem>>, vector<16xf32>,
          %broadcast_in_dim3A_446 = vector.shape_cast %broadcast_in_dim3A_18 : vector<16xi32> to vector<16x1xi32>
          %gather3A_447 = vector.shape_cast %broadcast_in_dim3A_446 : vector<16x1xi32> to vector<16xi32>
          %gather3A_448 = tpu.dynamic_gather %get3A_313[%gather3A_447] in [0] : vector<16xi32>, vector<16xi32> -> vector<16xi32>
          %add3A_449 = arith.constant 7 : i32
          %add3A_450 = arith.addi %mul3A_309, %add3A_449 : i32
          %get3A_451 = arith.constant 1 : i32
          %get3A_452 = arith.index_cast %get3A_451 : i32 to index
          %get3A_453 = arith.index_cast %shift_right_arithmetic3A_305 : i32 to index
          %get3A_454 = arith.index_cast %add3A_450 : i32 to index
          %get3A_455 = arith.constant 0 : index
          %get3A_456 = tpu.vector_load %arg9[%get3A_452, %get3A_453, %get3A_454, %get3A_455] {strides = array<i32>} : memref<2x4x128x32xf32, #tpu.memory_space<vmem>>, vector<16xf32>,
          %add3A_457 = arith.constant 7 : i32
          %add3A_458 = arith.addi %mul3A_309, %add3A_457 : i32
          %get3A_459 = arith.constant 1 : i32
          %get3A_460 = arith.index_cast %get3A_459 : i32 to index
          %get3A_461 = arith.index_cast %shift_right_arithmetic3A_305 : i32 to index
          %get3A_462 = arith.index_cast %add3A_458 : i32 to index
          %get3A_463 = arith.constant 16 : index
          %get3A_464 = tpu.vector_load %arg9[%get3A_460, %get3A_461, %get3A_462, %get3A_463] {strides = array<i32>} : memref<2x4x128x32xf32, #tpu.memory_space<vmem>>, vector<16xf32>,
          %broadcast_in_dim3A_465 = vector.shape_cast %broadcast_in_dim3A_20 : vector<16xi32> to vector<16x1xi32>
          %gather3A_466 = vector.shape_cast %broadcast_in_dim3A_465 : vector<16x1xi32> to vector<16xi32>
          %gather3A_467 = tpu.dynamic_gather %get3A_313[%gather3A_466] in [0] : vector<16xi32>, vector<16xi32> -> vector<16xi32>
          %add3A_468 = arith.constant 8 : i32
          %add3A_469 = arith.addi %mul3A_309, %add3A_468 : i32
          %get3A_470 = arith.constant 1 : i32
          %get3A_471 = arith.index_cast %get3A_470 : i32 to index
          %get3A_472 = arith.index_cast %shift_right_arithmetic3A_305 : i32 to index
          %get3A_473 = arith.index_cast %add3A_469 : i32 to index
          %get3A_474 = arith.constant 0 : index
          %get3A_475 = tpu.vector_load %arg9[%get3A_471, %get3A_472, %get3A_473, %get3A_474] {strides = array<i32>} : memref<2x4x128x32xf32, #tpu.memory_space<vmem>>, vector<16xf32>,
          %add3A_476 = arith.constant 8 : i32
          %add3A_477 = arith.addi %mul3A_309, %add3A_476 : i32
          %get3A_478 = arith.constant 1 : i32
          %get3A_479 = arith.index_cast %get3A_478 : i32 to index
          %get3A_480 = arith.index_cast %shift_right_arithmetic3A_305 : i32 to index
          %get3A_481 = arith.index_cast %add3A_477 : i32 to index
          %get3A_482 = arith.constant 16 : index
          %get3A_483 = tpu.vector_load %arg9[%get3A_479, %get3A_480, %get3A_481, %get3A_482] {strides = array<i32>} : memref<2x4x128x32xf32, #tpu.memory_space<vmem>>, vector<16xf32>,
          %broadcast_in_dim3A_484 = vector.shape_cast %broadcast_in_dim3A_22 : vector<16xi32> to vector<16x1xi32>
          %gather3A_485 = vector.shape_cast %broadcast_in_dim3A_484 : vector<16x1xi32> to vector<16xi32>
          %gather3A_486 = tpu.dynamic_gather %get3A_313[%gather3A_485] in [0] : vector<16xi32>, vector<16xi32> -> vector<16xi32>
          %add3A_487 = arith.constant 9 : i32
          %add3A_488 = arith.addi %mul3A_309, %add3A_487 : i32
          %get3A_489 = arith.constant 1 : i32
          %get3A_490 = arith.index_cast %get3A_489 : i32 to index
          %get3A_491 = arith.index_cast %shift_right_arithmetic3A_305 : i32 to index
          %get3A_492 = arith.index_cast %add3A_488 : i32 to index
          %get3A_493 = arith.constant 0 : index
          %get3A_494 = tpu.vector_load %arg9[%get3A_490, %get3A_491, %get3A_492, %get3A_493] {strides = array<i32>} : memref<2x4x128x32xf32, #tpu.memory_space<vmem>>, vector<16xf32>,
          %add3A_495 = arith.constant 9 : i32
          %add3A_496 = arith.addi %mul3A_309, %add3A_495 : i32
          %get3A_497 = arith.constant 1 : i32
          %get3A_498 = arith.index_cast %get3A_497 : i32 to index
          %get3A_499 = arith.index_cast %shift_right_arithmetic3A_305 : i32 to index
          %get3A_500 = arith.index_cast %add3A_496 : i32 to index
          %get3A_501 = arith.constant 16 : index
          %get3A_502 = tpu.vector_load %arg9[%get3A_498, %get3A_499, %get3A_500, %get3A_501] {strides = array<i32>} : memref<2x4x128x32xf32, #tpu.memory_space<vmem>>, vector<16xf32>,
          %broadcast_in_dim3A_503 = vector.shape_cast %broadcast_in_dim3A_24 : vector<16xi32> to vector<16x1xi32>
          %gather3A_504 = vector.shape_cast %broadcast_in_dim3A_503 : vector<16x1xi32> to vector<16xi32>
          %gather3A_505 = tpu.dynamic_gather %get3A_313[%gather3A_504] in [0] : vector<16xi32>, vector<16xi32> -> vector<16xi32>
          %add3A_506 = arith.constant 10 : i32
          %add3A_507 = arith.addi %mul3A_309, %add3A_506 : i32
          %get3A_508 = arith.constant 1 : i32
          %get3A_509 = arith.index_cast %get3A_508 : i32 to index
          %get3A_510 = arith.index_cast %shift_right_arithmetic3A_305 : i32 to index
          %get3A_511 = arith.index_cast %add3A_507 : i32 to index
          %get3A_512 = arith.constant 0 : index
          %get3A_513 = tpu.vector_load %arg9[%get3A_509, %get3A_510, %get3A_511, %get3A_512] {strides = array<i32>} : memref<2x4x128x32xf32, #tpu.memory_space<vmem>>, vector<16xf32>,
          %add3A_514 = arith.constant 10 : i32
          %add3A_515 = arith.addi %mul3A_309, %add3A_514 : i32
          %get3A_516 = arith.constant 1 : i32
          %get3A_517 = arith.index_cast %get3A_516 : i32 to index
          %get3A_518 = arith.index_cast %shift_right_arithmetic3A_305 : i32 to index
          %get3A_519 = arith.index_cast %add3A_515 : i32 to index
          %get3A_520 = arith.constant 16 : index
          %get3A_521 = tpu.vector_load %arg9[%get3A_517, %get3A_518, %get3A_519, %get3A_520] {strides = array<i32>} : memref<2x4x128x32xf32, #tpu.memory_space<vmem>>, vector<16xf32>,
          %broadcast_in_dim3A_522 = vector.shape_cast %broadcast_in_dim3A_26 : vector<16xi32> to vector<16x1xi32>
          %gather3A_523 = vector.shape_cast %broadcast_in_dim3A_522 : vector<16x1xi32> to vector<16xi32>
          %gather3A_524 = tpu.dynamic_gather %get3A_313[%gather3A_523] in [0] : vector<16xi32>, vector<16xi32> -> vector<16xi32>
          %add3A_525 = arith.constant 11 : i32
          %add3A_526 = arith.addi %mul3A_309, %add3A_525 : i32
          %get3A_527 = arith.constant 1 : i32
          %get3A_528 = arith.index_cast %get3A_527 : i32 to index
          %get3A_529 = arith.index_cast %shift_right_arithmetic3A_305 : i32 to index
          %get3A_530 = arith.index_cast %add3A_526 : i32 to index
          %get3A_531 = arith.constant 0 : index
          %get3A_532 = tpu.vector_load %arg9[%get3A_528, %get3A_529, %get3A_530, %get3A_531] {strides = array<i32>} : memref<2x4x128x32xf32, #tpu.memory_space<vmem>>, vector<16xf32>,
          %add3A_533 = arith.constant 11 : i32
          %add3A_534 = arith.addi %mul3A_309, %add3A_533 : i32
          %get3A_535 = arith.constant 1 : i32
          %get3A_536 = arith.index_cast %get3A_535 : i32 to index
          %get3A_537 = arith.index_cast %shift_right_arithmetic3A_305 : i32 to index
          %get3A_538 = arith.index_cast %add3A_534 : i32 to index
          %get3A_539 = arith.constant 16 : index
          %get3A_540 = tpu.vector_load %arg9[%get3A_536, %get3A_537, %get3A_538, %get3A_539] {strides = array<i32>} : memref<2x4x128x32xf32, #tpu.memory_space<vmem>>, vector<16xf32>,
          %broadcast_in_dim3A_541 = vector.shape_cast %broadcast_in_dim3A_28 : vector<16xi32> to vector<16x1xi32>
          %gather3A_542 = vector.shape_cast %broadcast_in_dim3A_541 : vector<16x1xi32> to vector<16xi32>
          %gather3A_543 = tpu.dynamic_gather %get3A_313[%gather3A_542] in [0] : vector<16xi32>, vector<16xi32> -> vector<16xi32>
          %add3A_544 = arith.constant 12 : i32
          %add3A_545 = arith.addi %mul3A_309, %add3A_544 : i32
          %get3A_546 = arith.constant 1 : i32
          %get3A_547 = arith.index_cast %get3A_546 : i32 to index
          %get3A_548 = arith.index_cast %shift_right_arithmetic3A_305 : i32 to index
          %get3A_549 = arith.index_cast %add3A_545 : i32 to index
          %get3A_550 = arith.constant 0 : index
          %get3A_551 = tpu.vector_load %arg9[%get3A_547, %get3A_548, %get3A_549, %get3A_550] {strides = array<i32>} : memref<2x4x128x32xf32, #tpu.memory_space<vmem>>, vector<16xf32>,
          %add3A_552 = arith.constant 12 : i32
          %add3A_553 = arith.addi %mul3A_309, %add3A_552 : i32
          %get3A_554 = arith.constant 1 : i32
          %get3A_555 = arith.index_cast %get3A_554 : i32 to index
          %get3A_556 = arith.index_cast %shift_right_arithmetic3A_305 : i32 to index
          %get3A_557 = arith.index_cast %add3A_553 : i32 to index
          %get3A_558 = arith.constant 16 : index
          %get3A_559 = tpu.vector_load %arg9[%get3A_555, %get3A_556, %get3A_557, %get3A_558] {strides = array<i32>} : memref<2x4x128x32xf32, #tpu.memory_space<vmem>>, vector<16xf32>,
          %broadcast_in_dim3A_560 = vector.shape_cast %broadcast_in_dim3A_30 : vector<16xi32> to vector<16x1xi32>
          %gather3A_561 = vector.shape_cast %broadcast_in_dim3A_560 : vector<16x1xi32> to vector<16xi32>
          %gather3A_562 = tpu.dynamic_gather %get3A_313[%gather3A_561] in [0] : vector<16xi32>, vector<16xi32> -> vector<16xi32>
          %add3A_563 = arith.constant 13 : i32
          %add3A_564 = arith.addi %mul3A_309, %add3A_563 : i32
          %get3A_565 = arith.constant 1 : i32
          %get3A_566 = arith.index_cast %get3A_565 : i32 to index
          %get3A_567 = arith.index_cast %shift_right_arithmetic3A_305 : i32 to index
          %get3A_568 = arith.index_cast %add3A_564 : i32 to index
          %get3A_569 = arith.constant 0 : index
          %get3A_570 = tpu.vector_load %arg9[%get3A_566, %get3A_567, %get3A_568, %get3A_569] {strides = array<i32>} : memref<2x4x128x32xf32, #tpu.memory_space<vmem>>, vector<16xf32>,
          %add3A_571 = arith.constant 13 : i32
          %add3A_572 = arith.addi %mul3A_309, %add3A_571 : i32
          %get3A_573 = arith.constant 1 : i32
          %get3A_574 = arith.index_cast %get3A_573 : i32 to index
          %get3A_575 = arith.index_cast %shift_right_arithmetic3A_305 : i32 to index
          %get3A_576 = arith.index_cast %add3A_572 : i32 to index
          %get3A_577 = arith.constant 16 : index
          %get3A_578 = tpu.vector_load %arg9[%get3A_574, %get3A_575, %get3A_576, %get3A_577] {strides = array<i32>} : memref<2x4x128x32xf32, #tpu.memory_space<vmem>>, vector<16xf32>,
          %broadcast_in_dim3A_579 = vector.shape_cast %broadcast_in_dim3A_32 : vector<16xi32> to vector<16x1xi32>
          %gather3A_580 = vector.shape_cast %broadcast_in_dim3A_579 : vector<16x1xi32> to vector<16xi32>
          %gather3A_581 = tpu.dynamic_gather %get3A_313[%gather3A_580] in [0] : vector<16xi32>, vector<16xi32> -> vector<16xi32>
          %add3A_582 = arith.constant 14 : i32
          %add3A_583 = arith.addi %mul3A_309, %add3A_582 : i32
          %get3A_584 = arith.constant 1 : i32
          %get3A_585 = arith.index_cast %get3A_584 : i32 to index
          %get3A_586 = arith.index_cast %shift_right_arithmetic3A_305 : i32 to index
          %get3A_587 = arith.index_cast %add3A_583 : i32 to index
          %get3A_588 = arith.constant 0 : index
          %get3A_589 = tpu.vector_load %arg9[%get3A_585, %get3A_586, %get3A_587, %get3A_588] {strides = array<i32>} : memref<2x4x128x32xf32, #tpu.memory_space<vmem>>, vector<16xf32>,
          %add3A_590 = arith.constant 14 : i32
          %add3A_591 = arith.addi %mul3A_309, %add3A_590 : i32
          %get3A_592 = arith.constant 1 : i32
          %get3A_593 = arith.index_cast %get3A_592 : i32 to index
          %get3A_594 = arith.index_cast %shift_right_arithmetic3A_305 : i32 to index
          %get3A_595 = arith.index_cast %add3A_591 : i32 to index
          %get3A_596 = arith.constant 16 : index
          %get3A_597 = tpu.vector_load %arg9[%get3A_593, %get3A_594, %get3A_595, %get3A_596] {strides = array<i32>} : memref<2x4x128x32xf32, #tpu.memory_space<vmem>>, vector<16xf32>,
          %broadcast_in_dim3A_598 = vector.shape_cast %broadcast_in_dim3A_34 : vector<16xi32> to vector<16x1xi32>
          %gather3A_599 = vector.shape_cast %broadcast_in_dim3A_598 : vector<16x1xi32> to vector<16xi32>
          %gather3A_600 = tpu.dynamic_gather %get3A_313[%gather3A_599] in [0] : vector<16xi32>, vector<16xi32> -> vector<16xi32>
          %add3A_601 = arith.constant 15 : i32
          %add3A_602 = arith.addi %mul3A_309, %add3A_601 : i32
          %get3A_603 = arith.constant 1 : i32
          %get3A_604 = arith.index_cast %get3A_603 : i32 to index
          %get3A_605 = arith.index_cast %shift_right_arithmetic3A_305 : i32 to index
          %get3A_606 = arith.index_cast %add3A_602 : i32 to index
          %get3A_607 = arith.constant 0 : index
          %get3A_608 = tpu.vector_load %arg9[%get3A_604, %get3A_605, %get3A_606, %get3A_607] {strides = array<i32>} : memref<2x4x128x32xf32, #tpu.memory_space<vmem>>, vector<16xf32>,
          %add3A_609 = arith.constant 15 : i32
          %add3A_610 = arith.addi %mul3A_309, %add3A_609 : i32
          %get3A_611 = arith.constant 1 : i32
          %get3A_612 = arith.index_cast %get3A_611 : i32 to index
          %get3A_613 = arith.index_cast %shift_right_arithmetic3A_305 : i32 to index
          %get3A_614 = arith.index_cast %add3A_610 : i32 to index
          %get3A_615 = arith.constant 16 : index
          %get3A_616 = tpu.vector_load %arg9[%get3A_612, %get3A_613, %get3A_614, %get3A_615] {strides = array<i32>} : memref<2x4x128x32xf32, #tpu.memory_space<vmem>>, vector<16xf32>,
          %add3A_617 = arith.constant 0 : i32
          %add3A_618 = vector.broadcast %add3A_617 : i32 to vector<16xi32>
          %add3A_619 = arith.addi %iota3A, %add3A_618 : vector<16xi32>
          tpu.vector_store_idx %arg10[%gather3A_315, %add3A_619], %get3A_323 {add = true} : memref<512x32xf32, #tpu.memory_space<vmem>>[vector<16xi32>, vector<16xi32>], vector<16xf32>,
          %add3A_620 = arith.constant 16 : i32
          %add3A_621 = vector.broadcast %add3A_620 : i32 to vector<16xi32>
          %add3A_622 = arith.addi %iota3A, %add3A_621 : vector<16xi32>
          tpu.vector_store_idx %arg10[%gather3A_315, %add3A_622], %get3A_331 {add = true} : memref<512x32xf32, #tpu.memory_space<vmem>>[vector<16xi32>, vector<16xi32>], vector<16xf32>,
          %add3A_623 = arith.constant 0 : i32
          %add3A_624 = vector.broadcast %add3A_623 : i32 to vector<16xi32>
          %add3A_625 = arith.addi %iota3A, %add3A_624 : vector<16xi32>
          tpu.vector_store_idx %arg10[%gather3A_334, %add3A_625], %get3A_342 {add = true} : memref<512x32xf32, #tpu.memory_space<vmem>>[vector<16xi32>, vector<16xi32>], vector<16xf32>,
          %add3A_626 = arith.constant 16 : i32
          %add3A_627 = vector.broadcast %add3A_626 : i32 to vector<16xi32>
          %add3A_628 = arith.addi %iota3A, %add3A_627 : vector<16xi32>
          tpu.vector_store_idx %arg10[%gather3A_334, %add3A_628], %get3A_350 {add = true} : memref<512x32xf32, #tpu.memory_space<vmem>>[vector<16xi32>, vector<16xi32>], vector<16xf32>,
          %add3A_629 = arith.constant 0 : i32
          %add3A_630 = vector.broadcast %add3A_629 : i32 to vector<16xi32>
          %add3A_631 = arith.addi %iota3A, %add3A_630 : vector<16xi32>
          tpu.vector_store_idx %arg10[%gather3A_353, %add3A_631], %get3A_361 {add = true} : memref<512x32xf32, #tpu.memory_space<vmem>>[vector<16xi32>, vector<16xi32>], vector<16xf32>,
          %add3A_632 = arith.constant 16 : i32
          %add3A_633 = vector.broadcast %add3A_632 : i32 to vector<16xi32>
          %add3A_634 = arith.addi %iota3A, %add3A_633 : vector<16xi32>
          tpu.vector_store_idx %arg10[%gather3A_353, %add3A_634], %get3A_369 {add = true} : memref<512x32xf32, #tpu.memory_space<vmem>>[vector<16xi32>, vector<16xi32>], vector<16xf32>,
          %add3A_635 = arith.constant 0 : i32
          %add3A_636 = vector.broadcast %add3A_635 : i32 to vector<16xi32>
          %add3A_637 = arith.addi %iota3A, %add3A_636 : vector<16xi32>
          tpu.vector_store_idx %arg10[%gather3A_372, %add3A_637], %get3A_380 {add = true} : memref<512x32xf32, #tpu.memory_space<vmem>>[vector<16xi32>, vector<16xi32>], vector<16xf32>,
          %add3A_638 = arith.constant 16 : i32
          %add3A_639 = vector.broadcast %add3A_638 : i32 to vector<16xi32>
          %add3A_640 = arith.addi %iota3A, %add3A_639 : vector<16xi32>
          tpu.vector_store_idx %arg10[%gather3A_372, %add3A_640], %get3A_388 {add = true} : memref<512x32xf32, #tpu.memory_space<vmem>>[vector<16xi32>, vector<16xi32>], vector<16xf32>,
          %add3A_641 = arith.constant 0 : i32
          %add3A_642 = vector.broadcast %add3A_641 : i32 to vector<16xi32>
          %add3A_643 = arith.addi %iota3A, %add3A_642 : vector<16xi32>
          tpu.vector_store_idx %arg10[%gather3A_391, %add3A_643], %get3A_399 {add = true} : memref<512x32xf32, #tpu.memory_space<vmem>>[vector<16xi32>, vector<16xi32>], vector<16xf32>,
          %add3A_644 = arith.constant 16 : i32
          %add3A_645 = vector.broadcast %add3A_644 : i32 to vector<16xi32>
          %add3A_646 = arith.addi %iota3A, %add3A_645 : vector<16xi32>
          tpu.vector_store_idx %arg10[%gather3A_391, %add3A_646], %get3A_407 {add = true} : memref<512x32xf32, #tpu.memory_space<vmem>>[vector<16xi32>, vector<16xi32>], vector<16xf32>,
          %add3A_647 = arith.constant 0 : i32
          %add3A_648 = vector.broadcast %add3A_647 : i32 to vector<16xi32>
          %add3A_649 = arith.addi %iota3A, %add3A_648 : vector<16xi32>
          tpu.vector_store_idx %arg10[%gather3A_410, %add3A_649], %get3A_418 {add = true} : memref<512x32xf32, #tpu.memory_space<vmem>>[vector<16xi32>, vector<16xi32>], vector<16xf32>,
          %add3A_650 = arith.constant 16 : i32
          %add3A_651 = vector.broadcast %add3A_650 : i32 to vector<16xi32>
          %add3A_652 = arith.addi %iota3A, %add3A_651 : vector<16xi32>
          tpu.vector_store_idx %arg10[%gather3A_410, %add3A_652], %get3A_426 {add = true} : memref<512x32xf32, #tpu.memory_space<vmem>>[vector<16xi32>, vector<16xi32>], vector<16xf32>,
          %add3A_653 = arith.constant 0 : i32
          %add3A_654 = vector.broadcast %add3A_653 : i32 to vector<16xi32>
          %add3A_655 = arith.addi %iota3A, %add3A_654 : vector<16xi32>
          tpu.vector_store_idx %arg10[%gather3A_429, %add3A_655], %get3A_437 {add = true} : memref<512x32xf32, #tpu.memory_space<vmem>>[vector<16xi32>, vector<16xi32>], vector<16xf32>,
          %add3A_656 = arith.constant 16 : i32
          %add3A_657 = vector.broadcast %add3A_656 : i32 to vector<16xi32>
          %add3A_658 = arith.addi %iota3A, %add3A_657 : vector<16xi32>
          tpu.vector_store_idx %arg10[%gather3A_429, %add3A_658], %get3A_445 {add = true} : memref<512x32xf32, #tpu.memory_space<vmem>>[vector<16xi32>, vector<16xi32>], vector<16xf32>,
          %add3A_659 = arith.constant 0 : i32
          %add3A_660 = vector.broadcast %add3A_659 : i32 to vector<16xi32>
          %add3A_661 = arith.addi %iota3A, %add3A_660 : vector<16xi32>
          tpu.vector_store_idx %arg10[%gather3A_448, %add3A_661], %get3A_456 {add = true} : memref<512x32xf32, #tpu.memory_space<vmem>>[vector<16xi32>, vector<16xi32>], vector<16xf32>,
          %add3A_662 = arith.constant 16 : i32
          %add3A_663 = vector.broadcast %add3A_662 : i32 to vector<16xi32>
          %add3A_664 = arith.addi %iota3A, %add3A_663 : vector<16xi32>
          tpu.vector_store_idx %arg10[%gather3A_448, %add3A_664], %get3A_464 {add = true} : memref<512x32xf32, #tpu.memory_space<vmem>>[vector<16xi32>, vector<16xi32>], vector<16xf32>,
          %add3A_665 = arith.constant 0 : i32
          %add3A_666 = vector.broadcast %add3A_665 : i32 to vector<16xi32>
          %add3A_667 = arith.addi %iota3A, %add3A_666 : vector<16xi32>
          tpu.vector_store_idx %arg10[%gather3A_467, %add3A_667], %get3A_475 {add = true} : memref<512x32xf32, #tpu.memory_space<vmem>>[vector<16xi32>, vector<16xi32>], vector<16xf32>,
          %add3A_668 = arith.constant 16 : i32
          %add3A_669 = vector.broadcast %add3A_668 : i32 to vector<16xi32>
          %add3A_670 = arith.addi %iota3A, %add3A_669 : vector<16xi32>
          tpu.vector_store_idx %arg10[%gather3A_467, %add3A_670], %get3A_483 {add = true} : memref<512x32xf32, #tpu.memory_space<vmem>>[vector<16xi32>, vector<16xi32>], vector<16xf32>,
          %add3A_671 = arith.constant 0 : i32
          %add3A_672 = vector.broadcast %add3A_671 : i32 to vector<16xi32>
          %add3A_673 = arith.addi %iota3A, %add3A_672 : vector<16xi32>
          tpu.vector_store_idx %arg10[%gather3A_486, %add3A_673], %get3A_494 {add = true} : memref<512x32xf32, #tpu.memory_space<vmem>>[vector<16xi32>, vector<16xi32>], vector<16xf32>,
          %add3A_674 = arith.constant 16 : i32
          %add3A_675 = vector.broadcast %add3A_674 : i32 to vector<16xi32>
          %add3A_676 = arith.addi %iota3A, %add3A_675 : vector<16xi32>
          tpu.vector_store_idx %arg10[%gather3A_486, %add3A_676], %get3A_502 {add = true} : memref<512x32xf32, #tpu.memory_space<vmem>>[vector<16xi32>, vector<16xi32>], vector<16xf32>,
          %add3A_677 = arith.constant 0 : i32
          %add3A_678 = vector.broadcast %add3A_677 : i32 to vector<16xi32>
          %add3A_679 = arith.addi %iota3A, %add3A_678 : vector<16xi32>
          tpu.vector_store_idx %arg10[%gather3A_505, %add3A_679], %get3A_513 {add = true} : memref<512x32xf32, #tpu.memory_space<vmem>>[vector<16xi32>, vector<16xi32>], vector<16xf32>,
          %add3A_680 = arith.constant 16 : i32
          %add3A_681 = vector.broadcast %add3A_680 : i32 to vector<16xi32>
          %add3A_682 = arith.addi %iota3A, %add3A_681 : vector<16xi32>
          tpu.vector_store_idx %arg10[%gather3A_505, %add3A_682], %get3A_521 {add = true} : memref<512x32xf32, #tpu.memory_space<vmem>>[vector<16xi32>, vector<16xi32>], vector<16xf32>,
          %add3A_683 = arith.constant 0 : i32
          %add3A_684 = vector.broadcast %add3A_683 : i32 to vector<16xi32>
          %add3A_685 = arith.addi %iota3A, %add3A_684 : vector<16xi32>
          tpu.vector_store_idx %arg10[%gather3A_524, %add3A_685], %get3A_532 {add = true} : memref<512x32xf32, #tpu.memory_space<vmem>>[vector<16xi32>, vector<16xi32>], vector<16xf32>,
          %add3A_686 = arith.constant 16 : i32
          %add3A_687 = vector.broadcast %add3A_686 : i32 to vector<16xi32>
          %add3A_688 = arith.addi %iota3A, %add3A_687 : vector<16xi32>
          tpu.vector_store_idx %arg10[%gather3A_524, %add3A_688], %get3A_540 {add = true} : memref<512x32xf32, #tpu.memory_space<vmem>>[vector<16xi32>, vector<16xi32>], vector<16xf32>,
          %add3A_689 = arith.constant 0 : i32
          %add3A_690 = vector.broadcast %add3A_689 : i32 to vector<16xi32>
          %add3A_691 = arith.addi %iota3A, %add3A_690 : vector<16xi32>
          tpu.vector_store_idx %arg10[%gather3A_543, %add3A_691], %get3A_551 {add = true} : memref<512x32xf32, #tpu.memory_space<vmem>>[vector<16xi32>, vector<16xi32>], vector<16xf32>,
          %add3A_692 = arith.constant 16 : i32
          %add3A_693 = vector.broadcast %add3A_692 : i32 to vector<16xi32>
          %add3A_694 = arith.addi %iota3A, %add3A_693 : vector<16xi32>
          tpu.vector_store_idx %arg10[%gather3A_543, %add3A_694], %get3A_559 {add = true} : memref<512x32xf32, #tpu.memory_space<vmem>>[vector<16xi32>, vector<16xi32>], vector<16xf32>,
          %add3A_695 = arith.constant 0 : i32
          %add3A_696 = vector.broadcast %add3A_695 : i32 to vector<16xi32>
          %add3A_697 = arith.addi %iota3A, %add3A_696 : vector<16xi32>
          tpu.vector_store_idx %arg10[%gather3A_562, %add3A_697], %get3A_570 {add = true} : memref<512x32xf32, #tpu.memory_space<vmem>>[vector<16xi32>, vector<16xi32>], vector<16xf32>,
          %add3A_698 = arith.constant 16 : i32
          %add3A_699 = vector.broadcast %add3A_698 : i32 to vector<16xi32>
          %add3A_700 = arith.addi %iota3A, %add3A_699 : vector<16xi32>
          tpu.vector_store_idx %arg10[%gather3A_562, %add3A_700], %get3A_578 {add = true} : memref<512x32xf32, #tpu.memory_space<vmem>>[vector<16xi32>, vector<16xi32>], vector<16xf32>,
          %add3A_701 = arith.constant 0 : i32
          %add3A_702 = vector.broadcast %add3A_701 : i32 to vector<16xi32>
          %add3A_703 = arith.addi %iota3A, %add3A_702 : vector<16xi32>
          tpu.vector_store_idx %arg10[%gather3A_581, %add3A_703], %get3A_589 {add = true} : memref<512x32xf32, #tpu.memory_space<vmem>>[vector<16xi32>, vector<16xi32>], vector<16xf32>,
          %add3A_704 = arith.constant 16 : i32
          %add3A_705 = vector.broadcast %add3A_704 : i32 to vector<16xi32>
          %add3A_706 = arith.addi %iota3A, %add3A_705 : vector<16xi32>
          tpu.vector_store_idx %arg10[%gather3A_581, %add3A_706], %get3A_597 {add = true} : memref<512x32xf32, #tpu.memory_space<vmem>>[vector<16xi32>, vector<16xi32>], vector<16xf32>,
          %add3A_707 = arith.constant 0 : i32
          %add3A_708 = vector.broadcast %add3A_707 : i32 to vector<16xi32>
          %add3A_709 = arith.addi %iota3A, %add3A_708 : vector<16xi32>
          tpu.vector_store_idx %arg10[%gather3A_600, %add3A_709], %get3A_608 {add = true} : memref<512x32xf32, #tpu.memory_space<vmem>>[vector<16xi32>, vector<16xi32>], vector<16xf32>,
          %add3A_710 = arith.constant 16 : i32
          %add3A_711 = vector.broadcast %add3A_710 : i32 to vector<16xi32>
          %add3A_712 = arith.addi %iota3A, %add3A_711 : vector<16xi32>
          tpu.vector_store_idx %arg10[%gather3A_600, %add3A_712], %get3A_616 {add = true} : memref<512x32xf32, #tpu.memory_space<vmem>>[vector<16xi32>, vector<16xi32>], vector<16xf32>,
          %and3A_713 = arith.constant 15 : i32
          %and3A_714 = arith.andi %scan3A_304, %and3A_713 : i32
          %eq3A_715 = arith.cmpi eq, %and3A_714, %arg1 : i32
          %convert_element_type3A_716 = arith.extui %eq3A_715 : i1 to i32
          %cond3A_717 = arith.constant 0 : i32
          %cond3A_718 = arith.cmpi ne, %convert_element_type3A_716, %cond3A_717 : i32
          scf.if %cond3A_718 {
            %and3A_719 = arith.constant 15 : i32
            %and3A_720 = vector.broadcast %and3A_719 : i32 to vector<16xi32>
            %and3A_721 = arith.andi %get3A_313, %and3A_720 : vector<16xi32>
            tpu.vector_store_idx %arg11[%get3A_313, %and3A_721], %broadcast_in_dim3A_2 {add = true} : memref<512x16xf32, #tpu.memory_space<vmem>>[vector<16xi32>, vector<16xi32>], vector<16xf32>,
          } else {
          }
        }
        %scan3A_296 = arith.constant 32 : i32
        %add3A_297 = arith.constant 2 : i32
        %add3A_298 = arith.addi %scan3A_202, %add3A_297 : i32
        %lt3A_299 = arith.constant 10 : i32
        %lt3A_300 = arith.cmpi slt, %add3A_298, %lt3A_299 : i32
        %convert_element_type3A_301 = arith.extui %lt3A_300 : i1 to i32
        %cond3A_302 = arith.constant 0 : i32
        %cond3A_303 = arith.cmpi ne, %convert_element_type3A_301, %cond3A_302 : i32
        scf.if %cond3A_303 {
          %add3A_304 = arith.constant 2 : i32
          %add3A_305 = arith.addi %scan3A_202, %add3A_304 : i32
          %mul3A_306 = arith.constant 4 : i32
          %mul3A_307 = arith.muli %add3A_305, %mul3A_306 : i32
          %add3A_308 = arith.addi %mul3A_40, %mul3A_307 : i32
          %dma_start3A_309 = arith.constant 1 : i32
          %dma_start3A_310 = arith.constant 0 : i32
          %dma_start3A_311 = arith.constant 0 : i32
          %dma_start3A_312 = tpu.memref_slice %arg7[%dma_start3A_309, %dma_start3A_310, %dma_start3A_311] : memref<2x4x128xi32, #tpu.memory_space<vmem>> -> memref<1x4x128xi32, #tpu.memory_space<vmem>>
          %dma_start3A_313 = tpu.memref_squeeze %dma_start3A_312 : memref<1x4x128xi32, #tpu.memory_space<vmem>> -> memref<4x128xi32, #tpu.memory_space<vmem>>
          %dma_start3A_314 = arith.constant 0 : i32
          %dma_start3A_315 = tpu.memref_slice %arg3[%add3A_308, %dma_start3A_314] : memref<80x128xi32, #tpu.memory_space<hbm>> -> memref<4x128xi32, #tpu.memory_space<hbm>>
          %dma_start3A_316 = arith.constant 0 : i32
          %dma_start3A_317 = arith.constant 0 : i32
          %dma_start3A_318 = tpu.memref_slice %arg7[%dma_start3A_309, %dma_start3A_316, %dma_start3A_317] : memref<2x4x128xi32, #tpu.memory_space<vmem>> -> memref<1x4x128xi32, #tpu.memory_space<vmem>>
          %dma_start3A_319 = tpu.memref_squeeze %dma_start3A_318 : memref<1x4x128xi32, #tpu.memory_space<vmem>> -> memref<4x128xi32, #tpu.memory_space<vmem>>
          %dma_start3A_320 = arith.constant 0 : i32
          %dma_start3A_321 = tpu.memref_slice %arg3[%add3A_308, %dma_start3A_320] : memref<80x128xi32, #tpu.memory_space<hbm>> -> memref<4x128xi32, #tpu.memory_space<hbm>>
          tpu.enqueue_dma source(%dma_start3A_321 : memref<4x128xi32, #tpu.memory_space<hbm>>) target(%dma_start3A_319 : memref<4x128xi32, #tpu.memory_space<vmem>>) target_semaphore(%arg15 : memref<!tpu.dma_semaphore, #tpu.memory_space<semaphore_mem>>)
          %dma_start3A_322 = arith.constant 1 : i32
          %dma_start3A_323 = arith.constant 0 : i32
          %dma_start3A_324 = arith.constant 0 : i32
          %dma_start3A_325 = tpu.memref_slice %arg8[%dma_start3A_322, %dma_start3A_323, %dma_start3A_324] : memref<2x4x128xi32, #tpu.memory_space<vmem>> -> memref<1x4x128xi32, #tpu.memory_space<vmem>>
          %dma_start3A_326 = tpu.memref_squeeze %dma_start3A_325 : memref<1x4x128xi32, #tpu.memory_space<vmem>> -> memref<4x128xi32, #tpu.memory_space<vmem>>
          %dma_start3A_327 = arith.constant 0 : i32
          %dma_start3A_328 = tpu.memref_slice %arg4[%add3A_308, %dma_start3A_327] : memref<80x128xi32, #tpu.memory_space<hbm>> -> memref<4x128xi32, #tpu.memory_space<hbm>>
          %dma_start3A_329 = arith.constant 0 : i32
          %dma_start3A_330 = arith.constant 0 : i32
          %dma_start3A_331 = tpu.memref_slice %arg8[%dma_start3A_322, %dma_start3A_329, %dma_start3A_330] : memref<2x4x128xi32, #tpu.memory_space<vmem>> -> memref<1x4x128xi32, #tpu.memory_space<vmem>>
          %dma_start3A_332 = tpu.memref_squeeze %dma_start3A_331 : memref<1x4x128xi32, #tpu.memory_space<vmem>> -> memref<4x128xi32, #tpu.memory_space<vmem>>
          %dma_start3A_333 = arith.constant 0 : i32
          %dma_start3A_334 = tpu.memref_slice %arg4[%add3A_308, %dma_start3A_333] : memref<80x128xi32, #tpu.memory_space<hbm>> -> memref<4x128xi32, #tpu.memory_space<hbm>>
          tpu.enqueue_dma source(%dma_start3A_334 : memref<4x128xi32, #tpu.memory_space<hbm>>) target(%dma_start3A_332 : memref<4x128xi32, #tpu.memory_space<vmem>>) target_semaphore(%arg15 : memref<!tpu.dma_semaphore, #tpu.memory_space<semaphore_mem>>)
        } else {
        }
      } else {
      }
    }
    %scan3A_201 = arith.constant 10 : i32
    "tpu.region"() ({
      %run_scoped3A = tpu.sem_alloc : memref<!tpu.dma_semaphore, #tpu.memory_space<semaphore_mem>>
      %dma_start3A_202 = arith.constant 0 : i32
      %dma_start3A_203 = arith.constant 0 : i32
      %dma_start3A_204 = tpu.memref_slice %arg5[%arg0, %arg1, %dma_start3A_202, %dma_start3A_203] : memref<2x16x512x32xf32, #tpu.memory_space<hbm>> -> memref<1x1x512x32xf32, #tpu.memory_space<hbm>>
      %dma_start3A_205 = tpu.memref_squeeze %dma_start3A_204 : memref<1x1x512x32xf32, #tpu.memory_space<hbm>> -> memref<512x32xf32, #tpu.memory_space<hbm>>
      %dma_start3A_206 = arith.constant 0 : i32
      %dma_start3A_207 = arith.constant 0 : i32
      %dma_start3A_208 = tpu.memref_slice %arg5[%arg0, %arg1, %dma_start3A_206, %dma_start3A_207] : memref<2x16x512x32xf32, #tpu.memory_space<hbm>> -> memref<1x1x512x32xf32, #tpu.memory_space<hbm>>
      %dma_start3A_209 = tpu.memref_squeeze %dma_start3A_208 : memref<1x1x512x32xf32, #tpu.memory_space<hbm>> -> memref<512x32xf32, #tpu.memory_space<hbm>>
      tpu.enqueue_dma source(%arg10 : memref<512x32xf32, #tpu.memory_space<vmem>>) target(%dma_start3A_209 : memref<512x32xf32, #tpu.memory_space<hbm>>) target_semaphore(%run_scoped3A : memref<!tpu.dma_semaphore, #tpu.memory_space<semaphore_mem>>)
      %dma_wait3A_210 = arith.constant 0 : i32
      %dma_wait3A_211 = arith.constant 0 : i32
      %dma_wait3A_212 = tpu.memref_slice %arg5[%arg0, %arg1, %dma_wait3A_210, %dma_wait3A_211] : memref<2x16x512x32xf32, #tpu.memory_space<hbm>> -> memref<1x1x512x32xf32, #tpu.memory_space<hbm>>
      %dma_wait3A_213 = tpu.memref_squeeze %dma_wait3A_212 : memref<1x1x512x32xf32, #tpu.memory_space<hbm>> -> memref<512x32xf32, #tpu.memory_space<hbm>>
      %dma_wait3A_214 = arith.constant 0 : i32
      %dma_wait3A_215 = arith.constant 0 : i32
      %dma_wait3A_216 = tpu.memref_slice %arg5[%arg0, %arg1, %dma_wait3A_214, %dma_wait3A_215] : memref<2x16x512x32xf32, #tpu.memory_space<hbm>> -> memref<1x1x512x32xf32, #tpu.memory_space<hbm>>
      %dma_wait3A_217 = tpu.memref_squeeze %dma_wait3A_216 : memref<1x1x512x32xf32, #tpu.memory_space<hbm>> -> memref<512x32xf32, #tpu.memory_space<hbm>>
      tpu.wait_dma2 semaphore(%run_scoped3A : memref<!tpu.dma_semaphore, #tpu.memory_space<semaphore_mem>>) src(%arg10 : memref<512x32xf32, #tpu.memory_space<vmem>>) dst(%dma_wait3A_217 : memref<512x32xf32, #tpu.memory_space<hbm>>)
      tpu.yield
    }) : () -> ()
    "tpu.region"() ({
      %run_scoped3A = tpu.sem_alloc : memref<!tpu.dma_semaphore, #tpu.memory_space<semaphore_mem>>
      %dma_start3A_202 = arith.constant 0 : i32
      %dma_start3A_203 = arith.constant 0 : i32
      %dma_start3A_204 = tpu.memref_slice %arg6[%arg0, %arg1, %dma_start3A_202, %dma_start3A_203] : memref<2x16x512x16xf32, #tpu.memory_space<hbm>> -> memref<1x1x512x16xf32, #tpu.memory_space<hbm>>
      %dma_start3A_205 = tpu.memref_squeeze %dma_start3A_204 : memref<1x1x512x16xf32, #tpu.memory_space<hbm>> -> memref<512x16xf32, #tpu.memory_space<hbm>>
      %dma_start3A_206 = arith.constant 0 : i32
      %dma_start3A_207 = arith.constant 0 : i32
      %dma_start3A_208 = tpu.memref_slice %arg6[%arg0, %arg1, %dma_start3A_206, %dma_start3A_207] : memref<2x16x512x16xf32, #tpu.memory_space<hbm>> -> memref<1x1x512x16xf32, #tpu.memory_space<hbm>>
      %dma_start3A_209 = tpu.memref_squeeze %dma_start3A_208 : memref<1x1x512x16xf32, #tpu.memory_space<hbm>> -> memref<512x16xf32, #tpu.memory_space<hbm>>
      tpu.enqueue_dma source(%arg11 : memref<512x16xf32, #tpu.memory_space<vmem>>) target(%dma_start3A_209 : memref<512x16xf32, #tpu.memory_space<hbm>>) target_semaphore(%run_scoped3A : memref<!tpu.dma_semaphore, #tpu.memory_space<semaphore_mem>>)
      %dma_wait3A_210 = arith.constant 0 : i32
      %dma_wait3A_211 = arith.constant 0 : i32
      %dma_wait3A_212 = tpu.memref_slice %arg6[%arg0, %arg1, %dma_wait3A_210, %dma_wait3A_211] : memref<2x16x512x16xf32, #tpu.memory_space<hbm>> -> memref<1x1x512x16xf32, #tpu.memory_space<hbm>>
      %dma_wait3A_213 = tpu.memref_squeeze %dma_wait3A_212 : memref<1x1x512x16xf32, #tpu.memory_space<hbm>> -> memref<512x16xf32, #tpu.memory_space<hbm>>
      %dma_wait3A_214 = arith.constant 0 : i32
      %dma_wait3A_215 = arith.constant 0 : i32
      %dma_wait3A_216 = tpu.memref_slice %arg6[%arg0, %arg1, %dma_wait3A_214, %dma_wait3A_215] : memref<2x16x512x16xf32, #tpu.memory_space<hbm>> -> memref<1x1x512x16xf32, #tpu.memory_space<hbm>>
      %dma_wait3A_217 = tpu.memref_squeeze %dma_wait3A_216 : memref<1x1x512x16xf32, #tpu.memory_space<hbm>> -> memref<512x16xf32, #tpu.memory_space<hbm>>
      tpu.wait_dma2 semaphore(%run_scoped3A : memref<!tpu.dma_semaphore, #tpu.memory_space<semaphore_mem>>) src(%arg11 : memref<512x16xf32, #tpu.memory_space<vmem>>) dst(%dma_wait3A_217 : memref<512x16xf32, #tpu.memory_space<hbm>>)
      tpu.yield
    }) : () -> ()
    return
  }
}

#map = affine_map<(d0, d1) -> (0, 0, 0)>
#map1 = affine_map<(d0, d1) -> (0, 0)>
#map2 = affine_map<(d0, d1) -> (0, 0, 0, 0)>
module attributes {stable_mosaic.version = 14 : i64} {
  func.func @body(%arg0: i32, %arg1: i32, %arg2: memref<16x10000x16xf32, #tpu.memory_space<hbm>>, %arg3: memref<392x128xi32, #tpu.memory_space<hbm>>, %arg4: memref<392x128xi32, #tpu.memory_space<hbm>>, %arg5: memref<2x16x2048x16xf32, #tpu.memory_space<hbm>>, %arg6: memref<2x16x2048x16xf32, #tpu.memory_space<hbm>>, %arg7: memref<2x4x128xi32, #tpu.memory_space<vmem>>, %arg8: memref<2x4x128xi32, #tpu.memory_space<vmem>>, %arg9: memref<2x4x128x16xf32, #tpu.memory_space<vmem>>, %arg10: memref<2048x16xf32, #tpu.memory_space<vmem>>, %arg11: memref<2048x16xf32, #tpu.memory_space<vmem>>, %arg12: memref<!tpu.dma_semaphore, #tpu.memory_space<semaphore_mem>>, %arg13: memref<!tpu.dma_semaphore, #tpu.memory_space<semaphore_mem>>, %arg14: memref<!tpu.dma_semaphore, #tpu.memory_space<semaphore_mem>>, %arg15: memref<!tpu.dma_semaphore, #tpu.memory_space<semaphore_mem>>) attributes {dimension_semantics = [#tpu.dimension_semantics<core_parallel>, #tpu.dimension_semantics<subcore_parallel>], iteration_bounds = array<i64: 2, 16>, scalar_prefetch = 0 : i64, scratch_operands = 9 : i64, tpu.core_type = #tpu.core_type<sc_vector_subcore>, window_params = [{transform_indices = #map}, {transform_indices = #map1}, {transform_indices = #map1}, {transform_indices = #map2}, {transform_indices = #map2}]} {
    %broadcast_in_dim3A = arith.constant 0.000000e+00 : f32
    %broadcast_in_dim3A_0 = vector.broadcast %broadcast_in_dim3A : f32 to vector<16xf32>
    %broadcast_in_dim3A_1 = arith.constant 1.000000e+00 : f32
    %broadcast_in_dim3A_2 = vector.broadcast %broadcast_in_dim3A_1 : f32 to vector<16xf32>
    %iota3A = tpu.iota {dimensions = array<i32: 0>} : vector<16xi32>
    %broadcast_in_dim3A_3 = arith.constant 0 : i32
    %broadcast_in_dim3A_4 = vector.broadcast %broadcast_in_dim3A_3 : i32 to vector<16xi32>
    %broadcast_in_dim3A_5 = arith.constant 1 : i32
    %broadcast_in_dim3A_6 = vector.broadcast %broadcast_in_dim3A_5 : i32 to vector<16xi32>
    %broadcast_in_dim3A_7 = arith.constant 2 : i32
    %broadcast_in_dim3A_8 = vector.broadcast %broadcast_in_dim3A_7 : i32 to vector<16xi32>
    %broadcast_in_dim3A_9 = arith.constant 3 : i32
    %broadcast_in_dim3A_10 = vector.broadcast %broadcast_in_dim3A_9 : i32 to vector<16xi32>
    %broadcast_in_dim3A_11 = arith.constant 4 : i32
    %broadcast_in_dim3A_12 = vector.broadcast %broadcast_in_dim3A_11 : i32 to vector<16xi32>
    %broadcast_in_dim3A_13 = arith.constant 5 : i32
    %broadcast_in_dim3A_14 = vector.broadcast %broadcast_in_dim3A_13 : i32 to vector<16xi32>
    %broadcast_in_dim3A_15 = arith.constant 6 : i32
    %broadcast_in_dim3A_16 = vector.broadcast %broadcast_in_dim3A_15 : i32 to vector<16xi32>
    %broadcast_in_dim3A_17 = arith.constant 7 : i32
    %broadcast_in_dim3A_18 = vector.broadcast %broadcast_in_dim3A_17 : i32 to vector<16xi32>
    %broadcast_in_dim3A_19 = arith.constant 8 : i32
    %broadcast_in_dim3A_20 = vector.broadcast %broadcast_in_dim3A_19 : i32 to vector<16xi32>
    %broadcast_in_dim3A_21 = arith.constant 9 : i32
    %broadcast_in_dim3A_22 = vector.broadcast %broadcast_in_dim3A_21 : i32 to vector<16xi32>
    %broadcast_in_dim3A_23 = arith.constant 10 : i32
    %broadcast_in_dim3A_24 = vector.broadcast %broadcast_in_dim3A_23 : i32 to vector<16xi32>
    %broadcast_in_dim3A_25 = arith.constant 11 : i32
    %broadcast_in_dim3A_26 = vector.broadcast %broadcast_in_dim3A_25 : i32 to vector<16xi32>
    %broadcast_in_dim3A_27 = arith.constant 12 : i32
    %broadcast_in_dim3A_28 = vector.broadcast %broadcast_in_dim3A_27 : i32 to vector<16xi32>
    %broadcast_in_dim3A_29 = arith.constant 13 : i32
    %broadcast_in_dim3A_30 = vector.broadcast %broadcast_in_dim3A_29 : i32 to vector<16xi32>
    %broadcast_in_dim3A_31 = arith.constant 14 : i32
    %broadcast_in_dim3A_32 = vector.broadcast %broadcast_in_dim3A_31 : i32 to vector<16xi32>
    %broadcast_in_dim3A_33 = arith.constant 15 : i32
    %broadcast_in_dim3A_34 = vector.broadcast %broadcast_in_dim3A_33 : i32 to vector<16xi32>
    %scan3A = arith.constant 0 : i32
    %scan3A_35 = arith.constant 0 : i32
    %scan3A_36 = arith.constant 2048 : i32
    %scan3A_37 = arith.addi %scan3A_35, %scan3A_36 : i32
    %scan3A_38 = arith.constant 1 : i32
    scf.for %scan3A_202 = %scan3A_35 to %scan3A_37 step %scan3A_38  : i32 {
      %swap3A = arith.index_cast %scan3A_202 : i32 to index
      %swap3A_203 = arith.constant 0 : index
      %swap3A_204 = tpu.vector_load %arg10[%swap3A, %swap3A_203] {strides = array<i32>} : memref<2048x16xf32, #tpu.memory_space<vmem>>, vector<16xf32>,
      tpu.vector_store %arg10[%swap3A, %swap3A_203], %broadcast_in_dim3A_0 {strides = array<i32>} : memref<2048x16xf32, #tpu.memory_space<vmem>>, vector<16xf32>,
      %swap3A_205 = arith.index_cast %scan3A_202 : i32 to index
      %swap3A_206 = arith.constant 0 : index
      %swap3A_207 = tpu.vector_load %arg11[%swap3A_205, %swap3A_206] {strides = array<i32>} : memref<2048x16xf32, #tpu.memory_space<vmem>>, vector<16xf32>,
      tpu.vector_store %arg11[%swap3A_205, %swap3A_206], %broadcast_in_dim3A_0 {strides = array<i32>} : memref<2048x16xf32, #tpu.memory_space<vmem>>, vector<16xf32>,
    }
    %scan3A_39 = arith.constant 2048 : i32
    %mul3A = arith.constant 196 : i32
    %mul3A_40 = arith.muli %arg0, %mul3A : i32
    %add3A = arith.constant 0 : i32
    %add3A_41 = arith.addi %mul3A_40, %add3A : i32
    %dma_start3A = arith.constant 0 : i32
    %dma_start3A_42 = arith.constant 0 : i32
    %dma_start3A_43 = arith.constant 0 : i32
    %dma_start3A_44 = tpu.memref_slice %arg7[%dma_start3A, %dma_start3A_42, %dma_start3A_43] : memref<2x4x128xi32, #tpu.memory_space<vmem>> -> memref<1x4x128xi32, #tpu.memory_space<vmem>>
    %dma_start3A_45 = tpu.memref_squeeze %dma_start3A_44 : memref<1x4x128xi32, #tpu.memory_space<vmem>> -> memref<4x128xi32, #tpu.memory_space<vmem>>
    %dma_start3A_46 = arith.constant 0 : i32
    %dma_start3A_47 = tpu.memref_slice %arg3[%add3A_41, %dma_start3A_46] : memref<392x128xi32, #tpu.memory_space<hbm>> -> memref<4x128xi32, #tpu.memory_space<hbm>>
    %dma_start3A_48 = arith.constant 0 : i32
    %dma_start3A_49 = arith.constant 0 : i32
    %dma_start3A_50 = tpu.memref_slice %arg7[%dma_start3A, %dma_start3A_48, %dma_start3A_49] : memref<2x4x128xi32, #tpu.memory_space<vmem>> -> memref<1x4x128xi32, #tpu.memory_space<vmem>>
    %dma_start3A_51 = tpu.memref_squeeze %dma_start3A_50 : memref<1x4x128xi32, #tpu.memory_space<vmem>> -> memref<4x128xi32, #tpu.memory_space<vmem>>
    %dma_start3A_52 = arith.constant 0 : i32
    %dma_start3A_53 = tpu.memref_slice %arg3[%add3A_41, %dma_start3A_52] : memref<392x128xi32, #tpu.memory_space<hbm>> -> memref<4x128xi32, #tpu.memory_space<hbm>>
    tpu.enqueue_dma source(%dma_start3A_53 : memref<4x128xi32, #tpu.memory_space<hbm>>) target(%dma_start3A_51 : memref<4x128xi32, #tpu.memory_space<vmem>>) target_semaphore(%arg14 : memref<!tpu.dma_semaphore, #tpu.memory_space<semaphore_mem>>)
    %dma_start3A_54 = arith.constant 0 : i32
    %dma_start3A_55 = arith.constant 0 : i32
    %dma_start3A_56 = arith.constant 0 : i32
    %dma_start3A_57 = tpu.memref_slice %arg8[%dma_start3A_54, %dma_start3A_55, %dma_start3A_56] : memref<2x4x128xi32, #tpu.memory_space<vmem>> -> memref<1x4x128xi32, #tpu.memory_space<vmem>>
    %dma_start3A_58 = tpu.memref_squeeze %dma_start3A_57 : memref<1x4x128xi32, #tpu.memory_space<vmem>> -> memref<4x128xi32, #tpu.memory_space<vmem>>
    %dma_start3A_59 = arith.constant 0 : i32
    %dma_start3A_60 = tpu.memref_slice %arg4[%add3A_41, %dma_start3A_59] : memref<392x128xi32, #tpu.memory_space<hbm>> -> memref<4x128xi32, #tpu.memory_space<hbm>>
    %dma_start3A_61 = arith.constant 0 : i32
    %dma_start3A_62 = arith.constant 0 : i32
    %dma_start3A_63 = tpu.memref_slice %arg8[%dma_start3A_54, %dma_start3A_61, %dma_start3A_62] : memref<2x4x128xi32, #tpu.memory_space<vmem>> -> memref<1x4x128xi32, #tpu.memory_space<vmem>>
    %dma_start3A_64 = tpu.memref_squeeze %dma_start3A_63 : memref<1x4x128xi32, #tpu.memory_space<vmem>> -> memref<4x128xi32, #tpu.memory_space<vmem>>
    %dma_start3A_65 = arith.constant 0 : i32
    %dma_start3A_66 = tpu.memref_slice %arg4[%add3A_41, %dma_start3A_65] : memref<392x128xi32, #tpu.memory_space<hbm>> -> memref<4x128xi32, #tpu.memory_space<hbm>>
    tpu.enqueue_dma source(%dma_start3A_66 : memref<4x128xi32, #tpu.memory_space<hbm>>) target(%dma_start3A_64 : memref<4x128xi32, #tpu.memory_space<vmem>>) target_semaphore(%arg14 : memref<!tpu.dma_semaphore, #tpu.memory_space<semaphore_mem>>)
    %dma_wait3A = arith.constant 0 : i32
    %dma_wait3A_67 = arith.constant 0 : i32
    %dma_wait3A_68 = arith.constant 0 : i32
    %dma_wait3A_69 = tpu.memref_slice %arg7[%dma_wait3A, %dma_wait3A_67, %dma_wait3A_68] : memref<2x4x128xi32, #tpu.memory_space<vmem>> -> memref<1x4x128xi32, #tpu.memory_space<vmem>>
    %dma_wait3A_70 = tpu.memref_squeeze %dma_wait3A_69 : memref<1x4x128xi32, #tpu.memory_space<vmem>> -> memref<4x128xi32, #tpu.memory_space<vmem>>
    %dma_wait3A_71 = arith.constant 0 : i32
    %dma_wait3A_72 = arith.constant 0 : i32
    %dma_wait3A_73 = tpu.memref_slice %arg3[%dma_wait3A_71, %dma_wait3A_72] : memref<392x128xi32, #tpu.memory_space<hbm>> -> memref<4x128xi32, #tpu.memory_space<hbm>>
    %dma_wait3A_74 = arith.constant 0 : i32
    %dma_wait3A_75 = arith.constant 0 : i32
    %dma_wait3A_76 = tpu.memref_slice %arg7[%dma_wait3A, %dma_wait3A_74, %dma_wait3A_75] : memref<2x4x128xi32, #tpu.memory_space<vmem>> -> memref<1x4x128xi32, #tpu.memory_space<vmem>>
    %dma_wait3A_77 = tpu.memref_squeeze %dma_wait3A_76 : memref<1x4x128xi32, #tpu.memory_space<vmem>> -> memref<4x128xi32, #tpu.memory_space<vmem>>
    %dma_wait3A_78 = arith.constant 0 : i32
    %dma_wait3A_79 = arith.constant 0 : i32
    %dma_wait3A_80 = tpu.memref_slice %arg3[%dma_wait3A_78, %dma_wait3A_79] : memref<392x128xi32, #tpu.memory_space<hbm>> -> memref<4x128xi32, #tpu.memory_space<hbm>>
    tpu.wait_dma2 semaphore(%arg14 : memref<!tpu.dma_semaphore, #tpu.memory_space<semaphore_mem>>) src(%dma_wait3A_80 : memref<4x128xi32, #tpu.memory_space<hbm>>) dst(%dma_wait3A_77 : memref<4x128xi32, #tpu.memory_space<vmem>>)
    %dma_wait3A_81 = arith.constant 0 : i32
    %dma_wait3A_82 = arith.constant 0 : i32
    %dma_wait3A_83 = arith.constant 0 : i32
    %dma_wait3A_84 = tpu.memref_slice %arg8[%dma_wait3A_81, %dma_wait3A_82, %dma_wait3A_83] : memref<2x4x128xi32, #tpu.memory_space<vmem>> -> memref<1x4x128xi32, #tpu.memory_space<vmem>>
    %dma_wait3A_85 = tpu.memref_squeeze %dma_wait3A_84 : memref<1x4x128xi32, #tpu.memory_space<vmem>> -> memref<4x128xi32, #tpu.memory_space<vmem>>
    %dma_wait3A_86 = arith.constant 0 : i32
    %dma_wait3A_87 = arith.constant 0 : i32
    %dma_wait3A_88 = tpu.memref_slice %arg4[%dma_wait3A_86, %dma_wait3A_87] : memref<392x128xi32, #tpu.memory_space<hbm>> -> memref<4x128xi32, #tpu.memory_space<hbm>>
    %dma_wait3A_89 = arith.constant 0 : i32
    %dma_wait3A_90 = arith.constant 0 : i32
    %dma_wait3A_91 = tpu.memref_slice %arg8[%dma_wait3A_81, %dma_wait3A_89, %dma_wait3A_90] : memref<2x4x128xi32, #tpu.memory_space<vmem>> -> memref<1x4x128xi32, #tpu.memory_space<vmem>>
    %dma_wait3A_92 = tpu.memref_squeeze %dma_wait3A_91 : memref<1x4x128xi32, #tpu.memory_space<vmem>> -> memref<4x128xi32, #tpu.memory_space<vmem>>
    %dma_wait3A_93 = arith.constant 0 : i32
    %dma_wait3A_94 = arith.constant 0 : i32
    %dma_wait3A_95 = tpu.memref_slice %arg4[%dma_wait3A_93, %dma_wait3A_94] : memref<392x128xi32, #tpu.memory_space<hbm>> -> memref<4x128xi32, #tpu.memory_space<hbm>>
    tpu.wait_dma2 semaphore(%arg14 : memref<!tpu.dma_semaphore, #tpu.memory_space<semaphore_mem>>) src(%dma_wait3A_95 : memref<4x128xi32, #tpu.memory_space<hbm>>) dst(%dma_wait3A_92 : memref<4x128xi32, #tpu.memory_space<vmem>>)
    %dma_start3A_96 = arith.constant 0 : i32
    %dma_start3A_97 = arith.constant 0 : i32
    %dma_start3A_98 = arith.constant 0 : i32
    %dma_start3A_99 = arith.constant 0 : i32
    %dma_start3A_100 = arith.constant 0 : i32
    %dma_start3A_101 = arith.constant 0 : i32
    %dma_start3A_102 = tpu.memref_slice %arg9[%dma_start3A_98, %dma_start3A_99, %dma_start3A_100, %dma_start3A_101] : memref<2x4x128x16xf32, #tpu.memory_space<vmem>> -> memref<1x1x128x16xf32, #tpu.memory_space<vmem>>
    %dma_start3A_103 = tpu.memref_squeeze %dma_start3A_102 : memref<1x1x128x16xf32, #tpu.memory_space<vmem>> -> memref<128x16xf32, #tpu.memory_space<vmem>>
    %dma_start3A_104 = arith.constant 0 : i32
    %dma_start3A_105 = tpu.memref_slice %arg7[%dma_start3A_96, %dma_start3A_97, %dma_start3A_104] : memref<2x4x128xi32, #tpu.memory_space<vmem>> -> memref<1x1x128xi32, #tpu.memory_space<vmem>>
    %dma_start3A_106 = tpu.memref_squeeze %dma_start3A_105 : memref<1x1x128xi32, #tpu.memory_space<vmem>> -> memref<128xi32, #tpu.memory_space<vmem>>
    %dma_start3A_107 = arith.constant 0 : i32
    %dma_start3A_108 = arith.constant 0 : i32
    %dma_start3A_109 = tpu.memref_slice %arg2[%arg1, %dma_start3A_107, %dma_start3A_108] : memref<16x10000x16xf32, #tpu.memory_space<hbm>> -> memref<1x10000x16xf32, #tpu.memory_space<hbm>>
    %dma_start3A_110 = tpu.memref_squeeze %dma_start3A_109 : memref<1x10000x16xf32, #tpu.memory_space<hbm>> -> memref<10000x16xf32, #tpu.memory_space<hbm>>
    %dma_start3A_111 = arith.constant 0 : i32
    %dma_start3A_112 = arith.constant 0 : i32
    %dma_start3A_113 = tpu.memref_slice %dma_start3A_110[%dma_start3A_111, %dma_start3A_112] : memref<10000x16xf32, #tpu.memory_space<hbm>> -> memref<10000x16xf32, #tpu.memory_space<hbm>>
    tpu.enqueue_indirect_dma source(%dma_start3A_113 : memref<10000x16xf32, #tpu.memory_space<hbm>>) target(%dma_start3A_103 : memref<128x16xf32, #tpu.memory_space<vmem>>) offsets(%dma_start3A_106 : memref<128xi32, #tpu.memory_space<vmem>>) semaphore(%arg12 : memref<!tpu.dma_semaphore, #tpu.memory_space<semaphore_mem>>)
    %dma_start3A_114 = arith.constant 0 : i32
    %dma_start3A_115 = arith.constant 1 : i32
    %dma_start3A_116 = arith.constant 0 : i32
    %dma_start3A_117 = arith.constant 1 : i32
    %dma_start3A_118 = arith.constant 0 : i32
    %dma_start3A_119 = arith.constant 0 : i32
    %dma_start3A_120 = tpu.memref_slice %arg9[%dma_start3A_116, %dma_start3A_117, %dma_start3A_118, %dma_start3A_119] : memref<2x4x128x16xf32, #tpu.memory_space<vmem>> -> memref<1x1x128x16xf32, #tpu.memory_space<vmem>>
    %dma_start3A_121 = tpu.memref_squeeze %dma_start3A_120 : memref<1x1x128x16xf32, #tpu.memory_space<vmem>> -> memref<128x16xf32, #tpu.memory_space<vmem>>
    %dma_start3A_122 = arith.constant 0 : i32
    %dma_start3A_123 = tpu.memref_slice %arg7[%dma_start3A_114, %dma_start3A_115, %dma_start3A_122] : memref<2x4x128xi32, #tpu.memory_space<vmem>> -> memref<1x1x128xi32, #tpu.memory_space<vmem>>
    %dma_start3A_124 = tpu.memref_squeeze %dma_start3A_123 : memref<1x1x128xi32, #tpu.memory_space<vmem>> -> memref<128xi32, #tpu.memory_space<vmem>>
    %dma_start3A_125 = arith.constant 0 : i32
    %dma_start3A_126 = arith.constant 0 : i32
    %dma_start3A_127 = tpu.memref_slice %arg2[%arg1, %dma_start3A_125, %dma_start3A_126] : memref<16x10000x16xf32, #tpu.memory_space<hbm>> -> memref<1x10000x16xf32, #tpu.memory_space<hbm>>
    %dma_start3A_128 = tpu.memref_squeeze %dma_start3A_127 : memref<1x10000x16xf32, #tpu.memory_space<hbm>> -> memref<10000x16xf32, #tpu.memory_space<hbm>>
    %dma_start3A_129 = arith.constant 0 : i32
    %dma_start3A_130 = arith.constant 0 : i32
    %dma_start3A_131 = tpu.memref_slice %dma_start3A_128[%dma_start3A_129, %dma_start3A_130] : memref<10000x16xf32, #tpu.memory_space<hbm>> -> memref<10000x16xf32, #tpu.memory_space<hbm>>
    tpu.enqueue_indirect_dma source(%dma_start3A_131 : memref<10000x16xf32, #tpu.memory_space<hbm>>) target(%dma_start3A_121 : memref<128x16xf32, #tpu.memory_space<vmem>>) offsets(%dma_start3A_124 : memref<128xi32, #tpu.memory_space<vmem>>) semaphore(%arg12 : memref<!tpu.dma_semaphore, #tpu.memory_space<semaphore_mem>>)
    %dma_start3A_132 = arith.constant 0 : i32
    %dma_start3A_133 = arith.constant 2 : i32
    %dma_start3A_134 = arith.constant 0 : i32
    %dma_start3A_135 = arith.constant 2 : i32
    %dma_start3A_136 = arith.constant 0 : i32
    %dma_start3A_137 = arith.constant 0 : i32
    %dma_start3A_138 = tpu.memref_slice %arg9[%dma_start3A_134, %dma_start3A_135, %dma_start3A_136, %dma_start3A_137] : memref<2x4x128x16xf32, #tpu.memory_space<vmem>> -> memref<1x1x128x16xf32, #tpu.memory_space<vmem>>
    %dma_start3A_139 = tpu.memref_squeeze %dma_start3A_138 : memref<1x1x128x16xf32, #tpu.memory_space<vmem>> -> memref<128x16xf32, #tpu.memory_space<vmem>>
    %dma_start3A_140 = arith.constant 0 : i32
    %dma_start3A_141 = tpu.memref_slice %arg7[%dma_start3A_132, %dma_start3A_133, %dma_start3A_140] : memref<2x4x128xi32, #tpu.memory_space<vmem>> -> memref<1x1x128xi32, #tpu.memory_space<vmem>>
    %dma_start3A_142 = tpu.memref_squeeze %dma_start3A_141 : memref<1x1x128xi32, #tpu.memory_space<vmem>> -> memref<128xi32, #tpu.memory_space<vmem>>
    %dma_start3A_143 = arith.constant 0 : i32
    %dma_start3A_144 = arith.constant 0 : i32
    %dma_start3A_145 = tpu.memref_slice %arg2[%arg1, %dma_start3A_143, %dma_start3A_144] : memref<16x10000x16xf32, #tpu.memory_space<hbm>> -> memref<1x10000x16xf32, #tpu.memory_space<hbm>>
    %dma_start3A_146 = tpu.memref_squeeze %dma_start3A_145 : memref<1x10000x16xf32, #tpu.memory_space<hbm>> -> memref<10000x16xf32, #tpu.memory_space<hbm>>
    %dma_start3A_147 = arith.constant 0 : i32
    %dma_start3A_148 = arith.constant 0 : i32
    %dma_start3A_149 = tpu.memref_slice %dma_start3A_146[%dma_start3A_147, %dma_start3A_148] : memref<10000x16xf32, #tpu.memory_space<hbm>> -> memref<10000x16xf32, #tpu.memory_space<hbm>>
    tpu.enqueue_indirect_dma source(%dma_start3A_149 : memref<10000x16xf32, #tpu.memory_space<hbm>>) target(%dma_start3A_139 : memref<128x16xf32, #tpu.memory_space<vmem>>) offsets(%dma_start3A_142 : memref<128xi32, #tpu.memory_space<vmem>>) semaphore(%arg12 : memref<!tpu.dma_semaphore, #tpu.memory_space<semaphore_mem>>)
    %dma_start3A_150 = arith.constant 0 : i32
    %dma_start3A_151 = arith.constant 3 : i32
    %dma_start3A_152 = arith.constant 0 : i32
    %dma_start3A_153 = arith.constant 3 : i32
    %dma_start3A_154 = arith.constant 0 : i32
    %dma_start3A_155 = arith.constant 0 : i32
    %dma_start3A_156 = tpu.memref_slice %arg9[%dma_start3A_152, %dma_start3A_153, %dma_start3A_154, %dma_start3A_155] : memref<2x4x128x16xf32, #tpu.memory_space<vmem>> -> memref<1x1x128x16xf32, #tpu.memory_space<vmem>>
    %dma_start3A_157 = tpu.memref_squeeze %dma_start3A_156 : memref<1x1x128x16xf32, #tpu.memory_space<vmem>> -> memref<128x16xf32, #tpu.memory_space<vmem>>
    %dma_start3A_158 = arith.constant 0 : i32
    %dma_start3A_159 = tpu.memref_slice %arg7[%dma_start3A_150, %dma_start3A_151, %dma_start3A_158] : memref<2x4x128xi32, #tpu.memory_space<vmem>> -> memref<1x1x128xi32, #tpu.memory_space<vmem>>
    %dma_start3A_160 = tpu.memref_squeeze %dma_start3A_159 : memref<1x1x128xi32, #tpu.memory_space<vmem>> -> memref<128xi32, #tpu.memory_space<vmem>>
    %dma_start3A_161 = arith.constant 0 : i32
    %dma_start3A_162 = arith.constant 0 : i32
    %dma_start3A_163 = tpu.memref_slice %arg2[%arg1, %dma_start3A_161, %dma_start3A_162] : memref<16x10000x16xf32, #tpu.memory_space<hbm>> -> memref<1x10000x16xf32, #tpu.memory_space<hbm>>
    %dma_start3A_164 = tpu.memref_squeeze %dma_start3A_163 : memref<1x10000x16xf32, #tpu.memory_space<hbm>> -> memref<10000x16xf32, #tpu.memory_space<hbm>>
    %dma_start3A_165 = arith.constant 0 : i32
    %dma_start3A_166 = arith.constant 0 : i32
    %dma_start3A_167 = tpu.memref_slice %dma_start3A_164[%dma_start3A_165, %dma_start3A_166] : memref<10000x16xf32, #tpu.memory_space<hbm>> -> memref<10000x16xf32, #tpu.memory_space<hbm>>
    tpu.enqueue_indirect_dma source(%dma_start3A_167 : memref<10000x16xf32, #tpu.memory_space<hbm>>) target(%dma_start3A_157 : memref<128x16xf32, #tpu.memory_space<vmem>>) offsets(%dma_start3A_160 : memref<128xi32, #tpu.memory_space<vmem>>) semaphore(%arg12 : memref<!tpu.dma_semaphore, #tpu.memory_space<semaphore_mem>>)
    %add3A_168 = arith.constant 4 : i32
    %add3A_169 = arith.addi %mul3A_40, %add3A_168 : i32
    %dma_start3A_170 = arith.constant 1 : i32
    %dma_start3A_171 = arith.constant 0 : i32
    %dma_start3A_172 = arith.constant 0 : i32
    %dma_start3A_173 = tpu.memref_slice %arg7[%dma_start3A_170, %dma_start3A_171, %dma_start3A_172] : memref<2x4x128xi32, #tpu.memory_space<vmem>> -> memref<1x4x128xi32, #tpu.memory_space<vmem>>
    %dma_start3A_174 = tpu.memref_squeeze %dma_start3A_173 : memref<1x4x128xi32, #tpu.memory_space<vmem>> -> memref<4x128xi32, #tpu.memory_space<vmem>>
    %dma_start3A_175 = arith.constant 0 : i32
    %dma_start3A_176 = tpu.memref_slice %arg3[%add3A_169, %dma_start3A_175] : memref<392x128xi32, #tpu.memory_space<hbm>> -> memref<4x128xi32, #tpu.memory_space<hbm>>
    %dma_start3A_177 = arith.constant 0 : i32
    %dma_start3A_178 = arith.constant 0 : i32
    %dma_start3A_179 = tpu.memref_slice %arg7[%dma_start3A_170, %dma_start3A_177, %dma_start3A_178] : memref<2x4x128xi32, #tpu.memory_space<vmem>> -> memref<1x4x128xi32, #tpu.memory_space<vmem>>
    %dma_start3A_180 = tpu.memref_squeeze %dma_start3A_179 : memref<1x4x128xi32, #tpu.memory_space<vmem>> -> memref<4x128xi32, #tpu.memory_space<vmem>>
    %dma_start3A_181 = arith.constant 0 : i32
    %dma_start3A_182 = tpu.memref_slice %arg3[%add3A_169, %dma_start3A_181] : memref<392x128xi32, #tpu.memory_space<hbm>> -> memref<4x128xi32, #tpu.memory_space<hbm>>
    tpu.enqueue_dma source(%dma_start3A_182 : memref<4x128xi32, #tpu.memory_space<hbm>>) target(%dma_start3A_180 : memref<4x128xi32, #tpu.memory_space<vmem>>) target_semaphore(%arg15 : memref<!tpu.dma_semaphore, #tpu.memory_space<semaphore_mem>>)
    %dma_start3A_183 = arith.constant 1 : i32
    %dma_start3A_184 = arith.constant 0 : i32
    %dma_start3A_185 = arith.constant 0 : i32
    %dma_start3A_186 = tpu.memref_slice %arg8[%dma_start3A_183, %dma_start3A_184, %dma_start3A_185] : memref<2x4x128xi32, #tpu.memory_space<vmem>> -> memref<1x4x128xi32, #tpu.memory_space<vmem>>
    %dma_start3A_187 = tpu.memref_squeeze %dma_start3A_186 : memref<1x4x128xi32, #tpu.memory_space<vmem>> -> memref<4x128xi32, #tpu.memory_space<vmem>>
    %dma_start3A_188 = arith.constant 0 : i32
    %dma_start3A_189 = tpu.memref_slice %arg4[%add3A_169, %dma_start3A_188] : memref<392x128xi32, #tpu.memory_space<hbm>> -> memref<4x128xi32, #tpu.memory_space<hbm>>
    %dma_start3A_190 = arith.constant 0 : i32
    %dma_start3A_191 = arith.constant 0 : i32
    %dma_start3A_192 = tpu.memref_slice %arg8[%dma_start3A_183, %dma_start3A_190, %dma_start3A_191] : memref<2x4x128xi32, #tpu.memory_space<vmem>> -> memref<1x4x128xi32, #tpu.memory_space<vmem>>
    %dma_start3A_193 = tpu.memref_squeeze %dma_start3A_192 : memref<1x4x128xi32, #tpu.memory_space<vmem>> -> memref<4x128xi32, #tpu.memory_space<vmem>>
    %dma_start3A_194 = arith.constant 0 : i32
    %dma_start3A_195 = tpu.memref_slice %arg4[%add3A_169, %dma_start3A_194] : memref<392x128xi32, #tpu.memory_space<hbm>> -> memref<4x128xi32, #tpu.memory_space<hbm>>
    tpu.enqueue_dma source(%dma_start3A_195 : memref<4x128xi32, #tpu.memory_space<hbm>>) target(%dma_start3A_193 : memref<4x128xi32, #tpu.memory_space<vmem>>) target_semaphore(%arg15 : memref<!tpu.dma_semaphore, #tpu.memory_space<semaphore_mem>>)
    %scan3A_196 = arith.constant 0 : i32
    %scan3A_197 = arith.constant 0 : i32
    %scan3A_198 = arith.constant 49 : i32
    %scan3A_199 = arith.addi %scan3A_197, %scan3A_198 : i32
    %scan3A_200 = arith.constant 1 : i32
    scf.for %scan3A_202 = %scan3A_197 to %scan3A_199 step %scan3A_200  : i32 {
      %and3A = arith.constant 1 : i32
      %and3A_203 = arith.andi %scan3A_202, %and3A : i32
      %eq3A = arith.constant 0 : i32
      %eq3A_204 = arith.cmpi eq, %and3A_203, %eq3A : i32
      %convert_element_type3A = arith.extui %eq3A_204 : i1 to i32
      %cond3A = arith.constant 0 : i32
      %cond3A_205 = arith.cmpi ne, %convert_element_type3A, %cond3A : i32
      scf.if %cond3A_205 {
        %dma_wait3A_213 = arith.constant 0 : i32
        %dma_wait3A_214 = arith.constant 0 : i32
        %dma_wait3A_215 = arith.constant 0 : i32
        %dma_wait3A_216 = arith.constant 0 : i32
        %dma_wait3A_217 = arith.constant 0 : i32
        %dma_wait3A_218 = arith.constant 0 : i32
        %dma_wait3A_219 = tpu.memref_slice %arg9[%dma_wait3A_215, %dma_wait3A_216, %dma_wait3A_217, %dma_wait3A_218] : memref<2x4x128x16xf32, #tpu.memory_space<vmem>> -> memref<1x1x128x16xf32, #tpu.memory_space<vmem>>
        %dma_wait3A_220 = tpu.memref_squeeze %dma_wait3A_219 : memref<1x1x128x16xf32, #tpu.memory_space<vmem>> -> memref<128x16xf32, #tpu.memory_space<vmem>>
        %dma_wait3A_221 = arith.constant 0 : i32
        %dma_wait3A_222 = tpu.memref_slice %arg7[%dma_wait3A_213, %dma_wait3A_214, %dma_wait3A_221] : memref<2x4x128xi32, #tpu.memory_space<vmem>> -> memref<1x1x128xi32, #tpu.memory_space<vmem>>
        %dma_wait3A_223 = tpu.memref_squeeze %dma_wait3A_222 : memref<1x1x128xi32, #tpu.memory_space<vmem>> -> memref<128xi32, #tpu.memory_space<vmem>>
        %dma_wait3A_224 = arith.constant 0 : i32
        %dma_wait3A_225 = arith.constant 0 : i32
        %dma_wait3A_226 = tpu.memref_slice %arg2[%arg1, %dma_wait3A_224, %dma_wait3A_225] : memref<16x10000x16xf32, #tpu.memory_space<hbm>> -> memref<1x10000x16xf32, #tpu.memory_space<hbm>>
        %dma_wait3A_227 = tpu.memref_squeeze %dma_wait3A_226 : memref<1x10000x16xf32, #tpu.memory_space<hbm>> -> memref<10000x16xf32, #tpu.memory_space<hbm>>
        %dma_wait3A_228 = arith.constant 0 : i32
        %dma_wait3A_229 = arith.constant 0 : i32
        %dma_wait3A_230 = tpu.memref_slice %dma_wait3A_227[%dma_wait3A_228, %dma_wait3A_229] : memref<10000x16xf32, #tpu.memory_space<hbm>> -> memref<10000x16xf32, #tpu.memory_space<hbm>>
        tpu.wait_indirect_dma semaphore(%arg12 : memref<!tpu.dma_semaphore, #tpu.memory_space<semaphore_mem>>) src(%dma_wait3A_230 : memref<10000x16xf32, #tpu.memory_space<hbm>>) dst(%dma_wait3A_220 : memref<128x16xf32, #tpu.memory_space<vmem>>)
        %dma_wait3A_231 = arith.constant 0 : i32
        %dma_wait3A_232 = arith.constant 1 : i32
        %dma_wait3A_233 = arith.constant 0 : i32
        %dma_wait3A_234 = arith.constant 1 : i32
        %dma_wait3A_235 = arith.constant 0 : i32
        %dma_wait3A_236 = arith.constant 0 : i32
        %dma_wait3A_237 = tpu.memref_slice %arg9[%dma_wait3A_233, %dma_wait3A_234, %dma_wait3A_235, %dma_wait3A_236] : memref<2x4x128x16xf32, #tpu.memory_space<vmem>> -> memref<1x1x128x16xf32, #tpu.memory_space<vmem>>
        %dma_wait3A_238 = tpu.memref_squeeze %dma_wait3A_237 : memref<1x1x128x16xf32, #tpu.memory_space<vmem>> -> memref<128x16xf32, #tpu.memory_space<vmem>>
        %dma_wait3A_239 = arith.constant 0 : i32
        %dma_wait3A_240 = tpu.memref_slice %arg7[%dma_wait3A_231, %dma_wait3A_232, %dma_wait3A_239] : memref<2x4x128xi32, #tpu.memory_space<vmem>> -> memref<1x1x128xi32, #tpu.memory_space<vmem>>
        %dma_wait3A_241 = tpu.memref_squeeze %dma_wait3A_240 : memref<1x1x128xi32, #tpu.memory_space<vmem>> -> memref<128xi32, #tpu.memory_space<vmem>>
        %dma_wait3A_242 = arith.constant 0 : i32
        %dma_wait3A_243 = arith.constant 0 : i32
        %dma_wait3A_244 = tpu.memref_slice %arg2[%arg1, %dma_wait3A_242, %dma_wait3A_243] : memref<16x10000x16xf32, #tpu.memory_space<hbm>> -> memref<1x10000x16xf32, #tpu.memory_space<hbm>>
        %dma_wait3A_245 = tpu.memref_squeeze %dma_wait3A_244 : memref<1x10000x16xf32, #tpu.memory_space<hbm>> -> memref<10000x16xf32, #tpu.memory_space<hbm>>
        %dma_wait3A_246 = arith.constant 0 : i32
        %dma_wait3A_247 = arith.constant 0 : i32
        %dma_wait3A_248 = tpu.memref_slice %dma_wait3A_245[%dma_wait3A_246, %dma_wait3A_247] : memref<10000x16xf32, #tpu.memory_space<hbm>> -> memref<10000x16xf32, #tpu.memory_space<hbm>>
        tpu.wait_indirect_dma semaphore(%arg12 : memref<!tpu.dma_semaphore, #tpu.memory_space<semaphore_mem>>) src(%dma_wait3A_248 : memref<10000x16xf32, #tpu.memory_space<hbm>>) dst(%dma_wait3A_238 : memref<128x16xf32, #tpu.memory_space<vmem>>)
        %dma_wait3A_249 = arith.constant 0 : i32
        %dma_wait3A_250 = arith.constant 2 : i32
        %dma_wait3A_251 = arith.constant 0 : i32
        %dma_wait3A_252 = arith.constant 2 : i32
        %dma_wait3A_253 = arith.constant 0 : i32
        %dma_wait3A_254 = arith.constant 0 : i32
        %dma_wait3A_255 = tpu.memref_slice %arg9[%dma_wait3A_251, %dma_wait3A_252, %dma_wait3A_253, %dma_wait3A_254] : memref<2x4x128x16xf32, #tpu.memory_space<vmem>> -> memref<1x1x128x16xf32, #tpu.memory_space<vmem>>
        %dma_wait3A_256 = tpu.memref_squeeze %dma_wait3A_255 : memref<1x1x128x16xf32, #tpu.memory_space<vmem>> -> memref<128x16xf32, #tpu.memory_space<vmem>>
        %dma_wait3A_257 = arith.constant 0 : i32
        %dma_wait3A_258 = tpu.memref_slice %arg7[%dma_wait3A_249, %dma_wait3A_250, %dma_wait3A_257] : memref<2x4x128xi32, #tpu.memory_space<vmem>> -> memref<1x1x128xi32, #tpu.memory_space<vmem>>
        %dma_wait3A_259 = tpu.memref_squeeze %dma_wait3A_258 : memref<1x1x128xi32, #tpu.memory_space<vmem>> -> memref<128xi32, #tpu.memory_space<vmem>>
        %dma_wait3A_260 = arith.constant 0 : i32
        %dma_wait3A_261 = arith.constant 0 : i32
        %dma_wait3A_262 = tpu.memref_slice %arg2[%arg1, %dma_wait3A_260, %dma_wait3A_261] : memref<16x10000x16xf32, #tpu.memory_space<hbm>> -> memref<1x10000x16xf32, #tpu.memory_space<hbm>>
        %dma_wait3A_263 = tpu.memref_squeeze %dma_wait3A_262 : memref<1x10000x16xf32, #tpu.memory_space<hbm>> -> memref<10000x16xf32, #tpu.memory_space<hbm>>
        %dma_wait3A_264 = arith.constant 0 : i32
        %dma_wait3A_265 = arith.constant 0 : i32
        %dma_wait3A_266 = tpu.memref_slice %dma_wait3A_263[%dma_wait3A_264, %dma_wait3A_265] : memref<10000x16xf32, #tpu.memory_space<hbm>> -> memref<10000x16xf32, #tpu.memory_space<hbm>>
        tpu.wait_indirect_dma semaphore(%arg12 : memref<!tpu.dma_semaphore, #tpu.memory_space<semaphore_mem>>) src(%dma_wait3A_266 : memref<10000x16xf32, #tpu.memory_space<hbm>>) dst(%dma_wait3A_256 : memref<128x16xf32, #tpu.memory_space<vmem>>)
        %dma_wait3A_267 = arith.constant 0 : i32
        %dma_wait3A_268 = arith.constant 3 : i32
        %dma_wait3A_269 = arith.constant 0 : i32
        %dma_wait3A_270 = arith.constant 3 : i32
        %dma_wait3A_271 = arith.constant 0 : i32
        %dma_wait3A_272 = arith.constant 0 : i32
        %dma_wait3A_273 = tpu.memref_slice %arg9[%dma_wait3A_269, %dma_wait3A_270, %dma_wait3A_271, %dma_wait3A_272] : memref<2x4x128x16xf32, #tpu.memory_space<vmem>> -> memref<1x1x128x16xf32, #tpu.memory_space<vmem>>
        %dma_wait3A_274 = tpu.memref_squeeze %dma_wait3A_273 : memref<1x1x128x16xf32, #tpu.memory_space<vmem>> -> memref<128x16xf32, #tpu.memory_space<vmem>>
        %dma_wait3A_275 = arith.constant 0 : i32
        %dma_wait3A_276 = tpu.memref_slice %arg7[%dma_wait3A_267, %dma_wait3A_268, %dma_wait3A_275] : memref<2x4x128xi32, #tpu.memory_space<vmem>> -> memref<1x1x128xi32, #tpu.memory_space<vmem>>
        %dma_wait3A_277 = tpu.memref_squeeze %dma_wait3A_276 : memref<1x1x128xi32, #tpu.memory_space<vmem>> -> memref<128xi32, #tpu.memory_space<vmem>>
        %dma_wait3A_278 = arith.constant 0 : i32
        %dma_wait3A_279 = arith.constant 0 : i32
        %dma_wait3A_280 = tpu.memref_slice %arg2[%arg1, %dma_wait3A_278, %dma_wait3A_279] : memref<16x10000x16xf32, #tpu.memory_space<hbm>> -> memref<1x10000x16xf32, #tpu.memory_space<hbm>>
        %dma_wait3A_281 = tpu.memref_squeeze %dma_wait3A_280 : memref<1x10000x16xf32, #tpu.memory_space<hbm>> -> memref<10000x16xf32, #tpu.memory_space<hbm>>
        %dma_wait3A_282 = arith.constant 0 : i32
        %dma_wait3A_283 = arith.constant 0 : i32
        %dma_wait3A_284 = tpu.memref_slice %dma_wait3A_281[%dma_wait3A_282, %dma_wait3A_283] : memref<10000x16xf32, #tpu.memory_space<hbm>> -> memref<10000x16xf32, #tpu.memory_space<hbm>>
        tpu.wait_indirect_dma semaphore(%arg12 : memref<!tpu.dma_semaphore, #tpu.memory_space<semaphore_mem>>) src(%dma_wait3A_284 : memref<10000x16xf32, #tpu.memory_space<hbm>>) dst(%dma_wait3A_274 : memref<128x16xf32, #tpu.memory_space<vmem>>)
        %add3A_285 = arith.constant 1 : i32
        %add3A_286 = arith.addi %scan3A_202, %add3A_285 : i32
        %lt3A = arith.constant 49 : i32
        %lt3A_287 = arith.cmpi slt, %add3A_286, %lt3A : i32
        %convert_element_type3A_288 = arith.extui %lt3A_287 : i1 to i32
        %cond3A_289 = arith.constant 0 : i32
        %cond3A_290 = arith.cmpi ne, %convert_element_type3A_288, %cond3A_289 : i32
        scf.if %cond3A_290 {
          %dma_wait3A_304 = arith.constant 1 : i32
          %dma_wait3A_305 = arith.constant 0 : i32
          %dma_wait3A_306 = arith.constant 0 : i32
          %dma_wait3A_307 = tpu.memref_slice %arg7[%dma_wait3A_304, %dma_wait3A_305, %dma_wait3A_306] : memref<2x4x128xi32, #tpu.memory_space<vmem>> -> memref<1x4x128xi32, #tpu.memory_space<vmem>>
          %dma_wait3A_308 = tpu.memref_squeeze %dma_wait3A_307 : memref<1x4x128xi32, #tpu.memory_space<vmem>> -> memref<4x128xi32, #tpu.memory_space<vmem>>
          %dma_wait3A_309 = arith.constant 0 : i32
          %dma_wait3A_310 = arith.constant 0 : i32
          %dma_wait3A_311 = tpu.memref_slice %arg3[%dma_wait3A_309, %dma_wait3A_310] : memref<392x128xi32, #tpu.memory_space<hbm>> -> memref<4x128xi32, #tpu.memory_space<hbm>>
          %dma_wait3A_312 = arith.constant 0 : i32
          %dma_wait3A_313 = arith.constant 0 : i32
          %dma_wait3A_314 = tpu.memref_slice %arg7[%dma_wait3A_304, %dma_wait3A_312, %dma_wait3A_313] : memref<2x4x128xi32, #tpu.memory_space<vmem>> -> memref<1x4x128xi32, #tpu.memory_space<vmem>>
          %dma_wait3A_315 = tpu.memref_squeeze %dma_wait3A_314 : memref<1x4x128xi32, #tpu.memory_space<vmem>> -> memref<4x128xi32, #tpu.memory_space<vmem>>
          %dma_wait3A_316 = arith.constant 0 : i32
          %dma_wait3A_317 = arith.constant 0 : i32
          %dma_wait3A_318 = tpu.memref_slice %arg3[%dma_wait3A_316, %dma_wait3A_317] : memref<392x128xi32, #tpu.memory_space<hbm>> -> memref<4x128xi32, #tpu.memory_space<hbm>>
          tpu.wait_dma2 semaphore(%arg15 : memref<!tpu.dma_semaphore, #tpu.memory_space<semaphore_mem>>) src(%dma_wait3A_318 : memref<4x128xi32, #tpu.memory_space<hbm>>) dst(%dma_wait3A_315 : memref<4x128xi32, #tpu.memory_space<vmem>>)
          %dma_wait3A_319 = arith.constant 1 : i32
          %dma_wait3A_320 = arith.constant 0 : i32
          %dma_wait3A_321 = arith.constant 0 : i32
          %dma_wait3A_322 = tpu.memref_slice %arg8[%dma_wait3A_319, %dma_wait3A_320, %dma_wait3A_321] : memref<2x4x128xi32, #tpu.memory_space<vmem>> -> memref<1x4x128xi32, #tpu.memory_space<vmem>>
          %dma_wait3A_323 = tpu.memref_squeeze %dma_wait3A_322 : memref<1x4x128xi32, #tpu.memory_space<vmem>> -> memref<4x128xi32, #tpu.memory_space<vmem>>
          %dma_wait3A_324 = arith.constant 0 : i32
          %dma_wait3A_325 = arith.constant 0 : i32
          %dma_wait3A_326 = tpu.memref_slice %arg4[%dma_wait3A_324, %dma_wait3A_325] : memref<392x128xi32, #tpu.memory_space<hbm>> -> memref<4x128xi32, #tpu.memory_space<hbm>>
          %dma_wait3A_327 = arith.constant 0 : i32
          %dma_wait3A_328 = arith.constant 0 : i32
          %dma_wait3A_329 = tpu.memref_slice %arg8[%dma_wait3A_319, %dma_wait3A_327, %dma_wait3A_328] : memref<2x4x128xi32, #tpu.memory_space<vmem>> -> memref<1x4x128xi32, #tpu.memory_space<vmem>>
          %dma_wait3A_330 = tpu.memref_squeeze %dma_wait3A_329 : memref<1x4x128xi32, #tpu.memory_space<vmem>> -> memref<4x128xi32, #tpu.memory_space<vmem>>
          %dma_wait3A_331 = arith.constant 0 : i32
          %dma_wait3A_332 = arith.constant 0 : i32
          %dma_wait3A_333 = tpu.memref_slice %arg4[%dma_wait3A_331, %dma_wait3A_332] : memref<392x128xi32, #tpu.memory_space<hbm>> -> memref<4x128xi32, #tpu.memory_space<hbm>>
          tpu.wait_dma2 semaphore(%arg15 : memref<!tpu.dma_semaphore, #tpu.memory_space<semaphore_mem>>) src(%dma_wait3A_333 : memref<4x128xi32, #tpu.memory_space<hbm>>) dst(%dma_wait3A_330 : memref<4x128xi32, #tpu.memory_space<vmem>>)
          %dma_start3A_334 = arith.constant 1 : i32
          %dma_start3A_335 = arith.constant 0 : i32
          %dma_start3A_336 = arith.constant 1 : i32
          %dma_start3A_337 = arith.constant 0 : i32
          %dma_start3A_338 = arith.constant 0 : i32
          %dma_start3A_339 = arith.constant 0 : i32
          %dma_start3A_340 = tpu.memref_slice %arg9[%dma_start3A_336, %dma_start3A_337, %dma_start3A_338, %dma_start3A_339] : memref<2x4x128x16xf32, #tpu.memory_space<vmem>> -> memref<1x1x128x16xf32, #tpu.memory_space<vmem>>
          %dma_start3A_341 = tpu.memref_squeeze %dma_start3A_340 : memref<1x1x128x16xf32, #tpu.memory_space<vmem>> -> memref<128x16xf32, #tpu.memory_space<vmem>>
          %dma_start3A_342 = arith.constant 0 : i32
          %dma_start3A_343 = tpu.memref_slice %arg7[%dma_start3A_334, %dma_start3A_335, %dma_start3A_342] : memref<2x4x128xi32, #tpu.memory_space<vmem>> -> memref<1x1x128xi32, #tpu.memory_space<vmem>>
          %dma_start3A_344 = tpu.memref_squeeze %dma_start3A_343 : memref<1x1x128xi32, #tpu.memory_space<vmem>> -> memref<128xi32, #tpu.memory_space<vmem>>
          %dma_start3A_345 = arith.constant 0 : i32
          %dma_start3A_346 = arith.constant 0 : i32
          %dma_start3A_347 = tpu.memref_slice %arg2[%arg1, %dma_start3A_345, %dma_start3A_346] : memref<16x10000x16xf32, #tpu.memory_space<hbm>> -> memref<1x10000x16xf32, #tpu.memory_space<hbm>>
          %dma_start3A_348 = tpu.memref_squeeze %dma_start3A_347 : memref<1x10000x16xf32, #tpu.memory_space<hbm>> -> memref<10000x16xf32, #tpu.memory_space<hbm>>
          %dma_start3A_349 = arith.constant 0 : i32
          %dma_start3A_350 = arith.constant 0 : i32
          %dma_start3A_351 = tpu.memref_slice %dma_start3A_348[%dma_start3A_349, %dma_start3A_350] : memref<10000x16xf32, #tpu.memory_space<hbm>> -> memref<10000x16xf32, #tpu.memory_space<hbm>>
          tpu.enqueue_indirect_dma source(%dma_start3A_351 : memref<10000x16xf32, #tpu.memory_space<hbm>>) target(%dma_start3A_341 : memref<128x16xf32, #tpu.memory_space<vmem>>) offsets(%dma_start3A_344 : memref<128xi32, #tpu.memory_space<vmem>>) semaphore(%arg13 : memref<!tpu.dma_semaphore, #tpu.memory_space<semaphore_mem>>)
          %dma_start3A_352 = arith.constant 1 : i32
          %dma_start3A_353 = arith.constant 1 : i32
          %dma_start3A_354 = arith.constant 1 : i32
          %dma_start3A_355 = arith.constant 1 : i32
          %dma_start3A_356 = arith.constant 0 : i32
          %dma_start3A_357 = arith.constant 0 : i32
          %dma_start3A_358 = tpu.memref_slice %arg9[%dma_start3A_354, %dma_start3A_355, %dma_start3A_356, %dma_start3A_357] : memref<2x4x128x16xf32, #tpu.memory_space<vmem>> -> memref<1x1x128x16xf32, #tpu.memory_space<vmem>>
          %dma_start3A_359 = tpu.memref_squeeze %dma_start3A_358 : memref<1x1x128x16xf32, #tpu.memory_space<vmem>> -> memref<128x16xf32, #tpu.memory_space<vmem>>
          %dma_start3A_360 = arith.constant 0 : i32
          %dma_start3A_361 = tpu.memref_slice %arg7[%dma_start3A_352, %dma_start3A_353, %dma_start3A_360] : memref<2x4x128xi32, #tpu.memory_space<vmem>> -> memref<1x1x128xi32, #tpu.memory_space<vmem>>
          %dma_start3A_362 = tpu.memref_squeeze %dma_start3A_361 : memref<1x1x128xi32, #tpu.memory_space<vmem>> -> memref<128xi32, #tpu.memory_space<vmem>>
          %dma_start3A_363 = arith.constant 0 : i32
          %dma_start3A_364 = arith.constant 0 : i32
          %dma_start3A_365 = tpu.memref_slice %arg2[%arg1, %dma_start3A_363, %dma_start3A_364] : memref<16x10000x16xf32, #tpu.memory_space<hbm>> -> memref<1x10000x16xf32, #tpu.memory_space<hbm>>
          %dma_start3A_366 = tpu.memref_squeeze %dma_start3A_365 : memref<1x10000x16xf32, #tpu.memory_space<hbm>> -> memref<10000x16xf32, #tpu.memory_space<hbm>>
          %dma_start3A_367 = arith.constant 0 : i32
          %dma_start3A_368 = arith.constant 0 : i32
          %dma_start3A_369 = tpu.memref_slice %dma_start3A_366[%dma_start3A_367, %dma_start3A_368] : memref<10000x16xf32, #tpu.memory_space<hbm>> -> memref<10000x16xf32, #tpu.memory_space<hbm>>
          tpu.enqueue_indirect_dma source(%dma_start3A_369 : memref<10000x16xf32, #tpu.memory_space<hbm>>) target(%dma_start3A_359 : memref<128x16xf32, #tpu.memory_space<vmem>>) offsets(%dma_start3A_362 : memref<128xi32, #tpu.memory_space<vmem>>) semaphore(%arg13 : memref<!tpu.dma_semaphore, #tpu.memory_space<semaphore_mem>>)
          %dma_start3A_370 = arith.constant 1 : i32
          %dma_start3A_371 = arith.constant 2 : i32
          %dma_start3A_372 = arith.constant 1 : i32
          %dma_start3A_373 = arith.constant 2 : i32
          %dma_start3A_374 = arith.constant 0 : i32
          %dma_start3A_375 = arith.constant 0 : i32
          %dma_start3A_376 = tpu.memref_slice %arg9[%dma_start3A_372, %dma_start3A_373, %dma_start3A_374, %dma_start3A_375] : memref<2x4x128x16xf32, #tpu.memory_space<vmem>> -> memref<1x1x128x16xf32, #tpu.memory_space<vmem>>
          %dma_start3A_377 = tpu.memref_squeeze %dma_start3A_376 : memref<1x1x128x16xf32, #tpu.memory_space<vmem>> -> memref<128x16xf32, #tpu.memory_space<vmem>>
          %dma_start3A_378 = arith.constant 0 : i32
          %dma_start3A_379 = tpu.memref_slice %arg7[%dma_start3A_370, %dma_start3A_371, %dma_start3A_378] : memref<2x4x128xi32, #tpu.memory_space<vmem>> -> memref<1x1x128xi32, #tpu.memory_space<vmem>>
          %dma_start3A_380 = tpu.memref_squeeze %dma_start3A_379 : memref<1x1x128xi32, #tpu.memory_space<vmem>> -> memref<128xi32, #tpu.memory_space<vmem>>
          %dma_start3A_381 = arith.constant 0 : i32
          %dma_start3A_382 = arith.constant 0 : i32
          %dma_start3A_383 = tpu.memref_slice %arg2[%arg1, %dma_start3A_381, %dma_start3A_382] : memref<16x10000x16xf32, #tpu.memory_space<hbm>> -> memref<1x10000x16xf32, #tpu.memory_space<hbm>>
          %dma_start3A_384 = tpu.memref_squeeze %dma_start3A_383 : memref<1x10000x16xf32, #tpu.memory_space<hbm>> -> memref<10000x16xf32, #tpu.memory_space<hbm>>
          %dma_start3A_385 = arith.constant 0 : i32
          %dma_start3A_386 = arith.constant 0 : i32
          %dma_start3A_387 = tpu.memref_slice %dma_start3A_384[%dma_start3A_385, %dma_start3A_386] : memref<10000x16xf32, #tpu.memory_space<hbm>> -> memref<10000x16xf32, #tpu.memory_space<hbm>>
          tpu.enqueue_indirect_dma source(%dma_start3A_387 : memref<10000x16xf32, #tpu.memory_space<hbm>>) target(%dma_start3A_377 : memref<128x16xf32, #tpu.memory_space<vmem>>) offsets(%dma_start3A_380 : memref<128xi32, #tpu.memory_space<vmem>>) semaphore(%arg13 : memref<!tpu.dma_semaphore, #tpu.memory_space<semaphore_mem>>)
          %dma_start3A_388 = arith.constant 1 : i32
          %dma_start3A_389 = arith.constant 3 : i32
          %dma_start3A_390 = arith.constant 1 : i32
          %dma_start3A_391 = arith.constant 3 : i32
          %dma_start3A_392 = arith.constant 0 : i32
          %dma_start3A_393 = arith.constant 0 : i32
          %dma_start3A_394 = tpu.memref_slice %arg9[%dma_start3A_390, %dma_start3A_391, %dma_start3A_392, %dma_start3A_393] : memref<2x4x128x16xf32, #tpu.memory_space<vmem>> -> memref<1x1x128x16xf32, #tpu.memory_space<vmem>>
          %dma_start3A_395 = tpu.memref_squeeze %dma_start3A_394 : memref<1x1x128x16xf32, #tpu.memory_space<vmem>> -> memref<128x16xf32, #tpu.memory_space<vmem>>
          %dma_start3A_396 = arith.constant 0 : i32
          %dma_start3A_397 = tpu.memref_slice %arg7[%dma_start3A_388, %dma_start3A_389, %dma_start3A_396] : memref<2x4x128xi32, #tpu.memory_space<vmem>> -> memref<1x1x128xi32, #tpu.memory_space<vmem>>
          %dma_start3A_398 = tpu.memref_squeeze %dma_start3A_397 : memref<1x1x128xi32, #tpu.memory_space<vmem>> -> memref<128xi32, #tpu.memory_space<vmem>>
          %dma_start3A_399 = arith.constant 0 : i32
          %dma_start3A_400 = arith.constant 0 : i32
          %dma_start3A_401 = tpu.memref_slice %arg2[%arg1, %dma_start3A_399, %dma_start3A_400] : memref<16x10000x16xf32, #tpu.memory_space<hbm>> -> memref<1x10000x16xf32, #tpu.memory_space<hbm>>
          %dma_start3A_402 = tpu.memref_squeeze %dma_start3A_401 : memref<1x10000x16xf32, #tpu.memory_space<hbm>> -> memref<10000x16xf32, #tpu.memory_space<hbm>>
          %dma_start3A_403 = arith.constant 0 : i32
          %dma_start3A_404 = arith.constant 0 : i32
          %dma_start3A_405 = tpu.memref_slice %dma_start3A_402[%dma_start3A_403, %dma_start3A_404] : memref<10000x16xf32, #tpu.memory_space<hbm>> -> memref<10000x16xf32, #tpu.memory_space<hbm>>
          tpu.enqueue_indirect_dma source(%dma_start3A_405 : memref<10000x16xf32, #tpu.memory_space<hbm>>) target(%dma_start3A_395 : memref<128x16xf32, #tpu.memory_space<vmem>>) offsets(%dma_start3A_398 : memref<128xi32, #tpu.memory_space<vmem>>) semaphore(%arg13 : memref<!tpu.dma_semaphore, #tpu.memory_space<semaphore_mem>>)
        } else {
        }
        %scan3A_291 = arith.constant 0 : i32
        %scan3A_292 = arith.constant 0 : i32
        %scan3A_293 = arith.constant 32 : i32
        %scan3A_294 = arith.addi %scan3A_292, %scan3A_293 : i32
        %scan3A_295 = arith.constant 1 : i32
        scf.for %scan3A_304 = %scan3A_292 to %scan3A_294 step %scan3A_295  : i32 {
          %shift_right_arithmetic3A = arith.constant 3 : i32
          %shift_right_arithmetic3A_305 = arith.shrsi %scan3A_304, %shift_right_arithmetic3A : i32
          %and3A_306 = arith.constant 7 : i32
          %and3A_307 = arith.andi %scan3A_304, %and3A_306 : i32
          %mul3A_308 = arith.constant 16 : i32
          %mul3A_309 = arith.muli %and3A_307, %mul3A_308 : i32
          %get3A = arith.constant 0 : i32
          %get3A_310 = arith.index_cast %get3A : i32 to index
          %get3A_311 = arith.index_cast %shift_right_arithmetic3A_305 : i32 to index
          %get3A_312 = arith.index_cast %mul3A_309 : i32 to index
          %get3A_313 = tpu.vector_load %arg8[%get3A_310, %get3A_311, %get3A_312] {strides = array<i32>} : memref<2x4x128xi32, #tpu.memory_space<vmem>>, vector<16xi32>,
          %broadcast_in_dim3A_314 = vector.shape_cast %broadcast_in_dim3A_4 : vector<16xi32> to vector<16x1xi32>
          %gather3A = vector.shape_cast %broadcast_in_dim3A_314 : vector<16x1xi32> to vector<16xi32>
          %gather3A_315 = tpu.dynamic_gather %get3A_313[%gather3A] in [0] : vector<16xi32>, vector<16xi32> -> vector<16xi32>
          %add3A_316 = arith.constant 0 : i32
          %add3A_317 = arith.addi %mul3A_309, %add3A_316 : i32
          %get3A_318 = arith.constant 0 : i32
          %get3A_319 = arith.index_cast %get3A_318 : i32 to index
          %get3A_320 = arith.index_cast %shift_right_arithmetic3A_305 : i32 to index
          %get3A_321 = arith.index_cast %add3A_317 : i32 to index
          %get3A_322 = arith.constant 0 : index
          %get3A_323 = tpu.vector_load %arg9[%get3A_319, %get3A_320, %get3A_321, %get3A_322] {strides = array<i32>} : memref<2x4x128x16xf32, #tpu.memory_space<vmem>>, vector<16xf32>,
          %broadcast_in_dim3A_324 = vector.shape_cast %broadcast_in_dim3A_6 : vector<16xi32> to vector<16x1xi32>
          %gather3A_325 = vector.shape_cast %broadcast_in_dim3A_324 : vector<16x1xi32> to vector<16xi32>
          %gather3A_326 = tpu.dynamic_gather %get3A_313[%gather3A_325] in [0] : vector<16xi32>, vector<16xi32> -> vector<16xi32>
          %add3A_327 = arith.constant 1 : i32
          %add3A_328 = arith.addi %mul3A_309, %add3A_327 : i32
          %get3A_329 = arith.constant 0 : i32
          %get3A_330 = arith.index_cast %get3A_329 : i32 to index
          %get3A_331 = arith.index_cast %shift_right_arithmetic3A_305 : i32 to index
          %get3A_332 = arith.index_cast %add3A_328 : i32 to index
          %get3A_333 = arith.constant 0 : index
          %get3A_334 = tpu.vector_load %arg9[%get3A_330, %get3A_331, %get3A_332, %get3A_333] {strides = array<i32>} : memref<2x4x128x16xf32, #tpu.memory_space<vmem>>, vector<16xf32>,
          %broadcast_in_dim3A_335 = vector.shape_cast %broadcast_in_dim3A_8 : vector<16xi32> to vector<16x1xi32>
          %gather3A_336 = vector.shape_cast %broadcast_in_dim3A_335 : vector<16x1xi32> to vector<16xi32>
          %gather3A_337 = tpu.dynamic_gather %get3A_313[%gather3A_336] in [0] : vector<16xi32>, vector<16xi32> -> vector<16xi32>
          %add3A_338 = arith.constant 2 : i32
          %add3A_339 = arith.addi %mul3A_309, %add3A_338 : i32
          %get3A_340 = arith.constant 0 : i32
          %get3A_341 = arith.index_cast %get3A_340 : i32 to index
          %get3A_342 = arith.index_cast %shift_right_arithmetic3A_305 : i32 to index
          %get3A_343 = arith.index_cast %add3A_339 : i32 to index
          %get3A_344 = arith.constant 0 : index
          %get3A_345 = tpu.vector_load %arg9[%get3A_341, %get3A_342, %get3A_343, %get3A_344] {strides = array<i32>} : memref<2x4x128x16xf32, #tpu.memory_space<vmem>>, vector<16xf32>,
          %broadcast_in_dim3A_346 = vector.shape_cast %broadcast_in_dim3A_10 : vector<16xi32> to vector<16x1xi32>
          %gather3A_347 = vector.shape_cast %broadcast_in_dim3A_346 : vector<16x1xi32> to vector<16xi32>
          %gather3A_348 = tpu.dynamic_gather %get3A_313[%gather3A_347] in [0] : vector<16xi32>, vector<16xi32> -> vector<16xi32>
          %add3A_349 = arith.constant 3 : i32
          %add3A_350 = arith.addi %mul3A_309, %add3A_349 : i32
          %get3A_351 = arith.constant 0 : i32
          %get3A_352 = arith.index_cast %get3A_351 : i32 to index
          %get3A_353 = arith.index_cast %shift_right_arithmetic3A_305 : i32 to index
          %get3A_354 = arith.index_cast %add3A_350 : i32 to index
          %get3A_355 = arith.constant 0 : index
          %get3A_356 = tpu.vector_load %arg9[%get3A_352, %get3A_353, %get3A_354, %get3A_355] {strides = array<i32>} : memref<2x4x128x16xf32, #tpu.memory_space<vmem>>, vector<16xf32>,
          %broadcast_in_dim3A_357 = vector.shape_cast %broadcast_in_dim3A_12 : vector<16xi32> to vector<16x1xi32>
          %gather3A_358 = vector.shape_cast %broadcast_in_dim3A_357 : vector<16x1xi32> to vector<16xi32>
          %gather3A_359 = tpu.dynamic_gather %get3A_313[%gather3A_358] in [0] : vector<16xi32>, vector<16xi32> -> vector<16xi32>
          %add3A_360 = arith.constant 4 : i32
          %add3A_361 = arith.addi %mul3A_309, %add3A_360 : i32
          %get3A_362 = arith.constant 0 : i32
          %get3A_363 = arith.index_cast %get3A_362 : i32 to index
          %get3A_364 = arith.index_cast %shift_right_arithmetic3A_305 : i32 to index
          %get3A_365 = arith.index_cast %add3A_361 : i32 to index
          %get3A_366 = arith.constant 0 : index
          %get3A_367 = tpu.vector_load %arg9[%get3A_363, %get3A_364, %get3A_365, %get3A_366] {strides = array<i32>} : memref<2x4x128x16xf32, #tpu.memory_space<vmem>>, vector<16xf32>,
          %broadcast_in_dim3A_368 = vector.shape_cast %broadcast_in_dim3A_14 : vector<16xi32> to vector<16x1xi32>
          %gather3A_369 = vector.shape_cast %broadcast_in_dim3A_368 : vector<16x1xi32> to vector<16xi32>
          %gather3A_370 = tpu.dynamic_gather %get3A_313[%gather3A_369] in [0] : vector<16xi32>, vector<16xi32> -> vector<16xi32>
          %add3A_371 = arith.constant 5 : i32
          %add3A_372 = arith.addi %mul3A_309, %add3A_371 : i32
          %get3A_373 = arith.constant 0 : i32
          %get3A_374 = arith.index_cast %get3A_373 : i32 to index
          %get3A_375 = arith.index_cast %shift_right_arithmetic3A_305 : i32 to index
          %get3A_376 = arith.index_cast %add3A_372 : i32 to index
          %get3A_377 = arith.constant 0 : index
          %get3A_378 = tpu.vector_load %arg9[%get3A_374, %get3A_375, %get3A_376, %get3A_377] {strides = array<i32>} : memref<2x4x128x16xf32, #tpu.memory_space<vmem>>, vector<16xf32>,
          %broadcast_in_dim3A_379 = vector.shape_cast %broadcast_in_dim3A_16 : vector<16xi32> to vector<16x1xi32>
          %gather3A_380 = vector.shape_cast %broadcast_in_dim3A_379 : vector<16x1xi32> to vector<16xi32>
          %gather3A_381 = tpu.dynamic_gather %get3A_313[%gather3A_380] in [0] : vector<16xi32>, vector<16xi32> -> vector<16xi32>
          %add3A_382 = arith.constant 6 : i32
          %add3A_383 = arith.addi %mul3A_309, %add3A_382 : i32
          %get3A_384 = arith.constant 0 : i32
          %get3A_385 = arith.index_cast %get3A_384 : i32 to index
          %get3A_386 = arith.index_cast %shift_right_arithmetic3A_305 : i32 to index
          %get3A_387 = arith.index_cast %add3A_383 : i32 to index
          %get3A_388 = arith.constant 0 : index
          %get3A_389 = tpu.vector_load %arg9[%get3A_385, %get3A_386, %get3A_387, %get3A_388] {strides = array<i32>} : memref<2x4x128x16xf32, #tpu.memory_space<vmem>>, vector<16xf32>,
          %broadcast_in_dim3A_390 = vector.shape_cast %broadcast_in_dim3A_18 : vector<16xi32> to vector<16x1xi32>
          %gather3A_391 = vector.shape_cast %broadcast_in_dim3A_390 : vector<16x1xi32> to vector<16xi32>
          %gather3A_392 = tpu.dynamic_gather %get3A_313[%gather3A_391] in [0] : vector<16xi32>, vector<16xi32> -> vector<16xi32>
          %add3A_393 = arith.constant 7 : i32
          %add3A_394 = arith.addi %mul3A_309, %add3A_393 : i32
          %get3A_395 = arith.constant 0 : i32
          %get3A_396 = arith.index_cast %get3A_395 : i32 to index
          %get3A_397 = arith.index_cast %shift_right_arithmetic3A_305 : i32 to index
          %get3A_398 = arith.index_cast %add3A_394 : i32 to index
          %get3A_399 = arith.constant 0 : index
          %get3A_400 = tpu.vector_load %arg9[%get3A_396, %get3A_397, %get3A_398, %get3A_399] {strides = array<i32>} : memref<2x4x128x16xf32, #tpu.memory_space<vmem>>, vector<16xf32>,
          %broadcast_in_dim3A_401 = vector.shape_cast %broadcast_in_dim3A_20 : vector<16xi32> to vector<16x1xi32>
          %gather3A_402 = vector.shape_cast %broadcast_in_dim3A_401 : vector<16x1xi32> to vector<16xi32>
          %gather3A_403 = tpu.dynamic_gather %get3A_313[%gather3A_402] in [0] : vector<16xi32>, vector<16xi32> -> vector<16xi32>
          %add3A_404 = arith.constant 8 : i32
          %add3A_405 = arith.addi %mul3A_309, %add3A_404 : i32
          %get3A_406 = arith.constant 0 : i32
          %get3A_407 = arith.index_cast %get3A_406 : i32 to index
          %get3A_408 = arith.index_cast %shift_right_arithmetic3A_305 : i32 to index
          %get3A_409 = arith.index_cast %add3A_405 : i32 to index
          %get3A_410 = arith.constant 0 : index
          %get3A_411 = tpu.vector_load %arg9[%get3A_407, %get3A_408, %get3A_409, %get3A_410] {strides = array<i32>} : memref<2x4x128x16xf32, #tpu.memory_space<vmem>>, vector<16xf32>,
          %broadcast_in_dim3A_412 = vector.shape_cast %broadcast_in_dim3A_22 : vector<16xi32> to vector<16x1xi32>
          %gather3A_413 = vector.shape_cast %broadcast_in_dim3A_412 : vector<16x1xi32> to vector<16xi32>
          %gather3A_414 = tpu.dynamic_gather %get3A_313[%gather3A_413] in [0] : vector<16xi32>, vector<16xi32> -> vector<16xi32>
          %add3A_415 = arith.constant 9 : i32
          %add3A_416 = arith.addi %mul3A_309, %add3A_415 : i32
          %get3A_417 = arith.constant 0 : i32
          %get3A_418 = arith.index_cast %get3A_417 : i32 to index
          %get3A_419 = arith.index_cast %shift_right_arithmetic3A_305 : i32 to index
          %get3A_420 = arith.index_cast %add3A_416 : i32 to index
          %get3A_421 = arith.constant 0 : index
          %get3A_422 = tpu.vector_load %arg9[%get3A_418, %get3A_419, %get3A_420, %get3A_421] {strides = array<i32>} : memref<2x4x128x16xf32, #tpu.memory_space<vmem>>, vector<16xf32>,
          %broadcast_in_dim3A_423 = vector.shape_cast %broadcast_in_dim3A_24 : vector<16xi32> to vector<16x1xi32>
          %gather3A_424 = vector.shape_cast %broadcast_in_dim3A_423 : vector<16x1xi32> to vector<16xi32>
          %gather3A_425 = tpu.dynamic_gather %get3A_313[%gather3A_424] in [0] : vector<16xi32>, vector<16xi32> -> vector<16xi32>
          %add3A_426 = arith.constant 10 : i32
          %add3A_427 = arith.addi %mul3A_309, %add3A_426 : i32
          %get3A_428 = arith.constant 0 : i32
          %get3A_429 = arith.index_cast %get3A_428 : i32 to index
          %get3A_430 = arith.index_cast %shift_right_arithmetic3A_305 : i32 to index
          %get3A_431 = arith.index_cast %add3A_427 : i32 to index
          %get3A_432 = arith.constant 0 : index
          %get3A_433 = tpu.vector_load %arg9[%get3A_429, %get3A_430, %get3A_431, %get3A_432] {strides = array<i32>} : memref<2x4x128x16xf32, #tpu.memory_space<vmem>>, vector<16xf32>,
          %broadcast_in_dim3A_434 = vector.shape_cast %broadcast_in_dim3A_26 : vector<16xi32> to vector<16x1xi32>
          %gather3A_435 = vector.shape_cast %broadcast_in_dim3A_434 : vector<16x1xi32> to vector<16xi32>
          %gather3A_436 = tpu.dynamic_gather %get3A_313[%gather3A_435] in [0] : vector<16xi32>, vector<16xi32> -> vector<16xi32>
          %add3A_437 = arith.constant 11 : i32
          %add3A_438 = arith.addi %mul3A_309, %add3A_437 : i32
          %get3A_439 = arith.constant 0 : i32
          %get3A_440 = arith.index_cast %get3A_439 : i32 to index
          %get3A_441 = arith.index_cast %shift_right_arithmetic3A_305 : i32 to index
          %get3A_442 = arith.index_cast %add3A_438 : i32 to index
          %get3A_443 = arith.constant 0 : index
          %get3A_444 = tpu.vector_load %arg9[%get3A_440, %get3A_441, %get3A_442, %get3A_443] {strides = array<i32>} : memref<2x4x128x16xf32, #tpu.memory_space<vmem>>, vector<16xf32>,
          %broadcast_in_dim3A_445 = vector.shape_cast %broadcast_in_dim3A_28 : vector<16xi32> to vector<16x1xi32>
          %gather3A_446 = vector.shape_cast %broadcast_in_dim3A_445 : vector<16x1xi32> to vector<16xi32>
          %gather3A_447 = tpu.dynamic_gather %get3A_313[%gather3A_446] in [0] : vector<16xi32>, vector<16xi32> -> vector<16xi32>
          %add3A_448 = arith.constant 12 : i32
          %add3A_449 = arith.addi %mul3A_309, %add3A_448 : i32
          %get3A_450 = arith.constant 0 : i32
          %get3A_451 = arith.index_cast %get3A_450 : i32 to index
          %get3A_452 = arith.index_cast %shift_right_arithmetic3A_305 : i32 to index
          %get3A_453 = arith.index_cast %add3A_449 : i32 to index
          %get3A_454 = arith.constant 0 : index
          %get3A_455 = tpu.vector_load %arg9[%get3A_451, %get3A_452, %get3A_453, %get3A_454] {strides = array<i32>} : memref<2x4x128x16xf32, #tpu.memory_space<vmem>>, vector<16xf32>,
          %broadcast_in_dim3A_456 = vector.shape_cast %broadcast_in_dim3A_30 : vector<16xi32> to vector<16x1xi32>
          %gather3A_457 = vector.shape_cast %broadcast_in_dim3A_456 : vector<16x1xi32> to vector<16xi32>
          %gather3A_458 = tpu.dynamic_gather %get3A_313[%gather3A_457] in [0] : vector<16xi32>, vector<16xi32> -> vector<16xi32>
          %add3A_459 = arith.constant 13 : i32
          %add3A_460 = arith.addi %mul3A_309, %add3A_459 : i32
          %get3A_461 = arith.constant 0 : i32
          %get3A_462 = arith.index_cast %get3A_461 : i32 to index
          %get3A_463 = arith.index_cast %shift_right_arithmetic3A_305 : i32 to index
          %get3A_464 = arith.index_cast %add3A_460 : i32 to index
          %get3A_465 = arith.constant 0 : index
          %get3A_466 = tpu.vector_load %arg9[%get3A_462, %get3A_463, %get3A_464, %get3A_465] {strides = array<i32>} : memref<2x4x128x16xf32, #tpu.memory_space<vmem>>, vector<16xf32>,
          %broadcast_in_dim3A_467 = vector.shape_cast %broadcast_in_dim3A_32 : vector<16xi32> to vector<16x1xi32>
          %gather3A_468 = vector.shape_cast %broadcast_in_dim3A_467 : vector<16x1xi32> to vector<16xi32>
          %gather3A_469 = tpu.dynamic_gather %get3A_313[%gather3A_468] in [0] : vector<16xi32>, vector<16xi32> -> vector<16xi32>
          %add3A_470 = arith.constant 14 : i32
          %add3A_471 = arith.addi %mul3A_309, %add3A_470 : i32
          %get3A_472 = arith.constant 0 : i32
          %get3A_473 = arith.index_cast %get3A_472 : i32 to index
          %get3A_474 = arith.index_cast %shift_right_arithmetic3A_305 : i32 to index
          %get3A_475 = arith.index_cast %add3A_471 : i32 to index
          %get3A_476 = arith.constant 0 : index
          %get3A_477 = tpu.vector_load %arg9[%get3A_473, %get3A_474, %get3A_475, %get3A_476] {strides = array<i32>} : memref<2x4x128x16xf32, #tpu.memory_space<vmem>>, vector<16xf32>,
          %broadcast_in_dim3A_478 = vector.shape_cast %broadcast_in_dim3A_34 : vector<16xi32> to vector<16x1xi32>
          %gather3A_479 = vector.shape_cast %broadcast_in_dim3A_478 : vector<16x1xi32> to vector<16xi32>
          %gather3A_480 = tpu.dynamic_gather %get3A_313[%gather3A_479] in [0] : vector<16xi32>, vector<16xi32> -> vector<16xi32>
          %add3A_481 = arith.constant 15 : i32
          %add3A_482 = arith.addi %mul3A_309, %add3A_481 : i32
          %get3A_483 = arith.constant 0 : i32
          %get3A_484 = arith.index_cast %get3A_483 : i32 to index
          %get3A_485 = arith.index_cast %shift_right_arithmetic3A_305 : i32 to index
          %get3A_486 = arith.index_cast %add3A_482 : i32 to index
          %get3A_487 = arith.constant 0 : index
          %get3A_488 = tpu.vector_load %arg9[%get3A_484, %get3A_485, %get3A_486, %get3A_487] {strides = array<i32>} : memref<2x4x128x16xf32, #tpu.memory_space<vmem>>, vector<16xf32>,
          %add3A_489 = arith.constant 0 : i32
          %add3A_490 = vector.broadcast %add3A_489 : i32 to vector<16xi32>
          %add3A_491 = arith.addi %iota3A, %add3A_490 : vector<16xi32>
          tpu.vector_store_idx %arg10[%gather3A_315, %add3A_491], %get3A_323 {add = true} : memref<2048x16xf32, #tpu.memory_space<vmem>>[vector<16xi32>, vector<16xi32>], vector<16xf32>,
          %add3A_492 = arith.constant 0 : i32
          %add3A_493 = vector.broadcast %add3A_492 : i32 to vector<16xi32>
          %add3A_494 = arith.addi %iota3A, %add3A_493 : vector<16xi32>
          tpu.vector_store_idx %arg10[%gather3A_326, %add3A_494], %get3A_334 {add = true} : memref<2048x16xf32, #tpu.memory_space<vmem>>[vector<16xi32>, vector<16xi32>], vector<16xf32>,
          %add3A_495 = arith.constant 0 : i32
          %add3A_496 = vector.broadcast %add3A_495 : i32 to vector<16xi32>
          %add3A_497 = arith.addi %iota3A, %add3A_496 : vector<16xi32>
          tpu.vector_store_idx %arg10[%gather3A_337, %add3A_497], %get3A_345 {add = true} : memref<2048x16xf32, #tpu.memory_space<vmem>>[vector<16xi32>, vector<16xi32>], vector<16xf32>,
          %add3A_498 = arith.constant 0 : i32
          %add3A_499 = vector.broadcast %add3A_498 : i32 to vector<16xi32>
          %add3A_500 = arith.addi %iota3A, %add3A_499 : vector<16xi32>
          tpu.vector_store_idx %arg10[%gather3A_348, %add3A_500], %get3A_356 {add = true} : memref<2048x16xf32, #tpu.memory_space<vmem>>[vector<16xi32>, vector<16xi32>], vector<16xf32>,
          %add3A_501 = arith.constant 0 : i32
          %add3A_502 = vector.broadcast %add3A_501 : i32 to vector<16xi32>
          %add3A_503 = arith.addi %iota3A, %add3A_502 : vector<16xi32>
          tpu.vector_store_idx %arg10[%gather3A_359, %add3A_503], %get3A_367 {add = true} : memref<2048x16xf32, #tpu.memory_space<vmem>>[vector<16xi32>, vector<16xi32>], vector<16xf32>,
          %add3A_504 = arith.constant 0 : i32
          %add3A_505 = vector.broadcast %add3A_504 : i32 to vector<16xi32>
          %add3A_506 = arith.addi %iota3A, %add3A_505 : vector<16xi32>
          tpu.vector_store_idx %arg10[%gather3A_370, %add3A_506], %get3A_378 {add = true} : memref<2048x16xf32, #tpu.memory_space<vmem>>[vector<16xi32>, vector<16xi32>], vector<16xf32>,
          %add3A_507 = arith.constant 0 : i32
          %add3A_508 = vector.broadcast %add3A_507 : i32 to vector<16xi32>
          %add3A_509 = arith.addi %iota3A, %add3A_508 : vector<16xi32>
          tpu.vector_store_idx %arg10[%gather3A_381, %add3A_509], %get3A_389 {add = true} : memref<2048x16xf32, #tpu.memory_space<vmem>>[vector<16xi32>, vector<16xi32>], vector<16xf32>,
          %add3A_510 = arith.constant 0 : i32
          %add3A_511 = vector.broadcast %add3A_510 : i32 to vector<16xi32>
          %add3A_512 = arith.addi %iota3A, %add3A_511 : vector<16xi32>
          tpu.vector_store_idx %arg10[%gather3A_392, %add3A_512], %get3A_400 {add = true} : memref<2048x16xf32, #tpu.memory_space<vmem>>[vector<16xi32>, vector<16xi32>], vector<16xf32>,
          %add3A_513 = arith.constant 0 : i32
          %add3A_514 = vector.broadcast %add3A_513 : i32 to vector<16xi32>
          %add3A_515 = arith.addi %iota3A, %add3A_514 : vector<16xi32>
          tpu.vector_store_idx %arg10[%gather3A_403, %add3A_515], %get3A_411 {add = true} : memref<2048x16xf32, #tpu.memory_space<vmem>>[vector<16xi32>, vector<16xi32>], vector<16xf32>,
          %add3A_516 = arith.constant 0 : i32
          %add3A_517 = vector.broadcast %add3A_516 : i32 to vector<16xi32>
          %add3A_518 = arith.addi %iota3A, %add3A_517 : vector<16xi32>
          tpu.vector_store_idx %arg10[%gather3A_414, %add3A_518], %get3A_422 {add = true} : memref<2048x16xf32, #tpu.memory_space<vmem>>[vector<16xi32>, vector<16xi32>], vector<16xf32>,
          %add3A_519 = arith.constant 0 : i32
          %add3A_520 = vector.broadcast %add3A_519 : i32 to vector<16xi32>
          %add3A_521 = arith.addi %iota3A, %add3A_520 : vector<16xi32>
          tpu.vector_store_idx %arg10[%gather3A_425, %add3A_521], %get3A_433 {add = true} : memref<2048x16xf32, #tpu.memory_space<vmem>>[vector<16xi32>, vector<16xi32>], vector<16xf32>,
          %add3A_522 = arith.constant 0 : i32
          %add3A_523 = vector.broadcast %add3A_522 : i32 to vector<16xi32>
          %add3A_524 = arith.addi %iota3A, %add3A_523 : vector<16xi32>
          tpu.vector_store_idx %arg10[%gather3A_436, %add3A_524], %get3A_444 {add = true} : memref<2048x16xf32, #tpu.memory_space<vmem>>[vector<16xi32>, vector<16xi32>], vector<16xf32>,
          %add3A_525 = arith.constant 0 : i32
          %add3A_526 = vector.broadcast %add3A_525 : i32 to vector<16xi32>
          %add3A_527 = arith.addi %iota3A, %add3A_526 : vector<16xi32>
          tpu.vector_store_idx %arg10[%gather3A_447, %add3A_527], %get3A_455 {add = true} : memref<2048x16xf32, #tpu.memory_space<vmem>>[vector<16xi32>, vector<16xi32>], vector<16xf32>,
          %add3A_528 = arith.constant 0 : i32
          %add3A_529 = vector.broadcast %add3A_528 : i32 to vector<16xi32>
          %add3A_530 = arith.addi %iota3A, %add3A_529 : vector<16xi32>
          tpu.vector_store_idx %arg10[%gather3A_458, %add3A_530], %get3A_466 {add = true} : memref<2048x16xf32, #tpu.memory_space<vmem>>[vector<16xi32>, vector<16xi32>], vector<16xf32>,
          %add3A_531 = arith.constant 0 : i32
          %add3A_532 = vector.broadcast %add3A_531 : i32 to vector<16xi32>
          %add3A_533 = arith.addi %iota3A, %add3A_532 : vector<16xi32>
          tpu.vector_store_idx %arg10[%gather3A_469, %add3A_533], %get3A_477 {add = true} : memref<2048x16xf32, #tpu.memory_space<vmem>>[vector<16xi32>, vector<16xi32>], vector<16xf32>,
          %add3A_534 = arith.constant 0 : i32
          %add3A_535 = vector.broadcast %add3A_534 : i32 to vector<16xi32>
          %add3A_536 = arith.addi %iota3A, %add3A_535 : vector<16xi32>
          tpu.vector_store_idx %arg10[%gather3A_480, %add3A_536], %get3A_488 {add = true} : memref<2048x16xf32, #tpu.memory_space<vmem>>[vector<16xi32>, vector<16xi32>], vector<16xf32>,
          %and3A_537 = arith.constant 15 : i32
          %and3A_538 = arith.andi %scan3A_304, %and3A_537 : i32
          %eq3A_539 = arith.cmpi eq, %and3A_538, %arg1 : i32
          %convert_element_type3A_540 = arith.extui %eq3A_539 : i1 to i32
          %cond3A_541 = arith.constant 0 : i32
          %cond3A_542 = arith.cmpi ne, %convert_element_type3A_540, %cond3A_541 : i32
          scf.if %cond3A_542 {
            %and3A_543 = arith.constant 15 : i32
            %and3A_544 = vector.broadcast %and3A_543 : i32 to vector<16xi32>
            %and3A_545 = arith.andi %get3A_313, %and3A_544 : vector<16xi32>
            tpu.vector_store_idx %arg11[%get3A_313, %and3A_545], %broadcast_in_dim3A_2 {add = true} : memref<2048x16xf32, #tpu.memory_space<vmem>>[vector<16xi32>, vector<16xi32>], vector<16xf32>,
          } else {
          }
        }
        %scan3A_296 = arith.constant 32 : i32
        %add3A_297 = arith.constant 2 : i32
        %add3A_298 = arith.addi %scan3A_202, %add3A_297 : i32
        %lt3A_299 = arith.constant 49 : i32
        %lt3A_300 = arith.cmpi slt, %add3A_298, %lt3A_299 : i32
        %convert_element_type3A_301 = arith.extui %lt3A_300 : i1 to i32
        %cond3A_302 = arith.constant 0 : i32
        %cond3A_303 = arith.cmpi ne, %convert_element_type3A_301, %cond3A_302 : i32
        scf.if %cond3A_303 {
          %add3A_304 = arith.constant 2 : i32
          %add3A_305 = arith.addi %scan3A_202, %add3A_304 : i32
          %mul3A_306 = arith.constant 4 : i32
          %mul3A_307 = arith.muli %add3A_305, %mul3A_306 : i32
          %add3A_308 = arith.addi %mul3A_40, %mul3A_307 : i32
          %dma_start3A_309 = arith.constant 0 : i32
          %dma_start3A_310 = arith.constant 0 : i32
          %dma_start3A_311 = arith.constant 0 : i32
          %dma_start3A_312 = tpu.memref_slice %arg7[%dma_start3A_309, %dma_start3A_310, %dma_start3A_311] : memref<2x4x128xi32, #tpu.memory_space<vmem>> -> memref<1x4x128xi32, #tpu.memory_space<vmem>>
          %dma_start3A_313 = tpu.memref_squeeze %dma_start3A_312 : memref<1x4x128xi32, #tpu.memory_space<vmem>> -> memref<4x128xi32, #tpu.memory_space<vmem>>
          %dma_start3A_314 = arith.constant 0 : i32
          %dma_start3A_315 = tpu.memref_slice %arg3[%add3A_308, %dma_start3A_314] : memref<392x128xi32, #tpu.memory_space<hbm>> -> memref<4x128xi32, #tpu.memory_space<hbm>>
          %dma_start3A_316 = arith.constant 0 : i32
          %dma_start3A_317 = arith.constant 0 : i32
          %dma_start3A_318 = tpu.memref_slice %arg7[%dma_start3A_309, %dma_start3A_316, %dma_start3A_317] : memref<2x4x128xi32, #tpu.memory_space<vmem>> -> memref<1x4x128xi32, #tpu.memory_space<vmem>>
          %dma_start3A_319 = tpu.memref_squeeze %dma_start3A_318 : memref<1x4x128xi32, #tpu.memory_space<vmem>> -> memref<4x128xi32, #tpu.memory_space<vmem>>
          %dma_start3A_320 = arith.constant 0 : i32
          %dma_start3A_321 = tpu.memref_slice %arg3[%add3A_308, %dma_start3A_320] : memref<392x128xi32, #tpu.memory_space<hbm>> -> memref<4x128xi32, #tpu.memory_space<hbm>>
          tpu.enqueue_dma source(%dma_start3A_321 : memref<4x128xi32, #tpu.memory_space<hbm>>) target(%dma_start3A_319 : memref<4x128xi32, #tpu.memory_space<vmem>>) target_semaphore(%arg14 : memref<!tpu.dma_semaphore, #tpu.memory_space<semaphore_mem>>)
          %dma_start3A_322 = arith.constant 0 : i32
          %dma_start3A_323 = arith.constant 0 : i32
          %dma_start3A_324 = arith.constant 0 : i32
          %dma_start3A_325 = tpu.memref_slice %arg8[%dma_start3A_322, %dma_start3A_323, %dma_start3A_324] : memref<2x4x128xi32, #tpu.memory_space<vmem>> -> memref<1x4x128xi32, #tpu.memory_space<vmem>>
          %dma_start3A_326 = tpu.memref_squeeze %dma_start3A_325 : memref<1x4x128xi32, #tpu.memory_space<vmem>> -> memref<4x128xi32, #tpu.memory_space<vmem>>
          %dma_start3A_327 = arith.constant 0 : i32
          %dma_start3A_328 = tpu.memref_slice %arg4[%add3A_308, %dma_start3A_327] : memref<392x128xi32, #tpu.memory_space<hbm>> -> memref<4x128xi32, #tpu.memory_space<hbm>>
          %dma_start3A_329 = arith.constant 0 : i32
          %dma_start3A_330 = arith.constant 0 : i32
          %dma_start3A_331 = tpu.memref_slice %arg8[%dma_start3A_322, %dma_start3A_329, %dma_start3A_330] : memref<2x4x128xi32, #tpu.memory_space<vmem>> -> memref<1x4x128xi32, #tpu.memory_space<vmem>>
          %dma_start3A_332 = tpu.memref_squeeze %dma_start3A_331 : memref<1x4x128xi32, #tpu.memory_space<vmem>> -> memref<4x128xi32, #tpu.memory_space<vmem>>
          %dma_start3A_333 = arith.constant 0 : i32
          %dma_start3A_334 = tpu.memref_slice %arg4[%add3A_308, %dma_start3A_333] : memref<392x128xi32, #tpu.memory_space<hbm>> -> memref<4x128xi32, #tpu.memory_space<hbm>>
          tpu.enqueue_dma source(%dma_start3A_334 : memref<4x128xi32, #tpu.memory_space<hbm>>) target(%dma_start3A_332 : memref<4x128xi32, #tpu.memory_space<vmem>>) target_semaphore(%arg14 : memref<!tpu.dma_semaphore, #tpu.memory_space<semaphore_mem>>)
        } else {
        }
      } else {
      }
      %and3A_206 = arith.constant 1 : i32
      %and3A_207 = arith.andi %scan3A_202, %and3A_206 : i32
      %eq3A_208 = arith.constant 1 : i32
      %eq3A_209 = arith.cmpi eq, %and3A_207, %eq3A_208 : i32
      %convert_element_type3A_210 = arith.extui %eq3A_209 : i1 to i32
      %cond3A_211 = arith.constant 0 : i32
      %cond3A_212 = arith.cmpi ne, %convert_element_type3A_210, %cond3A_211 : i32
      scf.if %cond3A_212 {
        %dma_wait3A_213 = arith.constant 1 : i32
        %dma_wait3A_214 = arith.constant 0 : i32
        %dma_wait3A_215 = arith.constant 1 : i32
        %dma_wait3A_216 = arith.constant 0 : i32
        %dma_wait3A_217 = arith.constant 0 : i32
        %dma_wait3A_218 = arith.constant 0 : i32
        %dma_wait3A_219 = tpu.memref_slice %arg9[%dma_wait3A_215, %dma_wait3A_216, %dma_wait3A_217, %dma_wait3A_218] : memref<2x4x128x16xf32, #tpu.memory_space<vmem>> -> memref<1x1x128x16xf32, #tpu.memory_space<vmem>>
        %dma_wait3A_220 = tpu.memref_squeeze %dma_wait3A_219 : memref<1x1x128x16xf32, #tpu.memory_space<vmem>> -> memref<128x16xf32, #tpu.memory_space<vmem>>
        %dma_wait3A_221 = arith.constant 0 : i32
        %dma_wait3A_222 = tpu.memref_slice %arg7[%dma_wait3A_213, %dma_wait3A_214, %dma_wait3A_221] : memref<2x4x128xi32, #tpu.memory_space<vmem>> -> memref<1x1x128xi32, #tpu.memory_space<vmem>>
        %dma_wait3A_223 = tpu.memref_squeeze %dma_wait3A_222 : memref<1x1x128xi32, #tpu.memory_space<vmem>> -> memref<128xi32, #tpu.memory_space<vmem>>
        %dma_wait3A_224 = arith.constant 0 : i32
        %dma_wait3A_225 = arith.constant 0 : i32
        %dma_wait3A_226 = tpu.memref_slice %arg2[%arg1, %dma_wait3A_224, %dma_wait3A_225] : memref<16x10000x16xf32, #tpu.memory_space<hbm>> -> memref<1x10000x16xf32, #tpu.memory_space<hbm>>
        %dma_wait3A_227 = tpu.memref_squeeze %dma_wait3A_226 : memref<1x10000x16xf32, #tpu.memory_space<hbm>> -> memref<10000x16xf32, #tpu.memory_space<hbm>>
        %dma_wait3A_228 = arith.constant 0 : i32
        %dma_wait3A_229 = arith.constant 0 : i32
        %dma_wait3A_230 = tpu.memref_slice %dma_wait3A_227[%dma_wait3A_228, %dma_wait3A_229] : memref<10000x16xf32, #tpu.memory_space<hbm>> -> memref<10000x16xf32, #tpu.memory_space<hbm>>
        tpu.wait_indirect_dma semaphore(%arg13 : memref<!tpu.dma_semaphore, #tpu.memory_space<semaphore_mem>>) src(%dma_wait3A_230 : memref<10000x16xf32, #tpu.memory_space<hbm>>) dst(%dma_wait3A_220 : memref<128x16xf32, #tpu.memory_space<vmem>>)
        %dma_wait3A_231 = arith.constant 1 : i32
        %dma_wait3A_232 = arith.constant 1 : i32
        %dma_wait3A_233 = arith.constant 1 : i32
        %dma_wait3A_234 = arith.constant 1 : i32
        %dma_wait3A_235 = arith.constant 0 : i32
        %dma_wait3A_236 = arith.constant 0 : i32
        %dma_wait3A_237 = tpu.memref_slice %arg9[%dma_wait3A_233, %dma_wait3A_234, %dma_wait3A_235, %dma_wait3A_236] : memref<2x4x128x16xf32, #tpu.memory_space<vmem>> -> memref<1x1x128x16xf32, #tpu.memory_space<vmem>>
        %dma_wait3A_238 = tpu.memref_squeeze %dma_wait3A_237 : memref<1x1x128x16xf32, #tpu.memory_space<vmem>> -> memref<128x16xf32, #tpu.memory_space<vmem>>
        %dma_wait3A_239 = arith.constant 0 : i32
        %dma_wait3A_240 = tpu.memref_slice %arg7[%dma_wait3A_231, %dma_wait3A_232, %dma_wait3A_239] : memref<2x4x128xi32, #tpu.memory_space<vmem>> -> memref<1x1x128xi32, #tpu.memory_space<vmem>>
        %dma_wait3A_241 = tpu.memref_squeeze %dma_wait3A_240 : memref<1x1x128xi32, #tpu.memory_space<vmem>> -> memref<128xi32, #tpu.memory_space<vmem>>
        %dma_wait3A_242 = arith.constant 0 : i32
        %dma_wait3A_243 = arith.constant 0 : i32
        %dma_wait3A_244 = tpu.memref_slice %arg2[%arg1, %dma_wait3A_242, %dma_wait3A_243] : memref<16x10000x16xf32, #tpu.memory_space<hbm>> -> memref<1x10000x16xf32, #tpu.memory_space<hbm>>
        %dma_wait3A_245 = tpu.memref_squeeze %dma_wait3A_244 : memref<1x10000x16xf32, #tpu.memory_space<hbm>> -> memref<10000x16xf32, #tpu.memory_space<hbm>>
        %dma_wait3A_246 = arith.constant 0 : i32
        %dma_wait3A_247 = arith.constant 0 : i32
        %dma_wait3A_248 = tpu.memref_slice %dma_wait3A_245[%dma_wait3A_246, %dma_wait3A_247] : memref<10000x16xf32, #tpu.memory_space<hbm>> -> memref<10000x16xf32, #tpu.memory_space<hbm>>
        tpu.wait_indirect_dma semaphore(%arg13 : memref<!tpu.dma_semaphore, #tpu.memory_space<semaphore_mem>>) src(%dma_wait3A_248 : memref<10000x16xf32, #tpu.memory_space<hbm>>) dst(%dma_wait3A_238 : memref<128x16xf32, #tpu.memory_space<vmem>>)
        %dma_wait3A_249 = arith.constant 1 : i32
        %dma_wait3A_250 = arith.constant 2 : i32
        %dma_wait3A_251 = arith.constant 1 : i32
        %dma_wait3A_252 = arith.constant 2 : i32
        %dma_wait3A_253 = arith.constant 0 : i32
        %dma_wait3A_254 = arith.constant 0 : i32
        %dma_wait3A_255 = tpu.memref_slice %arg9[%dma_wait3A_251, %dma_wait3A_252, %dma_wait3A_253, %dma_wait3A_254] : memref<2x4x128x16xf32, #tpu.memory_space<vmem>> -> memref<1x1x128x16xf32, #tpu.memory_space<vmem>>
        %dma_wait3A_256 = tpu.memref_squeeze %dma_wait3A_255 : memref<1x1x128x16xf32, #tpu.memory_space<vmem>> -> memref<128x16xf32, #tpu.memory_space<vmem>>
        %dma_wait3A_257 = arith.constant 0 : i32
        %dma_wait3A_258 = tpu.memref_slice %arg7[%dma_wait3A_249, %dma_wait3A_250, %dma_wait3A_257] : memref<2x4x128xi32, #tpu.memory_space<vmem>> -> memref<1x1x128xi32, #tpu.memory_space<vmem>>
        %dma_wait3A_259 = tpu.memref_squeeze %dma_wait3A_258 : memref<1x1x128xi32, #tpu.memory_space<vmem>> -> memref<128xi32, #tpu.memory_space<vmem>>
        %dma_wait3A_260 = arith.constant 0 : i32
        %dma_wait3A_261 = arith.constant 0 : i32
        %dma_wait3A_262 = tpu.memref_slice %arg2[%arg1, %dma_wait3A_260, %dma_wait3A_261] : memref<16x10000x16xf32, #tpu.memory_space<hbm>> -> memref<1x10000x16xf32, #tpu.memory_space<hbm>>
        %dma_wait3A_263 = tpu.memref_squeeze %dma_wait3A_262 : memref<1x10000x16xf32, #tpu.memory_space<hbm>> -> memref<10000x16xf32, #tpu.memory_space<hbm>>
        %dma_wait3A_264 = arith.constant 0 : i32
        %dma_wait3A_265 = arith.constant 0 : i32
        %dma_wait3A_266 = tpu.memref_slice %dma_wait3A_263[%dma_wait3A_264, %dma_wait3A_265] : memref<10000x16xf32, #tpu.memory_space<hbm>> -> memref<10000x16xf32, #tpu.memory_space<hbm>>
        tpu.wait_indirect_dma semaphore(%arg13 : memref<!tpu.dma_semaphore, #tpu.memory_space<semaphore_mem>>) src(%dma_wait3A_266 : memref<10000x16xf32, #tpu.memory_space<hbm>>) dst(%dma_wait3A_256 : memref<128x16xf32, #tpu.memory_space<vmem>>)
        %dma_wait3A_267 = arith.constant 1 : i32
        %dma_wait3A_268 = arith.constant 3 : i32
        %dma_wait3A_269 = arith.constant 1 : i32
        %dma_wait3A_270 = arith.constant 3 : i32
        %dma_wait3A_271 = arith.constant 0 : i32
        %dma_wait3A_272 = arith.constant 0 : i32
        %dma_wait3A_273 = tpu.memref_slice %arg9[%dma_wait3A_269, %dma_wait3A_270, %dma_wait3A_271, %dma_wait3A_272] : memref<2x4x128x16xf32, #tpu.memory_space<vmem>> -> memref<1x1x128x16xf32, #tpu.memory_space<vmem>>
        %dma_wait3A_274 = tpu.memref_squeeze %dma_wait3A_273 : memref<1x1x128x16xf32, #tpu.memory_space<vmem>> -> memref<128x16xf32, #tpu.memory_space<vmem>>
        %dma_wait3A_275 = arith.constant 0 : i32
        %dma_wait3A_276 = tpu.memref_slice %arg7[%dma_wait3A_267, %dma_wait3A_268, %dma_wait3A_275] : memref<2x4x128xi32, #tpu.memory_space<vmem>> -> memref<1x1x128xi32, #tpu.memory_space<vmem>>
        %dma_wait3A_277 = tpu.memref_squeeze %dma_wait3A_276 : memref<1x1x128xi32, #tpu.memory_space<vmem>> -> memref<128xi32, #tpu.memory_space<vmem>>
        %dma_wait3A_278 = arith.constant 0 : i32
        %dma_wait3A_279 = arith.constant 0 : i32
        %dma_wait3A_280 = tpu.memref_slice %arg2[%arg1, %dma_wait3A_278, %dma_wait3A_279] : memref<16x10000x16xf32, #tpu.memory_space<hbm>> -> memref<1x10000x16xf32, #tpu.memory_space<hbm>>
        %dma_wait3A_281 = tpu.memref_squeeze %dma_wait3A_280 : memref<1x10000x16xf32, #tpu.memory_space<hbm>> -> memref<10000x16xf32, #tpu.memory_space<hbm>>
        %dma_wait3A_282 = arith.constant 0 : i32
        %dma_wait3A_283 = arith.constant 0 : i32
        %dma_wait3A_284 = tpu.memref_slice %dma_wait3A_281[%dma_wait3A_282, %dma_wait3A_283] : memref<10000x16xf32, #tpu.memory_space<hbm>> -> memref<10000x16xf32, #tpu.memory_space<hbm>>
        tpu.wait_indirect_dma semaphore(%arg13 : memref<!tpu.dma_semaphore, #tpu.memory_space<semaphore_mem>>) src(%dma_wait3A_284 : memref<10000x16xf32, #tpu.memory_space<hbm>>) dst(%dma_wait3A_274 : memref<128x16xf32, #tpu.memory_space<vmem>>)
        %add3A_285 = arith.constant 1 : i32
        %add3A_286 = arith.addi %scan3A_202, %add3A_285 : i32
        %lt3A = arith.constant 49 : i32
        %lt3A_287 = arith.cmpi slt, %add3A_286, %lt3A : i32
        %convert_element_type3A_288 = arith.extui %lt3A_287 : i1 to i32
        %cond3A_289 = arith.constant 0 : i32
        %cond3A_290 = arith.cmpi ne, %convert_element_type3A_288, %cond3A_289 : i32
        scf.if %cond3A_290 {
          %dma_wait3A_304 = arith.constant 0 : i32
          %dma_wait3A_305 = arith.constant 0 : i32
          %dma_wait3A_306 = arith.constant 0 : i32
          %dma_wait3A_307 = tpu.memref_slice %arg7[%dma_wait3A_304, %dma_wait3A_305, %dma_wait3A_306] : memref<2x4x128xi32, #tpu.memory_space<vmem>> -> memref<1x4x128xi32, #tpu.memory_space<vmem>>
          %dma_wait3A_308 = tpu.memref_squeeze %dma_wait3A_307 : memref<1x4x128xi32, #tpu.memory_space<vmem>> -> memref<4x128xi32, #tpu.memory_space<vmem>>
          %dma_wait3A_309 = arith.constant 0 : i32
          %dma_wait3A_310 = arith.constant 0 : i32
          %dma_wait3A_311 = tpu.memref_slice %arg3[%dma_wait3A_309, %dma_wait3A_310] : memref<392x128xi32, #tpu.memory_space<hbm>> -> memref<4x128xi32, #tpu.memory_space<hbm>>
          %dma_wait3A_312 = arith.constant 0 : i32
          %dma_wait3A_313 = arith.constant 0 : i32
          %dma_wait3A_314 = tpu.memref_slice %arg7[%dma_wait3A_304, %dma_wait3A_312, %dma_wait3A_313] : memref<2x4x128xi32, #tpu.memory_space<vmem>> -> memref<1x4x128xi32, #tpu.memory_space<vmem>>
          %dma_wait3A_315 = tpu.memref_squeeze %dma_wait3A_314 : memref<1x4x128xi32, #tpu.memory_space<vmem>> -> memref<4x128xi32, #tpu.memory_space<vmem>>
          %dma_wait3A_316 = arith.constant 0 : i32
          %dma_wait3A_317 = arith.constant 0 : i32
          %dma_wait3A_318 = tpu.memref_slice %arg3[%dma_wait3A_316, %dma_wait3A_317] : memref<392x128xi32, #tpu.memory_space<hbm>> -> memref<4x128xi32, #tpu.memory_space<hbm>>
          tpu.wait_dma2 semaphore(%arg14 : memref<!tpu.dma_semaphore, #tpu.memory_space<semaphore_mem>>) src(%dma_wait3A_318 : memref<4x128xi32, #tpu.memory_space<hbm>>) dst(%dma_wait3A_315 : memref<4x128xi32, #tpu.memory_space<vmem>>)
          %dma_wait3A_319 = arith.constant 0 : i32
          %dma_wait3A_320 = arith.constant 0 : i32
          %dma_wait3A_321 = arith.constant 0 : i32
          %dma_wait3A_322 = tpu.memref_slice %arg8[%dma_wait3A_319, %dma_wait3A_320, %dma_wait3A_321] : memref<2x4x128xi32, #tpu.memory_space<vmem>> -> memref<1x4x128xi32, #tpu.memory_space<vmem>>
          %dma_wait3A_323 = tpu.memref_squeeze %dma_wait3A_322 : memref<1x4x128xi32, #tpu.memory_space<vmem>> -> memref<4x128xi32, #tpu.memory_space<vmem>>
          %dma_wait3A_324 = arith.constant 0 : i32
          %dma_wait3A_325 = arith.constant 0 : i32
          %dma_wait3A_326 = tpu.memref_slice %arg4[%dma_wait3A_324, %dma_wait3A_325] : memref<392x128xi32, #tpu.memory_space<hbm>> -> memref<4x128xi32, #tpu.memory_space<hbm>>
          %dma_wait3A_327 = arith.constant 0 : i32
          %dma_wait3A_328 = arith.constant 0 : i32
          %dma_wait3A_329 = tpu.memref_slice %arg8[%dma_wait3A_319, %dma_wait3A_327, %dma_wait3A_328] : memref<2x4x128xi32, #tpu.memory_space<vmem>> -> memref<1x4x128xi32, #tpu.memory_space<vmem>>
          %dma_wait3A_330 = tpu.memref_squeeze %dma_wait3A_329 : memref<1x4x128xi32, #tpu.memory_space<vmem>> -> memref<4x128xi32, #tpu.memory_space<vmem>>
          %dma_wait3A_331 = arith.constant 0 : i32
          %dma_wait3A_332 = arith.constant 0 : i32
          %dma_wait3A_333 = tpu.memref_slice %arg4[%dma_wait3A_331, %dma_wait3A_332] : memref<392x128xi32, #tpu.memory_space<hbm>> -> memref<4x128xi32, #tpu.memory_space<hbm>>
          tpu.wait_dma2 semaphore(%arg14 : memref<!tpu.dma_semaphore, #tpu.memory_space<semaphore_mem>>) src(%dma_wait3A_333 : memref<4x128xi32, #tpu.memory_space<hbm>>) dst(%dma_wait3A_330 : memref<4x128xi32, #tpu.memory_space<vmem>>)
          %dma_start3A_334 = arith.constant 0 : i32
          %dma_start3A_335 = arith.constant 0 : i32
          %dma_start3A_336 = arith.constant 0 : i32
          %dma_start3A_337 = arith.constant 0 : i32
          %dma_start3A_338 = arith.constant 0 : i32
          %dma_start3A_339 = arith.constant 0 : i32
          %dma_start3A_340 = tpu.memref_slice %arg9[%dma_start3A_336, %dma_start3A_337, %dma_start3A_338, %dma_start3A_339] : memref<2x4x128x16xf32, #tpu.memory_space<vmem>> -> memref<1x1x128x16xf32, #tpu.memory_space<vmem>>
          %dma_start3A_341 = tpu.memref_squeeze %dma_start3A_340 : memref<1x1x128x16xf32, #tpu.memory_space<vmem>> -> memref<128x16xf32, #tpu.memory_space<vmem>>
          %dma_start3A_342 = arith.constant 0 : i32
          %dma_start3A_343 = tpu.memref_slice %arg7[%dma_start3A_334, %dma_start3A_335, %dma_start3A_342] : memref<2x4x128xi32, #tpu.memory_space<vmem>> -> memref<1x1x128xi32, #tpu.memory_space<vmem>>
          %dma_start3A_344 = tpu.memref_squeeze %dma_start3A_343 : memref<1x1x128xi32, #tpu.memory_space<vmem>> -> memref<128xi32, #tpu.memory_space<vmem>>
          %dma_start3A_345 = arith.constant 0 : i32
          %dma_start3A_346 = arith.constant 0 : i32
          %dma_start3A_347 = tpu.memref_slice %arg2[%arg1, %dma_start3A_345, %dma_start3A_346] : memref<16x10000x16xf32, #tpu.memory_space<hbm>> -> memref<1x10000x16xf32, #tpu.memory_space<hbm>>
          %dma_start3A_348 = tpu.memref_squeeze %dma_start3A_347 : memref<1x10000x16xf32, #tpu.memory_space<hbm>> -> memref<10000x16xf32, #tpu.memory_space<hbm>>
          %dma_start3A_349 = arith.constant 0 : i32
          %dma_start3A_350 = arith.constant 0 : i32
          %dma_start3A_351 = tpu.memref_slice %dma_start3A_348[%dma_start3A_349, %dma_start3A_350] : memref<10000x16xf32, #tpu.memory_space<hbm>> -> memref<10000x16xf32, #tpu.memory_space<hbm>>
          tpu.enqueue_indirect_dma source(%dma_start3A_351 : memref<10000x16xf32, #tpu.memory_space<hbm>>) target(%dma_start3A_341 : memref<128x16xf32, #tpu.memory_space<vmem>>) offsets(%dma_start3A_344 : memref<128xi32, #tpu.memory_space<vmem>>) semaphore(%arg12 : memref<!tpu.dma_semaphore, #tpu.memory_space<semaphore_mem>>)
          %dma_start3A_352 = arith.constant 0 : i32
          %dma_start3A_353 = arith.constant 1 : i32
          %dma_start3A_354 = arith.constant 0 : i32
          %dma_start3A_355 = arith.constant 1 : i32
          %dma_start3A_356 = arith.constant 0 : i32
          %dma_start3A_357 = arith.constant 0 : i32
          %dma_start3A_358 = tpu.memref_slice %arg9[%dma_start3A_354, %dma_start3A_355, %dma_start3A_356, %dma_start3A_357] : memref<2x4x128x16xf32, #tpu.memory_space<vmem>> -> memref<1x1x128x16xf32, #tpu.memory_space<vmem>>
          %dma_start3A_359 = tpu.memref_squeeze %dma_start3A_358 : memref<1x1x128x16xf32, #tpu.memory_space<vmem>> -> memref<128x16xf32, #tpu.memory_space<vmem>>
          %dma_start3A_360 = arith.constant 0 : i32
          %dma_start3A_361 = tpu.memref_slice %arg7[%dma_start3A_352, %dma_start3A_353, %dma_start3A_360] : memref<2x4x128xi32, #tpu.memory_space<vmem>> -> memref<1x1x128xi32, #tpu.memory_space<vmem>>
          %dma_start3A_362 = tpu.memref_squeeze %dma_start3A_361 : memref<1x1x128xi32, #tpu.memory_space<vmem>> -> memref<128xi32, #tpu.memory_space<vmem>>
          %dma_start3A_363 = arith.constant 0 : i32
          %dma_start3A_364 = arith.constant 0 : i32
          %dma_start3A_365 = tpu.memref_slice %arg2[%arg1, %dma_start3A_363, %dma_start3A_364] : memref<16x10000x16xf32, #tpu.memory_space<hbm>> -> memref<1x10000x16xf32, #tpu.memory_space<hbm>>
          %dma_start3A_366 = tpu.memref_squeeze %dma_start3A_365 : memref<1x10000x16xf32, #tpu.memory_space<hbm>> -> memref<10000x16xf32, #tpu.memory_space<hbm>>
          %dma_start3A_367 = arith.constant 0 : i32
          %dma_start3A_368 = arith.constant 0 : i32
          %dma_start3A_369 = tpu.memref_slice %dma_start3A_366[%dma_start3A_367, %dma_start3A_368] : memref<10000x16xf32, #tpu.memory_space<hbm>> -> memref<10000x16xf32, #tpu.memory_space<hbm>>
          tpu.enqueue_indirect_dma source(%dma_start3A_369 : memref<10000x16xf32, #tpu.memory_space<hbm>>) target(%dma_start3A_359 : memref<128x16xf32, #tpu.memory_space<vmem>>) offsets(%dma_start3A_362 : memref<128xi32, #tpu.memory_space<vmem>>) semaphore(%arg12 : memref<!tpu.dma_semaphore, #tpu.memory_space<semaphore_mem>>)
          %dma_start3A_370 = arith.constant 0 : i32
          %dma_start3A_371 = arith.constant 2 : i32
          %dma_start3A_372 = arith.constant 0 : i32
          %dma_start3A_373 = arith.constant 2 : i32
          %dma_start3A_374 = arith.constant 0 : i32
          %dma_start3A_375 = arith.constant 0 : i32
          %dma_start3A_376 = tpu.memref_slice %arg9[%dma_start3A_372, %dma_start3A_373, %dma_start3A_374, %dma_start3A_375] : memref<2x4x128x16xf32, #tpu.memory_space<vmem>> -> memref<1x1x128x16xf32, #tpu.memory_space<vmem>>
          %dma_start3A_377 = tpu.memref_squeeze %dma_start3A_376 : memref<1x1x128x16xf32, #tpu.memory_space<vmem>> -> memref<128x16xf32, #tpu.memory_space<vmem>>
          %dma_start3A_378 = arith.constant 0 : i32
          %dma_start3A_379 = tpu.memref_slice %arg7[%dma_start3A_370, %dma_start3A_371, %dma_start3A_378] : memref<2x4x128xi32, #tpu.memory_space<vmem>> -> memref<1x1x128xi32, #tpu.memory_space<vmem>>
          %dma_start3A_380 = tpu.memref_squeeze %dma_start3A_379 : memref<1x1x128xi32, #tpu.memory_space<vmem>> -> memref<128xi32, #tpu.memory_space<vmem>>
          %dma_start3A_381 = arith.constant 0 : i32
          %dma_start3A_382 = arith.constant 0 : i32
          %dma_start3A_383 = tpu.memref_slice %arg2[%arg1, %dma_start3A_381, %dma_start3A_382] : memref<16x10000x16xf32, #tpu.memory_space<hbm>> -> memref<1x10000x16xf32, #tpu.memory_space<hbm>>
          %dma_start3A_384 = tpu.memref_squeeze %dma_start3A_383 : memref<1x10000x16xf32, #tpu.memory_space<hbm>> -> memref<10000x16xf32, #tpu.memory_space<hbm>>
          %dma_start3A_385 = arith.constant 0 : i32
          %dma_start3A_386 = arith.constant 0 : i32
          %dma_start3A_387 = tpu.memref_slice %dma_start3A_384[%dma_start3A_385, %dma_start3A_386] : memref<10000x16xf32, #tpu.memory_space<hbm>> -> memref<10000x16xf32, #tpu.memory_space<hbm>>
          tpu.enqueue_indirect_dma source(%dma_start3A_387 : memref<10000x16xf32, #tpu.memory_space<hbm>>) target(%dma_start3A_377 : memref<128x16xf32, #tpu.memory_space<vmem>>) offsets(%dma_start3A_380 : memref<128xi32, #tpu.memory_space<vmem>>) semaphore(%arg12 : memref<!tpu.dma_semaphore, #tpu.memory_space<semaphore_mem>>)
          %dma_start3A_388 = arith.constant 0 : i32
          %dma_start3A_389 = arith.constant 3 : i32
          %dma_start3A_390 = arith.constant 0 : i32
          %dma_start3A_391 = arith.constant 3 : i32
          %dma_start3A_392 = arith.constant 0 : i32
          %dma_start3A_393 = arith.constant 0 : i32
          %dma_start3A_394 = tpu.memref_slice %arg9[%dma_start3A_390, %dma_start3A_391, %dma_start3A_392, %dma_start3A_393] : memref<2x4x128x16xf32, #tpu.memory_space<vmem>> -> memref<1x1x128x16xf32, #tpu.memory_space<vmem>>
          %dma_start3A_395 = tpu.memref_squeeze %dma_start3A_394 : memref<1x1x128x16xf32, #tpu.memory_space<vmem>> -> memref<128x16xf32, #tpu.memory_space<vmem>>
          %dma_start3A_396 = arith.constant 0 : i32
          %dma_start3A_397 = tpu.memref_slice %arg7[%dma_start3A_388, %dma_start3A_389, %dma_start3A_396] : memref<2x4x128xi32, #tpu.memory_space<vmem>> -> memref<1x1x128xi32, #tpu.memory_space<vmem>>
          %dma_start3A_398 = tpu.memref_squeeze %dma_start3A_397 : memref<1x1x128xi32, #tpu.memory_space<vmem>> -> memref<128xi32, #tpu.memory_space<vmem>>
          %dma_start3A_399 = arith.constant 0 : i32
          %dma_start3A_400 = arith.constant 0 : i32
          %dma_start3A_401 = tpu.memref_slice %arg2[%arg1, %dma_start3A_399, %dma_start3A_400] : memref<16x10000x16xf32, #tpu.memory_space<hbm>> -> memref<1x10000x16xf32, #tpu.memory_space<hbm>>
          %dma_start3A_402 = tpu.memref_squeeze %dma_start3A_401 : memref<1x10000x16xf32, #tpu.memory_space<hbm>> -> memref<10000x16xf32, #tpu.memory_space<hbm>>
          %dma_start3A_403 = arith.constant 0 : i32
          %dma_start3A_404 = arith.constant 0 : i32
          %dma_start3A_405 = tpu.memref_slice %dma_start3A_402[%dma_start3A_403, %dma_start3A_404] : memref<10000x16xf32, #tpu.memory_space<hbm>> -> memref<10000x16xf32, #tpu.memory_space<hbm>>
          tpu.enqueue_indirect_dma source(%dma_start3A_405 : memref<10000x16xf32, #tpu.memory_space<hbm>>) target(%dma_start3A_395 : memref<128x16xf32, #tpu.memory_space<vmem>>) offsets(%dma_start3A_398 : memref<128xi32, #tpu.memory_space<vmem>>) semaphore(%arg12 : memref<!tpu.dma_semaphore, #tpu.memory_space<semaphore_mem>>)
        } else {
        }
        %scan3A_291 = arith.constant 0 : i32
        %scan3A_292 = arith.constant 0 : i32
        %scan3A_293 = arith.constant 32 : i32
        %scan3A_294 = arith.addi %scan3A_292, %scan3A_293 : i32
        %scan3A_295 = arith.constant 1 : i32
        scf.for %scan3A_304 = %scan3A_292 to %scan3A_294 step %scan3A_295  : i32 {
          %shift_right_arithmetic3A = arith.constant 3 : i32
          %shift_right_arithmetic3A_305 = arith.shrsi %scan3A_304, %shift_right_arithmetic3A : i32
          %and3A_306 = arith.constant 7 : i32
          %and3A_307 = arith.andi %scan3A_304, %and3A_306 : i32
          %mul3A_308 = arith.constant 16 : i32
          %mul3A_309 = arith.muli %and3A_307, %mul3A_308 : i32
          %get3A = arith.constant 1 : i32
          %get3A_310 = arith.index_cast %get3A : i32 to index
          %get3A_311 = arith.index_cast %shift_right_arithmetic3A_305 : i32 to index
          %get3A_312 = arith.index_cast %mul3A_309 : i32 to index
          %get3A_313 = tpu.vector_load %arg8[%get3A_310, %get3A_311, %get3A_312] {strides = array<i32>} : memref<2x4x128xi32, #tpu.memory_space<vmem>>, vector<16xi32>,
          %broadcast_in_dim3A_314 = vector.shape_cast %broadcast_in_dim3A_4 : vector<16xi32> to vector<16x1xi32>
          %gather3A = vector.shape_cast %broadcast_in_dim3A_314 : vector<16x1xi32> to vector<16xi32>
          %gather3A_315 = tpu.dynamic_gather %get3A_313[%gather3A] in [0] : vector<16xi32>, vector<16xi32> -> vector<16xi32>
          %add3A_316 = arith.constant 0 : i32
          %add3A_317 = arith.addi %mul3A_309, %add3A_316 : i32
          %get3A_318 = arith.constant 1 : i32
          %get3A_319 = arith.index_cast %get3A_318 : i32 to index
          %get3A_320 = arith.index_cast %shift_right_arithmetic3A_305 : i32 to index
          %get3A_321 = arith.index_cast %add3A_317 : i32 to index
          %get3A_322 = arith.constant 0 : index
          %get3A_323 = tpu.vector_load %arg9[%get3A_319, %get3A_320, %get3A_321, %get3A_322] {strides = array<i32>} : memref<2x4x128x16xf32, #tpu.memory_space<vmem>>, vector<16xf32>,
          %broadcast_in_dim3A_324 = vector.shape_cast %broadcast_in_dim3A_6 : vector<16xi32> to vector<16x1xi32>
          %gather3A_325 = vector.shape_cast %broadcast_in_dim3A_324 : vector<16x1xi32> to vector<16xi32>
          %gather3A_326 = tpu.dynamic_gather %get3A_313[%gather3A_325] in [0] : vector<16xi32>, vector<16xi32> -> vector<16xi32>
          %add3A_327 = arith.constant 1 : i32
          %add3A_328 = arith.addi %mul3A_309, %add3A_327 : i32
          %get3A_329 = arith.constant 1 : i32
          %get3A_330 = arith.index_cast %get3A_329 : i32 to index
          %get3A_331 = arith.index_cast %shift_right_arithmetic3A_305 : i32 to index
          %get3A_332 = arith.index_cast %add3A_328 : i32 to index
          %get3A_333 = arith.constant 0 : index
          %get3A_334 = tpu.vector_load %arg9[%get3A_330, %get3A_331, %get3A_332, %get3A_333] {strides = array<i32>} : memref<2x4x128x16xf32, #tpu.memory_space<vmem>>, vector<16xf32>,
          %broadcast_in_dim3A_335 = vector.shape_cast %broadcast_in_dim3A_8 : vector<16xi32> to vector<16x1xi32>
          %gather3A_336 = vector.shape_cast %broadcast_in_dim3A_335 : vector<16x1xi32> to vector<16xi32>
          %gather3A_337 = tpu.dynamic_gather %get3A_313[%gather3A_336] in [0] : vector<16xi32>, vector<16xi32> -> vector<16xi32>
          %add3A_338 = arith.constant 2 : i32
          %add3A_339 = arith.addi %mul3A_309, %add3A_338 : i32
          %get3A_340 = arith.constant 1 : i32
          %get3A_341 = arith.index_cast %get3A_340 : i32 to index
          %get3A_342 = arith.index_cast %shift_right_arithmetic3A_305 : i32 to index
          %get3A_343 = arith.index_cast %add3A_339 : i32 to index
          %get3A_344 = arith.constant 0 : index
          %get3A_345 = tpu.vector_load %arg9[%get3A_341, %get3A_342, %get3A_343, %get3A_344] {strides = array<i32>} : memref<2x4x128x16xf32, #tpu.memory_space<vmem>>, vector<16xf32>,
          %broadcast_in_dim3A_346 = vector.shape_cast %broadcast_in_dim3A_10 : vector<16xi32> to vector<16x1xi32>
          %gather3A_347 = vector.shape_cast %broadcast_in_dim3A_346 : vector<16x1xi32> to vector<16xi32>
          %gather3A_348 = tpu.dynamic_gather %get3A_313[%gather3A_347] in [0] : vector<16xi32>, vector<16xi32> -> vector<16xi32>
          %add3A_349 = arith.constant 3 : i32
          %add3A_350 = arith.addi %mul3A_309, %add3A_349 : i32
          %get3A_351 = arith.constant 1 : i32
          %get3A_352 = arith.index_cast %get3A_351 : i32 to index
          %get3A_353 = arith.index_cast %shift_right_arithmetic3A_305 : i32 to index
          %get3A_354 = arith.index_cast %add3A_350 : i32 to index
          %get3A_355 = arith.constant 0 : index
          %get3A_356 = tpu.vector_load %arg9[%get3A_352, %get3A_353, %get3A_354, %get3A_355] {strides = array<i32>} : memref<2x4x128x16xf32, #tpu.memory_space<vmem>>, vector<16xf32>,
          %broadcast_in_dim3A_357 = vector.shape_cast %broadcast_in_dim3A_12 : vector<16xi32> to vector<16x1xi32>
          %gather3A_358 = vector.shape_cast %broadcast_in_dim3A_357 : vector<16x1xi32> to vector<16xi32>
          %gather3A_359 = tpu.dynamic_gather %get3A_313[%gather3A_358] in [0] : vector<16xi32>, vector<16xi32> -> vector<16xi32>
          %add3A_360 = arith.constant 4 : i32
          %add3A_361 = arith.addi %mul3A_309, %add3A_360 : i32
          %get3A_362 = arith.constant 1 : i32
          %get3A_363 = arith.index_cast %get3A_362 : i32 to index
          %get3A_364 = arith.index_cast %shift_right_arithmetic3A_305 : i32 to index
          %get3A_365 = arith.index_cast %add3A_361 : i32 to index
          %get3A_366 = arith.constant 0 : index
          %get3A_367 = tpu.vector_load %arg9[%get3A_363, %get3A_364, %get3A_365, %get3A_366] {strides = array<i32>} : memref<2x4x128x16xf32, #tpu.memory_space<vmem>>, vector<16xf32>,
          %broadcast_in_dim3A_368 = vector.shape_cast %broadcast_in_dim3A_14 : vector<16xi32> to vector<16x1xi32>
          %gather3A_369 = vector.shape_cast %broadcast_in_dim3A_368 : vector<16x1xi32> to vector<16xi32>
          %gather3A_370 = tpu.dynamic_gather %get3A_313[%gather3A_369] in [0] : vector<16xi32>, vector<16xi32> -> vector<16xi32>
          %add3A_371 = arith.constant 5 : i32
          %add3A_372 = arith.addi %mul3A_309, %add3A_371 : i32
          %get3A_373 = arith.constant 1 : i32
          %get3A_374 = arith.index_cast %get3A_373 : i32 to index
          %get3A_375 = arith.index_cast %shift_right_arithmetic3A_305 : i32 to index
          %get3A_376 = arith.index_cast %add3A_372 : i32 to index
          %get3A_377 = arith.constant 0 : index
          %get3A_378 = tpu.vector_load %arg9[%get3A_374, %get3A_375, %get3A_376, %get3A_377] {strides = array<i32>} : memref<2x4x128x16xf32, #tpu.memory_space<vmem>>, vector<16xf32>,
          %broadcast_in_dim3A_379 = vector.shape_cast %broadcast_in_dim3A_16 : vector<16xi32> to vector<16x1xi32>
          %gather3A_380 = vector.shape_cast %broadcast_in_dim3A_379 : vector<16x1xi32> to vector<16xi32>
          %gather3A_381 = tpu.dynamic_gather %get3A_313[%gather3A_380] in [0] : vector<16xi32>, vector<16xi32> -> vector<16xi32>
          %add3A_382 = arith.constant 6 : i32
          %add3A_383 = arith.addi %mul3A_309, %add3A_382 : i32
          %get3A_384 = arith.constant 1 : i32
          %get3A_385 = arith.index_cast %get3A_384 : i32 to index
          %get3A_386 = arith.index_cast %shift_right_arithmetic3A_305 : i32 to index
          %get3A_387 = arith.index_cast %add3A_383 : i32 to index
          %get3A_388 = arith.constant 0 : index
          %get3A_389 = tpu.vector_load %arg9[%get3A_385, %get3A_386, %get3A_387, %get3A_388] {strides = array<i32>} : memref<2x4x128x16xf32, #tpu.memory_space<vmem>>, vector<16xf32>,
          %broadcast_in_dim3A_390 = vector.shape_cast %broadcast_in_dim3A_18 : vector<16xi32> to vector<16x1xi32>
          %gather3A_391 = vector.shape_cast %broadcast_in_dim3A_390 : vector<16x1xi32> to vector<16xi32>
          %gather3A_392 = tpu.dynamic_gather %get3A_313[%gather3A_391] in [0] : vector<16xi32>, vector<16xi32> -> vector<16xi32>
          %add3A_393 = arith.constant 7 : i32
          %add3A_394 = arith.addi %mul3A_309, %add3A_393 : i32
          %get3A_395 = arith.constant 1 : i32
          %get3A_396 = arith.index_cast %get3A_395 : i32 to index
          %get3A_397 = arith.index_cast %shift_right_arithmetic3A_305 : i32 to index
          %get3A_398 = arith.index_cast %add3A_394 : i32 to index
          %get3A_399 = arith.constant 0 : index
          %get3A_400 = tpu.vector_load %arg9[%get3A_396, %get3A_397, %get3A_398, %get3A_399] {strides = array<i32>} : memref<2x4x128x16xf32, #tpu.memory_space<vmem>>, vector<16xf32>,
          %broadcast_in_dim3A_401 = vector.shape_cast %broadcast_in_dim3A_20 : vector<16xi32> to vector<16x1xi32>
          %gather3A_402 = vector.shape_cast %broadcast_in_dim3A_401 : vector<16x1xi32> to vector<16xi32>
          %gather3A_403 = tpu.dynamic_gather %get3A_313[%gather3A_402] in [0] : vector<16xi32>, vector<16xi32> -> vector<16xi32>
          %add3A_404 = arith.constant 8 : i32
          %add3A_405 = arith.addi %mul3A_309, %add3A_404 : i32
          %get3A_406 = arith.constant 1 : i32
          %get3A_407 = arith.index_cast %get3A_406 : i32 to index
          %get3A_408 = arith.index_cast %shift_right_arithmetic3A_305 : i32 to index
          %get3A_409 = arith.index_cast %add3A_405 : i32 to index
          %get3A_410 = arith.constant 0 : index
          %get3A_411 = tpu.vector_load %arg9[%get3A_407, %get3A_408, %get3A_409, %get3A_410] {strides = array<i32>} : memref<2x4x128x16xf32, #tpu.memory_space<vmem>>, vector<16xf32>,
          %broadcast_in_dim3A_412 = vector.shape_cast %broadcast_in_dim3A_22 : vector<16xi32> to vector<16x1xi32>
          %gather3A_413 = vector.shape_cast %broadcast_in_dim3A_412 : vector<16x1xi32> to vector<16xi32>
          %gather3A_414 = tpu.dynamic_gather %get3A_313[%gather3A_413] in [0] : vector<16xi32>, vector<16xi32> -> vector<16xi32>
          %add3A_415 = arith.constant 9 : i32
          %add3A_416 = arith.addi %mul3A_309, %add3A_415 : i32
          %get3A_417 = arith.constant 1 : i32
          %get3A_418 = arith.index_cast %get3A_417 : i32 to index
          %get3A_419 = arith.index_cast %shift_right_arithmetic3A_305 : i32 to index
          %get3A_420 = arith.index_cast %add3A_416 : i32 to index
          %get3A_421 = arith.constant 0 : index
          %get3A_422 = tpu.vector_load %arg9[%get3A_418, %get3A_419, %get3A_420, %get3A_421] {strides = array<i32>} : memref<2x4x128x16xf32, #tpu.memory_space<vmem>>, vector<16xf32>,
          %broadcast_in_dim3A_423 = vector.shape_cast %broadcast_in_dim3A_24 : vector<16xi32> to vector<16x1xi32>
          %gather3A_424 = vector.shape_cast %broadcast_in_dim3A_423 : vector<16x1xi32> to vector<16xi32>
          %gather3A_425 = tpu.dynamic_gather %get3A_313[%gather3A_424] in [0] : vector<16xi32>, vector<16xi32> -> vector<16xi32>
          %add3A_426 = arith.constant 10 : i32
          %add3A_427 = arith.addi %mul3A_309, %add3A_426 : i32
          %get3A_428 = arith.constant 1 : i32
          %get3A_429 = arith.index_cast %get3A_428 : i32 to index
          %get3A_430 = arith.index_cast %shift_right_arithmetic3A_305 : i32 to index
          %get3A_431 = arith.index_cast %add3A_427 : i32 to index
          %get3A_432 = arith.constant 0 : index
          %get3A_433 = tpu.vector_load %arg9[%get3A_429, %get3A_430, %get3A_431, %get3A_432] {strides = array<i32>} : memref<2x4x128x16xf32, #tpu.memory_space<vmem>>, vector<16xf32>,
          %broadcast_in_dim3A_434 = vector.shape_cast %broadcast_in_dim3A_26 : vector<16xi32> to vector<16x1xi32>
          %gather3A_435 = vector.shape_cast %broadcast_in_dim3A_434 : vector<16x1xi32> to vector<16xi32>
          %gather3A_436 = tpu.dynamic_gather %get3A_313[%gather3A_435] in [0] : vector<16xi32>, vector<16xi32> -> vector<16xi32>
          %add3A_437 = arith.constant 11 : i32
          %add3A_438 = arith.addi %mul3A_309, %add3A_437 : i32
          %get3A_439 = arith.constant 1 : i32
          %get3A_440 = arith.index_cast %get3A_439 : i32 to index
          %get3A_441 = arith.index_cast %shift_right_arithmetic3A_305 : i32 to index
          %get3A_442 = arith.index_cast %add3A_438 : i32 to index
          %get3A_443 = arith.constant 0 : index
          %get3A_444 = tpu.vector_load %arg9[%get3A_440, %get3A_441, %get3A_442, %get3A_443] {strides = array<i32>} : memref<2x4x128x16xf32, #tpu.memory_space<vmem>>, vector<16xf32>,
          %broadcast_in_dim3A_445 = vector.shape_cast %broadcast_in_dim3A_28 : vector<16xi32> to vector<16x1xi32>
          %gather3A_446 = vector.shape_cast %broadcast_in_dim3A_445 : vector<16x1xi32> to vector<16xi32>
          %gather3A_447 = tpu.dynamic_gather %get3A_313[%gather3A_446] in [0] : vector<16xi32>, vector<16xi32> -> vector<16xi32>
          %add3A_448 = arith.constant 12 : i32
          %add3A_449 = arith.addi %mul3A_309, %add3A_448 : i32
          %get3A_450 = arith.constant 1 : i32
          %get3A_451 = arith.index_cast %get3A_450 : i32 to index
          %get3A_452 = arith.index_cast %shift_right_arithmetic3A_305 : i32 to index
          %get3A_453 = arith.index_cast %add3A_449 : i32 to index
          %get3A_454 = arith.constant 0 : index
          %get3A_455 = tpu.vector_load %arg9[%get3A_451, %get3A_452, %get3A_453, %get3A_454] {strides = array<i32>} : memref<2x4x128x16xf32, #tpu.memory_space<vmem>>, vector<16xf32>,
          %broadcast_in_dim3A_456 = vector.shape_cast %broadcast_in_dim3A_30 : vector<16xi32> to vector<16x1xi32>
          %gather3A_457 = vector.shape_cast %broadcast_in_dim3A_456 : vector<16x1xi32> to vector<16xi32>
          %gather3A_458 = tpu.dynamic_gather %get3A_313[%gather3A_457] in [0] : vector<16xi32>, vector<16xi32> -> vector<16xi32>
          %add3A_459 = arith.constant 13 : i32
          %add3A_460 = arith.addi %mul3A_309, %add3A_459 : i32
          %get3A_461 = arith.constant 1 : i32
          %get3A_462 = arith.index_cast %get3A_461 : i32 to index
          %get3A_463 = arith.index_cast %shift_right_arithmetic3A_305 : i32 to index
          %get3A_464 = arith.index_cast %add3A_460 : i32 to index
          %get3A_465 = arith.constant 0 : index
          %get3A_466 = tpu.vector_load %arg9[%get3A_462, %get3A_463, %get3A_464, %get3A_465] {strides = array<i32>} : memref<2x4x128x16xf32, #tpu.memory_space<vmem>>, vector<16xf32>,
          %broadcast_in_dim3A_467 = vector.shape_cast %broadcast_in_dim3A_32 : vector<16xi32> to vector<16x1xi32>
          %gather3A_468 = vector.shape_cast %broadcast_in_dim3A_467 : vector<16x1xi32> to vector<16xi32>
          %gather3A_469 = tpu.dynamic_gather %get3A_313[%gather3A_468] in [0] : vector<16xi32>, vector<16xi32> -> vector<16xi32>
          %add3A_470 = arith.constant 14 : i32
          %add3A_471 = arith.addi %mul3A_309, %add3A_470 : i32
          %get3A_472 = arith.constant 1 : i32
          %get3A_473 = arith.index_cast %get3A_472 : i32 to index
          %get3A_474 = arith.index_cast %shift_right_arithmetic3A_305 : i32 to index
          %get3A_475 = arith.index_cast %add3A_471 : i32 to index
          %get3A_476 = arith.constant 0 : index
          %get3A_477 = tpu.vector_load %arg9[%get3A_473, %get3A_474, %get3A_475, %get3A_476] {strides = array<i32>} : memref<2x4x128x16xf32, #tpu.memory_space<vmem>>, vector<16xf32>,
          %broadcast_in_dim3A_478 = vector.shape_cast %broadcast_in_dim3A_34 : vector<16xi32> to vector<16x1xi32>
          %gather3A_479 = vector.shape_cast %broadcast_in_dim3A_478 : vector<16x1xi32> to vector<16xi32>
          %gather3A_480 = tpu.dynamic_gather %get3A_313[%gather3A_479] in [0] : vector<16xi32>, vector<16xi32> -> vector<16xi32>
          %add3A_481 = arith.constant 15 : i32
          %add3A_482 = arith.addi %mul3A_309, %add3A_481 : i32
          %get3A_483 = arith.constant 1 : i32
          %get3A_484 = arith.index_cast %get3A_483 : i32 to index
          %get3A_485 = arith.index_cast %shift_right_arithmetic3A_305 : i32 to index
          %get3A_486 = arith.index_cast %add3A_482 : i32 to index
          %get3A_487 = arith.constant 0 : index
          %get3A_488 = tpu.vector_load %arg9[%get3A_484, %get3A_485, %get3A_486, %get3A_487] {strides = array<i32>} : memref<2x4x128x16xf32, #tpu.memory_space<vmem>>, vector<16xf32>,
          %add3A_489 = arith.constant 0 : i32
          %add3A_490 = vector.broadcast %add3A_489 : i32 to vector<16xi32>
          %add3A_491 = arith.addi %iota3A, %add3A_490 : vector<16xi32>
          tpu.vector_store_idx %arg10[%gather3A_315, %add3A_491], %get3A_323 {add = true} : memref<2048x16xf32, #tpu.memory_space<vmem>>[vector<16xi32>, vector<16xi32>], vector<16xf32>,
          %add3A_492 = arith.constant 0 : i32
          %add3A_493 = vector.broadcast %add3A_492 : i32 to vector<16xi32>
          %add3A_494 = arith.addi %iota3A, %add3A_493 : vector<16xi32>
          tpu.vector_store_idx %arg10[%gather3A_326, %add3A_494], %get3A_334 {add = true} : memref<2048x16xf32, #tpu.memory_space<vmem>>[vector<16xi32>, vector<16xi32>], vector<16xf32>,
          %add3A_495 = arith.constant 0 : i32
          %add3A_496 = vector.broadcast %add3A_495 : i32 to vector<16xi32>
          %add3A_497 = arith.addi %iota3A, %add3A_496 : vector<16xi32>
          tpu.vector_store_idx %arg10[%gather3A_337, %add3A_497], %get3A_345 {add = true} : memref<2048x16xf32, #tpu.memory_space<vmem>>[vector<16xi32>, vector<16xi32>], vector<16xf32>,
          %add3A_498 = arith.constant 0 : i32
          %add3A_499 = vector.broadcast %add3A_498 : i32 to vector<16xi32>
          %add3A_500 = arith.addi %iota3A, %add3A_499 : vector<16xi32>
          tpu.vector_store_idx %arg10[%gather3A_348, %add3A_500], %get3A_356 {add = true} : memref<2048x16xf32, #tpu.memory_space<vmem>>[vector<16xi32>, vector<16xi32>], vector<16xf32>,
          %add3A_501 = arith.constant 0 : i32
          %add3A_502 = vector.broadcast %add3A_501 : i32 to vector<16xi32>
          %add3A_503 = arith.addi %iota3A, %add3A_502 : vector<16xi32>
          tpu.vector_store_idx %arg10[%gather3A_359, %add3A_503], %get3A_367 {add = true} : memref<2048x16xf32, #tpu.memory_space<vmem>>[vector<16xi32>, vector<16xi32>], vector<16xf32>,
          %add3A_504 = arith.constant 0 : i32
          %add3A_505 = vector.broadcast %add3A_504 : i32 to vector<16xi32>
          %add3A_506 = arith.addi %iota3A, %add3A_505 : vector<16xi32>
          tpu.vector_store_idx %arg10[%gather3A_370, %add3A_506], %get3A_378 {add = true} : memref<2048x16xf32, #tpu.memory_space<vmem>>[vector<16xi32>, vector<16xi32>], vector<16xf32>,
          %add3A_507 = arith.constant 0 : i32
          %add3A_508 = vector.broadcast %add3A_507 : i32 to vector<16xi32>
          %add3A_509 = arith.addi %iota3A, %add3A_508 : vector<16xi32>
          tpu.vector_store_idx %arg10[%gather3A_381, %add3A_509], %get3A_389 {add = true} : memref<2048x16xf32, #tpu.memory_space<vmem>>[vector<16xi32>, vector<16xi32>], vector<16xf32>,
          %add3A_510 = arith.constant 0 : i32
          %add3A_511 = vector.broadcast %add3A_510 : i32 to vector<16xi32>
          %add3A_512 = arith.addi %iota3A, %add3A_511 : vector<16xi32>
          tpu.vector_store_idx %arg10[%gather3A_392, %add3A_512], %get3A_400 {add = true} : memref<2048x16xf32, #tpu.memory_space<vmem>>[vector<16xi32>, vector<16xi32>], vector<16xf32>,
          %add3A_513 = arith.constant 0 : i32
          %add3A_514 = vector.broadcast %add3A_513 : i32 to vector<16xi32>
          %add3A_515 = arith.addi %iota3A, %add3A_514 : vector<16xi32>
          tpu.vector_store_idx %arg10[%gather3A_403, %add3A_515], %get3A_411 {add = true} : memref<2048x16xf32, #tpu.memory_space<vmem>>[vector<16xi32>, vector<16xi32>], vector<16xf32>,
          %add3A_516 = arith.constant 0 : i32
          %add3A_517 = vector.broadcast %add3A_516 : i32 to vector<16xi32>
          %add3A_518 = arith.addi %iota3A, %add3A_517 : vector<16xi32>
          tpu.vector_store_idx %arg10[%gather3A_414, %add3A_518], %get3A_422 {add = true} : memref<2048x16xf32, #tpu.memory_space<vmem>>[vector<16xi32>, vector<16xi32>], vector<16xf32>,
          %add3A_519 = arith.constant 0 : i32
          %add3A_520 = vector.broadcast %add3A_519 : i32 to vector<16xi32>
          %add3A_521 = arith.addi %iota3A, %add3A_520 : vector<16xi32>
          tpu.vector_store_idx %arg10[%gather3A_425, %add3A_521], %get3A_433 {add = true} : memref<2048x16xf32, #tpu.memory_space<vmem>>[vector<16xi32>, vector<16xi32>], vector<16xf32>,
          %add3A_522 = arith.constant 0 : i32
          %add3A_523 = vector.broadcast %add3A_522 : i32 to vector<16xi32>
          %add3A_524 = arith.addi %iota3A, %add3A_523 : vector<16xi32>
          tpu.vector_store_idx %arg10[%gather3A_436, %add3A_524], %get3A_444 {add = true} : memref<2048x16xf32, #tpu.memory_space<vmem>>[vector<16xi32>, vector<16xi32>], vector<16xf32>,
          %add3A_525 = arith.constant 0 : i32
          %add3A_526 = vector.broadcast %add3A_525 : i32 to vector<16xi32>
          %add3A_527 = arith.addi %iota3A, %add3A_526 : vector<16xi32>
          tpu.vector_store_idx %arg10[%gather3A_447, %add3A_527], %get3A_455 {add = true} : memref<2048x16xf32, #tpu.memory_space<vmem>>[vector<16xi32>, vector<16xi32>], vector<16xf32>,
          %add3A_528 = arith.constant 0 : i32
          %add3A_529 = vector.broadcast %add3A_528 : i32 to vector<16xi32>
          %add3A_530 = arith.addi %iota3A, %add3A_529 : vector<16xi32>
          tpu.vector_store_idx %arg10[%gather3A_458, %add3A_530], %get3A_466 {add = true} : memref<2048x16xf32, #tpu.memory_space<vmem>>[vector<16xi32>, vector<16xi32>], vector<16xf32>,
          %add3A_531 = arith.constant 0 : i32
          %add3A_532 = vector.broadcast %add3A_531 : i32 to vector<16xi32>
          %add3A_533 = arith.addi %iota3A, %add3A_532 : vector<16xi32>
          tpu.vector_store_idx %arg10[%gather3A_469, %add3A_533], %get3A_477 {add = true} : memref<2048x16xf32, #tpu.memory_space<vmem>>[vector<16xi32>, vector<16xi32>], vector<16xf32>,
          %add3A_534 = arith.constant 0 : i32
          %add3A_535 = vector.broadcast %add3A_534 : i32 to vector<16xi32>
          %add3A_536 = arith.addi %iota3A, %add3A_535 : vector<16xi32>
          tpu.vector_store_idx %arg10[%gather3A_480, %add3A_536], %get3A_488 {add = true} : memref<2048x16xf32, #tpu.memory_space<vmem>>[vector<16xi32>, vector<16xi32>], vector<16xf32>,
          %and3A_537 = arith.constant 15 : i32
          %and3A_538 = arith.andi %scan3A_304, %and3A_537 : i32
          %eq3A_539 = arith.cmpi eq, %and3A_538, %arg1 : i32
          %convert_element_type3A_540 = arith.extui %eq3A_539 : i1 to i32
          %cond3A_541 = arith.constant 0 : i32
          %cond3A_542 = arith.cmpi ne, %convert_element_type3A_540, %cond3A_541 : i32
          scf.if %cond3A_542 {
            %and3A_543 = arith.constant 15 : i32
            %and3A_544 = vector.broadcast %and3A_543 : i32 to vector<16xi32>
            %and3A_545 = arith.andi %get3A_313, %and3A_544 : vector<16xi32>
            tpu.vector_store_idx %arg11[%get3A_313, %and3A_545], %broadcast_in_dim3A_2 {add = true} : memref<2048x16xf32, #tpu.memory_space<vmem>>[vector<16xi32>, vector<16xi32>], vector<16xf32>,
          } else {
          }
        }
        %scan3A_296 = arith.constant 32 : i32
        %add3A_297 = arith.constant 2 : i32
        %add3A_298 = arith.addi %scan3A_202, %add3A_297 : i32
        %lt3A_299 = arith.constant 49 : i32
        %lt3A_300 = arith.cmpi slt, %add3A_298, %lt3A_299 : i32
        %convert_element_type3A_301 = arith.extui %lt3A_300 : i1 to i32
        %cond3A_302 = arith.constant 0 : i32
        %cond3A_303 = arith.cmpi ne, %convert_element_type3A_301, %cond3A_302 : i32
        scf.if %cond3A_303 {
          %add3A_304 = arith.constant 2 : i32
          %add3A_305 = arith.addi %scan3A_202, %add3A_304 : i32
          %mul3A_306 = arith.constant 4 : i32
          %mul3A_307 = arith.muli %add3A_305, %mul3A_306 : i32
          %add3A_308 = arith.addi %mul3A_40, %mul3A_307 : i32
          %dma_start3A_309 = arith.constant 1 : i32
          %dma_start3A_310 = arith.constant 0 : i32
          %dma_start3A_311 = arith.constant 0 : i32
          %dma_start3A_312 = tpu.memref_slice %arg7[%dma_start3A_309, %dma_start3A_310, %dma_start3A_311] : memref<2x4x128xi32, #tpu.memory_space<vmem>> -> memref<1x4x128xi32, #tpu.memory_space<vmem>>
          %dma_start3A_313 = tpu.memref_squeeze %dma_start3A_312 : memref<1x4x128xi32, #tpu.memory_space<vmem>> -> memref<4x128xi32, #tpu.memory_space<vmem>>
          %dma_start3A_314 = arith.constant 0 : i32
          %dma_start3A_315 = tpu.memref_slice %arg3[%add3A_308, %dma_start3A_314] : memref<392x128xi32, #tpu.memory_space<hbm>> -> memref<4x128xi32, #tpu.memory_space<hbm>>
          %dma_start3A_316 = arith.constant 0 : i32
          %dma_start3A_317 = arith.constant 0 : i32
          %dma_start3A_318 = tpu.memref_slice %arg7[%dma_start3A_309, %dma_start3A_316, %dma_start3A_317] : memref<2x4x128xi32, #tpu.memory_space<vmem>> -> memref<1x4x128xi32, #tpu.memory_space<vmem>>
          %dma_start3A_319 = tpu.memref_squeeze %dma_start3A_318 : memref<1x4x128xi32, #tpu.memory_space<vmem>> -> memref<4x128xi32, #tpu.memory_space<vmem>>
          %dma_start3A_320 = arith.constant 0 : i32
          %dma_start3A_321 = tpu.memref_slice %arg3[%add3A_308, %dma_start3A_320] : memref<392x128xi32, #tpu.memory_space<hbm>> -> memref<4x128xi32, #tpu.memory_space<hbm>>
          tpu.enqueue_dma source(%dma_start3A_321 : memref<4x128xi32, #tpu.memory_space<hbm>>) target(%dma_start3A_319 : memref<4x128xi32, #tpu.memory_space<vmem>>) target_semaphore(%arg15 : memref<!tpu.dma_semaphore, #tpu.memory_space<semaphore_mem>>)
          %dma_start3A_322 = arith.constant 1 : i32
          %dma_start3A_323 = arith.constant 0 : i32
          %dma_start3A_324 = arith.constant 0 : i32
          %dma_start3A_325 = tpu.memref_slice %arg8[%dma_start3A_322, %dma_start3A_323, %dma_start3A_324] : memref<2x4x128xi32, #tpu.memory_space<vmem>> -> memref<1x4x128xi32, #tpu.memory_space<vmem>>
          %dma_start3A_326 = tpu.memref_squeeze %dma_start3A_325 : memref<1x4x128xi32, #tpu.memory_space<vmem>> -> memref<4x128xi32, #tpu.memory_space<vmem>>
          %dma_start3A_327 = arith.constant 0 : i32
          %dma_start3A_328 = tpu.memref_slice %arg4[%add3A_308, %dma_start3A_327] : memref<392x128xi32, #tpu.memory_space<hbm>> -> memref<4x128xi32, #tpu.memory_space<hbm>>
          %dma_start3A_329 = arith.constant 0 : i32
          %dma_start3A_330 = arith.constant 0 : i32
          %dma_start3A_331 = tpu.memref_slice %arg8[%dma_start3A_322, %dma_start3A_329, %dma_start3A_330] : memref<2x4x128xi32, #tpu.memory_space<vmem>> -> memref<1x4x128xi32, #tpu.memory_space<vmem>>
          %dma_start3A_332 = tpu.memref_squeeze %dma_start3A_331 : memref<1x4x128xi32, #tpu.memory_space<vmem>> -> memref<4x128xi32, #tpu.memory_space<vmem>>
          %dma_start3A_333 = arith.constant 0 : i32
          %dma_start3A_334 = tpu.memref_slice %arg4[%add3A_308, %dma_start3A_333] : memref<392x128xi32, #tpu.memory_space<hbm>> -> memref<4x128xi32, #tpu.memory_space<hbm>>
          tpu.enqueue_dma source(%dma_start3A_334 : memref<4x128xi32, #tpu.memory_space<hbm>>) target(%dma_start3A_332 : memref<4x128xi32, #tpu.memory_space<vmem>>) target_semaphore(%arg15 : memref<!tpu.dma_semaphore, #tpu.memory_space<semaphore_mem>>)
        } else {
        }
      } else {
      }
    }
    %scan3A_201 = arith.constant 49 : i32
    "tpu.region"() ({
      %run_scoped3A = tpu.sem_alloc : memref<!tpu.dma_semaphore, #tpu.memory_space<semaphore_mem>>
      %dma_start3A_202 = arith.constant 0 : i32
      %dma_start3A_203 = arith.constant 0 : i32
      %dma_start3A_204 = tpu.memref_slice %arg5[%arg0, %arg1, %dma_start3A_202, %dma_start3A_203] : memref<2x16x2048x16xf32, #tpu.memory_space<hbm>> -> memref<1x1x2048x16xf32, #tpu.memory_space<hbm>>
      %dma_start3A_205 = tpu.memref_squeeze %dma_start3A_204 : memref<1x1x2048x16xf32, #tpu.memory_space<hbm>> -> memref<2048x16xf32, #tpu.memory_space<hbm>>
      %dma_start3A_206 = arith.constant 0 : i32
      %dma_start3A_207 = arith.constant 0 : i32
      %dma_start3A_208 = tpu.memref_slice %arg5[%arg0, %arg1, %dma_start3A_206, %dma_start3A_207] : memref<2x16x2048x16xf32, #tpu.memory_space<hbm>> -> memref<1x1x2048x16xf32, #tpu.memory_space<hbm>>
      %dma_start3A_209 = tpu.memref_squeeze %dma_start3A_208 : memref<1x1x2048x16xf32, #tpu.memory_space<hbm>> -> memref<2048x16xf32, #tpu.memory_space<hbm>>
      tpu.enqueue_dma source(%arg10 : memref<2048x16xf32, #tpu.memory_space<vmem>>) target(%dma_start3A_209 : memref<2048x16xf32, #tpu.memory_space<hbm>>) target_semaphore(%run_scoped3A : memref<!tpu.dma_semaphore, #tpu.memory_space<semaphore_mem>>)
      %dma_wait3A_210 = arith.constant 0 : i32
      %dma_wait3A_211 = arith.constant 0 : i32
      %dma_wait3A_212 = tpu.memref_slice %arg5[%arg0, %arg1, %dma_wait3A_210, %dma_wait3A_211] : memref<2x16x2048x16xf32, #tpu.memory_space<hbm>> -> memref<1x1x2048x16xf32, #tpu.memory_space<hbm>>
      %dma_wait3A_213 = tpu.memref_squeeze %dma_wait3A_212 : memref<1x1x2048x16xf32, #tpu.memory_space<hbm>> -> memref<2048x16xf32, #tpu.memory_space<hbm>>
      %dma_wait3A_214 = arith.constant 0 : i32
      %dma_wait3A_215 = arith.constant 0 : i32
      %dma_wait3A_216 = tpu.memref_slice %arg5[%arg0, %arg1, %dma_wait3A_214, %dma_wait3A_215] : memref<2x16x2048x16xf32, #tpu.memory_space<hbm>> -> memref<1x1x2048x16xf32, #tpu.memory_space<hbm>>
      %dma_wait3A_217 = tpu.memref_squeeze %dma_wait3A_216 : memref<1x1x2048x16xf32, #tpu.memory_space<hbm>> -> memref<2048x16xf32, #tpu.memory_space<hbm>>
      tpu.wait_dma2 semaphore(%run_scoped3A : memref<!tpu.dma_semaphore, #tpu.memory_space<semaphore_mem>>) src(%arg10 : memref<2048x16xf32, #tpu.memory_space<vmem>>) dst(%dma_wait3A_217 : memref<2048x16xf32, #tpu.memory_space<hbm>>)
      tpu.yield
    }) : () -> ()
    "tpu.region"() ({
      %run_scoped3A = tpu.sem_alloc : memref<!tpu.dma_semaphore, #tpu.memory_space<semaphore_mem>>
      %dma_start3A_202 = arith.constant 0 : i32
      %dma_start3A_203 = arith.constant 0 : i32
      %dma_start3A_204 = tpu.memref_slice %arg6[%arg0, %arg1, %dma_start3A_202, %dma_start3A_203] : memref<2x16x2048x16xf32, #tpu.memory_space<hbm>> -> memref<1x1x2048x16xf32, #tpu.memory_space<hbm>>
      %dma_start3A_205 = tpu.memref_squeeze %dma_start3A_204 : memref<1x1x2048x16xf32, #tpu.memory_space<hbm>> -> memref<2048x16xf32, #tpu.memory_space<hbm>>
      %dma_start3A_206 = arith.constant 0 : i32
      %dma_start3A_207 = arith.constant 0 : i32
      %dma_start3A_208 = tpu.memref_slice %arg6[%arg0, %arg1, %dma_start3A_206, %dma_start3A_207] : memref<2x16x2048x16xf32, #tpu.memory_space<hbm>> -> memref<1x1x2048x16xf32, #tpu.memory_space<hbm>>
      %dma_start3A_209 = tpu.memref_squeeze %dma_start3A_208 : memref<1x1x2048x16xf32, #tpu.memory_space<hbm>> -> memref<2048x16xf32, #tpu.memory_space<hbm>>
      tpu.enqueue_dma source(%arg11 : memref<2048x16xf32, #tpu.memory_space<vmem>>) target(%dma_start3A_209 : memref<2048x16xf32, #tpu.memory_space<hbm>>) target_semaphore(%run_scoped3A : memref<!tpu.dma_semaphore, #tpu.memory_space<semaphore_mem>>)
      %dma_wait3A_210 = arith.constant 0 : i32
      %dma_wait3A_211 = arith.constant 0 : i32
      %dma_wait3A_212 = tpu.memref_slice %arg6[%arg0, %arg1, %dma_wait3A_210, %dma_wait3A_211] : memref<2x16x2048x16xf32, #tpu.memory_space<hbm>> -> memref<1x1x2048x16xf32, #tpu.memory_space<hbm>>
      %dma_wait3A_213 = tpu.memref_squeeze %dma_wait3A_212 : memref<1x1x2048x16xf32, #tpu.memory_space<hbm>> -> memref<2048x16xf32, #tpu.memory_space<hbm>>
      %dma_wait3A_214 = arith.constant 0 : i32
      %dma_wait3A_215 = arith.constant 0 : i32
      %dma_wait3A_216 = tpu.memref_slice %arg6[%arg0, %arg1, %dma_wait3A_214, %dma_wait3A_215] : memref<2x16x2048x16xf32, #tpu.memory_space<hbm>> -> memref<1x1x2048x16xf32, #tpu.memory_space<hbm>>
      %dma_wait3A_217 = tpu.memref_squeeze %dma_wait3A_216 : memref<1x1x2048x16xf32, #tpu.memory_space<hbm>> -> memref<2048x16xf32, #tpu.memory_space<hbm>>
      tpu.wait_dma2 semaphore(%run_scoped3A : memref<!tpu.dma_semaphore, #tpu.memory_space<semaphore_mem>>) src(%arg11 : memref<2048x16xf32, #tpu.memory_space<vmem>>) dst(%dma_wait3A_217 : memref<2048x16xf32, #tpu.memory_space<hbm>>)
      tpu.yield
    }) : () -> ()
    return
  }
}

module attributes {stable_mosaic.version = 14 : i64} {
  func.func @_layer1_body(%arg0: i32, %arg1: memref<2x16x256x16xf32, #tpu.memory_space<vmem>>, %arg2: memref<2x16x256x16xf32, #tpu.memory_space<vmem>>, %arg3: memref<1x2xf32, #tpu.memory_space<vmem>>, %arg4: memref<16x256x32xf32, #tpu.memory_space<vmem>>) attributes {dimension_semantics = [#tpu.dimension_semantics<arbitrary>], iteration_bounds = array<i64: 8>, scalar_prefetch = 0 : i64, scratch_operands = 0 : i64, tpu.core_type = #tpu.core_type<tc>, window_params = [{transform_indices = @transform_0, window_bounds = array<i64: 2, 16, 256, 16>}, {transform_indices = @transform_1, window_bounds = array<i64: 2, 16, 256, 16>}, {pipeline_mode = #tpu.pipeline_mode<synchronous>, transform_indices = @transform_2, window_bounds = array<i64: 1, 2>}, {transform_indices = @transform_3, window_bounds = array<i64: 16, 256, 32>}]} {
    %get3A = arith.constant 0 : index
    %get3A_0 = arith.constant 0 : index
    %get3A_1 = arith.constant 0 : index
    %get3A_2 = arith.constant 0 : index
    %get3A_3 = vector.load %arg2[%get3A, %get3A_0, %get3A_1, %get3A_2] : memref<2x16x256x16xf32, #tpu.memory_space<vmem>>, vector<2x16x256x16xf32>
    %reduce_sum3A = arith.constant dense<0.000000e+00> : vector<16x256x16xf32>
    %reduce_sum3A_4 = vector.multi_reduction <add>, %get3A_3, %reduce_sum3A [0] : vector<2x16x256x16xf32> to vector<16x256x16xf32>
    %reduce_sum3A_5 = arith.constant dense<0.000000e+00> : vector<256x16xf32>
    %reduce_sum3A_6 = vector.multi_reduction <add>, %reduce_sum3A_4, %reduce_sum3A_5 [0] : vector<16x256x16xf32> to vector<256x16xf32>
    %iota3A = tpu.iota {dimensions = array<i32: 0>} : vector<256x16xi32>
    %iota3A_7 = tpu.iota {dimensions = array<i32: 1>} : vector<256x16xi32>
    %jit3A = arith.constant 16 : i32
    %eq3A = arith.constant 0 : i32
    %eq3A_8 = arith.cmpi eq, %jit3A, %eq3A : i32
    %jit3A_9 = arith.constant 1 : i32
    %select_n3A = arith.select %eq3A_8, %jit3A_9, %jit3A : i32
    %rem3A = vector.broadcast %select_n3A : i32 to vector<256x16xi32>
    %rem3A_10 = arith.remsi %iota3A, %rem3A : vector<256x16xi32>
    %ne3A = arith.constant 0 : i32
    %ne3A_11 = vector.broadcast %ne3A : i32 to vector<256x16xi32>
    %ne3A_12 = arith.cmpi ne, %rem3A_10, %ne3A_11 : vector<256x16xi32>
    %lt3A = arith.constant 0 : i32
    %lt3A_13 = vector.broadcast %lt3A : i32 to vector<256x16xi32>
    %lt3A_14 = arith.cmpi slt, %rem3A_10, %lt3A_13 : vector<256x16xi32>
    %lt3A_15 = arith.constant 0 : i32
    %lt3A_16 = arith.cmpi slt, %select_n3A, %lt3A_15 : i32
    %ne3A_17 = vector.broadcast %lt3A_16 : i1 to vector<256x16xi1>
    %ne3A_18 = vector.broadcast %ne3A_17 : vector<256x16xi1> to vector<256x16xi1>
    %ne3A_19 = arith.xori %lt3A_14, %ne3A_18 : vector<256x16xi1>
    %and3A = arith.andi %ne3A_19, %ne3A_12 : vector<256x16xi1>
    %add3A = vector.broadcast %select_n3A : i32 to vector<256x16xi32>
    %add3A_20 = arith.addi %rem3A_10, %add3A : vector<256x16xi32>
    %select_n3A_21 = arith.select %and3A, %add3A_20, %rem3A_10 : vector<256x16xi1>, vector<256x16xi32>
    %eq3A_22 = arith.cmpi eq, %iota3A_7, %select_n3A_21 : vector<256x16xi32>
    %convert_element_type3A = arith.extui %eq3A_22 : vector<256x16xi1> to vector<256x16xi32>
    %convert_element_type3A_23 = arith.sitofp %convert_element_type3A : vector<256x16xi32> to vector<256x16xf32>
    %mul3A = arith.mulf %reduce_sum3A_6, %convert_element_type3A_23 : vector<256x16xf32>
    %reduce_sum3A_24 = arith.constant dense<0.000000e+00> : vector<256xf32>
    %reduce_sum3A_25 = vector.multi_reduction <add>, %mul3A, %reduce_sum3A_24 [1] : vector<256x16xf32> to vector<256xf32>
    %broadcast_in_dim3A = vector.shape_cast %reduce_sum3A_25 : vector<256xf32> to vector<256x1xf32>
    %max3A = arith.constant 1.000000e+00 : f32
    %max3A_26 = vector.broadcast %max3A : f32 to vector<256x1xf32>
    %max3A_27 = arith.maximumf %broadcast_in_dim3A, %max3A_26 : vector<256x1xf32>
    %get3A_28 = arith.constant 0 : index
    %get3A_29 = arith.constant 0 : index
    %get3A_30 = arith.constant 0 : index
    %get3A_31 = arith.constant 0 : index
    %get3A_32 = vector.load %arg1[%get3A_28, %get3A_29, %get3A_30, %get3A_31] : memref<2x16x256x16xf32, #tpu.memory_space<vmem>>, vector<1x1x256x16xf32>
    %get3A_33 = vector.shape_cast %get3A_32 : vector<1x1x256x16xf32> to vector<256x16xf32>
    %get3A_34 = arith.constant 1 : index
    %get3A_35 = arith.constant 0 : index
    %get3A_36 = arith.constant 0 : index
    %get3A_37 = arith.constant 0 : index
    %get3A_38 = vector.load %arg1[%get3A_34, %get3A_35, %get3A_36, %get3A_37] : memref<2x16x256x16xf32, #tpu.memory_space<vmem>>, vector<1x1x256x16xf32>
    %get3A_39 = vector.shape_cast %get3A_38 : vector<1x1x256x16xf32> to vector<256x16xf32>
    %add3A_40 = arith.addf %get3A_33, %get3A_39 : vector<256x16xf32>
    %div3A = vector.broadcast %max3A_27 : vector<256x1xf32> to vector<256x16xf32>
    %div3A_41 = arith.divf %add3A_40, %div3A : vector<256x16xf32>
    %get3A_42 = arith.constant 0 : index
    %get3A_43 = arith.constant 1 : index
    %get3A_44 = arith.constant 0 : index
    %get3A_45 = arith.constant 0 : index
    %get3A_46 = vector.load %arg1[%get3A_42, %get3A_43, %get3A_44, %get3A_45] : memref<2x16x256x16xf32, #tpu.memory_space<vmem>>, vector<1x1x256x16xf32>
    %get3A_47 = vector.shape_cast %get3A_46 : vector<1x1x256x16xf32> to vector<256x16xf32>
    %get3A_48 = arith.constant 1 : index
    %get3A_49 = arith.constant 1 : index
    %get3A_50 = arith.constant 0 : index
    %get3A_51 = arith.constant 0 : index
    %get3A_52 = vector.load %arg1[%get3A_48, %get3A_49, %get3A_50, %get3A_51] : memref<2x16x256x16xf32, #tpu.memory_space<vmem>>, vector<1x1x256x16xf32>
    %get3A_53 = vector.shape_cast %get3A_52 : vector<1x1x256x16xf32> to vector<256x16xf32>
    %add3A_54 = arith.addf %get3A_47, %get3A_53 : vector<256x16xf32>
    %div3A_55 = vector.broadcast %max3A_27 : vector<256x1xf32> to vector<256x16xf32>
    %div3A_56 = arith.divf %add3A_54, %div3A_55 : vector<256x16xf32>
    %get3A_57 = arith.constant 0 : index
    %get3A_58 = arith.constant 2 : index
    %get3A_59 = arith.constant 0 : index
    %get3A_60 = arith.constant 0 : index
    %get3A_61 = vector.load %arg1[%get3A_57, %get3A_58, %get3A_59, %get3A_60] : memref<2x16x256x16xf32, #tpu.memory_space<vmem>>, vector<1x1x256x16xf32>
    %get3A_62 = vector.shape_cast %get3A_61 : vector<1x1x256x16xf32> to vector<256x16xf32>
    %get3A_63 = arith.constant 1 : index
    %get3A_64 = arith.constant 2 : index
    %get3A_65 = arith.constant 0 : index
    %get3A_66 = arith.constant 0 : index
    %get3A_67 = vector.load %arg1[%get3A_63, %get3A_64, %get3A_65, %get3A_66] : memref<2x16x256x16xf32, #tpu.memory_space<vmem>>, vector<1x1x256x16xf32>
    %get3A_68 = vector.shape_cast %get3A_67 : vector<1x1x256x16xf32> to vector<256x16xf32>
    %add3A_69 = arith.addf %get3A_62, %get3A_68 : vector<256x16xf32>
    %div3A_70 = vector.broadcast %max3A_27 : vector<256x1xf32> to vector<256x16xf32>
    %div3A_71 = arith.divf %add3A_69, %div3A_70 : vector<256x16xf32>
    %get3A_72 = arith.constant 0 : index
    %get3A_73 = arith.constant 3 : index
    %get3A_74 = arith.constant 0 : index
    %get3A_75 = arith.constant 0 : index
    %get3A_76 = vector.load %arg1[%get3A_72, %get3A_73, %get3A_74, %get3A_75] : memref<2x16x256x16xf32, #tpu.memory_space<vmem>>, vector<1x1x256x16xf32>
    %get3A_77 = vector.shape_cast %get3A_76 : vector<1x1x256x16xf32> to vector<256x16xf32>
    %get3A_78 = arith.constant 1 : index
    %get3A_79 = arith.constant 3 : index
    %get3A_80 = arith.constant 0 : index
    %get3A_81 = arith.constant 0 : index
    %get3A_82 = vector.load %arg1[%get3A_78, %get3A_79, %get3A_80, %get3A_81] : memref<2x16x256x16xf32, #tpu.memory_space<vmem>>, vector<1x1x256x16xf32>
    %get3A_83 = vector.shape_cast %get3A_82 : vector<1x1x256x16xf32> to vector<256x16xf32>
    %add3A_84 = arith.addf %get3A_77, %get3A_83 : vector<256x16xf32>
    %div3A_85 = vector.broadcast %max3A_27 : vector<256x1xf32> to vector<256x16xf32>
    %div3A_86 = arith.divf %add3A_84, %div3A_85 : vector<256x16xf32>
    %get3A_87 = arith.constant 0 : index
    %get3A_88 = arith.constant 4 : index
    %get3A_89 = arith.constant 0 : index
    %get3A_90 = arith.constant 0 : index
    %get3A_91 = vector.load %arg1[%get3A_87, %get3A_88, %get3A_89, %get3A_90] : memref<2x16x256x16xf32, #tpu.memory_space<vmem>>, vector<1x1x256x16xf32>
    %get3A_92 = vector.shape_cast %get3A_91 : vector<1x1x256x16xf32> to vector<256x16xf32>
    %get3A_93 = arith.constant 1 : index
    %get3A_94 = arith.constant 4 : index
    %get3A_95 = arith.constant 0 : index
    %get3A_96 = arith.constant 0 : index
    %get3A_97 = vector.load %arg1[%get3A_93, %get3A_94, %get3A_95, %get3A_96] : memref<2x16x256x16xf32, #tpu.memory_space<vmem>>, vector<1x1x256x16xf32>
    %get3A_98 = vector.shape_cast %get3A_97 : vector<1x1x256x16xf32> to vector<256x16xf32>
    %add3A_99 = arith.addf %get3A_92, %get3A_98 : vector<256x16xf32>
    %div3A_100 = vector.broadcast %max3A_27 : vector<256x1xf32> to vector<256x16xf32>
    %div3A_101 = arith.divf %add3A_99, %div3A_100 : vector<256x16xf32>
    %get3A_102 = arith.constant 0 : index
    %get3A_103 = arith.constant 5 : index
    %get3A_104 = arith.constant 0 : index
    %get3A_105 = arith.constant 0 : index
    %get3A_106 = vector.load %arg1[%get3A_102, %get3A_103, %get3A_104, %get3A_105] : memref<2x16x256x16xf32, #tpu.memory_space<vmem>>, vector<1x1x256x16xf32>
    %get3A_107 = vector.shape_cast %get3A_106 : vector<1x1x256x16xf32> to vector<256x16xf32>
    %get3A_108 = arith.constant 1 : index
    %get3A_109 = arith.constant 5 : index
    %get3A_110 = arith.constant 0 : index
    %get3A_111 = arith.constant 0 : index
    %get3A_112 = vector.load %arg1[%get3A_108, %get3A_109, %get3A_110, %get3A_111] : memref<2x16x256x16xf32, #tpu.memory_space<vmem>>, vector<1x1x256x16xf32>
    %get3A_113 = vector.shape_cast %get3A_112 : vector<1x1x256x16xf32> to vector<256x16xf32>
    %add3A_114 = arith.addf %get3A_107, %get3A_113 : vector<256x16xf32>
    %div3A_115 = vector.broadcast %max3A_27 : vector<256x1xf32> to vector<256x16xf32>
    %div3A_116 = arith.divf %add3A_114, %div3A_115 : vector<256x16xf32>
    %get3A_117 = arith.constant 0 : index
    %get3A_118 = arith.constant 6 : index
    %get3A_119 = arith.constant 0 : index
    %get3A_120 = arith.constant 0 : index
    %get3A_121 = vector.load %arg1[%get3A_117, %get3A_118, %get3A_119, %get3A_120] : memref<2x16x256x16xf32, #tpu.memory_space<vmem>>, vector<1x1x256x16xf32>
    %get3A_122 = vector.shape_cast %get3A_121 : vector<1x1x256x16xf32> to vector<256x16xf32>
    %get3A_123 = arith.constant 1 : index
    %get3A_124 = arith.constant 6 : index
    %get3A_125 = arith.constant 0 : index
    %get3A_126 = arith.constant 0 : index
    %get3A_127 = vector.load %arg1[%get3A_123, %get3A_124, %get3A_125, %get3A_126] : memref<2x16x256x16xf32, #tpu.memory_space<vmem>>, vector<1x1x256x16xf32>
    %get3A_128 = vector.shape_cast %get3A_127 : vector<1x1x256x16xf32> to vector<256x16xf32>
    %add3A_129 = arith.addf %get3A_122, %get3A_128 : vector<256x16xf32>
    %div3A_130 = vector.broadcast %max3A_27 : vector<256x1xf32> to vector<256x16xf32>
    %div3A_131 = arith.divf %add3A_129, %div3A_130 : vector<256x16xf32>
    %get3A_132 = arith.constant 0 : index
    %get3A_133 = arith.constant 7 : index
    %get3A_134 = arith.constant 0 : index
    %get3A_135 = arith.constant 0 : index
    %get3A_136 = vector.load %arg1[%get3A_132, %get3A_133, %get3A_134, %get3A_135] : memref<2x16x256x16xf32, #tpu.memory_space<vmem>>, vector<1x1x256x16xf32>
    %get3A_137 = vector.shape_cast %get3A_136 : vector<1x1x256x16xf32> to vector<256x16xf32>
    %get3A_138 = arith.constant 1 : index
    %get3A_139 = arith.constant 7 : index
    %get3A_140 = arith.constant 0 : index
    %get3A_141 = arith.constant 0 : index
    %get3A_142 = vector.load %arg1[%get3A_138, %get3A_139, %get3A_140, %get3A_141] : memref<2x16x256x16xf32, #tpu.memory_space<vmem>>, vector<1x1x256x16xf32>
    %get3A_143 = vector.shape_cast %get3A_142 : vector<1x1x256x16xf32> to vector<256x16xf32>
    %add3A_144 = arith.addf %get3A_137, %get3A_143 : vector<256x16xf32>
    %div3A_145 = vector.broadcast %max3A_27 : vector<256x1xf32> to vector<256x16xf32>
    %div3A_146 = arith.divf %add3A_144, %div3A_145 : vector<256x16xf32>
    %get3A_147 = arith.constant 0 : index
    %get3A_148 = arith.constant 8 : index
    %get3A_149 = arith.constant 0 : index
    %get3A_150 = arith.constant 0 : index
    %get3A_151 = vector.load %arg1[%get3A_147, %get3A_148, %get3A_149, %get3A_150] : memref<2x16x256x16xf32, #tpu.memory_space<vmem>>, vector<1x1x256x16xf32>
    %get3A_152 = vector.shape_cast %get3A_151 : vector<1x1x256x16xf32> to vector<256x16xf32>
    %get3A_153 = arith.constant 1 : index
    %get3A_154 = arith.constant 8 : index
    %get3A_155 = arith.constant 0 : index
    %get3A_156 = arith.constant 0 : index
    %get3A_157 = vector.load %arg1[%get3A_153, %get3A_154, %get3A_155, %get3A_156] : memref<2x16x256x16xf32, #tpu.memory_space<vmem>>, vector<1x1x256x16xf32>
    %get3A_158 = vector.shape_cast %get3A_157 : vector<1x1x256x16xf32> to vector<256x16xf32>
    %add3A_159 = arith.addf %get3A_152, %get3A_158 : vector<256x16xf32>
    %div3A_160 = vector.broadcast %max3A_27 : vector<256x1xf32> to vector<256x16xf32>
    %div3A_161 = arith.divf %add3A_159, %div3A_160 : vector<256x16xf32>
    %get3A_162 = arith.constant 0 : index
    %get3A_163 = arith.constant 9 : index
    %get3A_164 = arith.constant 0 : index
    %get3A_165 = arith.constant 0 : index
    %get3A_166 = vector.load %arg1[%get3A_162, %get3A_163, %get3A_164, %get3A_165] : memref<2x16x256x16xf32, #tpu.memory_space<vmem>>, vector<1x1x256x16xf32>
    %get3A_167 = vector.shape_cast %get3A_166 : vector<1x1x256x16xf32> to vector<256x16xf32>
    %get3A_168 = arith.constant 1 : index
    %get3A_169 = arith.constant 9 : index
    %get3A_170 = arith.constant 0 : index
    %get3A_171 = arith.constant 0 : index
    %get3A_172 = vector.load %arg1[%get3A_168, %get3A_169, %get3A_170, %get3A_171] : memref<2x16x256x16xf32, #tpu.memory_space<vmem>>, vector<1x1x256x16xf32>
    %get3A_173 = vector.shape_cast %get3A_172 : vector<1x1x256x16xf32> to vector<256x16xf32>
    %add3A_174 = arith.addf %get3A_167, %get3A_173 : vector<256x16xf32>
    %div3A_175 = vector.broadcast %max3A_27 : vector<256x1xf32> to vector<256x16xf32>
    %div3A_176 = arith.divf %add3A_174, %div3A_175 : vector<256x16xf32>
    %get3A_177 = arith.constant 0 : index
    %get3A_178 = arith.constant 10 : index
    %get3A_179 = arith.constant 0 : index
    %get3A_180 = arith.constant 0 : index
    %get3A_181 = vector.load %arg1[%get3A_177, %get3A_178, %get3A_179, %get3A_180] : memref<2x16x256x16xf32, #tpu.memory_space<vmem>>, vector<1x1x256x16xf32>
    %get3A_182 = vector.shape_cast %get3A_181 : vector<1x1x256x16xf32> to vector<256x16xf32>
    %get3A_183 = arith.constant 1 : index
    %get3A_184 = arith.constant 10 : index
    %get3A_185 = arith.constant 0 : index
    %get3A_186 = arith.constant 0 : index
    %get3A_187 = vector.load %arg1[%get3A_183, %get3A_184, %get3A_185, %get3A_186] : memref<2x16x256x16xf32, #tpu.memory_space<vmem>>, vector<1x1x256x16xf32>
    %get3A_188 = vector.shape_cast %get3A_187 : vector<1x1x256x16xf32> to vector<256x16xf32>
    %add3A_189 = arith.addf %get3A_182, %get3A_188 : vector<256x16xf32>
    %div3A_190 = vector.broadcast %max3A_27 : vector<256x1xf32> to vector<256x16xf32>
    %div3A_191 = arith.divf %add3A_189, %div3A_190 : vector<256x16xf32>
    %get3A_192 = arith.constant 0 : index
    %get3A_193 = arith.constant 11 : index
    %get3A_194 = arith.constant 0 : index
    %get3A_195 = arith.constant 0 : index
    %get3A_196 = vector.load %arg1[%get3A_192, %get3A_193, %get3A_194, %get3A_195] : memref<2x16x256x16xf32, #tpu.memory_space<vmem>>, vector<1x1x256x16xf32>
    %get3A_197 = vector.shape_cast %get3A_196 : vector<1x1x256x16xf32> to vector<256x16xf32>
    %get3A_198 = arith.constant 1 : index
    %get3A_199 = arith.constant 11 : index
    %get3A_200 = arith.constant 0 : index
    %get3A_201 = arith.constant 0 : index
    %get3A_202 = vector.load %arg1[%get3A_198, %get3A_199, %get3A_200, %get3A_201] : memref<2x16x256x16xf32, #tpu.memory_space<vmem>>, vector<1x1x256x16xf32>
    %get3A_203 = vector.shape_cast %get3A_202 : vector<1x1x256x16xf32> to vector<256x16xf32>
    %add3A_204 = arith.addf %get3A_197, %get3A_203 : vector<256x16xf32>
    %div3A_205 = vector.broadcast %max3A_27 : vector<256x1xf32> to vector<256x16xf32>
    %div3A_206 = arith.divf %add3A_204, %div3A_205 : vector<256x16xf32>
    %get3A_207 = arith.constant 0 : index
    %get3A_208 = arith.constant 12 : index
    %get3A_209 = arith.constant 0 : index
    %get3A_210 = arith.constant 0 : index
    %get3A_211 = vector.load %arg1[%get3A_207, %get3A_208, %get3A_209, %get3A_210] : memref<2x16x256x16xf32, #tpu.memory_space<vmem>>, vector<1x1x256x16xf32>
    %get3A_212 = vector.shape_cast %get3A_211 : vector<1x1x256x16xf32> to vector<256x16xf32>
    %get3A_213 = arith.constant 1 : index
    %get3A_214 = arith.constant 12 : index
    %get3A_215 = arith.constant 0 : index
    %get3A_216 = arith.constant 0 : index
    %get3A_217 = vector.load %arg1[%get3A_213, %get3A_214, %get3A_215, %get3A_216] : memref<2x16x256x16xf32, #tpu.memory_space<vmem>>, vector<1x1x256x16xf32>
    %get3A_218 = vector.shape_cast %get3A_217 : vector<1x1x256x16xf32> to vector<256x16xf32>
    %add3A_219 = arith.addf %get3A_212, %get3A_218 : vector<256x16xf32>
    %div3A_220 = vector.broadcast %max3A_27 : vector<256x1xf32> to vector<256x16xf32>
    %div3A_221 = arith.divf %add3A_219, %div3A_220 : vector<256x16xf32>
    %get3A_222 = arith.constant 0 : index
    %get3A_223 = arith.constant 13 : index
    %get3A_224 = arith.constant 0 : index
    %get3A_225 = arith.constant 0 : index
    %get3A_226 = vector.load %arg1[%get3A_222, %get3A_223, %get3A_224, %get3A_225] : memref<2x16x256x16xf32, #tpu.memory_space<vmem>>, vector<1x1x256x16xf32>
    %get3A_227 = vector.shape_cast %get3A_226 : vector<1x1x256x16xf32> to vector<256x16xf32>
    %get3A_228 = arith.constant 1 : index
    %get3A_229 = arith.constant 13 : index
    %get3A_230 = arith.constant 0 : index
    %get3A_231 = arith.constant 0 : index
    %get3A_232 = vector.load %arg1[%get3A_228, %get3A_229, %get3A_230, %get3A_231] : memref<2x16x256x16xf32, #tpu.memory_space<vmem>>, vector<1x1x256x16xf32>
    %get3A_233 = vector.shape_cast %get3A_232 : vector<1x1x256x16xf32> to vector<256x16xf32>
    %add3A_234 = arith.addf %get3A_227, %get3A_233 : vector<256x16xf32>
    %div3A_235 = vector.broadcast %max3A_27 : vector<256x1xf32> to vector<256x16xf32>
    %div3A_236 = arith.divf %add3A_234, %div3A_235 : vector<256x16xf32>
    %get3A_237 = arith.constant 0 : index
    %get3A_238 = arith.constant 14 : index
    %get3A_239 = arith.constant 0 : index
    %get3A_240 = arith.constant 0 : index
    %get3A_241 = vector.load %arg1[%get3A_237, %get3A_238, %get3A_239, %get3A_240] : memref<2x16x256x16xf32, #tpu.memory_space<vmem>>, vector<1x1x256x16xf32>
    %get3A_242 = vector.shape_cast %get3A_241 : vector<1x1x256x16xf32> to vector<256x16xf32>
    %get3A_243 = arith.constant 1 : index
    %get3A_244 = arith.constant 14 : index
    %get3A_245 = arith.constant 0 : index
    %get3A_246 = arith.constant 0 : index
    %get3A_247 = vector.load %arg1[%get3A_243, %get3A_244, %get3A_245, %get3A_246] : memref<2x16x256x16xf32, #tpu.memory_space<vmem>>, vector<1x1x256x16xf32>
    %get3A_248 = vector.shape_cast %get3A_247 : vector<1x1x256x16xf32> to vector<256x16xf32>
    %add3A_249 = arith.addf %get3A_242, %get3A_248 : vector<256x16xf32>
    %div3A_250 = vector.broadcast %max3A_27 : vector<256x1xf32> to vector<256x16xf32>
    %div3A_251 = arith.divf %add3A_249, %div3A_250 : vector<256x16xf32>
    %get3A_252 = arith.constant 0 : index
    %get3A_253 = arith.constant 15 : index
    %get3A_254 = arith.constant 0 : index
    %get3A_255 = arith.constant 0 : index
    %get3A_256 = vector.load %arg1[%get3A_252, %get3A_253, %get3A_254, %get3A_255] : memref<2x16x256x16xf32, #tpu.memory_space<vmem>>, vector<1x1x256x16xf32>
    %get3A_257 = vector.shape_cast %get3A_256 : vector<1x1x256x16xf32> to vector<256x16xf32>
    %get3A_258 = arith.constant 1 : index
    %get3A_259 = arith.constant 15 : index
    %get3A_260 = arith.constant 0 : index
    %get3A_261 = arith.constant 0 : index
    %get3A_262 = vector.load %arg1[%get3A_258, %get3A_259, %get3A_260, %get3A_261] : memref<2x16x256x16xf32, #tpu.memory_space<vmem>>, vector<1x1x256x16xf32>
    %get3A_263 = vector.shape_cast %get3A_262 : vector<1x1x256x16xf32> to vector<256x16xf32>
    %add3A_264 = arith.addf %get3A_257, %get3A_263 : vector<256x16xf32>
    %div3A_265 = vector.broadcast %max3A_27 : vector<256x1xf32> to vector<256x16xf32>
    %div3A_266 = arith.divf %add3A_264, %div3A_265 : vector<256x16xf32>
    %reduce_min3A = arith.constant dense<0x7F800000> : vector<256xf32>
    %reduce_min3A_267 = vector.multi_reduction <minimumf>, %div3A_41, %reduce_min3A [1] : vector<256x16xf32> to vector<256xf32>
    %broadcast_in_dim3A_268 = vector.shape_cast %reduce_min3A_267 : vector<256xf32> to vector<256x1xf32>
    %reduce_max3A = arith.constant dense<0xFF800000> : vector<256xf32>
    %reduce_max3A_269 = vector.multi_reduction <maximumf>, %div3A_41, %reduce_max3A [1] : vector<256x16xf32> to vector<256xf32>
    %broadcast_in_dim3A_270 = vector.shape_cast %reduce_max3A_269 : vector<256xf32> to vector<256x1xf32>
    %reduce_min3A_271 = arith.constant dense<0x7F800000> : vector<256xf32>
    %reduce_min3A_272 = vector.multi_reduction <minimumf>, %div3A_56, %reduce_min3A_271 [1] : vector<256x16xf32> to vector<256xf32>
    %broadcast_in_dim3A_273 = vector.shape_cast %reduce_min3A_272 : vector<256xf32> to vector<256x1xf32>
    %min3A = arith.minimumf %broadcast_in_dim3A_268, %broadcast_in_dim3A_273 : vector<256x1xf32>
    %reduce_max3A_274 = arith.constant dense<0xFF800000> : vector<256xf32>
    %reduce_max3A_275 = vector.multi_reduction <maximumf>, %div3A_56, %reduce_max3A_274 [1] : vector<256x16xf32> to vector<256xf32>
    %broadcast_in_dim3A_276 = vector.shape_cast %reduce_max3A_275 : vector<256xf32> to vector<256x1xf32>
    %max3A_277 = arith.maximumf %broadcast_in_dim3A_270, %broadcast_in_dim3A_276 : vector<256x1xf32>
    %reduce_min3A_278 = arith.constant dense<0x7F800000> : vector<256xf32>
    %reduce_min3A_279 = vector.multi_reduction <minimumf>, %div3A_71, %reduce_min3A_278 [1] : vector<256x16xf32> to vector<256xf32>
    %broadcast_in_dim3A_280 = vector.shape_cast %reduce_min3A_279 : vector<256xf32> to vector<256x1xf32>
    %min3A_281 = arith.minimumf %min3A, %broadcast_in_dim3A_280 : vector<256x1xf32>
    %reduce_max3A_282 = arith.constant dense<0xFF800000> : vector<256xf32>
    %reduce_max3A_283 = vector.multi_reduction <maximumf>, %div3A_71, %reduce_max3A_282 [1] : vector<256x16xf32> to vector<256xf32>
    %broadcast_in_dim3A_284 = vector.shape_cast %reduce_max3A_283 : vector<256xf32> to vector<256x1xf32>
    %max3A_285 = arith.maximumf %max3A_277, %broadcast_in_dim3A_284 : vector<256x1xf32>
    %reduce_min3A_286 = arith.constant dense<0x7F800000> : vector<256xf32>
    %reduce_min3A_287 = vector.multi_reduction <minimumf>, %div3A_86, %reduce_min3A_286 [1] : vector<256x16xf32> to vector<256xf32>
    %broadcast_in_dim3A_288 = vector.shape_cast %reduce_min3A_287 : vector<256xf32> to vector<256x1xf32>
    %min3A_289 = arith.minimumf %min3A_281, %broadcast_in_dim3A_288 : vector<256x1xf32>
    %reduce_max3A_290 = arith.constant dense<0xFF800000> : vector<256xf32>
    %reduce_max3A_291 = vector.multi_reduction <maximumf>, %div3A_86, %reduce_max3A_290 [1] : vector<256x16xf32> to vector<256xf32>
    %broadcast_in_dim3A_292 = vector.shape_cast %reduce_max3A_291 : vector<256xf32> to vector<256x1xf32>
    %max3A_293 = arith.maximumf %max3A_285, %broadcast_in_dim3A_292 : vector<256x1xf32>
    %reduce_min3A_294 = arith.constant dense<0x7F800000> : vector<256xf32>
    %reduce_min3A_295 = vector.multi_reduction <minimumf>, %div3A_101, %reduce_min3A_294 [1] : vector<256x16xf32> to vector<256xf32>
    %broadcast_in_dim3A_296 = vector.shape_cast %reduce_min3A_295 : vector<256xf32> to vector<256x1xf32>
    %min3A_297 = arith.minimumf %min3A_289, %broadcast_in_dim3A_296 : vector<256x1xf32>
    %reduce_max3A_298 = arith.constant dense<0xFF800000> : vector<256xf32>
    %reduce_max3A_299 = vector.multi_reduction <maximumf>, %div3A_101, %reduce_max3A_298 [1] : vector<256x16xf32> to vector<256xf32>
    %broadcast_in_dim3A_300 = vector.shape_cast %reduce_max3A_299 : vector<256xf32> to vector<256x1xf32>
    %max3A_301 = arith.maximumf %max3A_293, %broadcast_in_dim3A_300 : vector<256x1xf32>
    %reduce_min3A_302 = arith.constant dense<0x7F800000> : vector<256xf32>
    %reduce_min3A_303 = vector.multi_reduction <minimumf>, %div3A_116, %reduce_min3A_302 [1] : vector<256x16xf32> to vector<256xf32>
    %broadcast_in_dim3A_304 = vector.shape_cast %reduce_min3A_303 : vector<256xf32> to vector<256x1xf32>
    %min3A_305 = arith.minimumf %min3A_297, %broadcast_in_dim3A_304 : vector<256x1xf32>
    %reduce_max3A_306 = arith.constant dense<0xFF800000> : vector<256xf32>
    %reduce_max3A_307 = vector.multi_reduction <maximumf>, %div3A_116, %reduce_max3A_306 [1] : vector<256x16xf32> to vector<256xf32>
    %broadcast_in_dim3A_308 = vector.shape_cast %reduce_max3A_307 : vector<256xf32> to vector<256x1xf32>
    %max3A_309 = arith.maximumf %max3A_301, %broadcast_in_dim3A_308 : vector<256x1xf32>
    %reduce_min3A_310 = arith.constant dense<0x7F800000> : vector<256xf32>
    %reduce_min3A_311 = vector.multi_reduction <minimumf>, %div3A_131, %reduce_min3A_310 [1] : vector<256x16xf32> to vector<256xf32>
    %broadcast_in_dim3A_312 = vector.shape_cast %reduce_min3A_311 : vector<256xf32> to vector<256x1xf32>
    %min3A_313 = arith.minimumf %min3A_305, %broadcast_in_dim3A_312 : vector<256x1xf32>
    %reduce_max3A_314 = arith.constant dense<0xFF800000> : vector<256xf32>
    %reduce_max3A_315 = vector.multi_reduction <maximumf>, %div3A_131, %reduce_max3A_314 [1] : vector<256x16xf32> to vector<256xf32>
    %broadcast_in_dim3A_316 = vector.shape_cast %reduce_max3A_315 : vector<256xf32> to vector<256x1xf32>
    %max3A_317 = arith.maximumf %max3A_309, %broadcast_in_dim3A_316 : vector<256x1xf32>
    %reduce_min3A_318 = arith.constant dense<0x7F800000> : vector<256xf32>
    %reduce_min3A_319 = vector.multi_reduction <minimumf>, %div3A_146, %reduce_min3A_318 [1] : vector<256x16xf32> to vector<256xf32>
    %broadcast_in_dim3A_320 = vector.shape_cast %reduce_min3A_319 : vector<256xf32> to vector<256x1xf32>
    %min3A_321 = arith.minimumf %min3A_313, %broadcast_in_dim3A_320 : vector<256x1xf32>
    %reduce_max3A_322 = arith.constant dense<0xFF800000> : vector<256xf32>
    %reduce_max3A_323 = vector.multi_reduction <maximumf>, %div3A_146, %reduce_max3A_322 [1] : vector<256x16xf32> to vector<256xf32>
    %broadcast_in_dim3A_324 = vector.shape_cast %reduce_max3A_323 : vector<256xf32> to vector<256x1xf32>
    %max3A_325 = arith.maximumf %max3A_317, %broadcast_in_dim3A_324 : vector<256x1xf32>
    %reduce_min3A_326 = arith.constant dense<0x7F800000> : vector<256xf32>
    %reduce_min3A_327 = vector.multi_reduction <minimumf>, %div3A_161, %reduce_min3A_326 [1] : vector<256x16xf32> to vector<256xf32>
    %broadcast_in_dim3A_328 = vector.shape_cast %reduce_min3A_327 : vector<256xf32> to vector<256x1xf32>
    %min3A_329 = arith.minimumf %min3A_321, %broadcast_in_dim3A_328 : vector<256x1xf32>
    %reduce_max3A_330 = arith.constant dense<0xFF800000> : vector<256xf32>
    %reduce_max3A_331 = vector.multi_reduction <maximumf>, %div3A_161, %reduce_max3A_330 [1] : vector<256x16xf32> to vector<256xf32>
    %broadcast_in_dim3A_332 = vector.shape_cast %reduce_max3A_331 : vector<256xf32> to vector<256x1xf32>
    %max3A_333 = arith.maximumf %max3A_325, %broadcast_in_dim3A_332 : vector<256x1xf32>
    %reduce_min3A_334 = arith.constant dense<0x7F800000> : vector<256xf32>
    %reduce_min3A_335 = vector.multi_reduction <minimumf>, %div3A_176, %reduce_min3A_334 [1] : vector<256x16xf32> to vector<256xf32>
    %broadcast_in_dim3A_336 = vector.shape_cast %reduce_min3A_335 : vector<256xf32> to vector<256x1xf32>
    %min3A_337 = arith.minimumf %min3A_329, %broadcast_in_dim3A_336 : vector<256x1xf32>
    %reduce_max3A_338 = arith.constant dense<0xFF800000> : vector<256xf32>
    %reduce_max3A_339 = vector.multi_reduction <maximumf>, %div3A_176, %reduce_max3A_338 [1] : vector<256x16xf32> to vector<256xf32>
    %broadcast_in_dim3A_340 = vector.shape_cast %reduce_max3A_339 : vector<256xf32> to vector<256x1xf32>
    %max3A_341 = arith.maximumf %max3A_333, %broadcast_in_dim3A_340 : vector<256x1xf32>
    %reduce_min3A_342 = arith.constant dense<0x7F800000> : vector<256xf32>
    %reduce_min3A_343 = vector.multi_reduction <minimumf>, %div3A_191, %reduce_min3A_342 [1] : vector<256x16xf32> to vector<256xf32>
    %broadcast_in_dim3A_344 = vector.shape_cast %reduce_min3A_343 : vector<256xf32> to vector<256x1xf32>
    %min3A_345 = arith.minimumf %min3A_337, %broadcast_in_dim3A_344 : vector<256x1xf32>
    %reduce_max3A_346 = arith.constant dense<0xFF800000> : vector<256xf32>
    %reduce_max3A_347 = vector.multi_reduction <maximumf>, %div3A_191, %reduce_max3A_346 [1] : vector<256x16xf32> to vector<256xf32>
    %broadcast_in_dim3A_348 = vector.shape_cast %reduce_max3A_347 : vector<256xf32> to vector<256x1xf32>
    %max3A_349 = arith.maximumf %max3A_341, %broadcast_in_dim3A_348 : vector<256x1xf32>
    %reduce_min3A_350 = arith.constant dense<0x7F800000> : vector<256xf32>
    %reduce_min3A_351 = vector.multi_reduction <minimumf>, %div3A_206, %reduce_min3A_350 [1] : vector<256x16xf32> to vector<256xf32>
    %broadcast_in_dim3A_352 = vector.shape_cast %reduce_min3A_351 : vector<256xf32> to vector<256x1xf32>
    %min3A_353 = arith.minimumf %min3A_345, %broadcast_in_dim3A_352 : vector<256x1xf32>
    %reduce_max3A_354 = arith.constant dense<0xFF800000> : vector<256xf32>
    %reduce_max3A_355 = vector.multi_reduction <maximumf>, %div3A_206, %reduce_max3A_354 [1] : vector<256x16xf32> to vector<256xf32>
    %broadcast_in_dim3A_356 = vector.shape_cast %reduce_max3A_355 : vector<256xf32> to vector<256x1xf32>
    %max3A_357 = arith.maximumf %max3A_349, %broadcast_in_dim3A_356 : vector<256x1xf32>
    %reduce_min3A_358 = arith.constant dense<0x7F800000> : vector<256xf32>
    %reduce_min3A_359 = vector.multi_reduction <minimumf>, %div3A_221, %reduce_min3A_358 [1] : vector<256x16xf32> to vector<256xf32>
    %broadcast_in_dim3A_360 = vector.shape_cast %reduce_min3A_359 : vector<256xf32> to vector<256x1xf32>
    %min3A_361 = arith.minimumf %min3A_353, %broadcast_in_dim3A_360 : vector<256x1xf32>
    %reduce_max3A_362 = arith.constant dense<0xFF800000> : vector<256xf32>
    %reduce_max3A_363 = vector.multi_reduction <maximumf>, %div3A_221, %reduce_max3A_362 [1] : vector<256x16xf32> to vector<256xf32>
    %broadcast_in_dim3A_364 = vector.shape_cast %reduce_max3A_363 : vector<256xf32> to vector<256x1xf32>
    %max3A_365 = arith.maximumf %max3A_357, %broadcast_in_dim3A_364 : vector<256x1xf32>
    %reduce_min3A_366 = arith.constant dense<0x7F800000> : vector<256xf32>
    %reduce_min3A_367 = vector.multi_reduction <minimumf>, %div3A_236, %reduce_min3A_366 [1] : vector<256x16xf32> to vector<256xf32>
    %broadcast_in_dim3A_368 = vector.shape_cast %reduce_min3A_367 : vector<256xf32> to vector<256x1xf32>
    %min3A_369 = arith.minimumf %min3A_361, %broadcast_in_dim3A_368 : vector<256x1xf32>
    %reduce_max3A_370 = arith.constant dense<0xFF800000> : vector<256xf32>
    %reduce_max3A_371 = vector.multi_reduction <maximumf>, %div3A_236, %reduce_max3A_370 [1] : vector<256x16xf32> to vector<256xf32>
    %broadcast_in_dim3A_372 = vector.shape_cast %reduce_max3A_371 : vector<256xf32> to vector<256x1xf32>
    %max3A_373 = arith.maximumf %max3A_365, %broadcast_in_dim3A_372 : vector<256x1xf32>
    %reduce_min3A_374 = arith.constant dense<0x7F800000> : vector<256xf32>
    %reduce_min3A_375 = vector.multi_reduction <minimumf>, %div3A_251, %reduce_min3A_374 [1] : vector<256x16xf32> to vector<256xf32>
    %broadcast_in_dim3A_376 = vector.shape_cast %reduce_min3A_375 : vector<256xf32> to vector<256x1xf32>
    %min3A_377 = arith.minimumf %min3A_369, %broadcast_in_dim3A_376 : vector<256x1xf32>
    %reduce_max3A_378 = arith.constant dense<0xFF800000> : vector<256xf32>
    %reduce_max3A_379 = vector.multi_reduction <maximumf>, %div3A_251, %reduce_max3A_378 [1] : vector<256x16xf32> to vector<256xf32>
    %broadcast_in_dim3A_380 = vector.shape_cast %reduce_max3A_379 : vector<256xf32> to vector<256x1xf32>
    %max3A_381 = arith.maximumf %max3A_373, %broadcast_in_dim3A_380 : vector<256x1xf32>
    %reduce_min3A_382 = arith.constant dense<0x7F800000> : vector<256xf32>
    %reduce_min3A_383 = vector.multi_reduction <minimumf>, %div3A_266, %reduce_min3A_382 [1] : vector<256x16xf32> to vector<256xf32>
    %broadcast_in_dim3A_384 = vector.shape_cast %reduce_min3A_383 : vector<256xf32> to vector<256x1xf32>
    %min3A_385 = arith.minimumf %min3A_377, %broadcast_in_dim3A_384 : vector<256x1xf32>
    %reduce_max3A_386 = arith.constant dense<0xFF800000> : vector<256xf32>
    %reduce_max3A_387 = vector.multi_reduction <maximumf>, %div3A_266, %reduce_max3A_386 [1] : vector<256x16xf32> to vector<256xf32>
    %broadcast_in_dim3A_388 = vector.shape_cast %reduce_max3A_387 : vector<256xf32> to vector<256x1xf32>
    %max3A_389 = arith.maximumf %max3A_381, %broadcast_in_dim3A_388 : vector<256x1xf32>
    %get3A_390 = arith.constant 0 : index
    %get3A_391 = arith.constant 0 : index
    %get3A_392 = vector.load %arg3[%get3A_390, %get3A_391] : memref<1x2xf32, #tpu.memory_space<vmem>>, vector<1x1xf32>
    %get3A_393 = vector.extract %get3A_392[0, 0] : f32 from vector<1x1xf32>
    %mul3A_394 = vector.broadcast %get3A_393 : f32 to vector<256x1xf32>
    %mul3A_395 = arith.mulf %mul3A_394, %min3A_385 : vector<256x1xf32>
    %mul3A_396 = vector.broadcast %get3A_393 : f32 to vector<256x1xf32>
    %mul3A_397 = arith.mulf %mul3A_396, %max3A_389 : vector<256x1xf32>
    %min3A_398 = arith.minimumf %mul3A_395, %mul3A_397 : vector<256x1xf32>
    %mul3A_399 = vector.broadcast %get3A_393 : f32 to vector<256x1xf32>
    %mul3A_400 = arith.mulf %mul3A_399, %min3A_385 : vector<256x1xf32>
    %mul3A_401 = vector.broadcast %get3A_393 : f32 to vector<256x1xf32>
    %mul3A_402 = arith.mulf %mul3A_401, %max3A_389 : vector<256x1xf32>
    %max3A_403 = arith.maximumf %mul3A_400, %mul3A_402 : vector<256x1xf32>
    %sub3A = arith.subf %max3A_403, %min3A_398 : vector<256x1xf32>
    %add3A_404 = arith.constant 9.99999993E-9 : f32
    %add3A_405 = vector.broadcast %add3A_404 : f32 to vector<256x1xf32>
    %add3A_406 = arith.addf %sub3A, %add3A_405 : vector<256x1xf32>
    %div3A_407 = arith.constant 1.000000e+00 : f32
    %div3A_408 = vector.broadcast %div3A_407 : f32 to vector<256x1xf32>
    %div3A_409 = arith.divf %div3A_408, %add3A_406 : vector<256x1xf32>
    %mul3A_410 = vector.broadcast %get3A_393 : f32 to vector<256x16xf32>
    %mul3A_411 = arith.mulf %div3A_41, %mul3A_410 : vector<256x16xf32>
    %sub3A_412 = vector.broadcast %min3A_398 : vector<256x1xf32> to vector<256x16xf32>
    %sub3A_413 = arith.subf %mul3A_411, %sub3A_412 : vector<256x16xf32>
    %mul3A_414 = vector.broadcast %div3A_409 : vector<256x1xf32> to vector<256x16xf32>
    %mul3A_415 = arith.mulf %sub3A_413, %mul3A_414 : vector<256x16xf32>
    %max3A_416 = arith.constant 0.000000e+00 : f32
    %max3A_417 = vector.broadcast %max3A_416 : f32 to vector<256x16xf32>
    %max3A_418 = arith.maximumf %mul3A_415, %max3A_417 : vector<256x16xf32>
    %swap3A = arith.constant 0 : index
    %swap3A_419 = arith.constant 0 : index
    %swap3A_420 = arith.constant 0 : index
    %swap3A_421 = vector.load %arg4[%swap3A, %swap3A_419, %swap3A_420] : memref<16x256x32xf32, #tpu.memory_space<vmem>>, vector<1x256x16xf32>
    %swap3A_422 = vector.shape_cast %swap3A_421 : vector<1x256x16xf32> to vector<256x16xf32>
    %swap3A_423 = vector.shape_cast %max3A_418 : vector<256x16xf32> to vector<1x256x16xf32>
    tpu.vector_store %arg4[%swap3A, %swap3A_419, %swap3A_420], %swap3A_423 {strides = array<i32>} : memref<16x256x32xf32, #tpu.memory_space<vmem>>, vector<1x256x16xf32>,
    %mul3A_424 = vector.broadcast %get3A_393 : f32 to vector<256x16xf32>
    %mul3A_425 = arith.mulf %div3A_56, %mul3A_424 : vector<256x16xf32>
    %sub3A_426 = vector.broadcast %min3A_398 : vector<256x1xf32> to vector<256x16xf32>
    %sub3A_427 = arith.subf %mul3A_425, %sub3A_426 : vector<256x16xf32>
    %mul3A_428 = vector.broadcast %div3A_409 : vector<256x1xf32> to vector<256x16xf32>
    %mul3A_429 = arith.mulf %sub3A_427, %mul3A_428 : vector<256x16xf32>
    %max3A_430 = arith.constant 0.000000e+00 : f32
    %max3A_431 = vector.broadcast %max3A_430 : f32 to vector<256x16xf32>
    %max3A_432 = arith.maximumf %mul3A_429, %max3A_431 : vector<256x16xf32>
    %swap3A_433 = arith.constant 1 : index
    %swap3A_434 = arith.constant 0 : index
    %swap3A_435 = arith.constant 0 : index
    %swap3A_436 = vector.load %arg4[%swap3A_433, %swap3A_434, %swap3A_435] : memref<16x256x32xf32, #tpu.memory_space<vmem>>, vector<1x256x16xf32>
    %swap3A_437 = vector.shape_cast %swap3A_436 : vector<1x256x16xf32> to vector<256x16xf32>
    %swap3A_438 = vector.shape_cast %max3A_432 : vector<256x16xf32> to vector<1x256x16xf32>
    tpu.vector_store %arg4[%swap3A_433, %swap3A_434, %swap3A_435], %swap3A_438 {strides = array<i32>} : memref<16x256x32xf32, #tpu.memory_space<vmem>>, vector<1x256x16xf32>,
    %mul3A_439 = vector.broadcast %get3A_393 : f32 to vector<256x16xf32>
    %mul3A_440 = arith.mulf %div3A_71, %mul3A_439 : vector<256x16xf32>
    %sub3A_441 = vector.broadcast %min3A_398 : vector<256x1xf32> to vector<256x16xf32>
    %sub3A_442 = arith.subf %mul3A_440, %sub3A_441 : vector<256x16xf32>
    %mul3A_443 = vector.broadcast %div3A_409 : vector<256x1xf32> to vector<256x16xf32>
    %mul3A_444 = arith.mulf %sub3A_442, %mul3A_443 : vector<256x16xf32>
    %max3A_445 = arith.constant 0.000000e+00 : f32
    %max3A_446 = vector.broadcast %max3A_445 : f32 to vector<256x16xf32>
    %max3A_447 = arith.maximumf %mul3A_444, %max3A_446 : vector<256x16xf32>
    %swap3A_448 = arith.constant 2 : index
    %swap3A_449 = arith.constant 0 : index
    %swap3A_450 = arith.constant 0 : index
    %swap3A_451 = vector.load %arg4[%swap3A_448, %swap3A_449, %swap3A_450] : memref<16x256x32xf32, #tpu.memory_space<vmem>>, vector<1x256x16xf32>
    %swap3A_452 = vector.shape_cast %swap3A_451 : vector<1x256x16xf32> to vector<256x16xf32>
    %swap3A_453 = vector.shape_cast %max3A_447 : vector<256x16xf32> to vector<1x256x16xf32>
    tpu.vector_store %arg4[%swap3A_448, %swap3A_449, %swap3A_450], %swap3A_453 {strides = array<i32>} : memref<16x256x32xf32, #tpu.memory_space<vmem>>, vector<1x256x16xf32>,
    %mul3A_454 = vector.broadcast %get3A_393 : f32 to vector<256x16xf32>
    %mul3A_455 = arith.mulf %div3A_86, %mul3A_454 : vector<256x16xf32>
    %sub3A_456 = vector.broadcast %min3A_398 : vector<256x1xf32> to vector<256x16xf32>
    %sub3A_457 = arith.subf %mul3A_455, %sub3A_456 : vector<256x16xf32>
    %mul3A_458 = vector.broadcast %div3A_409 : vector<256x1xf32> to vector<256x16xf32>
    %mul3A_459 = arith.mulf %sub3A_457, %mul3A_458 : vector<256x16xf32>
    %max3A_460 = arith.constant 0.000000e+00 : f32
    %max3A_461 = vector.broadcast %max3A_460 : f32 to vector<256x16xf32>
    %max3A_462 = arith.maximumf %mul3A_459, %max3A_461 : vector<256x16xf32>
    %swap3A_463 = arith.constant 3 : index
    %swap3A_464 = arith.constant 0 : index
    %swap3A_465 = arith.constant 0 : index
    %swap3A_466 = vector.load %arg4[%swap3A_463, %swap3A_464, %swap3A_465] : memref<16x256x32xf32, #tpu.memory_space<vmem>>, vector<1x256x16xf32>
    %swap3A_467 = vector.shape_cast %swap3A_466 : vector<1x256x16xf32> to vector<256x16xf32>
    %swap3A_468 = vector.shape_cast %max3A_462 : vector<256x16xf32> to vector<1x256x16xf32>
    tpu.vector_store %arg4[%swap3A_463, %swap3A_464, %swap3A_465], %swap3A_468 {strides = array<i32>} : memref<16x256x32xf32, #tpu.memory_space<vmem>>, vector<1x256x16xf32>,
    %mul3A_469 = vector.broadcast %get3A_393 : f32 to vector<256x16xf32>
    %mul3A_470 = arith.mulf %div3A_101, %mul3A_469 : vector<256x16xf32>
    %sub3A_471 = vector.broadcast %min3A_398 : vector<256x1xf32> to vector<256x16xf32>
    %sub3A_472 = arith.subf %mul3A_470, %sub3A_471 : vector<256x16xf32>
    %mul3A_473 = vector.broadcast %div3A_409 : vector<256x1xf32> to vector<256x16xf32>
    %mul3A_474 = arith.mulf %sub3A_472, %mul3A_473 : vector<256x16xf32>
    %max3A_475 = arith.constant 0.000000e+00 : f32
    %max3A_476 = vector.broadcast %max3A_475 : f32 to vector<256x16xf32>
    %max3A_477 = arith.maximumf %mul3A_474, %max3A_476 : vector<256x16xf32>
    %swap3A_478 = arith.constant 4 : index
    %swap3A_479 = arith.constant 0 : index
    %swap3A_480 = arith.constant 0 : index
    %swap3A_481 = vector.load %arg4[%swap3A_478, %swap3A_479, %swap3A_480] : memref<16x256x32xf32, #tpu.memory_space<vmem>>, vector<1x256x16xf32>
    %swap3A_482 = vector.shape_cast %swap3A_481 : vector<1x256x16xf32> to vector<256x16xf32>
    %swap3A_483 = vector.shape_cast %max3A_477 : vector<256x16xf32> to vector<1x256x16xf32>
    tpu.vector_store %arg4[%swap3A_478, %swap3A_479, %swap3A_480], %swap3A_483 {strides = array<i32>} : memref<16x256x32xf32, #tpu.memory_space<vmem>>, vector<1x256x16xf32>,
    %mul3A_484 = vector.broadcast %get3A_393 : f32 to vector<256x16xf32>
    %mul3A_485 = arith.mulf %div3A_116, %mul3A_484 : vector<256x16xf32>
    %sub3A_486 = vector.broadcast %min3A_398 : vector<256x1xf32> to vector<256x16xf32>
    %sub3A_487 = arith.subf %mul3A_485, %sub3A_486 : vector<256x16xf32>
    %mul3A_488 = vector.broadcast %div3A_409 : vector<256x1xf32> to vector<256x16xf32>
    %mul3A_489 = arith.mulf %sub3A_487, %mul3A_488 : vector<256x16xf32>
    %max3A_490 = arith.constant 0.000000e+00 : f32
    %max3A_491 = vector.broadcast %max3A_490 : f32 to vector<256x16xf32>
    %max3A_492 = arith.maximumf %mul3A_489, %max3A_491 : vector<256x16xf32>
    %swap3A_493 = arith.constant 5 : index
    %swap3A_494 = arith.constant 0 : index
    %swap3A_495 = arith.constant 0 : index
    %swap3A_496 = vector.load %arg4[%swap3A_493, %swap3A_494, %swap3A_495] : memref<16x256x32xf32, #tpu.memory_space<vmem>>, vector<1x256x16xf32>
    %swap3A_497 = vector.shape_cast %swap3A_496 : vector<1x256x16xf32> to vector<256x16xf32>
    %swap3A_498 = vector.shape_cast %max3A_492 : vector<256x16xf32> to vector<1x256x16xf32>
    tpu.vector_store %arg4[%swap3A_493, %swap3A_494, %swap3A_495], %swap3A_498 {strides = array<i32>} : memref<16x256x32xf32, #tpu.memory_space<vmem>>, vector<1x256x16xf32>,
    %mul3A_499 = vector.broadcast %get3A_393 : f32 to vector<256x16xf32>
    %mul3A_500 = arith.mulf %div3A_131, %mul3A_499 : vector<256x16xf32>
    %sub3A_501 = vector.broadcast %min3A_398 : vector<256x1xf32> to vector<256x16xf32>
    %sub3A_502 = arith.subf %mul3A_500, %sub3A_501 : vector<256x16xf32>
    %mul3A_503 = vector.broadcast %div3A_409 : vector<256x1xf32> to vector<256x16xf32>
    %mul3A_504 = arith.mulf %sub3A_502, %mul3A_503 : vector<256x16xf32>
    %max3A_505 = arith.constant 0.000000e+00 : f32
    %max3A_506 = vector.broadcast %max3A_505 : f32 to vector<256x16xf32>
    %max3A_507 = arith.maximumf %mul3A_504, %max3A_506 : vector<256x16xf32>
    %swap3A_508 = arith.constant 6 : index
    %swap3A_509 = arith.constant 0 : index
    %swap3A_510 = arith.constant 0 : index
    %swap3A_511 = vector.load %arg4[%swap3A_508, %swap3A_509, %swap3A_510] : memref<16x256x32xf32, #tpu.memory_space<vmem>>, vector<1x256x16xf32>
    %swap3A_512 = vector.shape_cast %swap3A_511 : vector<1x256x16xf32> to vector<256x16xf32>
    %swap3A_513 = vector.shape_cast %max3A_507 : vector<256x16xf32> to vector<1x256x16xf32>
    tpu.vector_store %arg4[%swap3A_508, %swap3A_509, %swap3A_510], %swap3A_513 {strides = array<i32>} : memref<16x256x32xf32, #tpu.memory_space<vmem>>, vector<1x256x16xf32>,
    %mul3A_514 = vector.broadcast %get3A_393 : f32 to vector<256x16xf32>
    %mul3A_515 = arith.mulf %div3A_146, %mul3A_514 : vector<256x16xf32>
    %sub3A_516 = vector.broadcast %min3A_398 : vector<256x1xf32> to vector<256x16xf32>
    %sub3A_517 = arith.subf %mul3A_515, %sub3A_516 : vector<256x16xf32>
    %mul3A_518 = vector.broadcast %div3A_409 : vector<256x1xf32> to vector<256x16xf32>
    %mul3A_519 = arith.mulf %sub3A_517, %mul3A_518 : vector<256x16xf32>
    %max3A_520 = arith.constant 0.000000e+00 : f32
    %max3A_521 = vector.broadcast %max3A_520 : f32 to vector<256x16xf32>
    %max3A_522 = arith.maximumf %mul3A_519, %max3A_521 : vector<256x16xf32>
    %swap3A_523 = arith.constant 7 : index
    %swap3A_524 = arith.constant 0 : index
    %swap3A_525 = arith.constant 0 : index
    %swap3A_526 = vector.load %arg4[%swap3A_523, %swap3A_524, %swap3A_525] : memref<16x256x32xf32, #tpu.memory_space<vmem>>, vector<1x256x16xf32>
    %swap3A_527 = vector.shape_cast %swap3A_526 : vector<1x256x16xf32> to vector<256x16xf32>
    %swap3A_528 = vector.shape_cast %max3A_522 : vector<256x16xf32> to vector<1x256x16xf32>
    tpu.vector_store %arg4[%swap3A_523, %swap3A_524, %swap3A_525], %swap3A_528 {strides = array<i32>} : memref<16x256x32xf32, #tpu.memory_space<vmem>>, vector<1x256x16xf32>,
    %mul3A_529 = vector.broadcast %get3A_393 : f32 to vector<256x16xf32>
    %mul3A_530 = arith.mulf %div3A_161, %mul3A_529 : vector<256x16xf32>
    %sub3A_531 = vector.broadcast %min3A_398 : vector<256x1xf32> to vector<256x16xf32>
    %sub3A_532 = arith.subf %mul3A_530, %sub3A_531 : vector<256x16xf32>
    %mul3A_533 = vector.broadcast %div3A_409 : vector<256x1xf32> to vector<256x16xf32>
    %mul3A_534 = arith.mulf %sub3A_532, %mul3A_533 : vector<256x16xf32>
    %max3A_535 = arith.constant 0.000000e+00 : f32
    %max3A_536 = vector.broadcast %max3A_535 : f32 to vector<256x16xf32>
    %max3A_537 = arith.maximumf %mul3A_534, %max3A_536 : vector<256x16xf32>
    %swap3A_538 = arith.constant 8 : index
    %swap3A_539 = arith.constant 0 : index
    %swap3A_540 = arith.constant 0 : index
    %swap3A_541 = vector.load %arg4[%swap3A_538, %swap3A_539, %swap3A_540] : memref<16x256x32xf32, #tpu.memory_space<vmem>>, vector<1x256x16xf32>
    %swap3A_542 = vector.shape_cast %swap3A_541 : vector<1x256x16xf32> to vector<256x16xf32>
    %swap3A_543 = vector.shape_cast %max3A_537 : vector<256x16xf32> to vector<1x256x16xf32>
    tpu.vector_store %arg4[%swap3A_538, %swap3A_539, %swap3A_540], %swap3A_543 {strides = array<i32>} : memref<16x256x32xf32, #tpu.memory_space<vmem>>, vector<1x256x16xf32>,
    %mul3A_544 = vector.broadcast %get3A_393 : f32 to vector<256x16xf32>
    %mul3A_545 = arith.mulf %div3A_176, %mul3A_544 : vector<256x16xf32>
    %sub3A_546 = vector.broadcast %min3A_398 : vector<256x1xf32> to vector<256x16xf32>
    %sub3A_547 = arith.subf %mul3A_545, %sub3A_546 : vector<256x16xf32>
    %mul3A_548 = vector.broadcast %div3A_409 : vector<256x1xf32> to vector<256x16xf32>
    %mul3A_549 = arith.mulf %sub3A_547, %mul3A_548 : vector<256x16xf32>
    %max3A_550 = arith.constant 0.000000e+00 : f32
    %max3A_551 = vector.broadcast %max3A_550 : f32 to vector<256x16xf32>
    %max3A_552 = arith.maximumf %mul3A_549, %max3A_551 : vector<256x16xf32>
    %swap3A_553 = arith.constant 9 : index
    %swap3A_554 = arith.constant 0 : index
    %swap3A_555 = arith.constant 0 : index
    %swap3A_556 = vector.load %arg4[%swap3A_553, %swap3A_554, %swap3A_555] : memref<16x256x32xf32, #tpu.memory_space<vmem>>, vector<1x256x16xf32>
    %swap3A_557 = vector.shape_cast %swap3A_556 : vector<1x256x16xf32> to vector<256x16xf32>
    %swap3A_558 = vector.shape_cast %max3A_552 : vector<256x16xf32> to vector<1x256x16xf32>
    tpu.vector_store %arg4[%swap3A_553, %swap3A_554, %swap3A_555], %swap3A_558 {strides = array<i32>} : memref<16x256x32xf32, #tpu.memory_space<vmem>>, vector<1x256x16xf32>,
    %mul3A_559 = vector.broadcast %get3A_393 : f32 to vector<256x16xf32>
    %mul3A_560 = arith.mulf %div3A_191, %mul3A_559 : vector<256x16xf32>
    %sub3A_561 = vector.broadcast %min3A_398 : vector<256x1xf32> to vector<256x16xf32>
    %sub3A_562 = arith.subf %mul3A_560, %sub3A_561 : vector<256x16xf32>
    %mul3A_563 = vector.broadcast %div3A_409 : vector<256x1xf32> to vector<256x16xf32>
    %mul3A_564 = arith.mulf %sub3A_562, %mul3A_563 : vector<256x16xf32>
    %max3A_565 = arith.constant 0.000000e+00 : f32
    %max3A_566 = vector.broadcast %max3A_565 : f32 to vector<256x16xf32>
    %max3A_567 = arith.maximumf %mul3A_564, %max3A_566 : vector<256x16xf32>
    %swap3A_568 = arith.constant 10 : index
    %swap3A_569 = arith.constant 0 : index
    %swap3A_570 = arith.constant 0 : index
    %swap3A_571 = vector.load %arg4[%swap3A_568, %swap3A_569, %swap3A_570] : memref<16x256x32xf32, #tpu.memory_space<vmem>>, vector<1x256x16xf32>
    %swap3A_572 = vector.shape_cast %swap3A_571 : vector<1x256x16xf32> to vector<256x16xf32>
    %swap3A_573 = vector.shape_cast %max3A_567 : vector<256x16xf32> to vector<1x256x16xf32>
    tpu.vector_store %arg4[%swap3A_568, %swap3A_569, %swap3A_570], %swap3A_573 {strides = array<i32>} : memref<16x256x32xf32, #tpu.memory_space<vmem>>, vector<1x256x16xf32>,
    %mul3A_574 = vector.broadcast %get3A_393 : f32 to vector<256x16xf32>
    %mul3A_575 = arith.mulf %div3A_206, %mul3A_574 : vector<256x16xf32>
    %sub3A_576 = vector.broadcast %min3A_398 : vector<256x1xf32> to vector<256x16xf32>
    %sub3A_577 = arith.subf %mul3A_575, %sub3A_576 : vector<256x16xf32>
    %mul3A_578 = vector.broadcast %div3A_409 : vector<256x1xf32> to vector<256x16xf32>
    %mul3A_579 = arith.mulf %sub3A_577, %mul3A_578 : vector<256x16xf32>
    %max3A_580 = arith.constant 0.000000e+00 : f32
    %max3A_581 = vector.broadcast %max3A_580 : f32 to vector<256x16xf32>
    %max3A_582 = arith.maximumf %mul3A_579, %max3A_581 : vector<256x16xf32>
    %swap3A_583 = arith.constant 11 : index
    %swap3A_584 = arith.constant 0 : index
    %swap3A_585 = arith.constant 0 : index
    %swap3A_586 = vector.load %arg4[%swap3A_583, %swap3A_584, %swap3A_585] : memref<16x256x32xf32, #tpu.memory_space<vmem>>, vector<1x256x16xf32>
    %swap3A_587 = vector.shape_cast %swap3A_586 : vector<1x256x16xf32> to vector<256x16xf32>
    %swap3A_588 = vector.shape_cast %max3A_582 : vector<256x16xf32> to vector<1x256x16xf32>
    tpu.vector_store %arg4[%swap3A_583, %swap3A_584, %swap3A_585], %swap3A_588 {strides = array<i32>} : memref<16x256x32xf32, #tpu.memory_space<vmem>>, vector<1x256x16xf32>,
    %mul3A_589 = vector.broadcast %get3A_393 : f32 to vector<256x16xf32>
    %mul3A_590 = arith.mulf %div3A_221, %mul3A_589 : vector<256x16xf32>
    %sub3A_591 = vector.broadcast %min3A_398 : vector<256x1xf32> to vector<256x16xf32>
    %sub3A_592 = arith.subf %mul3A_590, %sub3A_591 : vector<256x16xf32>
    %mul3A_593 = vector.broadcast %div3A_409 : vector<256x1xf32> to vector<256x16xf32>
    %mul3A_594 = arith.mulf %sub3A_592, %mul3A_593 : vector<256x16xf32>
    %max3A_595 = arith.constant 0.000000e+00 : f32
    %max3A_596 = vector.broadcast %max3A_595 : f32 to vector<256x16xf32>
    %max3A_597 = arith.maximumf %mul3A_594, %max3A_596 : vector<256x16xf32>
    %swap3A_598 = arith.constant 12 : index
    %swap3A_599 = arith.constant 0 : index
    %swap3A_600 = arith.constant 0 : index
    %swap3A_601 = vector.load %arg4[%swap3A_598, %swap3A_599, %swap3A_600] : memref<16x256x32xf32, #tpu.memory_space<vmem>>, vector<1x256x16xf32>
    %swap3A_602 = vector.shape_cast %swap3A_601 : vector<1x256x16xf32> to vector<256x16xf32>
    %swap3A_603 = vector.shape_cast %max3A_597 : vector<256x16xf32> to vector<1x256x16xf32>
    tpu.vector_store %arg4[%swap3A_598, %swap3A_599, %swap3A_600], %swap3A_603 {strides = array<i32>} : memref<16x256x32xf32, #tpu.memory_space<vmem>>, vector<1x256x16xf32>,
    %mul3A_604 = vector.broadcast %get3A_393 : f32 to vector<256x16xf32>
    %mul3A_605 = arith.mulf %div3A_236, %mul3A_604 : vector<256x16xf32>
    %sub3A_606 = vector.broadcast %min3A_398 : vector<256x1xf32> to vector<256x16xf32>
    %sub3A_607 = arith.subf %mul3A_605, %sub3A_606 : vector<256x16xf32>
    %mul3A_608 = vector.broadcast %div3A_409 : vector<256x1xf32> to vector<256x16xf32>
    %mul3A_609 = arith.mulf %sub3A_607, %mul3A_608 : vector<256x16xf32>
    %max3A_610 = arith.constant 0.000000e+00 : f32
    %max3A_611 = vector.broadcast %max3A_610 : f32 to vector<256x16xf32>
    %max3A_612 = arith.maximumf %mul3A_609, %max3A_611 : vector<256x16xf32>
    %swap3A_613 = arith.constant 13 : index
    %swap3A_614 = arith.constant 0 : index
    %swap3A_615 = arith.constant 0 : index
    %swap3A_616 = vector.load %arg4[%swap3A_613, %swap3A_614, %swap3A_615] : memref<16x256x32xf32, #tpu.memory_space<vmem>>, vector<1x256x16xf32>
    %swap3A_617 = vector.shape_cast %swap3A_616 : vector<1x256x16xf32> to vector<256x16xf32>
    %swap3A_618 = vector.shape_cast %max3A_612 : vector<256x16xf32> to vector<1x256x16xf32>
    tpu.vector_store %arg4[%swap3A_613, %swap3A_614, %swap3A_615], %swap3A_618 {strides = array<i32>} : memref<16x256x32xf32, #tpu.memory_space<vmem>>, vector<1x256x16xf32>,
    %mul3A_619 = vector.broadcast %get3A_393 : f32 to vector<256x16xf32>
    %mul3A_620 = arith.mulf %div3A_251, %mul3A_619 : vector<256x16xf32>
    %sub3A_621 = vector.broadcast %min3A_398 : vector<256x1xf32> to vector<256x16xf32>
    %sub3A_622 = arith.subf %mul3A_620, %sub3A_621 : vector<256x16xf32>
    %mul3A_623 = vector.broadcast %div3A_409 : vector<256x1xf32> to vector<256x16xf32>
    %mul3A_624 = arith.mulf %sub3A_622, %mul3A_623 : vector<256x16xf32>
    %max3A_625 = arith.constant 0.000000e+00 : f32
    %max3A_626 = vector.broadcast %max3A_625 : f32 to vector<256x16xf32>
    %max3A_627 = arith.maximumf %mul3A_624, %max3A_626 : vector<256x16xf32>
    %swap3A_628 = arith.constant 14 : index
    %swap3A_629 = arith.constant 0 : index
    %swap3A_630 = arith.constant 0 : index
    %swap3A_631 = vector.load %arg4[%swap3A_628, %swap3A_629, %swap3A_630] : memref<16x256x32xf32, #tpu.memory_space<vmem>>, vector<1x256x16xf32>
    %swap3A_632 = vector.shape_cast %swap3A_631 : vector<1x256x16xf32> to vector<256x16xf32>
    %swap3A_633 = vector.shape_cast %max3A_627 : vector<256x16xf32> to vector<1x256x16xf32>
    tpu.vector_store %arg4[%swap3A_628, %swap3A_629, %swap3A_630], %swap3A_633 {strides = array<i32>} : memref<16x256x32xf32, #tpu.memory_space<vmem>>, vector<1x256x16xf32>,
    %mul3A_634 = vector.broadcast %get3A_393 : f32 to vector<256x16xf32>
    %mul3A_635 = arith.mulf %div3A_266, %mul3A_634 : vector<256x16xf32>
    %sub3A_636 = vector.broadcast %min3A_398 : vector<256x1xf32> to vector<256x16xf32>
    %sub3A_637 = arith.subf %mul3A_635, %sub3A_636 : vector<256x16xf32>
    %mul3A_638 = vector.broadcast %div3A_409 : vector<256x1xf32> to vector<256x16xf32>
    %mul3A_639 = arith.mulf %sub3A_637, %mul3A_638 : vector<256x16xf32>
    %max3A_640 = arith.constant 0.000000e+00 : f32
    %max3A_641 = vector.broadcast %max3A_640 : f32 to vector<256x16xf32>
    %max3A_642 = arith.maximumf %mul3A_639, %max3A_641 : vector<256x16xf32>
    %swap3A_643 = arith.constant 15 : index
    %swap3A_644 = arith.constant 0 : index
    %swap3A_645 = arith.constant 0 : index
    %swap3A_646 = vector.load %arg4[%swap3A_643, %swap3A_644, %swap3A_645] : memref<16x256x32xf32, #tpu.memory_space<vmem>>, vector<1x256x16xf32>
    %swap3A_647 = vector.shape_cast %swap3A_646 : vector<1x256x16xf32> to vector<256x16xf32>
    %swap3A_648 = vector.shape_cast %max3A_642 : vector<256x16xf32> to vector<1x256x16xf32>
    tpu.vector_store %arg4[%swap3A_643, %swap3A_644, %swap3A_645], %swap3A_648 {strides = array<i32>} : memref<16x256x32xf32, #tpu.memory_space<vmem>>, vector<1x256x16xf32>,
    %get3A_649 = arith.constant 0 : index
    %get3A_650 = arith.constant 1 : index
    %get3A_651 = vector.load %arg3[%get3A_649, %get3A_650] : memref<1x2xf32, #tpu.memory_space<vmem>>, vector<1x1xf32>
    %get3A_652 = vector.extract %get3A_651[0, 0] : f32 from vector<1x1xf32>
    %mul3A_653 = vector.broadcast %get3A_652 : f32 to vector<256x1xf32>
    %mul3A_654 = arith.mulf %mul3A_653, %min3A_385 : vector<256x1xf32>
    %mul3A_655 = vector.broadcast %get3A_652 : f32 to vector<256x1xf32>
    %mul3A_656 = arith.mulf %mul3A_655, %max3A_389 : vector<256x1xf32>
    %min3A_657 = arith.minimumf %mul3A_654, %mul3A_656 : vector<256x1xf32>
    %mul3A_658 = vector.broadcast %get3A_652 : f32 to vector<256x1xf32>
    %mul3A_659 = arith.mulf %mul3A_658, %min3A_385 : vector<256x1xf32>
    %mul3A_660 = vector.broadcast %get3A_652 : f32 to vector<256x1xf32>
    %mul3A_661 = arith.mulf %mul3A_660, %max3A_389 : vector<256x1xf32>
    %max3A_662 = arith.maximumf %mul3A_659, %mul3A_661 : vector<256x1xf32>
    %sub3A_663 = arith.subf %max3A_662, %min3A_657 : vector<256x1xf32>
    %add3A_664 = arith.constant 9.99999993E-9 : f32
    %add3A_665 = vector.broadcast %add3A_664 : f32 to vector<256x1xf32>
    %add3A_666 = arith.addf %sub3A_663, %add3A_665 : vector<256x1xf32>
    %div3A_667 = arith.constant 1.000000e+00 : f32
    %div3A_668 = vector.broadcast %div3A_667 : f32 to vector<256x1xf32>
    %div3A_669 = arith.divf %div3A_668, %add3A_666 : vector<256x1xf32>
    %mul3A_670 = vector.broadcast %get3A_652 : f32 to vector<256x16xf32>
    %mul3A_671 = arith.mulf %div3A_41, %mul3A_670 : vector<256x16xf32>
    %sub3A_672 = vector.broadcast %min3A_657 : vector<256x1xf32> to vector<256x16xf32>
    %sub3A_673 = arith.subf %mul3A_671, %sub3A_672 : vector<256x16xf32>
    %mul3A_674 = vector.broadcast %div3A_669 : vector<256x1xf32> to vector<256x16xf32>
    %mul3A_675 = arith.mulf %sub3A_673, %mul3A_674 : vector<256x16xf32>
    %max3A_676 = arith.constant 0.000000e+00 : f32
    %max3A_677 = vector.broadcast %max3A_676 : f32 to vector<256x16xf32>
    %max3A_678 = arith.maximumf %mul3A_675, %max3A_677 : vector<256x16xf32>
    %swap3A_679 = arith.constant 0 : index
    %swap3A_680 = arith.constant 0 : index
    %swap3A_681 = arith.constant 16 : index
    %swap3A_682 = vector.load %arg4[%swap3A_679, %swap3A_680, %swap3A_681] : memref<16x256x32xf32, #tpu.memory_space<vmem>>, vector<1x256x16xf32>
    %swap3A_683 = vector.shape_cast %swap3A_682 : vector<1x256x16xf32> to vector<256x16xf32>
    %swap3A_684 = vector.shape_cast %max3A_678 : vector<256x16xf32> to vector<1x256x16xf32>
    tpu.vector_store %arg4[%swap3A_679, %swap3A_680, %swap3A_681], %swap3A_684 {strides = array<i32>} : memref<16x256x32xf32, #tpu.memory_space<vmem>>, vector<1x256x16xf32>,
    %mul3A_685 = vector.broadcast %get3A_652 : f32 to vector<256x16xf32>
    %mul3A_686 = arith.mulf %div3A_56, %mul3A_685 : vector<256x16xf32>
    %sub3A_687 = vector.broadcast %min3A_657 : vector<256x1xf32> to vector<256x16xf32>
    %sub3A_688 = arith.subf %mul3A_686, %sub3A_687 : vector<256x16xf32>
    %mul3A_689 = vector.broadcast %div3A_669 : vector<256x1xf32> to vector<256x16xf32>
    %mul3A_690 = arith.mulf %sub3A_688, %mul3A_689 : vector<256x16xf32>
    %max3A_691 = arith.constant 0.000000e+00 : f32
    %max3A_692 = vector.broadcast %max3A_691 : f32 to vector<256x16xf32>
    %max3A_693 = arith.maximumf %mul3A_690, %max3A_692 : vector<256x16xf32>
    %swap3A_694 = arith.constant 1 : index
    %swap3A_695 = arith.constant 0 : index
    %swap3A_696 = arith.constant 16 : index
    %swap3A_697 = vector.load %arg4[%swap3A_694, %swap3A_695, %swap3A_696] : memref<16x256x32xf32, #tpu.memory_space<vmem>>, vector<1x256x16xf32>
    %swap3A_698 = vector.shape_cast %swap3A_697 : vector<1x256x16xf32> to vector<256x16xf32>
    %swap3A_699 = vector.shape_cast %max3A_693 : vector<256x16xf32> to vector<1x256x16xf32>
    tpu.vector_store %arg4[%swap3A_694, %swap3A_695, %swap3A_696], %swap3A_699 {strides = array<i32>} : memref<16x256x32xf32, #tpu.memory_space<vmem>>, vector<1x256x16xf32>,
    %mul3A_700 = vector.broadcast %get3A_652 : f32 to vector<256x16xf32>
    %mul3A_701 = arith.mulf %div3A_71, %mul3A_700 : vector<256x16xf32>
    %sub3A_702 = vector.broadcast %min3A_657 : vector<256x1xf32> to vector<256x16xf32>
    %sub3A_703 = arith.subf %mul3A_701, %sub3A_702 : vector<256x16xf32>
    %mul3A_704 = vector.broadcast %div3A_669 : vector<256x1xf32> to vector<256x16xf32>
    %mul3A_705 = arith.mulf %sub3A_703, %mul3A_704 : vector<256x16xf32>
    %max3A_706 = arith.constant 0.000000e+00 : f32
    %max3A_707 = vector.broadcast %max3A_706 : f32 to vector<256x16xf32>
    %max3A_708 = arith.maximumf %mul3A_705, %max3A_707 : vector<256x16xf32>
    %swap3A_709 = arith.constant 2 : index
    %swap3A_710 = arith.constant 0 : index
    %swap3A_711 = arith.constant 16 : index
    %swap3A_712 = vector.load %arg4[%swap3A_709, %swap3A_710, %swap3A_711] : memref<16x256x32xf32, #tpu.memory_space<vmem>>, vector<1x256x16xf32>
    %swap3A_713 = vector.shape_cast %swap3A_712 : vector<1x256x16xf32> to vector<256x16xf32>
    %swap3A_714 = vector.shape_cast %max3A_708 : vector<256x16xf32> to vector<1x256x16xf32>
    tpu.vector_store %arg4[%swap3A_709, %swap3A_710, %swap3A_711], %swap3A_714 {strides = array<i32>} : memref<16x256x32xf32, #tpu.memory_space<vmem>>, vector<1x256x16xf32>,
    %mul3A_715 = vector.broadcast %get3A_652 : f32 to vector<256x16xf32>
    %mul3A_716 = arith.mulf %div3A_86, %mul3A_715 : vector<256x16xf32>
    %sub3A_717 = vector.broadcast %min3A_657 : vector<256x1xf32> to vector<256x16xf32>
    %sub3A_718 = arith.subf %mul3A_716, %sub3A_717 : vector<256x16xf32>
    %mul3A_719 = vector.broadcast %div3A_669 : vector<256x1xf32> to vector<256x16xf32>
    %mul3A_720 = arith.mulf %sub3A_718, %mul3A_719 : vector<256x16xf32>
    %max3A_721 = arith.constant 0.000000e+00 : f32
    %max3A_722 = vector.broadcast %max3A_721 : f32 to vector<256x16xf32>
    %max3A_723 = arith.maximumf %mul3A_720, %max3A_722 : vector<256x16xf32>
    %swap3A_724 = arith.constant 3 : index
    %swap3A_725 = arith.constant 0 : index
    %swap3A_726 = arith.constant 16 : index
    %swap3A_727 = vector.load %arg4[%swap3A_724, %swap3A_725, %swap3A_726] : memref<16x256x32xf32, #tpu.memory_space<vmem>>, vector<1x256x16xf32>
    %swap3A_728 = vector.shape_cast %swap3A_727 : vector<1x256x16xf32> to vector<256x16xf32>
    %swap3A_729 = vector.shape_cast %max3A_723 : vector<256x16xf32> to vector<1x256x16xf32>
    tpu.vector_store %arg4[%swap3A_724, %swap3A_725, %swap3A_726], %swap3A_729 {strides = array<i32>} : memref<16x256x32xf32, #tpu.memory_space<vmem>>, vector<1x256x16xf32>,
    %mul3A_730 = vector.broadcast %get3A_652 : f32 to vector<256x16xf32>
    %mul3A_731 = arith.mulf %div3A_101, %mul3A_730 : vector<256x16xf32>
    %sub3A_732 = vector.broadcast %min3A_657 : vector<256x1xf32> to vector<256x16xf32>
    %sub3A_733 = arith.subf %mul3A_731, %sub3A_732 : vector<256x16xf32>
    %mul3A_734 = vector.broadcast %div3A_669 : vector<256x1xf32> to vector<256x16xf32>
    %mul3A_735 = arith.mulf %sub3A_733, %mul3A_734 : vector<256x16xf32>
    %max3A_736 = arith.constant 0.000000e+00 : f32
    %max3A_737 = vector.broadcast %max3A_736 : f32 to vector<256x16xf32>
    %max3A_738 = arith.maximumf %mul3A_735, %max3A_737 : vector<256x16xf32>
    %swap3A_739 = arith.constant 4 : index
    %swap3A_740 = arith.constant 0 : index
    %swap3A_741 = arith.constant 16 : index
    %swap3A_742 = vector.load %arg4[%swap3A_739, %swap3A_740, %swap3A_741] : memref<16x256x32xf32, #tpu.memory_space<vmem>>, vector<1x256x16xf32>
    %swap3A_743 = vector.shape_cast %swap3A_742 : vector<1x256x16xf32> to vector<256x16xf32>
    %swap3A_744 = vector.shape_cast %max3A_738 : vector<256x16xf32> to vector<1x256x16xf32>
    tpu.vector_store %arg4[%swap3A_739, %swap3A_740, %swap3A_741], %swap3A_744 {strides = array<i32>} : memref<16x256x32xf32, #tpu.memory_space<vmem>>, vector<1x256x16xf32>,
    %mul3A_745 = vector.broadcast %get3A_652 : f32 to vector<256x16xf32>
    %mul3A_746 = arith.mulf %div3A_116, %mul3A_745 : vector<256x16xf32>
    %sub3A_747 = vector.broadcast %min3A_657 : vector<256x1xf32> to vector<256x16xf32>
    %sub3A_748 = arith.subf %mul3A_746, %sub3A_747 : vector<256x16xf32>
    %mul3A_749 = vector.broadcast %div3A_669 : vector<256x1xf32> to vector<256x16xf32>
    %mul3A_750 = arith.mulf %sub3A_748, %mul3A_749 : vector<256x16xf32>
    %max3A_751 = arith.constant 0.000000e+00 : f32
    %max3A_752 = vector.broadcast %max3A_751 : f32 to vector<256x16xf32>
    %max3A_753 = arith.maximumf %mul3A_750, %max3A_752 : vector<256x16xf32>
    %swap3A_754 = arith.constant 5 : index
    %swap3A_755 = arith.constant 0 : index
    %swap3A_756 = arith.constant 16 : index
    %swap3A_757 = vector.load %arg4[%swap3A_754, %swap3A_755, %swap3A_756] : memref<16x256x32xf32, #tpu.memory_space<vmem>>, vector<1x256x16xf32>
    %swap3A_758 = vector.shape_cast %swap3A_757 : vector<1x256x16xf32> to vector<256x16xf32>
    %swap3A_759 = vector.shape_cast %max3A_753 : vector<256x16xf32> to vector<1x256x16xf32>
    tpu.vector_store %arg4[%swap3A_754, %swap3A_755, %swap3A_756], %swap3A_759 {strides = array<i32>} : memref<16x256x32xf32, #tpu.memory_space<vmem>>, vector<1x256x16xf32>,
    %mul3A_760 = vector.broadcast %get3A_652 : f32 to vector<256x16xf32>
    %mul3A_761 = arith.mulf %div3A_131, %mul3A_760 : vector<256x16xf32>
    %sub3A_762 = vector.broadcast %min3A_657 : vector<256x1xf32> to vector<256x16xf32>
    %sub3A_763 = arith.subf %mul3A_761, %sub3A_762 : vector<256x16xf32>
    %mul3A_764 = vector.broadcast %div3A_669 : vector<256x1xf32> to vector<256x16xf32>
    %mul3A_765 = arith.mulf %sub3A_763, %mul3A_764 : vector<256x16xf32>
    %max3A_766 = arith.constant 0.000000e+00 : f32
    %max3A_767 = vector.broadcast %max3A_766 : f32 to vector<256x16xf32>
    %max3A_768 = arith.maximumf %mul3A_765, %max3A_767 : vector<256x16xf32>
    %swap3A_769 = arith.constant 6 : index
    %swap3A_770 = arith.constant 0 : index
    %swap3A_771 = arith.constant 16 : index
    %swap3A_772 = vector.load %arg4[%swap3A_769, %swap3A_770, %swap3A_771] : memref<16x256x32xf32, #tpu.memory_space<vmem>>, vector<1x256x16xf32>
    %swap3A_773 = vector.shape_cast %swap3A_772 : vector<1x256x16xf32> to vector<256x16xf32>
    %swap3A_774 = vector.shape_cast %max3A_768 : vector<256x16xf32> to vector<1x256x16xf32>
    tpu.vector_store %arg4[%swap3A_769, %swap3A_770, %swap3A_771], %swap3A_774 {strides = array<i32>} : memref<16x256x32xf32, #tpu.memory_space<vmem>>, vector<1x256x16xf32>,
    %mul3A_775 = vector.broadcast %get3A_652 : f32 to vector<256x16xf32>
    %mul3A_776 = arith.mulf %div3A_146, %mul3A_775 : vector<256x16xf32>
    %sub3A_777 = vector.broadcast %min3A_657 : vector<256x1xf32> to vector<256x16xf32>
    %sub3A_778 = arith.subf %mul3A_776, %sub3A_777 : vector<256x16xf32>
    %mul3A_779 = vector.broadcast %div3A_669 : vector<256x1xf32> to vector<256x16xf32>
    %mul3A_780 = arith.mulf %sub3A_778, %mul3A_779 : vector<256x16xf32>
    %max3A_781 = arith.constant 0.000000e+00 : f32
    %max3A_782 = vector.broadcast %max3A_781 : f32 to vector<256x16xf32>
    %max3A_783 = arith.maximumf %mul3A_780, %max3A_782 : vector<256x16xf32>
    %swap3A_784 = arith.constant 7 : index
    %swap3A_785 = arith.constant 0 : index
    %swap3A_786 = arith.constant 16 : index
    %swap3A_787 = vector.load %arg4[%swap3A_784, %swap3A_785, %swap3A_786] : memref<16x256x32xf32, #tpu.memory_space<vmem>>, vector<1x256x16xf32>
    %swap3A_788 = vector.shape_cast %swap3A_787 : vector<1x256x16xf32> to vector<256x16xf32>
    %swap3A_789 = vector.shape_cast %max3A_783 : vector<256x16xf32> to vector<1x256x16xf32>
    tpu.vector_store %arg4[%swap3A_784, %swap3A_785, %swap3A_786], %swap3A_789 {strides = array<i32>} : memref<16x256x32xf32, #tpu.memory_space<vmem>>, vector<1x256x16xf32>,
    %mul3A_790 = vector.broadcast %get3A_652 : f32 to vector<256x16xf32>
    %mul3A_791 = arith.mulf %div3A_161, %mul3A_790 : vector<256x16xf32>
    %sub3A_792 = vector.broadcast %min3A_657 : vector<256x1xf32> to vector<256x16xf32>
    %sub3A_793 = arith.subf %mul3A_791, %sub3A_792 : vector<256x16xf32>
    %mul3A_794 = vector.broadcast %div3A_669 : vector<256x1xf32> to vector<256x16xf32>
    %mul3A_795 = arith.mulf %sub3A_793, %mul3A_794 : vector<256x16xf32>
    %max3A_796 = arith.constant 0.000000e+00 : f32
    %max3A_797 = vector.broadcast %max3A_796 : f32 to vector<256x16xf32>
    %max3A_798 = arith.maximumf %mul3A_795, %max3A_797 : vector<256x16xf32>
    %swap3A_799 = arith.constant 8 : index
    %swap3A_800 = arith.constant 0 : index
    %swap3A_801 = arith.constant 16 : index
    %swap3A_802 = vector.load %arg4[%swap3A_799, %swap3A_800, %swap3A_801] : memref<16x256x32xf32, #tpu.memory_space<vmem>>, vector<1x256x16xf32>
    %swap3A_803 = vector.shape_cast %swap3A_802 : vector<1x256x16xf32> to vector<256x16xf32>
    %swap3A_804 = vector.shape_cast %max3A_798 : vector<256x16xf32> to vector<1x256x16xf32>
    tpu.vector_store %arg4[%swap3A_799, %swap3A_800, %swap3A_801], %swap3A_804 {strides = array<i32>} : memref<16x256x32xf32, #tpu.memory_space<vmem>>, vector<1x256x16xf32>,
    %mul3A_805 = vector.broadcast %get3A_652 : f32 to vector<256x16xf32>
    %mul3A_806 = arith.mulf %div3A_176, %mul3A_805 : vector<256x16xf32>
    %sub3A_807 = vector.broadcast %min3A_657 : vector<256x1xf32> to vector<256x16xf32>
    %sub3A_808 = arith.subf %mul3A_806, %sub3A_807 : vector<256x16xf32>
    %mul3A_809 = vector.broadcast %div3A_669 : vector<256x1xf32> to vector<256x16xf32>
    %mul3A_810 = arith.mulf %sub3A_808, %mul3A_809 : vector<256x16xf32>
    %max3A_811 = arith.constant 0.000000e+00 : f32
    %max3A_812 = vector.broadcast %max3A_811 : f32 to vector<256x16xf32>
    %max3A_813 = arith.maximumf %mul3A_810, %max3A_812 : vector<256x16xf32>
    %swap3A_814 = arith.constant 9 : index
    %swap3A_815 = arith.constant 0 : index
    %swap3A_816 = arith.constant 16 : index
    %swap3A_817 = vector.load %arg4[%swap3A_814, %swap3A_815, %swap3A_816] : memref<16x256x32xf32, #tpu.memory_space<vmem>>, vector<1x256x16xf32>
    %swap3A_818 = vector.shape_cast %swap3A_817 : vector<1x256x16xf32> to vector<256x16xf32>
    %swap3A_819 = vector.shape_cast %max3A_813 : vector<256x16xf32> to vector<1x256x16xf32>
    tpu.vector_store %arg4[%swap3A_814, %swap3A_815, %swap3A_816], %swap3A_819 {strides = array<i32>} : memref<16x256x32xf32, #tpu.memory_space<vmem>>, vector<1x256x16xf32>,
    %mul3A_820 = vector.broadcast %get3A_652 : f32 to vector<256x16xf32>
    %mul3A_821 = arith.mulf %div3A_191, %mul3A_820 : vector<256x16xf32>
    %sub3A_822 = vector.broadcast %min3A_657 : vector<256x1xf32> to vector<256x16xf32>
    %sub3A_823 = arith.subf %mul3A_821, %sub3A_822 : vector<256x16xf32>
    %mul3A_824 = vector.broadcast %div3A_669 : vector<256x1xf32> to vector<256x16xf32>
    %mul3A_825 = arith.mulf %sub3A_823, %mul3A_824 : vector<256x16xf32>
    %max3A_826 = arith.constant 0.000000e+00 : f32
    %max3A_827 = vector.broadcast %max3A_826 : f32 to vector<256x16xf32>
    %max3A_828 = arith.maximumf %mul3A_825, %max3A_827 : vector<256x16xf32>
    %swap3A_829 = arith.constant 10 : index
    %swap3A_830 = arith.constant 0 : index
    %swap3A_831 = arith.constant 16 : index
    %swap3A_832 = vector.load %arg4[%swap3A_829, %swap3A_830, %swap3A_831] : memref<16x256x32xf32, #tpu.memory_space<vmem>>, vector<1x256x16xf32>
    %swap3A_833 = vector.shape_cast %swap3A_832 : vector<1x256x16xf32> to vector<256x16xf32>
    %swap3A_834 = vector.shape_cast %max3A_828 : vector<256x16xf32> to vector<1x256x16xf32>
    tpu.vector_store %arg4[%swap3A_829, %swap3A_830, %swap3A_831], %swap3A_834 {strides = array<i32>} : memref<16x256x32xf32, #tpu.memory_space<vmem>>, vector<1x256x16xf32>,
    %mul3A_835 = vector.broadcast %get3A_652 : f32 to vector<256x16xf32>
    %mul3A_836 = arith.mulf %div3A_206, %mul3A_835 : vector<256x16xf32>
    %sub3A_837 = vector.broadcast %min3A_657 : vector<256x1xf32> to vector<256x16xf32>
    %sub3A_838 = arith.subf %mul3A_836, %sub3A_837 : vector<256x16xf32>
    %mul3A_839 = vector.broadcast %div3A_669 : vector<256x1xf32> to vector<256x16xf32>
    %mul3A_840 = arith.mulf %sub3A_838, %mul3A_839 : vector<256x16xf32>
    %max3A_841 = arith.constant 0.000000e+00 : f32
    %max3A_842 = vector.broadcast %max3A_841 : f32 to vector<256x16xf32>
    %max3A_843 = arith.maximumf %mul3A_840, %max3A_842 : vector<256x16xf32>
    %swap3A_844 = arith.constant 11 : index
    %swap3A_845 = arith.constant 0 : index
    %swap3A_846 = arith.constant 16 : index
    %swap3A_847 = vector.load %arg4[%swap3A_844, %swap3A_845, %swap3A_846] : memref<16x256x32xf32, #tpu.memory_space<vmem>>, vector<1x256x16xf32>
    %swap3A_848 = vector.shape_cast %swap3A_847 : vector<1x256x16xf32> to vector<256x16xf32>
    %swap3A_849 = vector.shape_cast %max3A_843 : vector<256x16xf32> to vector<1x256x16xf32>
    tpu.vector_store %arg4[%swap3A_844, %swap3A_845, %swap3A_846], %swap3A_849 {strides = array<i32>} : memref<16x256x32xf32, #tpu.memory_space<vmem>>, vector<1x256x16xf32>,
    %mul3A_850 = vector.broadcast %get3A_652 : f32 to vector<256x16xf32>
    %mul3A_851 = arith.mulf %div3A_221, %mul3A_850 : vector<256x16xf32>
    %sub3A_852 = vector.broadcast %min3A_657 : vector<256x1xf32> to vector<256x16xf32>
    %sub3A_853 = arith.subf %mul3A_851, %sub3A_852 : vector<256x16xf32>
    %mul3A_854 = vector.broadcast %div3A_669 : vector<256x1xf32> to vector<256x16xf32>
    %mul3A_855 = arith.mulf %sub3A_853, %mul3A_854 : vector<256x16xf32>
    %max3A_856 = arith.constant 0.000000e+00 : f32
    %max3A_857 = vector.broadcast %max3A_856 : f32 to vector<256x16xf32>
    %max3A_858 = arith.maximumf %mul3A_855, %max3A_857 : vector<256x16xf32>
    %swap3A_859 = arith.constant 12 : index
    %swap3A_860 = arith.constant 0 : index
    %swap3A_861 = arith.constant 16 : index
    %swap3A_862 = vector.load %arg4[%swap3A_859, %swap3A_860, %swap3A_861] : memref<16x256x32xf32, #tpu.memory_space<vmem>>, vector<1x256x16xf32>
    %swap3A_863 = vector.shape_cast %swap3A_862 : vector<1x256x16xf32> to vector<256x16xf32>
    %swap3A_864 = vector.shape_cast %max3A_858 : vector<256x16xf32> to vector<1x256x16xf32>
    tpu.vector_store %arg4[%swap3A_859, %swap3A_860, %swap3A_861], %swap3A_864 {strides = array<i32>} : memref<16x256x32xf32, #tpu.memory_space<vmem>>, vector<1x256x16xf32>,
    %mul3A_865 = vector.broadcast %get3A_652 : f32 to vector<256x16xf32>
    %mul3A_866 = arith.mulf %div3A_236, %mul3A_865 : vector<256x16xf32>
    %sub3A_867 = vector.broadcast %min3A_657 : vector<256x1xf32> to vector<256x16xf32>
    %sub3A_868 = arith.subf %mul3A_866, %sub3A_867 : vector<256x16xf32>
    %mul3A_869 = vector.broadcast %div3A_669 : vector<256x1xf32> to vector<256x16xf32>
    %mul3A_870 = arith.mulf %sub3A_868, %mul3A_869 : vector<256x16xf32>
    %max3A_871 = arith.constant 0.000000e+00 : f32
    %max3A_872 = vector.broadcast %max3A_871 : f32 to vector<256x16xf32>
    %max3A_873 = arith.maximumf %mul3A_870, %max3A_872 : vector<256x16xf32>
    %swap3A_874 = arith.constant 13 : index
    %swap3A_875 = arith.constant 0 : index
    %swap3A_876 = arith.constant 16 : index
    %swap3A_877 = vector.load %arg4[%swap3A_874, %swap3A_875, %swap3A_876] : memref<16x256x32xf32, #tpu.memory_space<vmem>>, vector<1x256x16xf32>
    %swap3A_878 = vector.shape_cast %swap3A_877 : vector<1x256x16xf32> to vector<256x16xf32>
    %swap3A_879 = vector.shape_cast %max3A_873 : vector<256x16xf32> to vector<1x256x16xf32>
    tpu.vector_store %arg4[%swap3A_874, %swap3A_875, %swap3A_876], %swap3A_879 {strides = array<i32>} : memref<16x256x32xf32, #tpu.memory_space<vmem>>, vector<1x256x16xf32>,
    %mul3A_880 = vector.broadcast %get3A_652 : f32 to vector<256x16xf32>
    %mul3A_881 = arith.mulf %div3A_251, %mul3A_880 : vector<256x16xf32>
    %sub3A_882 = vector.broadcast %min3A_657 : vector<256x1xf32> to vector<256x16xf32>
    %sub3A_883 = arith.subf %mul3A_881, %sub3A_882 : vector<256x16xf32>
    %mul3A_884 = vector.broadcast %div3A_669 : vector<256x1xf32> to vector<256x16xf32>
    %mul3A_885 = arith.mulf %sub3A_883, %mul3A_884 : vector<256x16xf32>
    %max3A_886 = arith.constant 0.000000e+00 : f32
    %max3A_887 = vector.broadcast %max3A_886 : f32 to vector<256x16xf32>
    %max3A_888 = arith.maximumf %mul3A_885, %max3A_887 : vector<256x16xf32>
    %swap3A_889 = arith.constant 14 : index
    %swap3A_890 = arith.constant 0 : index
    %swap3A_891 = arith.constant 16 : index
    %swap3A_892 = vector.load %arg4[%swap3A_889, %swap3A_890, %swap3A_891] : memref<16x256x32xf32, #tpu.memory_space<vmem>>, vector<1x256x16xf32>
    %swap3A_893 = vector.shape_cast %swap3A_892 : vector<1x256x16xf32> to vector<256x16xf32>
    %swap3A_894 = vector.shape_cast %max3A_888 : vector<256x16xf32> to vector<1x256x16xf32>
    tpu.vector_store %arg4[%swap3A_889, %swap3A_890, %swap3A_891], %swap3A_894 {strides = array<i32>} : memref<16x256x32xf32, #tpu.memory_space<vmem>>, vector<1x256x16xf32>,
    %mul3A_895 = vector.broadcast %get3A_652 : f32 to vector<256x16xf32>
    %mul3A_896 = arith.mulf %div3A_266, %mul3A_895 : vector<256x16xf32>
    %sub3A_897 = vector.broadcast %min3A_657 : vector<256x1xf32> to vector<256x16xf32>
    %sub3A_898 = arith.subf %mul3A_896, %sub3A_897 : vector<256x16xf32>
    %mul3A_899 = vector.broadcast %div3A_669 : vector<256x1xf32> to vector<256x16xf32>
    %mul3A_900 = arith.mulf %sub3A_898, %mul3A_899 : vector<256x16xf32>
    %max3A_901 = arith.constant 0.000000e+00 : f32
    %max3A_902 = vector.broadcast %max3A_901 : f32 to vector<256x16xf32>
    %max3A_903 = arith.maximumf %mul3A_900, %max3A_902 : vector<256x16xf32>
    %swap3A_904 = arith.constant 15 : index
    %swap3A_905 = arith.constant 0 : index
    %swap3A_906 = arith.constant 16 : index
    %swap3A_907 = vector.load %arg4[%swap3A_904, %swap3A_905, %swap3A_906] : memref<16x256x32xf32, #tpu.memory_space<vmem>>, vector<1x256x16xf32>
    %swap3A_908 = vector.shape_cast %swap3A_907 : vector<1x256x16xf32> to vector<256x16xf32>
    %swap3A_909 = vector.shape_cast %max3A_903 : vector<256x16xf32> to vector<1x256x16xf32>
    tpu.vector_store %arg4[%swap3A_904, %swap3A_905, %swap3A_906], %swap3A_909 {strides = array<i32>} : memref<16x256x32xf32, #tpu.memory_space<vmem>>, vector<1x256x16xf32>,
    return
  }
  func.func @transform_0(%arg0: i32) -> (i32, i32, i32, i32) {
    %c0_i32 = arith.constant 0 : i32
    %c0_i32_0 = arith.constant 0 : i32
    %c0_i32_1 = arith.constant 0 : i32
    %c0_i32_2 = arith.constant 0 : i32
    return %c0_i32, %c0_i32_0, %arg0, %c0_i32_1 : i32, i32, i32, i32
  }
  func.func @transform_1(%arg0: i32) -> (i32, i32, i32, i32) {
    %c0_i32 = arith.constant 0 : i32
    %c0_i32_0 = arith.constant 0 : i32
    %c0_i32_1 = arith.constant 0 : i32
    %c0_i32_2 = arith.constant 0 : i32
    return %c0_i32, %c0_i32_0, %arg0, %c0_i32_1 : i32, i32, i32, i32
  }
  func.func @transform_2(%arg0: i32) -> (i32, i32) {
    %c0_i32 = arith.constant 0 : i32
    %c0_i32_0 = arith.constant 0 : i32
    %c0_i32_1 = arith.constant 0 : i32
    return %c0_i32, %c0_i32_0 : i32, i32
  }
  func.func @transform_3(%arg0: i32) -> (i32, i32, i32) {
    %c0_i32 = arith.constant 0 : i32
    %c0_i32_0 = arith.constant 0 : i32
    %c0_i32_1 = arith.constant 0 : i32
    return %c0_i32, %arg0, %c0_i32_0 : i32, i32, i32
  }
}

module attributes {stable_mosaic.version = 14 : i64} {
  func.func @_layer2_body(%arg0: memref<2x16x512x32xf32, #tpu.memory_space<vmem>>, %arg1: memref<2x16x512x16xf32, #tpu.memory_space<vmem>>, %arg2: memref<2x2xf32, #tpu.memory_space<vmem>>, %arg3: memref<512x10xf32, #tpu.memory_space<vmem>>, %arg4: memref<512x10xf32, #tpu.memory_space<vmem>>, %arg5: memref<1x10xf32, #tpu.memory_space<vmem>>, %arg6: memref<256x10xf32, #tpu.memory_space<vmem>>) attributes {dimension_semantics = [], scalar_prefetch = 0 : i64, scratch_operands = 0 : i64, tpu.core_type = #tpu.core_type<tc>} {
    %get3A = arith.constant 0 : index
    %get3A_0 = arith.constant 0 : index
    %get3A_1 = arith.constant 0 : index
    %get3A_2 = arith.constant 0 : index
    %get3A_3 = vector.load %arg1[%get3A, %get3A_0, %get3A_1, %get3A_2] : memref<2x16x512x16xf32, #tpu.memory_space<vmem>>, vector<2x16x512x16xf32>
    %reduce_sum3A = arith.constant dense<0.000000e+00> : vector<16x512x16xf32>
    %reduce_sum3A_4 = vector.multi_reduction <add>, %get3A_3, %reduce_sum3A [0] : vector<2x16x512x16xf32> to vector<16x512x16xf32>
    %reduce_sum3A_5 = arith.constant dense<0.000000e+00> : vector<512x16xf32>
    %reduce_sum3A_6 = vector.multi_reduction <add>, %reduce_sum3A_4, %reduce_sum3A_5 [0] : vector<16x512x16xf32> to vector<512x16xf32>
    %iota3A = tpu.iota {dimensions = array<i32: 0>} : vector<512x16xi32>
    %iota3A_7 = tpu.iota {dimensions = array<i32: 1>} : vector<512x16xi32>
    %jit3A = arith.constant 16 : i32
    %eq3A = arith.constant 0 : i32
    %eq3A_8 = arith.cmpi eq, %jit3A, %eq3A : i32
    %jit3A_9 = arith.constant 1 : i32
    %select_n3A = arith.select %eq3A_8, %jit3A_9, %jit3A : i32
    %rem3A = vector.broadcast %select_n3A : i32 to vector<512x16xi32>
    %rem3A_10 = arith.remsi %iota3A, %rem3A : vector<512x16xi32>
    %ne3A = arith.constant 0 : i32
    %ne3A_11 = vector.broadcast %ne3A : i32 to vector<512x16xi32>
    %ne3A_12 = arith.cmpi ne, %rem3A_10, %ne3A_11 : vector<512x16xi32>
    %lt3A = arith.constant 0 : i32
    %lt3A_13 = vector.broadcast %lt3A : i32 to vector<512x16xi32>
    %lt3A_14 = arith.cmpi slt, %rem3A_10, %lt3A_13 : vector<512x16xi32>
    %lt3A_15 = arith.constant 0 : i32
    %lt3A_16 = arith.cmpi slt, %select_n3A, %lt3A_15 : i32
    %ne3A_17 = vector.broadcast %lt3A_16 : i1 to vector<512x16xi1>
    %ne3A_18 = vector.broadcast %ne3A_17 : vector<512x16xi1> to vector<512x16xi1>
    %ne3A_19 = arith.xori %lt3A_14, %ne3A_18 : vector<512x16xi1>
    %and3A = arith.andi %ne3A_19, %ne3A_12 : vector<512x16xi1>
    %add3A = vector.broadcast %select_n3A : i32 to vector<512x16xi32>
    %add3A_20 = arith.addi %rem3A_10, %add3A : vector<512x16xi32>
    %select_n3A_21 = arith.select %and3A, %add3A_20, %rem3A_10 : vector<512x16xi1>, vector<512x16xi32>
    %eq3A_22 = arith.cmpi eq, %iota3A_7, %select_n3A_21 : vector<512x16xi32>
    %convert_element_type3A = arith.extui %eq3A_22 : vector<512x16xi1> to vector<512x16xi32>
    %convert_element_type3A_23 = arith.sitofp %convert_element_type3A : vector<512x16xi32> to vector<512x16xf32>
    %mul3A = arith.mulf %reduce_sum3A_6, %convert_element_type3A_23 : vector<512x16xf32>
    %reduce_sum3A_24 = arith.constant dense<0.000000e+00> : vector<512xf32>
    %reduce_sum3A_25 = vector.multi_reduction <add>, %mul3A, %reduce_sum3A_24 [1] : vector<512x16xf32> to vector<512xf32>
    %broadcast_in_dim3A = vector.shape_cast %reduce_sum3A_25 : vector<512xf32> to vector<512x1xf32>
    %max3A = arith.constant 1.000000e+00 : f32
    %max3A_26 = vector.broadcast %max3A : f32 to vector<512x1xf32>
    %max3A_27 = arith.maximumf %broadcast_in_dim3A, %max3A_26 : vector<512x1xf32>
    %get3A_28 = arith.constant 0 : index
    %get3A_29 = arith.constant 0 : index
    %get3A_30 = arith.constant 0 : index
    %get3A_31 = arith.constant 0 : index
    %get3A_32 = vector.load %arg0[%get3A_28, %get3A_29, %get3A_30, %get3A_31] : memref<2x16x512x32xf32, #tpu.memory_space<vmem>>, vector<1x1x512x16xf32>
    %get3A_33 = vector.shape_cast %get3A_32 : vector<1x1x512x16xf32> to vector<512x16xf32>
    %get3A_34 = arith.constant 1 : index
    %get3A_35 = arith.constant 0 : index
    %get3A_36 = arith.constant 0 : index
    %get3A_37 = arith.constant 0 : index
    %get3A_38 = vector.load %arg0[%get3A_34, %get3A_35, %get3A_36, %get3A_37] : memref<2x16x512x32xf32, #tpu.memory_space<vmem>>, vector<1x1x512x16xf32>
    %get3A_39 = vector.shape_cast %get3A_38 : vector<1x1x512x16xf32> to vector<512x16xf32>
    %add3A_40 = arith.addf %get3A_33, %get3A_39 : vector<512x16xf32>
    %get3A_41 = arith.constant 0 : index
    %get3A_42 = arith.constant 1 : index
    %get3A_43 = arith.constant 0 : index
    %get3A_44 = arith.constant 0 : index
    %get3A_45 = vector.load %arg0[%get3A_41, %get3A_42, %get3A_43, %get3A_44] : memref<2x16x512x32xf32, #tpu.memory_space<vmem>>, vector<1x1x512x16xf32>
    %get3A_46 = vector.shape_cast %get3A_45 : vector<1x1x512x16xf32> to vector<512x16xf32>
    %get3A_47 = arith.constant 1 : index
    %get3A_48 = arith.constant 1 : index
    %get3A_49 = arith.constant 0 : index
    %get3A_50 = arith.constant 0 : index
    %get3A_51 = vector.load %arg0[%get3A_47, %get3A_48, %get3A_49, %get3A_50] : memref<2x16x512x32xf32, #tpu.memory_space<vmem>>, vector<1x1x512x16xf32>
    %get3A_52 = vector.shape_cast %get3A_51 : vector<1x1x512x16xf32> to vector<512x16xf32>
    %add3A_53 = arith.addf %get3A_46, %get3A_52 : vector<512x16xf32>
    %get3A_54 = arith.constant 0 : index
    %get3A_55 = arith.constant 2 : index
    %get3A_56 = arith.constant 0 : index
    %get3A_57 = arith.constant 0 : index
    %get3A_58 = vector.load %arg0[%get3A_54, %get3A_55, %get3A_56, %get3A_57] : memref<2x16x512x32xf32, #tpu.memory_space<vmem>>, vector<1x1x512x16xf32>
    %get3A_59 = vector.shape_cast %get3A_58 : vector<1x1x512x16xf32> to vector<512x16xf32>
    %get3A_60 = arith.constant 1 : index
    %get3A_61 = arith.constant 2 : index
    %get3A_62 = arith.constant 0 : index
    %get3A_63 = arith.constant 0 : index
    %get3A_64 = vector.load %arg0[%get3A_60, %get3A_61, %get3A_62, %get3A_63] : memref<2x16x512x32xf32, #tpu.memory_space<vmem>>, vector<1x1x512x16xf32>
    %get3A_65 = vector.shape_cast %get3A_64 : vector<1x1x512x16xf32> to vector<512x16xf32>
    %add3A_66 = arith.addf %get3A_59, %get3A_65 : vector<512x16xf32>
    %get3A_67 = arith.constant 0 : index
    %get3A_68 = arith.constant 3 : index
    %get3A_69 = arith.constant 0 : index
    %get3A_70 = arith.constant 0 : index
    %get3A_71 = vector.load %arg0[%get3A_67, %get3A_68, %get3A_69, %get3A_70] : memref<2x16x512x32xf32, #tpu.memory_space<vmem>>, vector<1x1x512x16xf32>
    %get3A_72 = vector.shape_cast %get3A_71 : vector<1x1x512x16xf32> to vector<512x16xf32>
    %get3A_73 = arith.constant 1 : index
    %get3A_74 = arith.constant 3 : index
    %get3A_75 = arith.constant 0 : index
    %get3A_76 = arith.constant 0 : index
    %get3A_77 = vector.load %arg0[%get3A_73, %get3A_74, %get3A_75, %get3A_76] : memref<2x16x512x32xf32, #tpu.memory_space<vmem>>, vector<1x1x512x16xf32>
    %get3A_78 = vector.shape_cast %get3A_77 : vector<1x1x512x16xf32> to vector<512x16xf32>
    %add3A_79 = arith.addf %get3A_72, %get3A_78 : vector<512x16xf32>
    %get3A_80 = arith.constant 0 : index
    %get3A_81 = arith.constant 4 : index
    %get3A_82 = arith.constant 0 : index
    %get3A_83 = arith.constant 0 : index
    %get3A_84 = vector.load %arg0[%get3A_80, %get3A_81, %get3A_82, %get3A_83] : memref<2x16x512x32xf32, #tpu.memory_space<vmem>>, vector<1x1x512x16xf32>
    %get3A_85 = vector.shape_cast %get3A_84 : vector<1x1x512x16xf32> to vector<512x16xf32>
    %get3A_86 = arith.constant 1 : index
    %get3A_87 = arith.constant 4 : index
    %get3A_88 = arith.constant 0 : index
    %get3A_89 = arith.constant 0 : index
    %get3A_90 = vector.load %arg0[%get3A_86, %get3A_87, %get3A_88, %get3A_89] : memref<2x16x512x32xf32, #tpu.memory_space<vmem>>, vector<1x1x512x16xf32>
    %get3A_91 = vector.shape_cast %get3A_90 : vector<1x1x512x16xf32> to vector<512x16xf32>
    %add3A_92 = arith.addf %get3A_85, %get3A_91 : vector<512x16xf32>
    %get3A_93 = arith.constant 0 : index
    %get3A_94 = arith.constant 5 : index
    %get3A_95 = arith.constant 0 : index
    %get3A_96 = arith.constant 0 : index
    %get3A_97 = vector.load %arg0[%get3A_93, %get3A_94, %get3A_95, %get3A_96] : memref<2x16x512x32xf32, #tpu.memory_space<vmem>>, vector<1x1x512x16xf32>
    %get3A_98 = vector.shape_cast %get3A_97 : vector<1x1x512x16xf32> to vector<512x16xf32>
    %get3A_99 = arith.constant 1 : index
    %get3A_100 = arith.constant 5 : index
    %get3A_101 = arith.constant 0 : index
    %get3A_102 = arith.constant 0 : index
    %get3A_103 = vector.load %arg0[%get3A_99, %get3A_100, %get3A_101, %get3A_102] : memref<2x16x512x32xf32, #tpu.memory_space<vmem>>, vector<1x1x512x16xf32>
    %get3A_104 = vector.shape_cast %get3A_103 : vector<1x1x512x16xf32> to vector<512x16xf32>
    %add3A_105 = arith.addf %get3A_98, %get3A_104 : vector<512x16xf32>
    %get3A_106 = arith.constant 0 : index
    %get3A_107 = arith.constant 6 : index
    %get3A_108 = arith.constant 0 : index
    %get3A_109 = arith.constant 0 : index
    %get3A_110 = vector.load %arg0[%get3A_106, %get3A_107, %get3A_108, %get3A_109] : memref<2x16x512x32xf32, #tpu.memory_space<vmem>>, vector<1x1x512x16xf32>
    %get3A_111 = vector.shape_cast %get3A_110 : vector<1x1x512x16xf32> to vector<512x16xf32>
    %get3A_112 = arith.constant 1 : index
    %get3A_113 = arith.constant 6 : index
    %get3A_114 = arith.constant 0 : index
    %get3A_115 = arith.constant 0 : index
    %get3A_116 = vector.load %arg0[%get3A_112, %get3A_113, %get3A_114, %get3A_115] : memref<2x16x512x32xf32, #tpu.memory_space<vmem>>, vector<1x1x512x16xf32>
    %get3A_117 = vector.shape_cast %get3A_116 : vector<1x1x512x16xf32> to vector<512x16xf32>
    %add3A_118 = arith.addf %get3A_111, %get3A_117 : vector<512x16xf32>
    %get3A_119 = arith.constant 0 : index
    %get3A_120 = arith.constant 7 : index
    %get3A_121 = arith.constant 0 : index
    %get3A_122 = arith.constant 0 : index
    %get3A_123 = vector.load %arg0[%get3A_119, %get3A_120, %get3A_121, %get3A_122] : memref<2x16x512x32xf32, #tpu.memory_space<vmem>>, vector<1x1x512x16xf32>
    %get3A_124 = vector.shape_cast %get3A_123 : vector<1x1x512x16xf32> to vector<512x16xf32>
    %get3A_125 = arith.constant 1 : index
    %get3A_126 = arith.constant 7 : index
    %get3A_127 = arith.constant 0 : index
    %get3A_128 = arith.constant 0 : index
    %get3A_129 = vector.load %arg0[%get3A_125, %get3A_126, %get3A_127, %get3A_128] : memref<2x16x512x32xf32, #tpu.memory_space<vmem>>, vector<1x1x512x16xf32>
    %get3A_130 = vector.shape_cast %get3A_129 : vector<1x1x512x16xf32> to vector<512x16xf32>
    %add3A_131 = arith.addf %get3A_124, %get3A_130 : vector<512x16xf32>
    %get3A_132 = arith.constant 0 : index
    %get3A_133 = arith.constant 8 : index
    %get3A_134 = arith.constant 0 : index
    %get3A_135 = arith.constant 0 : index
    %get3A_136 = vector.load %arg0[%get3A_132, %get3A_133, %get3A_134, %get3A_135] : memref<2x16x512x32xf32, #tpu.memory_space<vmem>>, vector<1x1x512x16xf32>
    %get3A_137 = vector.shape_cast %get3A_136 : vector<1x1x512x16xf32> to vector<512x16xf32>
    %get3A_138 = arith.constant 1 : index
    %get3A_139 = arith.constant 8 : index
    %get3A_140 = arith.constant 0 : index
    %get3A_141 = arith.constant 0 : index
    %get3A_142 = vector.load %arg0[%get3A_138, %get3A_139, %get3A_140, %get3A_141] : memref<2x16x512x32xf32, #tpu.memory_space<vmem>>, vector<1x1x512x16xf32>
    %get3A_143 = vector.shape_cast %get3A_142 : vector<1x1x512x16xf32> to vector<512x16xf32>
    %add3A_144 = arith.addf %get3A_137, %get3A_143 : vector<512x16xf32>
    %get3A_145 = arith.constant 0 : index
    %get3A_146 = arith.constant 9 : index
    %get3A_147 = arith.constant 0 : index
    %get3A_148 = arith.constant 0 : index
    %get3A_149 = vector.load %arg0[%get3A_145, %get3A_146, %get3A_147, %get3A_148] : memref<2x16x512x32xf32, #tpu.memory_space<vmem>>, vector<1x1x512x16xf32>
    %get3A_150 = vector.shape_cast %get3A_149 : vector<1x1x512x16xf32> to vector<512x16xf32>
    %get3A_151 = arith.constant 1 : index
    %get3A_152 = arith.constant 9 : index
    %get3A_153 = arith.constant 0 : index
    %get3A_154 = arith.constant 0 : index
    %get3A_155 = vector.load %arg0[%get3A_151, %get3A_152, %get3A_153, %get3A_154] : memref<2x16x512x32xf32, #tpu.memory_space<vmem>>, vector<1x1x512x16xf32>
    %get3A_156 = vector.shape_cast %get3A_155 : vector<1x1x512x16xf32> to vector<512x16xf32>
    %add3A_157 = arith.addf %get3A_150, %get3A_156 : vector<512x16xf32>
    %get3A_158 = arith.constant 0 : index
    %get3A_159 = arith.constant 10 : index
    %get3A_160 = arith.constant 0 : index
    %get3A_161 = arith.constant 0 : index
    %get3A_162 = vector.load %arg0[%get3A_158, %get3A_159, %get3A_160, %get3A_161] : memref<2x16x512x32xf32, #tpu.memory_space<vmem>>, vector<1x1x512x16xf32>
    %get3A_163 = vector.shape_cast %get3A_162 : vector<1x1x512x16xf32> to vector<512x16xf32>
    %get3A_164 = arith.constant 1 : index
    %get3A_165 = arith.constant 10 : index
    %get3A_166 = arith.constant 0 : index
    %get3A_167 = arith.constant 0 : index
    %get3A_168 = vector.load %arg0[%get3A_164, %get3A_165, %get3A_166, %get3A_167] : memref<2x16x512x32xf32, #tpu.memory_space<vmem>>, vector<1x1x512x16xf32>
    %get3A_169 = vector.shape_cast %get3A_168 : vector<1x1x512x16xf32> to vector<512x16xf32>
    %add3A_170 = arith.addf %get3A_163, %get3A_169 : vector<512x16xf32>
    %get3A_171 = arith.constant 0 : index
    %get3A_172 = arith.constant 11 : index
    %get3A_173 = arith.constant 0 : index
    %get3A_174 = arith.constant 0 : index
    %get3A_175 = vector.load %arg0[%get3A_171, %get3A_172, %get3A_173, %get3A_174] : memref<2x16x512x32xf32, #tpu.memory_space<vmem>>, vector<1x1x512x16xf32>
    %get3A_176 = vector.shape_cast %get3A_175 : vector<1x1x512x16xf32> to vector<512x16xf32>
    %get3A_177 = arith.constant 1 : index
    %get3A_178 = arith.constant 11 : index
    %get3A_179 = arith.constant 0 : index
    %get3A_180 = arith.constant 0 : index
    %get3A_181 = vector.load %arg0[%get3A_177, %get3A_178, %get3A_179, %get3A_180] : memref<2x16x512x32xf32, #tpu.memory_space<vmem>>, vector<1x1x512x16xf32>
    %get3A_182 = vector.shape_cast %get3A_181 : vector<1x1x512x16xf32> to vector<512x16xf32>
    %add3A_183 = arith.addf %get3A_176, %get3A_182 : vector<512x16xf32>
    %get3A_184 = arith.constant 0 : index
    %get3A_185 = arith.constant 12 : index
    %get3A_186 = arith.constant 0 : index
    %get3A_187 = arith.constant 0 : index
    %get3A_188 = vector.load %arg0[%get3A_184, %get3A_185, %get3A_186, %get3A_187] : memref<2x16x512x32xf32, #tpu.memory_space<vmem>>, vector<1x1x512x16xf32>
    %get3A_189 = vector.shape_cast %get3A_188 : vector<1x1x512x16xf32> to vector<512x16xf32>
    %get3A_190 = arith.constant 1 : index
    %get3A_191 = arith.constant 12 : index
    %get3A_192 = arith.constant 0 : index
    %get3A_193 = arith.constant 0 : index
    %get3A_194 = vector.load %arg0[%get3A_190, %get3A_191, %get3A_192, %get3A_193] : memref<2x16x512x32xf32, #tpu.memory_space<vmem>>, vector<1x1x512x16xf32>
    %get3A_195 = vector.shape_cast %get3A_194 : vector<1x1x512x16xf32> to vector<512x16xf32>
    %add3A_196 = arith.addf %get3A_189, %get3A_195 : vector<512x16xf32>
    %get3A_197 = arith.constant 0 : index
    %get3A_198 = arith.constant 13 : index
    %get3A_199 = arith.constant 0 : index
    %get3A_200 = arith.constant 0 : index
    %get3A_201 = vector.load %arg0[%get3A_197, %get3A_198, %get3A_199, %get3A_200] : memref<2x16x512x32xf32, #tpu.memory_space<vmem>>, vector<1x1x512x16xf32>
    %get3A_202 = vector.shape_cast %get3A_201 : vector<1x1x512x16xf32> to vector<512x16xf32>
    %get3A_203 = arith.constant 1 : index
    %get3A_204 = arith.constant 13 : index
    %get3A_205 = arith.constant 0 : index
    %get3A_206 = arith.constant 0 : index
    %get3A_207 = vector.load %arg0[%get3A_203, %get3A_204, %get3A_205, %get3A_206] : memref<2x16x512x32xf32, #tpu.memory_space<vmem>>, vector<1x1x512x16xf32>
    %get3A_208 = vector.shape_cast %get3A_207 : vector<1x1x512x16xf32> to vector<512x16xf32>
    %add3A_209 = arith.addf %get3A_202, %get3A_208 : vector<512x16xf32>
    %get3A_210 = arith.constant 0 : index
    %get3A_211 = arith.constant 14 : index
    %get3A_212 = arith.constant 0 : index
    %get3A_213 = arith.constant 0 : index
    %get3A_214 = vector.load %arg0[%get3A_210, %get3A_211, %get3A_212, %get3A_213] : memref<2x16x512x32xf32, #tpu.memory_space<vmem>>, vector<1x1x512x16xf32>
    %get3A_215 = vector.shape_cast %get3A_214 : vector<1x1x512x16xf32> to vector<512x16xf32>
    %get3A_216 = arith.constant 1 : index
    %get3A_217 = arith.constant 14 : index
    %get3A_218 = arith.constant 0 : index
    %get3A_219 = arith.constant 0 : index
    %get3A_220 = vector.load %arg0[%get3A_216, %get3A_217, %get3A_218, %get3A_219] : memref<2x16x512x32xf32, #tpu.memory_space<vmem>>, vector<1x1x512x16xf32>
    %get3A_221 = vector.shape_cast %get3A_220 : vector<1x1x512x16xf32> to vector<512x16xf32>
    %add3A_222 = arith.addf %get3A_215, %get3A_221 : vector<512x16xf32>
    %get3A_223 = arith.constant 0 : index
    %get3A_224 = arith.constant 15 : index
    %get3A_225 = arith.constant 0 : index
    %get3A_226 = arith.constant 0 : index
    %get3A_227 = vector.load %arg0[%get3A_223, %get3A_224, %get3A_225, %get3A_226] : memref<2x16x512x32xf32, #tpu.memory_space<vmem>>, vector<1x1x512x16xf32>
    %get3A_228 = vector.shape_cast %get3A_227 : vector<1x1x512x16xf32> to vector<512x16xf32>
    %get3A_229 = arith.constant 1 : index
    %get3A_230 = arith.constant 15 : index
    %get3A_231 = arith.constant 0 : index
    %get3A_232 = arith.constant 0 : index
    %get3A_233 = vector.load %arg0[%get3A_229, %get3A_230, %get3A_231, %get3A_232] : memref<2x16x512x32xf32, #tpu.memory_space<vmem>>, vector<1x1x512x16xf32>
    %get3A_234 = vector.shape_cast %get3A_233 : vector<1x1x512x16xf32> to vector<512x16xf32>
    %add3A_235 = arith.addf %get3A_228, %get3A_234 : vector<512x16xf32>
    %concatenate3A = tpu.concatenate %add3A_40, %add3A_53, %add3A_66, %add3A_79, %add3A_92, %add3A_105, %add3A_118, %add3A_131, %add3A_144, %add3A_157, %add3A_170, %add3A_183, %add3A_196, %add3A_209, %add3A_222, %add3A_235 in 1 : vector<512x16xf32>, vector<512x16xf32>, vector<512x16xf32>, vector<512x16xf32>, vector<512x16xf32>, vector<512x16xf32>, vector<512x16xf32>, vector<512x16xf32>, vector<512x16xf32>, vector<512x16xf32>, vector<512x16xf32>, vector<512x16xf32>, vector<512x16xf32>, vector<512x16xf32>, vector<512x16xf32>, vector<512x16xf32> -> vector<512x256xf32>
    %div3A = vector.broadcast %max3A_27 : vector<512x1xf32> to vector<512x256xf32>
    %div3A_236 = arith.divf %concatenate3A, %div3A : vector<512x256xf32>
    %get3A_237 = arith.constant 0 : index
    %get3A_238 = arith.constant 0 : index
    %get3A_239 = arith.constant 0 : index
    %get3A_240 = arith.constant 16 : index
    %get3A_241 = vector.load %arg0[%get3A_237, %get3A_238, %get3A_239, %get3A_240] : memref<2x16x512x32xf32, #tpu.memory_space<vmem>>, vector<1x1x512x16xf32>
    %get3A_242 = vector.shape_cast %get3A_241 : vector<1x1x512x16xf32> to vector<512x16xf32>
    %get3A_243 = arith.constant 1 : index
    %get3A_244 = arith.constant 0 : index
    %get3A_245 = arith.constant 0 : index
    %get3A_246 = arith.constant 16 : index
    %get3A_247 = vector.load %arg0[%get3A_243, %get3A_244, %get3A_245, %get3A_246] : memref<2x16x512x32xf32, #tpu.memory_space<vmem>>, vector<1x1x512x16xf32>
    %get3A_248 = vector.shape_cast %get3A_247 : vector<1x1x512x16xf32> to vector<512x16xf32>
    %add3A_249 = arith.addf %get3A_242, %get3A_248 : vector<512x16xf32>
    %get3A_250 = arith.constant 0 : index
    %get3A_251 = arith.constant 1 : index
    %get3A_252 = arith.constant 0 : index
    %get3A_253 = arith.constant 16 : index
    %get3A_254 = vector.load %arg0[%get3A_250, %get3A_251, %get3A_252, %get3A_253] : memref<2x16x512x32xf32, #tpu.memory_space<vmem>>, vector<1x1x512x16xf32>
    %get3A_255 = vector.shape_cast %get3A_254 : vector<1x1x512x16xf32> to vector<512x16xf32>
    %get3A_256 = arith.constant 1 : index
    %get3A_257 = arith.constant 1 : index
    %get3A_258 = arith.constant 0 : index
    %get3A_259 = arith.constant 16 : index
    %get3A_260 = vector.load %arg0[%get3A_256, %get3A_257, %get3A_258, %get3A_259] : memref<2x16x512x32xf32, #tpu.memory_space<vmem>>, vector<1x1x512x16xf32>
    %get3A_261 = vector.shape_cast %get3A_260 : vector<1x1x512x16xf32> to vector<512x16xf32>
    %add3A_262 = arith.addf %get3A_255, %get3A_261 : vector<512x16xf32>
    %get3A_263 = arith.constant 0 : index
    %get3A_264 = arith.constant 2 : index
    %get3A_265 = arith.constant 0 : index
    %get3A_266 = arith.constant 16 : index
    %get3A_267 = vector.load %arg0[%get3A_263, %get3A_264, %get3A_265, %get3A_266] : memref<2x16x512x32xf32, #tpu.memory_space<vmem>>, vector<1x1x512x16xf32>
    %get3A_268 = vector.shape_cast %get3A_267 : vector<1x1x512x16xf32> to vector<512x16xf32>
    %get3A_269 = arith.constant 1 : index
    %get3A_270 = arith.constant 2 : index
    %get3A_271 = arith.constant 0 : index
    %get3A_272 = arith.constant 16 : index
    %get3A_273 = vector.load %arg0[%get3A_269, %get3A_270, %get3A_271, %get3A_272] : memref<2x16x512x32xf32, #tpu.memory_space<vmem>>, vector<1x1x512x16xf32>
    %get3A_274 = vector.shape_cast %get3A_273 : vector<1x1x512x16xf32> to vector<512x16xf32>
    %add3A_275 = arith.addf %get3A_268, %get3A_274 : vector<512x16xf32>
    %get3A_276 = arith.constant 0 : index
    %get3A_277 = arith.constant 3 : index
    %get3A_278 = arith.constant 0 : index
    %get3A_279 = arith.constant 16 : index
    %get3A_280 = vector.load %arg0[%get3A_276, %get3A_277, %get3A_278, %get3A_279] : memref<2x16x512x32xf32, #tpu.memory_space<vmem>>, vector<1x1x512x16xf32>
    %get3A_281 = vector.shape_cast %get3A_280 : vector<1x1x512x16xf32> to vector<512x16xf32>
    %get3A_282 = arith.constant 1 : index
    %get3A_283 = arith.constant 3 : index
    %get3A_284 = arith.constant 0 : index
    %get3A_285 = arith.constant 16 : index
    %get3A_286 = vector.load %arg0[%get3A_282, %get3A_283, %get3A_284, %get3A_285] : memref<2x16x512x32xf32, #tpu.memory_space<vmem>>, vector<1x1x512x16xf32>
    %get3A_287 = vector.shape_cast %get3A_286 : vector<1x1x512x16xf32> to vector<512x16xf32>
    %add3A_288 = arith.addf %get3A_281, %get3A_287 : vector<512x16xf32>
    %get3A_289 = arith.constant 0 : index
    %get3A_290 = arith.constant 4 : index
    %get3A_291 = arith.constant 0 : index
    %get3A_292 = arith.constant 16 : index
    %get3A_293 = vector.load %arg0[%get3A_289, %get3A_290, %get3A_291, %get3A_292] : memref<2x16x512x32xf32, #tpu.memory_space<vmem>>, vector<1x1x512x16xf32>
    %get3A_294 = vector.shape_cast %get3A_293 : vector<1x1x512x16xf32> to vector<512x16xf32>
    %get3A_295 = arith.constant 1 : index
    %get3A_296 = arith.constant 4 : index
    %get3A_297 = arith.constant 0 : index
    %get3A_298 = arith.constant 16 : index
    %get3A_299 = vector.load %arg0[%get3A_295, %get3A_296, %get3A_297, %get3A_298] : memref<2x16x512x32xf32, #tpu.memory_space<vmem>>, vector<1x1x512x16xf32>
    %get3A_300 = vector.shape_cast %get3A_299 : vector<1x1x512x16xf32> to vector<512x16xf32>
    %add3A_301 = arith.addf %get3A_294, %get3A_300 : vector<512x16xf32>
    %get3A_302 = arith.constant 0 : index
    %get3A_303 = arith.constant 5 : index
    %get3A_304 = arith.constant 0 : index
    %get3A_305 = arith.constant 16 : index
    %get3A_306 = vector.load %arg0[%get3A_302, %get3A_303, %get3A_304, %get3A_305] : memref<2x16x512x32xf32, #tpu.memory_space<vmem>>, vector<1x1x512x16xf32>
    %get3A_307 = vector.shape_cast %get3A_306 : vector<1x1x512x16xf32> to vector<512x16xf32>
    %get3A_308 = arith.constant 1 : index
    %get3A_309 = arith.constant 5 : index
    %get3A_310 = arith.constant 0 : index
    %get3A_311 = arith.constant 16 : index
    %get3A_312 = vector.load %arg0[%get3A_308, %get3A_309, %get3A_310, %get3A_311] : memref<2x16x512x32xf32, #tpu.memory_space<vmem>>, vector<1x1x512x16xf32>
    %get3A_313 = vector.shape_cast %get3A_312 : vector<1x1x512x16xf32> to vector<512x16xf32>
    %add3A_314 = arith.addf %get3A_307, %get3A_313 : vector<512x16xf32>
    %get3A_315 = arith.constant 0 : index
    %get3A_316 = arith.constant 6 : index
    %get3A_317 = arith.constant 0 : index
    %get3A_318 = arith.constant 16 : index
    %get3A_319 = vector.load %arg0[%get3A_315, %get3A_316, %get3A_317, %get3A_318] : memref<2x16x512x32xf32, #tpu.memory_space<vmem>>, vector<1x1x512x16xf32>
    %get3A_320 = vector.shape_cast %get3A_319 : vector<1x1x512x16xf32> to vector<512x16xf32>
    %get3A_321 = arith.constant 1 : index
    %get3A_322 = arith.constant 6 : index
    %get3A_323 = arith.constant 0 : index
    %get3A_324 = arith.constant 16 : index
    %get3A_325 = vector.load %arg0[%get3A_321, %get3A_322, %get3A_323, %get3A_324] : memref<2x16x512x32xf32, #tpu.memory_space<vmem>>, vector<1x1x512x16xf32>
    %get3A_326 = vector.shape_cast %get3A_325 : vector<1x1x512x16xf32> to vector<512x16xf32>
    %add3A_327 = arith.addf %get3A_320, %get3A_326 : vector<512x16xf32>
    %get3A_328 = arith.constant 0 : index
    %get3A_329 = arith.constant 7 : index
    %get3A_330 = arith.constant 0 : index
    %get3A_331 = arith.constant 16 : index
    %get3A_332 = vector.load %arg0[%get3A_328, %get3A_329, %get3A_330, %get3A_331] : memref<2x16x512x32xf32, #tpu.memory_space<vmem>>, vector<1x1x512x16xf32>
    %get3A_333 = vector.shape_cast %get3A_332 : vector<1x1x512x16xf32> to vector<512x16xf32>
    %get3A_334 = arith.constant 1 : index
    %get3A_335 = arith.constant 7 : index
    %get3A_336 = arith.constant 0 : index
    %get3A_337 = arith.constant 16 : index
    %get3A_338 = vector.load %arg0[%get3A_334, %get3A_335, %get3A_336, %get3A_337] : memref<2x16x512x32xf32, #tpu.memory_space<vmem>>, vector<1x1x512x16xf32>
    %get3A_339 = vector.shape_cast %get3A_338 : vector<1x1x512x16xf32> to vector<512x16xf32>
    %add3A_340 = arith.addf %get3A_333, %get3A_339 : vector<512x16xf32>
    %get3A_341 = arith.constant 0 : index
    %get3A_342 = arith.constant 8 : index
    %get3A_343 = arith.constant 0 : index
    %get3A_344 = arith.constant 16 : index
    %get3A_345 = vector.load %arg0[%get3A_341, %get3A_342, %get3A_343, %get3A_344] : memref<2x16x512x32xf32, #tpu.memory_space<vmem>>, vector<1x1x512x16xf32>
    %get3A_346 = vector.shape_cast %get3A_345 : vector<1x1x512x16xf32> to vector<512x16xf32>
    %get3A_347 = arith.constant 1 : index
    %get3A_348 = arith.constant 8 : index
    %get3A_349 = arith.constant 0 : index
    %get3A_350 = arith.constant 16 : index
    %get3A_351 = vector.load %arg0[%get3A_347, %get3A_348, %get3A_349, %get3A_350] : memref<2x16x512x32xf32, #tpu.memory_space<vmem>>, vector<1x1x512x16xf32>
    %get3A_352 = vector.shape_cast %get3A_351 : vector<1x1x512x16xf32> to vector<512x16xf32>
    %add3A_353 = arith.addf %get3A_346, %get3A_352 : vector<512x16xf32>
    %get3A_354 = arith.constant 0 : index
    %get3A_355 = arith.constant 9 : index
    %get3A_356 = arith.constant 0 : index
    %get3A_357 = arith.constant 16 : index
    %get3A_358 = vector.load %arg0[%get3A_354, %get3A_355, %get3A_356, %get3A_357] : memref<2x16x512x32xf32, #tpu.memory_space<vmem>>, vector<1x1x512x16xf32>
    %get3A_359 = vector.shape_cast %get3A_358 : vector<1x1x512x16xf32> to vector<512x16xf32>
    %get3A_360 = arith.constant 1 : index
    %get3A_361 = arith.constant 9 : index
    %get3A_362 = arith.constant 0 : index
    %get3A_363 = arith.constant 16 : index
    %get3A_364 = vector.load %arg0[%get3A_360, %get3A_361, %get3A_362, %get3A_363] : memref<2x16x512x32xf32, #tpu.memory_space<vmem>>, vector<1x1x512x16xf32>
    %get3A_365 = vector.shape_cast %get3A_364 : vector<1x1x512x16xf32> to vector<512x16xf32>
    %add3A_366 = arith.addf %get3A_359, %get3A_365 : vector<512x16xf32>
    %get3A_367 = arith.constant 0 : index
    %get3A_368 = arith.constant 10 : index
    %get3A_369 = arith.constant 0 : index
    %get3A_370 = arith.constant 16 : index
    %get3A_371 = vector.load %arg0[%get3A_367, %get3A_368, %get3A_369, %get3A_370] : memref<2x16x512x32xf32, #tpu.memory_space<vmem>>, vector<1x1x512x16xf32>
    %get3A_372 = vector.shape_cast %get3A_371 : vector<1x1x512x16xf32> to vector<512x16xf32>
    %get3A_373 = arith.constant 1 : index
    %get3A_374 = arith.constant 10 : index
    %get3A_375 = arith.constant 0 : index
    %get3A_376 = arith.constant 16 : index
    %get3A_377 = vector.load %arg0[%get3A_373, %get3A_374, %get3A_375, %get3A_376] : memref<2x16x512x32xf32, #tpu.memory_space<vmem>>, vector<1x1x512x16xf32>
    %get3A_378 = vector.shape_cast %get3A_377 : vector<1x1x512x16xf32> to vector<512x16xf32>
    %add3A_379 = arith.addf %get3A_372, %get3A_378 : vector<512x16xf32>
    %get3A_380 = arith.constant 0 : index
    %get3A_381 = arith.constant 11 : index
    %get3A_382 = arith.constant 0 : index
    %get3A_383 = arith.constant 16 : index
    %get3A_384 = vector.load %arg0[%get3A_380, %get3A_381, %get3A_382, %get3A_383] : memref<2x16x512x32xf32, #tpu.memory_space<vmem>>, vector<1x1x512x16xf32>
    %get3A_385 = vector.shape_cast %get3A_384 : vector<1x1x512x16xf32> to vector<512x16xf32>
    %get3A_386 = arith.constant 1 : index
    %get3A_387 = arith.constant 11 : index
    %get3A_388 = arith.constant 0 : index
    %get3A_389 = arith.constant 16 : index
    %get3A_390 = vector.load %arg0[%get3A_386, %get3A_387, %get3A_388, %get3A_389] : memref<2x16x512x32xf32, #tpu.memory_space<vmem>>, vector<1x1x512x16xf32>
    %get3A_391 = vector.shape_cast %get3A_390 : vector<1x1x512x16xf32> to vector<512x16xf32>
    %add3A_392 = arith.addf %get3A_385, %get3A_391 : vector<512x16xf32>
    %get3A_393 = arith.constant 0 : index
    %get3A_394 = arith.constant 12 : index
    %get3A_395 = arith.constant 0 : index
    %get3A_396 = arith.constant 16 : index
    %get3A_397 = vector.load %arg0[%get3A_393, %get3A_394, %get3A_395, %get3A_396] : memref<2x16x512x32xf32, #tpu.memory_space<vmem>>, vector<1x1x512x16xf32>
    %get3A_398 = vector.shape_cast %get3A_397 : vector<1x1x512x16xf32> to vector<512x16xf32>
    %get3A_399 = arith.constant 1 : index
    %get3A_400 = arith.constant 12 : index
    %get3A_401 = arith.constant 0 : index
    %get3A_402 = arith.constant 16 : index
    %get3A_403 = vector.load %arg0[%get3A_399, %get3A_400, %get3A_401, %get3A_402] : memref<2x16x512x32xf32, #tpu.memory_space<vmem>>, vector<1x1x512x16xf32>
    %get3A_404 = vector.shape_cast %get3A_403 : vector<1x1x512x16xf32> to vector<512x16xf32>
    %add3A_405 = arith.addf %get3A_398, %get3A_404 : vector<512x16xf32>
    %get3A_406 = arith.constant 0 : index
    %get3A_407 = arith.constant 13 : index
    %get3A_408 = arith.constant 0 : index
    %get3A_409 = arith.constant 16 : index
    %get3A_410 = vector.load %arg0[%get3A_406, %get3A_407, %get3A_408, %get3A_409] : memref<2x16x512x32xf32, #tpu.memory_space<vmem>>, vector<1x1x512x16xf32>
    %get3A_411 = vector.shape_cast %get3A_410 : vector<1x1x512x16xf32> to vector<512x16xf32>
    %get3A_412 = arith.constant 1 : index
    %get3A_413 = arith.constant 13 : index
    %get3A_414 = arith.constant 0 : index
    %get3A_415 = arith.constant 16 : index
    %get3A_416 = vector.load %arg0[%get3A_412, %get3A_413, %get3A_414, %get3A_415] : memref<2x16x512x32xf32, #tpu.memory_space<vmem>>, vector<1x1x512x16xf32>
    %get3A_417 = vector.shape_cast %get3A_416 : vector<1x1x512x16xf32> to vector<512x16xf32>
    %add3A_418 = arith.addf %get3A_411, %get3A_417 : vector<512x16xf32>
    %get3A_419 = arith.constant 0 : index
    %get3A_420 = arith.constant 14 : index
    %get3A_421 = arith.constant 0 : index
    %get3A_422 = arith.constant 16 : index
    %get3A_423 = vector.load %arg0[%get3A_419, %get3A_420, %get3A_421, %get3A_422] : memref<2x16x512x32xf32, #tpu.memory_space<vmem>>, vector<1x1x512x16xf32>
    %get3A_424 = vector.shape_cast %get3A_423 : vector<1x1x512x16xf32> to vector<512x16xf32>
    %get3A_425 = arith.constant 1 : index
    %get3A_426 = arith.constant 14 : index
    %get3A_427 = arith.constant 0 : index
    %get3A_428 = arith.constant 16 : index
    %get3A_429 = vector.load %arg0[%get3A_425, %get3A_426, %get3A_427, %get3A_428] : memref<2x16x512x32xf32, #tpu.memory_space<vmem>>, vector<1x1x512x16xf32>
    %get3A_430 = vector.shape_cast %get3A_429 : vector<1x1x512x16xf32> to vector<512x16xf32>
    %add3A_431 = arith.addf %get3A_424, %get3A_430 : vector<512x16xf32>
    %get3A_432 = arith.constant 0 : index
    %get3A_433 = arith.constant 15 : index
    %get3A_434 = arith.constant 0 : index
    %get3A_435 = arith.constant 16 : index
    %get3A_436 = vector.load %arg0[%get3A_432, %get3A_433, %get3A_434, %get3A_435] : memref<2x16x512x32xf32, #tpu.memory_space<vmem>>, vector<1x1x512x16xf32>
    %get3A_437 = vector.shape_cast %get3A_436 : vector<1x1x512x16xf32> to vector<512x16xf32>
    %get3A_438 = arith.constant 1 : index
    %get3A_439 = arith.constant 15 : index
    %get3A_440 = arith.constant 0 : index
    %get3A_441 = arith.constant 16 : index
    %get3A_442 = vector.load %arg0[%get3A_438, %get3A_439, %get3A_440, %get3A_441] : memref<2x16x512x32xf32, #tpu.memory_space<vmem>>, vector<1x1x512x16xf32>
    %get3A_443 = vector.shape_cast %get3A_442 : vector<1x1x512x16xf32> to vector<512x16xf32>
    %add3A_444 = arith.addf %get3A_437, %get3A_443 : vector<512x16xf32>
    %concatenate3A_445 = tpu.concatenate %add3A_249, %add3A_262, %add3A_275, %add3A_288, %add3A_301, %add3A_314, %add3A_327, %add3A_340, %add3A_353, %add3A_366, %add3A_379, %add3A_392, %add3A_405, %add3A_418, %add3A_431, %add3A_444 in 1 : vector<512x16xf32>, vector<512x16xf32>, vector<512x16xf32>, vector<512x16xf32>, vector<512x16xf32>, vector<512x16xf32>, vector<512x16xf32>, vector<512x16xf32>, vector<512x16xf32>, vector<512x16xf32>, vector<512x16xf32>, vector<512x16xf32>, vector<512x16xf32>, vector<512x16xf32>, vector<512x16xf32>, vector<512x16xf32> -> vector<512x256xf32>
    %div3A_446 = vector.broadcast %max3A_27 : vector<512x1xf32> to vector<512x256xf32>
    %div3A_447 = arith.divf %concatenate3A_445, %div3A_446 : vector<512x256xf32>
    %get3A_448 = arith.constant 0 : index
    %get3A_449 = arith.constant 0 : index
    %get3A_450 = vector.load %arg2[%get3A_448, %get3A_449] : memref<2x2xf32, #tpu.memory_space<vmem>>, vector<1x1xf32>
    %get3A_451 = vector.extract %get3A_450[0, 0] : f32 from vector<1x1xf32>
    %mul3A_452 = vector.broadcast %get3A_451 : f32 to vector<512x256xf32>
    %mul3A_453 = arith.mulf %div3A_236, %mul3A_452 : vector<512x256xf32>
    %get3A_454 = arith.constant 1 : index
    %get3A_455 = arith.constant 0 : index
    %get3A_456 = vector.load %arg2[%get3A_454, %get3A_455] : memref<2x2xf32, #tpu.memory_space<vmem>>, vector<1x1xf32>
    %get3A_457 = vector.extract %get3A_456[0, 0] : f32 from vector<1x1xf32>
    %mul3A_458 = vector.broadcast %get3A_457 : f32 to vector<512x256xf32>
    %mul3A_459 = arith.mulf %div3A_447, %mul3A_458 : vector<512x256xf32>
    %add3A_460 = arith.addf %mul3A_453, %mul3A_459 : vector<512x256xf32>
    %get3A_461 = arith.constant 0 : index
    %get3A_462 = arith.constant 1 : index
    %get3A_463 = vector.load %arg2[%get3A_461, %get3A_462] : memref<2x2xf32, #tpu.memory_space<vmem>>, vector<1x1xf32>
    %get3A_464 = vector.extract %get3A_463[0, 0] : f32 from vector<1x1xf32>
    %mul3A_465 = vector.broadcast %get3A_464 : f32 to vector<512x256xf32>
    %mul3A_466 = arith.mulf %div3A_236, %mul3A_465 : vector<512x256xf32>
    %get3A_467 = arith.constant 1 : index
    %get3A_468 = arith.constant 1 : index
    %get3A_469 = vector.load %arg2[%get3A_467, %get3A_468] : memref<2x2xf32, #tpu.memory_space<vmem>>, vector<1x1xf32>
    %get3A_470 = vector.extract %get3A_469[0, 0] : f32 from vector<1x1xf32>
    %mul3A_471 = vector.broadcast %get3A_470 : f32 to vector<512x256xf32>
    %mul3A_472 = arith.mulf %div3A_447, %mul3A_471 : vector<512x256xf32>
    %add3A_473 = arith.addf %mul3A_466, %mul3A_472 : vector<512x256xf32>
    %reduce_min3A = arith.constant dense<0x7F800000> : vector<512xf32>
    %reduce_min3A_474 = vector.multi_reduction <minimumf>, %add3A_460, %reduce_min3A [1] : vector<512x256xf32> to vector<512xf32>
    %broadcast_in_dim3A_475 = vector.shape_cast %reduce_min3A_474 : vector<512xf32> to vector<512x1xf32>
    %reduce_max3A = arith.constant dense<0xFF800000> : vector<512xf32>
    %reduce_max3A_476 = vector.multi_reduction <maximumf>, %add3A_460, %reduce_max3A [1] : vector<512x256xf32> to vector<512xf32>
    %broadcast_in_dim3A_477 = vector.shape_cast %reduce_max3A_476 : vector<512xf32> to vector<512x1xf32>
    %sub3A = vector.broadcast %broadcast_in_dim3A_475 : vector<512x1xf32> to vector<512x256xf32>
    %sub3A_478 = arith.subf %add3A_460, %sub3A : vector<512x256xf32>
    %sub3A_479 = arith.subf %broadcast_in_dim3A_477, %broadcast_in_dim3A_475 : vector<512x1xf32>
    %add3A_480 = arith.constant 9.99999993E-9 : f32
    %add3A_481 = vector.broadcast %add3A_480 : f32 to vector<512x1xf32>
    %add3A_482 = arith.addf %sub3A_479, %add3A_481 : vector<512x1xf32>
    %div3A_483 = vector.broadcast %add3A_482 : vector<512x1xf32> to vector<512x256xf32>
    %div3A_484 = arith.divf %sub3A_478, %div3A_483 : vector<512x256xf32>
    %max3A_485 = arith.constant 0.000000e+00 : f32
    %max3A_486 = vector.broadcast %max3A_485 : f32 to vector<512x256xf32>
    %max3A_487 = arith.maximumf %div3A_484, %max3A_486 : vector<512x256xf32>
    %reduce_min3A_488 = arith.constant dense<0x7F800000> : vector<512xf32>
    %reduce_min3A_489 = vector.multi_reduction <minimumf>, %add3A_473, %reduce_min3A_488 [1] : vector<512x256xf32> to vector<512xf32>
    %broadcast_in_dim3A_490 = vector.shape_cast %reduce_min3A_489 : vector<512xf32> to vector<512x1xf32>
    %reduce_max3A_491 = arith.constant dense<0xFF800000> : vector<512xf32>
    %reduce_max3A_492 = vector.multi_reduction <maximumf>, %add3A_473, %reduce_max3A_491 [1] : vector<512x256xf32> to vector<512xf32>
    %broadcast_in_dim3A_493 = vector.shape_cast %reduce_max3A_492 : vector<512xf32> to vector<512x1xf32>
    %sub3A_494 = vector.broadcast %broadcast_in_dim3A_490 : vector<512x1xf32> to vector<512x256xf32>
    %sub3A_495 = arith.subf %add3A_473, %sub3A_494 : vector<512x256xf32>
    %sub3A_496 = arith.subf %broadcast_in_dim3A_493, %broadcast_in_dim3A_490 : vector<512x1xf32>
    %add3A_497 = arith.constant 9.99999993E-9 : f32
    %add3A_498 = vector.broadcast %add3A_497 : f32 to vector<512x1xf32>
    %add3A_499 = arith.addf %sub3A_496, %add3A_498 : vector<512x1xf32>
    %div3A_500 = vector.broadcast %add3A_499 : vector<512x1xf32> to vector<512x256xf32>
    %div3A_501 = arith.divf %sub3A_495, %div3A_500 : vector<512x256xf32>
    %max3A_502 = arith.constant 0.000000e+00 : f32
    %max3A_503 = vector.broadcast %max3A_502 : f32 to vector<512x256xf32>
    %max3A_504 = arith.maximumf %div3A_501, %max3A_503 : vector<512x256xf32>
    %get3A_505 = arith.constant 0 : index
    %get3A_506 = arith.constant 0 : index
    %get3A_507 = vector.load %arg3[%get3A_505, %get3A_506] : memref<512x10xf32, #tpu.memory_space<vmem>>, vector<512x10xf32>
    %dot_general3A = arith.constant dense<0.000000e+00> : vector<256x10xf32>
    %dot_general3A_508 = tpu.matmul %max3A_487, %get3A_507, %dot_general3A {dimension_numbers = #tpu.dot_dimension_numbers<[0], [0], [1], [1], [0, 1, 1, 1], [], []>, precision = #tpu.contract_precision<fp32>, transpose_lhs_hint = false} : vector<512x256xf32>, vector<512x10xf32>, vector<256x10xf32> -> vector<256x10xf32>
    %get3A_509 = arith.constant 0 : index
    %get3A_510 = arith.constant 0 : index
    %get3A_511 = vector.load %arg4[%get3A_509, %get3A_510] : memref<512x10xf32, #tpu.memory_space<vmem>>, vector<512x10xf32>
    %dot_general3A_512 = arith.constant dense<0.000000e+00> : vector<256x10xf32>
    %dot_general3A_513 = tpu.matmul %max3A_504, %get3A_511, %dot_general3A_512 {dimension_numbers = #tpu.dot_dimension_numbers<[0], [0], [1], [1], [0, 1, 1, 1], [], []>, precision = #tpu.contract_precision<fp32>, transpose_lhs_hint = false} : vector<512x256xf32>, vector<512x10xf32>, vector<256x10xf32> -> vector<256x10xf32>
    %add3A_514 = arith.addf %dot_general3A_508, %dot_general3A_513 : vector<256x10xf32>
    %get3A_515 = arith.constant 0 : index
    %get3A_516 = arith.constant 0 : index
    %get3A_517 = vector.load %arg5[%get3A_515, %get3A_516] : memref<1x10xf32, #tpu.memory_space<vmem>>, vector<1x10xf32>
    %add3A_518 = vector.broadcast %get3A_517 : vector<1x10xf32> to vector<256x10xf32>
    %add3A_519 = arith.addf %add3A_514, %add3A_518 : vector<256x10xf32>
    %swap3A = arith.constant 0 : index
    %swap3A_520 = arith.constant 0 : index
    %swap3A_521 = vector.load %arg6[%swap3A, %swap3A_520] : memref<256x10xf32, #tpu.memory_space<vmem>>, vector<256x10xf32>
    tpu.vector_store %arg6[%swap3A, %swap3A_520], %add3A_519 {strides = array<i32>} : memref<256x10xf32, #tpu.memory_space<vmem>>, vector<256x10xf32>,
    return
  }
}

</mosaic_0001>

<sc_bundles>
// kernel: kernel.6.cloned.1.call-start
scs
__scs_entry_jumppad:
0x0: {  	(pc) =	sbr.rel $0x88, $3  }
0x1: {  	(tag) =	ssettag $0x0;
	lr =	simm.s32 $0x1  }
0x2: {  	[smem:$0x3F9A] =	sst lr;
	_ =	strace $0xD0000000  }
0x3: {  	_ = 	snop  }
0x4: {  	_ = 	snop  }
0x5: {  	_ = 	snop  }
0x6: {  	_ = 	snop  }
0x7: {  	_ = 	snop  }
__scs_overlays_trampoline_lowered:
0x8: {  	[smem:$0x3FA9] =	sst s0  }
0x9: {  	[smem:$0x3FAA] =	sst s1  }
0xa: {  	[smem:$0x3FAB] =	sst s2  }
0xb: {  	[smem:$0x3FAC] =	sst s3  }
0xc: {  	[smem:$0x3FAD] =	sst s4  }
0xd: {  	[smem:$0x3FAE] =	sst s5  }
0xe: {  	[smem:$0x3FAF] =	sst s6  }
0xf: {  	[smem:$0x3FB0] =	sst s7  }
0x10: {  	[smem:$0x3FB1] =	sst s8  }
0x11: {  	[smem:$0x3FB2] =	sst s9;
	s0 =	simm.s32 @!p0 $0x0  }
0x12: {  	s1 =	sld [smem:$0x3F98];
	s0 =	simm.s32 @p0 $0x1  }
0x13: {  	[smem:$0x3FB3] =	sst s0;
	s0 =	simm.s32 @!p1 $0x0  }
0x14: {  	s2 =	sld [smem:$0x3F97];
	s0 =	simm.s32 @p1 $0x1  }
0x15: {  	[smem:$0x3FB4] =	sst s0;
	s0 =	simm.s32 @!p2 $0x0  }
0x16: {  	s3 =	sld [smem:$0x3FDB];
	s0 =	simm.s32 @p2 $0x1  }
0x17: {  	s4 =	simm.s32 $0x1BF5;
	[smem:$0x3FB6] =	sst s0  }
0x18: {  	s0 =	sld [smem:$0x3F99];
	_ =	swait.ge [sflag:s4], $0x0  }
0x19: {  	s7 =	sld [smem:$0x3F9A]  }
0x1a: {  	s8 =	sadd.s32 $0xFFFFE003, lr  }
0x1b: {  	s9 =	sadd.s32 $0xFFFFFEF7, lr;
	s5 =	simm.s32 $0xFFFFFFFF;
	p2 =	slt.u32 s8, $0xFFFFF086  }
0x1c: {  	p1 =	slt.u32 s9, $0xF7A;
	s5 =	simm.s32 @!p2 $0x0  }
0x1d: {  	s5 =	simm.s32 @p1 $0x1;
	p0 =	seq.s32 s7, s2  }
0x1e: {  	s7 =	smul.u32 @!p0 $0xF7A, s2;
	p2 =	seq.s32 @!p0 s5, $0x0  }
0x1f: {  	s9 =	smul.u32 $0xF7A, s1;
	s8 =	simm.s32 @!p0 $0x1BF5;
	p2 =	por !p2, p0  }
0x20: {  	[sflag:s8] =	ssyncset.s32 @!p0 $0xFFFFF086;
	s6 =	sadd.s32 @!p0 s3, s7;
	s7 =	simm.s32 @!p0 $0x108  }
0x21: {  	s3 =	sadd.s32 s3, s9;
	s6 =	sadd.s32 @!p0 $0x88, s6;
	s7 =	simm.s32 @p2 $0x1082  }
0x22: {  	[simem:s7], [sflag:s8] =	dma.local @!p0 [hbm:s6], $0xF7A  }
0x23: {  	s9 =	sor.u32 $0xD0000000, s2;
	s6 =	simm.s32 $0x108;
	_ =	swait.ge @!p0 [sflag:s8], $0x0  }
0x24: {  	s3 =	sadd.s32 $0x88, s3;
	s6 =	simm.s32 @!p1 $0x1082;
	[sflag:s4] =	ssyncset.s32 $0xFFFFF086  }
0x25: {  	[simem:s6], [sflag:s4] =	dma.local [hbm:s3], $0xF7A  }
0x26: {  	[smem:$0x3F9A] =	sst s1;
	(tag) =	ssettag s2;
	_ =	strace s9  }
0x27: {  	s1 =	sld [smem:$0x3FAA]  }
0x28: {  	s2 =	sld [smem:$0x3FAB]  }
0x29: {  	s4 =	sld [smem:$0x3FAD]  }
0x2a: {  	p0 =	seq.s32 s5, $0x0;
	s5 =	sld [smem:$0x3FAE]  }
0x2b: {  	s6 =	sld [smem:$0x3FAF]  }
0x2c: {  	s7 =	sld [smem:$0x3FB0]  }
0x2d: {  	s3 =	simm.s32 $0x108;
	s8 =	sld [smem:$0x3FB1]  }
0x2e: {  	s3 =	simm.s32 @!p0 $0x1082;
	s9 =	sld [smem:$0x3FB2]  }
0x2f: {  	lr =	sadd.s32 s0, s3;
	s0 =	sld [smem:$0x3FA9]  }
0x30: {  	s3 =	sld [smem:$0x3FAC]  }
0x31: {  	[smem:$0x3FB5] =	sst s10  }
0x32: {  	s10 =	sld [smem:$0x3FB3];
	_ =	sdelay $0x3  }
0x33: {  	p0 =	seq.s32 s10, $0x1;
	s10 =	sld [smem:$0x3FB5];
	_ =	sdelay $0x3  }
0x34: {  	[smem:$0x3FB5] =	sst s10  }
0x35: {  	s10 =	sld [smem:$0x3FB4];
	_ =	sdelay $0x3  }
0x36: {  	p1 =	seq.s32 s10, $0x1;
	s10 =	sld [smem:$0x3FB5];
	_ =	sdelay $0x3  }
0x37: {  	[smem:$0x3FB5] =	sst s10  }
0x38: {  	s10 =	sld [smem:$0x3FB6]  }
0x39: {  	_ = 	snop;
	(pc) =	sbr.ind lr, $3  }
0x3a: {  	_ = 	snop  }
0x3b: {  	_ = 	snop  }
0x3c: {  	p2 =	seq.s32 s10, $0x1;
	s10 =	sld [smem:$0x3FB5]  }
0x3d: {  	_ =	shalt  }
0x3e: {  	_ =	shalt  }
0x3f: {  	_ =	shalt  }
0x40: {  	_ =	shalt  }
0x41: {  	_ =	shalt  }
0x42: {  	_ =	shalt  }
0x43: {  	_ =	shalt  }
0x44: {  	_ =	shalt  }
0x45: {  	_ =	shalt  }
0x46: {  	_ =	shalt  }
0x47: {  	_ =	shalt  }
0x48: {  	_ =	shalt  }
0x49: {  	_ =	shalt  }
0x4a: {  	_ =	shalt  }
0x4b: {  	_ =	shalt  }
0x4c: {  	_ =	shalt  }
0x4d: {  	_ =	shalt  }
0x4e: {  	_ =	shalt  }
0x4f: {  	_ =	shalt  }
0x50: {  	_ =	shalt  }
0x51: {  	_ =	shalt  }
0x52: {  	_ =	shalt  }
0x53: {  	_ =	shalt  }
0x54: {  	_ =	shalt  }
0x55: {  	_ =	shalt  }
0x56: {  	_ =	shalt  }
0x57: {  	_ =	shalt  }
0x58: {  	_ =	shalt  }
0x59: {  	_ =	shalt  }
0x5a: {  	_ =	shalt  }
0x5b: {  	_ =	shalt  }
0x5c: {  	_ =	shalt  }
0x5d: {  	_ =	shalt  }
0x5e: {  	_ =	shalt  }
0x5f: {  	_ =	shalt  }
0x60: {  	_ =	shalt  }
0x61: {  	_ =	shalt  }
0x62: {  	_ =	shalt  }
0x63: {  	_ =	shalt  }
0x64: {  	_ =	shalt  }
0x65: {  	_ =	shalt  }
0x66: {  	_ =	shalt  }
0x67: {  	_ =	shalt  }
0x68: {  	_ =	shalt  }
0x69: {  	_ =	shalt  }
0x6a: {  	_ =	shalt  }
0x6b: {  	_ =	shalt  }
0x6c: {  	_ =	shalt  }
0x6d: {  	_ =	shalt  }
0x6e: {  	_ =	shalt  }
0x6f: {  	_ =	shalt  }
0x70: {  	_ =	shalt  }
0x71: {  	_ =	shalt  }
0x72: {  	_ =	shalt  }
0x73: {  	_ =	shalt  }
0x74: {  	_ =	shalt  }
0x75: {  	_ =	shalt  }
0x76: {  	_ =	shalt  }
0x77: {  	_ =	shalt  }
0x78: {  	_ =	shalt  }
0x79: {  	_ =	shalt  }
0x7a: {  	_ =	shalt  }
0x7b: {  	_ =	shalt  }
0x7c: {  	_ =	shalt  }
0x7d: {  	_ =	shalt  }
0x7e: {  	_ =	shalt  }
0x7f: {  	_ =	shalt  }
0x80: {  	_ =	shalt  }
0x81: {  	_ =	shalt  }
0x82: {  	_ =	shalt  }
0x83: {  	_ =	shalt  }
0x84: {  	_ =	shalt  }
0x85: {  	_ =	shalt  }
0x86: {  	_ =	shalt  }
0x87: {  	_ =	shalt  }
.Lfunc_end0:
.L_simem_size_0:
called_computation_lowered:
.L_overlay_start_0:
0x88: {  	s2 =	sld [smem:$0x3FD9]  }
0x89: {  	s3 =	sld [smem:$0x3FFE];
	_ =	sdelay $0x1  }
0x8a: {  	s1 =	srdreg.scid  }
0x8b: {  	s0 =	sand.u32 $0x1, s1  }
0x8c: {  	s16 =	sshll.u32 s0, $0xA;
	s2 =	sadd.s32 s3, s2  }
0x8d: {  	s2 =	sadd.s32 s2, s16  }
0x8e: {  	[smem:$0x3FC1] =	sst s2  }
0x8f: {  	_ = 	snop  }
0x90: {  	(tm) =	ssettm $0x1  }
0x91: {  	s17 =	sld [smem:$0x3FFB];
	_ =	sdelay $0x3  }
0x92: {  	_ =	strace s17  }
0x93: {  	s2 =	sld [smem:$0x3FFC];
	_ =	sdelay $0x3  }
0x94: {  	_ =	strace s2  }
0x95: {  	s2 =	sld [smem:$0x3FFD];
	_ =	sdelay $0x3  }
0x96: {  	_ =	strace s2  }
0x97: {  	_ =	strace $0x8FFFFFFF  }
0x98: {  	s18 =	sld [smem:$0x3FDB];
	_ =	sdelay $0x1  }
0x99: {  	s19 =	simm.s32 $_scs_section_size  }
0x9a: {  	s4 =	simm.s32 $_size__tile_overlayer_lowered;
	s5 =	simm.s32 $_tile_overlayer_lowered  }
0x9b: {  	s22 =	simm.s32 $0x1BFF;
	s21 =	sshll.u32 s5, $0x1;
	s2 =	sadd.s32 s19, s18  }
0x9c: {  	s6 =	simm.s32 $0x0;
	s20 =	sshll.u32 s4, $0x1;
	s4 =	sadd.s32 s21, s2  }
0x9d: {  	[timem:s6], [sflag:s22] =	dma.local [hbm:s4], s20  }
0x9e: {  	_ =	swait.ge [sflag:s22], s20  }
0x9f: {  	s3 =	ssub.s32 $0x0, s20;
	[sflag:s22] =	ssyncset.done $0x0  }
0xa0: {  	[sflag:s22] =	ssyncadd.s32 s3;
	_ =	sdelay $0x1  }
0xa1: {  	s23 =	simm.s32 $0x1B8B  }
0xa2: {  	_ =	swait.ge [sflag:s23], $0x1  }
0xa3: {  	[sflag:s23] =	ssyncset.done $0x0  }
0xa4: {  	s25 =	simm.s32 $0x1B8E;
	s24 =	sld [smem:$0x3FFE];
	[sflag:s23] =	ssyncadd.s32 $0xFFFFFFFF  }
0xa5: {  	s26 =	simm.s32 $execute0_lowered;
	[smem:$0x3FD2] =	sst s25  }
0xa6: {  	s4 =	sshll.u32 s26, $0x1;
	_ =	strace $0x80000046;
	[dreg:$0x1] =	wrdreg $0xFFFFFFFF  }
0xa7: {  	s28 =	simm.s32 $_size_execute0_lowered;
	s2 =	sadd.s32 s2, s4;
	[dreg:$0x0] =	wrdreg $0x0  }
0xa8: {  	s4 =	sshll.u32 s28, $0x1;
	[dreg:$0x2] =	wrdreg s2  }
0xa9: {  	[dreg:$0x3] =	wrdreg s4  }
0xaa: {  	[dreg:$0x4] =	wrdreg $0xC0  }
0xab: {  	_ =	task [dreg:s6], $0x5FFFF  }
0xac: {  	[dreg:$0x1] =	wrdreg $0xFFFFFFFF  }
0xad: {  	[dreg:$0x0] =	wrdreg $0x60  }
0xae: {  	[dreg:$0x2] =	wrdreg s24  }
0xaf: {  	[dreg:$0x3] =	wrdreg $0x9  }
0xb0: {  	_ =	task.clear_ibuf [dreg:s6], $0x4FFFF;
	_ =	strace $0x90000046  }
0xb1: {  	s29 =	simm.s32 $0x9;
	_ =	strace $0x80000048  }
0xb2: {  	_ =	swait.ge [sflag:s29], $0x1  }
0xb3: {  	[sflag:s29] =	ssyncadd.s32 $0xFFFFFFFF  }
0xb4: {  	_ =	strace $0x90000048  }
0xb5: {  	_ =	sfence  }
0xb6: {  	s30 =	sld [smem:$0x0];
	_ =	sdelay $0x2  }
0xb7: {  	s31 =	sshll.u32 s1, $0xD;
	s1 =	sshrl.u32 s1, $0x2  }
0xb8: {  	s3 =	sand.u32 $0x4000, s31;
	s1 =	sadd.s32 s1, s30  }
0xb9: {  	s0 =	sor.u32 s3, s0;
	s1 =	sshll.u32 s1, $0x11  }
0xba: {  	s0 =	sor.u32 s1, s0  }
0xbb: {  	s0 =	sadd.s32 $0x8F2B, s0  }
0xbc: {  	[sflag:s0] =	ssyncadd.remote.s32 $0x1  }
0xbd: {  	_ =	sfence.sel $0xFFFF  }
0xbe: {  	[dreg:$0x0] =	wrdreg $0xFFFFFFFF;
	(pc) =	sbr.abs _section_cstart, $3  }
0xbf: {  	[dreg:$0x1] =	wrdreg $0xFFFFFFFF  }
0xc0: {  	_ =	task.clear_ibuf [dreg:s6], $0x2FFFF;
	_ =	strace $0x9FFFFFFF  }
0xc1: {  	(tm) =	ssettm $0x7FFFFFFF  }
tec
execute0_lowered:
.L_overlay_start_1:
0x0: {  	(tag) =	ssettag $0x1  }
0x1: {  	s0 =	rddreg [dreg:$0x0];
	s1 =	stileid.u32  }
0x2: {  	s2 =	simm.s32 $0x0;
	s4 =	srdreg.scid;
	s15 =	simm.s32 $0x3  }
0x3: {  	s16 =	simm.s32 $0x80;
	s28 =	simm.s32 $0x5;
	s29 =	simm.s32 $0xC800  }
0x4: {  	s30 =	simm.s32 $0x1;
	s31 =	simm.s32 $0x0;
	s3 =	smul.u32 $0x4E20, s1  }
0x5: {  	[smem:$0x7FF] =	sst s2;
	s5 =	sand.u32 $0x1, s4;
	s4 =	sadd.s32 $0x2800, s0  }
0x6: {  	s8 =	sshll.u32 s1, $0xC;
	_ =	strace $0x80000047;
	s10 =	smul.u32 $0x6200, s5  }
0x7: {  	s6 =	sshll.u32 s5, $0x10;
	s9 =	ssub.s32 $0x2, s5;
	s11 =	smul.u32 $0xC40, s5  }
0x8: {  	s7 =	sadd.s32 s3, s0;
	s6 =	sor.u32 s8, s6;
	s24 =	sshrl.u32 s9, $0x1  }
0x9: {  	v0 =	vimm.f32 $0.0e+00;
	v1 =	vimm.s32 $0x0;
	v2 =	vimm.s32 $0x1;
	s3 =	sadd.s32 $0xE00, s0;
	s0 =	sadd.s32 s6, s0;
	s13 =	ssub.s32 s9, s24  }
.Ltmp0:
0xa: {  	v3 =	vimm.s32 $0x2;
	v4 =	vimm.s32 $0x3;
	v5 =	vimm.s32 $0x4;
	s25 =	sshrl.u32 s10, $0x3;
	s5 =	sadd.s32 s3, s11;
	(pc) =	sbr.rel .LBB2_1-.Ltmp0, $4  }
0xb: {  	v6 =	vimm.s32 $0x5;
	v7 =	vimm.s32 $0x6;
	v8 =	vimm.s32 $0x7;
	s6 =	sadd.s32 s4, s11;
	s7 =	sadd.s32 $0x271E00, s7;
	s10 =	sadd.s32 $0x400, s10  }
0xc: {  	v9 =	vimm.s32 $0x8;
	v10 =	vimm.s32 $0x9;
	v11 =	vimm.s32 $0xA;
	s24 =	simm.s32 $0x600;
	s26 =	sadd.s32 $0x40, s25;
	s11 =	sadd.s32 $0x4200, s0  }
0xd: {  	v12 =	vimm.s32 $0xB;
	v13 =	vimm.s32 $0xC;
	v14 =	vimm.s32 $0xD;
	s12 =	sadd.s32 $0x24200, s0;
	s13 =	smax.u32 s13, $0x1;
	s25 =	simm.s32 $0x2  }
0xe: {  	v15 =	vimm.s32 $0xE;
	v16 =	vimm.s32 $0xF;
	v17 =	vlaneseq.u32;
	s8 =	sadd.s32 s3, s26;
	s9 =	sadd.s32 s4, s26;
	s26 =	simm.s32 $0x4800  }
.LBB2_12:
0xf: {  	[hbm4b:s11+s2] =	stream.linear.scatter [tilespmem:s26], [sflag:$0x5], $0x8000, $0x38;
	[tilespmem:$0x14800] =	vst v63  }
0x10: {  	s31 =	sadd.s32 $0x1, s31;
	_ =	swait.ge [sflag:s28], $0x8000  }
0x11: {  	p0 =	sne.s32 s31, s13;
	[sflag:s28] =	ssyncset.done $0x0  }
.Ltmp1:
0x12: {  	[sflag:s28] =	ssyncadd.s32 $0xFFFF8000;
	(pc) =	sbr.rel @!p0 .LBB2_13-.Ltmp1, $4  }
0x13: {  	[hbm4b:s12+s2] =	stream.linear.scatter [tilespmem:s29], [sflag:$0x5], $0x8000, $0x38;
	[tilespmem:$0x14800] =	vst v63  }
0x14: {  	_ =	swait.ge [sflag:s28], $0x8000  }
0x15: {  	[sflag:s28] =	ssyncset.done $0x0  }
0x16: {  	[sflag:s28] =	ssyncadd.s32 $0xFFFF8000  }
.LBB2_1:
0x17: {  	s0 =	simm.s32 $0x40;
	s14 =	simm.s32 $0x0  }
.LBB2_2:
0x18: {  	p0 =	sne.s32 s0, $0x1FFC0;
	[tilespmem:s14+$0x4800] =	vst v0;
	s17 =	smov.u32 s0;
	s0 =	sadd.s32 $0x40, s0  }
.Ltmp2:
0x19: {  	[tilespmem:s14+$0xC800] =	vst v0;
	(pc) =	sbr.rel @p0 .LBB2_2-.Ltmp2, $2  }
0x1a: {  	_ =	sdelay $0x2  }
0x1b: {  	s14 =	sshra.s32 s17, $0x2  }
0x1c: {  	[tilespmem:s14+$0x4800] =	vst v0  }
0x1d: {  	[tilespmem:s14+$0xC800] =	vst v0;
	s0 =	simm.s32 $0x0  }
0x1e: {  	[tilespmem:s0], [sflag:$0x3] =	stream.linear.gather [hbm4b:s5+s0], $0x200, $0x38;
	[tilespmem:$0x14800] =	vst v63  }
0x1f: {  	s17 =	simm.s32 $0x400  }
0x20: {  	[tilespmem:s17], [sflag:$0x3] =	stream.linear.gather [hbm4b:s6+s0], $0x200, $0x38;
	[tilespmem:$0x14800] =	vst v63  }
0x21: {  	_ =	swait.ge [sflag:s15], $0x200  }
0x22: {  	[sflag:s15] =	ssyncset.done $0x0  }
0x23: {  	[sflag:s15] =	ssyncadd.s32 $0xFFFFFE00  }
0x24: {  	_ =	swait.ge [sflag:s15], $0x200  }
0x25: {  	[sflag:s15] =	ssyncset.done $0x0  }
0x26: {  	s18 =	simm.s32 $0x800;
	[sflag:s15] =	ssyncadd.s32 $0xFFFFFE00  }
0x27: {  	[tilespmem:s18], [sflag:$0x1] =	stream.indirect.gather [hbm4b:s7+s16], $0x10, s0, s16, $0xb8;
	[tilespmem:$0x14800] =	vst v63  }
0x28: {  	s19 =	simm.s32 $0x1000  }
0x29: {  	[tilespmem:s19], [sflag:$0x1] =	stream.indirect.gather [hbm4b:s7+s16], $0x10, s16, s16, $0xb8;
	[tilespmem:$0x14800] =	vst v63  }
0x2a: {  	s20 =	simm.s32 $0x100;
	s17 =	simm.s32 $0x1800  }
0x2b: {  	[tilespmem:s17], [sflag:$0x1] =	stream.indirect.gather [hbm4b:s7+s16], $0x10, s20, s16, $0xb8;
	[tilespmem:$0x14800] =	vst v63  }
0x2c: {  	s21 =	simm.s32 $0x180;
	s22 =	simm.s32 $0x2000  }
0x2d: {  	[tilespmem:s22], [sflag:$0x1] =	stream.indirect.gather [hbm4b:s7+s16], $0x10, s21, s16, $0xb8;
	[tilespmem:$0x14800] =	vst v63  }
.Ltmp3:
0x2e: {  	_ = 	snop;
	(pc) =	sbr.rel .LBB2_4-.Ltmp3, $4  }
0x2f: {  	s23 =	simm.s32 $0x200  }
0x30: {  	[tilespmem:s23], [sflag:$0x4] =	stream.linear.gather [hbm4b:s8+s0], $0x200, $0x38;
	[tilespmem:$0x14800] =	vst v63  }
0x31: {  	_ = 	snop  }
0x32: {  	[tilespmem:s24], [sflag:$0x4] =	stream.linear.gather [hbm4b:s9+s0], $0x200, $0x38;
	[tilespmem:$0x14800] =	vst v63  }
.LBB2_11:
0x33: {  	s0 =	sadd.s32 $0x1, s0  }
0x34: {  	p0 =	sne.s32 s0, $0x31  }
.Ltmp4:
0x35: {  	_ = 	snop;
	(pc) =	sbr.rel @!p0 .LBB2_12-.Ltmp4, $1  }
0x36: {  	_ =	sdelay $0x3  }
.LBB2_4:
0x37: {  	s14 =	sand.u32 $0x1, s0  }
0x38: {  	p0 =	seq.s32 s14, $0x1  }
.Ltmp5:
0x39: {  	_ = 	snop;
	(pc) =	sbr.rel @p0 .LBB2_8-.Ltmp5, $1  }
0x3a: {  	_ =	sdelay $0x3  }
0x3b: {  	_ =	swait.ge [sflag:s30], $0x800  }
0x3c: {  	[sflag:s30] =	ssyncset.done $0x0  }
0x3d: {  	[sflag:s30] =	ssyncadd.s32 $0xFFFFF800  }
0x3e: {  	_ =	swait.ge [sflag:s30], $0x800  }
0x3f: {  	[sflag:s30] =	ssyncset.done $0x0  }
0x40: {  	[sflag:s30] =	ssyncadd.s32 $0xFFFFF800  }
0x41: {  	_ =	swait.ge [sflag:s30], $0x800  }
0x42: {  	[sflag:s30] =	ssyncset.done $0x0  }
0x43: {  	[sflag:s30] =	ssyncadd.s32 $0xFFFFF800  }
0x44: {  	_ =	swait.ge [sflag:s30], $0x800  }
0x45: {  	p0 =	seq.s32 s0, $0x30;
	[sflag:s30] =	ssyncset.done $0x0  }
0x46: {  	s17 =	simm.s32 @!p0 $0x4;
	[sflag:s30] =	ssyncadd.s32 $0xFFFFF800  }
0x47: {  	_ =	swait.ge @!p0 [sflag:s17], $0x200  }
0x48: {  	[sflag:s17] =	ssyncset.done @!p0 $0x0  }
0x49: {  	[sflag:s17] =	ssyncadd.s32 @!p0 $0xFFFFFE00  }
0x4a: {  	_ =	swait.ge @!p0 [sflag:s17], $0x200  }
0x4b: {  	s18 =	simm.s32 @!p0 $0x200;
	[sflag:s17] =	ssyncset.done @!p0 $0x0  }
0x4c: {  	s19 =	simm.s32 @!p0 $0x2800;
	[sflag:s17] =	ssyncadd.s32 @!p0 $0xFFFFFE00;
	s17 =	simm.s32 @!p0 $0x80  }
0x4d: {  	[tilespmem:s19], [sflag:$0x2] =	stream.indirect.gather @!p0 [hbm4b:s7+s17], $0x10, s18, s17, $0xb8;
	[tilespmem:$0x14800] =	vst v63  }
0x4e: {  	s18 =	simm.s32 @!p0 $0x280;
	s19 =	simm.s32 @!p0 $0x3000  }
0x4f: {  	[tilespmem:s19], [sflag:$0x2] =	stream.indirect.gather @!p0 [hbm4b:s7+s17], $0x10, s18, s17, $0xb8;
	[tilespmem:$0x14800] =	vst v63  }
0x50: {  	s18 =	simm.s32 @!p0 $0x300;
	s19 =	simm.s32 @!p0 $0x3800  }
0x51: {  	[tilespmem:s19], [sflag:$0x2] =	stream.indirect.gather @!p0 [hbm4b:s7+s17], $0x10, s18, s17, $0xb8;
	[tilespmem:$0x14800] =	vst v63  }
0x52: {  	s18 =	simm.s32 @!p0 $0x380;
	s19 =	simm.s32 @!p0 $0x4000  }
0x53: {  	[tilespmem:s19], [sflag:$0x2] =	stream.indirect.gather @!p0 [hbm4b:s7+s17], $0x10, s18, s17, $0xb8;
	[tilespmem:$0x14800] =	vst v63  }
0x54: {  	s20 =	simm.s32 $0x0;
	s17 =	simm.s32 $0x0  }
0x55: {  	s18 =	sand.u32 $0x3FFFFF80, s20;
	s20 =	simm.s32 $0x0;
	s21 =	sand.u32 $0x70, s17  }
0x56: {  	s20 =	sand.u32 $0x3FFFF800, s20;
	s18 =	sor.u32 s21, s18;
	s19 =	sshll.u32 s21, $0x4  }
0x57: {  	v20 =	vld [tilespmem:s18+$0x400];
	s22 =	sor.u32 s19, s20  }
0x58: {  	v18 =	vld [tilespmem:s22+$0x8F0]  }
0x59: {  	v19 =	vld [tilespmem:s22+$0x8E0]  }
0x5a: {  	v24 =	vld [tilespmem:s22+$0x8D0]  }
0x5b: {  	v21 =	vld [tilespmem:s22+$0x840]  }
0x5c: {  	v22 =	vld [tilespmem:s22+$0x830]  }
0x5d: {  	v23 =	vld [tilespmem:s22+$0x820]  }
0x5e: {  	v25 =	vld [tilespmem:s22+$0x810]  }
0x5f: {  	v26 =	vld [tilespmem:s22+$0x800]  }
0x60: {  	v28 =	vld [tilespmem:s22+$0x850];
	v27 =	vperm.xlane v20, v1  }
0x61: {  	v30 =	vld [tilespmem:s22+$0x860];
	v29 =	vperm.xlane v20, v2  }
0x62: {  	v32 =	vld [tilespmem:s22+$0x870];
	v31 =	vperm.xlane v20, v3;
	v27 =	vshll.u32 v27, $0x4  }
0x63: {  	v34 =	vld [tilespmem:s22+$0x880];
	v33 =	vperm.xlane v20, v4;
	v29 =	vshll.u32 v29, $0x4;
	v27 =	vor.u32 v17, v27  }
0x64: {  	v36 =	vld [tilespmem:s22+$0x890];
	v35 =	vperm.xlane v20, v5;
	v31 =	vshll.u32 v31, $0x4;
	v29 =	vor.u32 v17, v29  }
0x65: {  	v38 =	vld [tilespmem:s22+$0x8A0];
	v37 =	vperm.xlane v20, v6;
	v33 =	vshll.u32 v33, $0x4;
	v31 =	vor.u32 v17, v31  }
0x66: {  	v40 =	vld [tilespmem:s22+$0x8B0];
	v39 =	vperm.xlane v20, v7;
	v35 =	vshll.u32 v35, $0x4;
	v33 =	vor.u32 v17, v33  }
0x67: {  	v42 =	vld [tilespmem:s22+$0x8C0];
	v41 =	vperm.xlane v20, v8;
	v37 =	vshll.u32 v37, $0x4;
	v35 =	vor.u32 v17, v35  }
0x68: {  	v43 =	vperm.xlane v20, v9;
	v39 =	vshll.u32 v39, $0x4;
	v37 =	vor.u32 v17, v37;
	[tilespmem:v27+s26+$0x0] =	vst.idx.add.f32.msk $0xffff, v26  }
0x69: {  	v59 =	vperm.xlane v20, v10;
	v58 =	vshll.u32 v41, $0x4;
	v39 =	vor.u32 v17, v39;
	[tilespmem:v29+s26+$0x0] =	vst.idx.add.f32.msk $0xffff, v25  }
0x6a: {  	v61 =	vperm.xlane v20, v11;
	v60 =	vshll.u32 v43, $0x4;
	v26 =	vor.u32 v17, v58;
	[tilespmem:v31+s26+$0x0] =	vst.idx.add.f32.msk $0xffff, v23  }
0x6b: {  	v27 =	vshll.u32 v59, $0x4;
	v25 =	vor.u32 v17, v60;
	v23 =	vperm.xlane v20, v12;
	[tilespmem:v33+s26+$0x0] =	vst.idx.add.f32.msk $0xffff, v22  }
0x6c: {  	v29 =	vshll.u32 v61, $0x4;
	v27 =	vor.u32 v17, v27;
	[tilespmem:v35+s26+$0x0] =	vst.idx.add.f32.msk $0xffff, v21  }
0x6d: {  	v29 =	vor.u32 v17, v29;
	v22 =	vperm.xlane v20, v13;
	v23 =	vshll.u32 v23, $0x4;
	[tilespmem:v37+s26+$0x0] =	vst.idx.add.f32.msk $0xffff, v28  }
0x6e: {  	v21 =	vperm.xlane v20, v14;
	v23 =	vor.u32 v17, v23;
	[tilespmem:v39+s26+$0x0] =	vst.idx.add.f32.msk $0xffff, v30  }
0x6f: {  	v22 =	vshll.u32 v22, $0x4;
	[tilespmem:v26+s26+$0x0] =	vst.idx.add.f32.msk $0xffff, v32  }
0x70: {  	v21 =	vshll.u32 v21, $0x4;
	v22 =	vor.u32 v17, v22;
	[tilespmem:v25+s26+$0x0] =	vst.idx.add.f32.msk $0xffff, v34  }
0x71: {  	v62 =	vor.u32 v17, v21;
	v21 =	vperm.xlane v20, v15;
	[tilespmem:v27+s26+$0x0] =	vst.idx.add.f32.msk $0xffff, v36  }
0x72: {  	v63 =	vperm.xlane v20, v16;
	[tilespmem:v29+s26+$0x0] =	vst.idx.add.f32.msk $0xffff, v38  }
0x73: {  	s23 =	sand.u32 $0xF, s17;
	[tilespmem:v23+s26+$0x0] =	vst.idx.add.f32.msk $0xffff, v40;
	v23 =	vshll.u32 v21, $0x4  }
0x74: {  	p0 =	sne.s32 s23, s1;
	v25 =	vshll.u32 v63, $0x4;
	v23 =	vor.u32 v17, v23  }
0x75: {  	v27 =	vshll.u32 @!p0 v20, $0x4;
	v20 =	vand.u32 @!p0 $0xF, v20;
	[tilespmem:v22+s26+$0x0] =	vst.idx.add.f32.msk $0xffff, v42;
	v22 =	vor.u32 v17, v25  }
0x76: {  	v20 =	vor.u32 @!p0 v20, v27  }
0x77: {  	s18 =	simm.s32 $0x1;
	s19 =	simm.s32 @!p0 $0xC800;
	v21 =	vimm.f32 @!p0 $1.000000000e+00;
	[tilespmem:v62+s26+$0x0] =	vst.idx.add.f32.msk $0xffff, v24  }
.LBB2_6:
0x78: {  	s20 =	sshll.u32 s18, $0x4  }
0x79: {  	[tilespmem:v23+s26+$0x0] =	vst.idx.add.f32.msk $0xffff, v19;
	s17 =	sadd.s32 $0x10, s17;
	s21 =	smov.u32 s18;
	s18 =	sadd.s32 $0x1, s18  }
0x7a: {  	s22 =	sand.u32 $0x70, s17;
	s20 =	sand.u32 $0x3FFFFF80, s20;
	s23 =	sshll.u32 s21, $0x8;
	[tilespmem:v22+s26+$0x0] =	vst.idx.add.f32.msk $0xffff, v18  }
0x7b: {  	s20 =	sor.u32 s22, s20;
	s23 =	sand.u32 $0x3FFFF800, s23;
	s22 =	sshll.u32 s22, $0x4;
	[tilespmem:v20+s19+$0x0] =	vst.idx.add.f32.msk @!p0 $0xffff, v21  }
0x7c: {  	p1 =	sne.s32 s18, $0x20;
	v21 =	vld [tilespmem:s20+$0x400];
	s20 =	sor.u32 s22, s23  }
0x7d: {  	v18 =	vld [tilespmem:s20+$0x8F0]  }
0x7e: {  	v19 =	vld [tilespmem:s20+$0x8E0]  }
0x7f: {  	s19 =	sand.u32 $0xF, s21;
	v24 =	vld [tilespmem:s20+$0x8D0]  }
0x80: {  	p0 =	sne.s32 s19, s1;
	v22 =	vld [tilespmem:s20+$0x840]  }
0x81: {  	s19 =	simm.s32 @!p0 $0xC800;
	v20 =	vperm.xlane v21, v1;
	v23 =	vperm.xlane v21, v2;
	v25 =	vld [tilespmem:s20+$0x830];
	v26 =	vshll.u32 @!p0 v21, $0x4  }
0x82: {  	v27 =	vperm.xlane v21, v3;
	v29 =	vperm.xlane v21, v4;
	v30 =	vand.u32 @!p0 $0xF, v21;
	v28 =	vld [tilespmem:s20+$0x820]  }
0x83: {  	v32 =	vperm.xlane v21, v5;
	v31 =	vld [tilespmem:s20+$0x810];
	v20 =	vshll.u32 v20, $0x4;
	v23 =	vshll.u32 v23, $0x4  }
0x84: {  	v33 =	vld [tilespmem:s20+$0x800];
	v34 =	vor.u32 v17, v20;
	v20 =	vshll.u32 v27, $0x4;
	v27 =	vshll.u32 v29, $0x4  }
0x85: {  	v32 =	vshll.u32 v32, $0x4;
	v29 =	vperm.xlane v21, v6;
	v23 =	vor.u32 v17, v23;
	v35 =	vld [tilespmem:s20+$0x850]  }
0x86: {  	v36 =	vperm.xlane v21, v7;
	v38 =	vperm.xlane v21, v8;
	v39 =	vor.u32 v17, v20;
	v37 =	vld [tilespmem:s20+$0x860]  }
0x87: {  	v20 =	vperm.xlane v21, v9;
	v27 =	vor.u32 v17, v27;
	v29 =	vshll.u32 v29, $0x4;
	v40 =	vld [tilespmem:s20+$0x870]  }
0x88: {  	v36 =	vshll.u32 v36, $0x4;
	v38 =	vshll.u32 v38, $0x4;
	v32 =	vor.u32 v17, v32;
	v41 =	vld [tilespmem:s20+$0x880]  }
0x89: {  	v42 =	vperm.xlane v21, v10;
	v29 =	vor.u32 v17, v29;
	v44 =	vshll.u32 v20, $0x4;
	v43 =	vld [tilespmem:s20+$0x890]  }
0x8a: {  	v45 =	vperm.xlane v21, v11;
	v47 =	vperm.xlane v21, v12;
	v20 =	vor.u32 @!p0 v30, v26;
	v46 =	vld [tilespmem:s20+$0x8A0]  }
0x8b: {  	v48 =	vperm.xlane v21, v14;
	v42 =	vshll.u32 v42, $0x4;
	v30 =	vperm.xlane v21, v13;
	v26 =	vld [tilespmem:s20+$0x8B0]  }
0x8c: {  	v50 =	vperm.xlane v21, v15;
	v45 =	vshll.u32 v45, $0x4;
	v47 =	vshll.u32 v47, $0x4;
	v49 =	vld [tilespmem:s20+$0x8C0]  }
0x8d: {  	v30 =	vshll.u32 v30, $0x4;
	[tilespmem:v34+s26+$0x0] =	vst.idx.add.f32.msk $0xffff, v33;
	v33 =	vor.u32 v17, v36;
	v34 =	vshll.u32 v48, $0x4  }
0x8e: {  	v36 =	vperm.xlane v21, v16;
	[tilespmem:v23+s26+$0x0] =	vst.idx.add.f32.msk $0xffff, v31;
	v23 =	vor.u32 v17, v38;
	v31 =	vshll.u32 v50, $0x4  }
0x8f: {  	v21 =	vimm.f32 @!p0 $1.000000000e+00;
	[tilespmem:v39+s26+$0x0] =	vst.idx.add.f32.msk $0xffff, v28;
	v28 =	vor.u32 v17, v44  }
0x90: {  	[tilespmem:v27+s26+$0x0] =	vst.idx.add.f32.msk $0xffff, v25;
	v25 =	vor.u32 v17, v42;
	v27 =	vshll.u32 v36, $0x4  }
0x91: {  	[tilespmem:v32+s26+$0x0] =	vst.idx.add.f32.msk $0xffff, v22;
	v32 =	vor.u32 v17, v45  }
0x92: {  	[tilespmem:v29+s26+$0x0] =	vst.idx.add.f32.msk $0xffff, v35;
	v29 =	vor.u32 v17, v47  }
0x93: {  	v30 =	vor.u32 v17, v30;
	[tilespmem:v33+s26+$0x0] =	vst.idx.add.f32.msk $0xffff, v37  }
0x94: {  	v33 =	vor.u32 v17, v34;
	[tilespmem:v23+s26+$0x0] =	vst.idx.add.f32.msk $0xffff, v40  }
0x95: {  	v23 =	vor.u32 v17, v31;
	[tilespmem:v28+s26+$0x0] =	vst.idx.add.f32.msk $0xffff, v41  }
.Ltmp6:
0x96: {  	v22 =	vor.u32 v17, v27;
	[tilespmem:v25+s26+$0x0] =	vst.idx.add.f32.msk $0xffff, v43;
	(pc) =	sbr.rel @p1 .LBB2_6-.Ltmp6, $4  }
0x97: {  	[tilespmem:v32+s26+$0x0] =	vst.idx.add.f32.msk $0xffff, v46  }
0x98: {  	[tilespmem:v29+s26+$0x0] =	vst.idx.add.f32.msk $0xffff, v26  }
0x99: {  	[tilespmem:v30+s26+$0x0] =	vst.idx.add.f32.msk $0xffff, v49  }
0x9a: {  	[tilespmem:v33+s26+$0x0] =	vst.idx.add.f32.msk $0xffff, v24  }
0x9b: {  	_ =	sdelay $0x3  }
0x9c: {  	p1 =	sgt.u32 s0, $0x2E;
	[tilespmem:v23+s26+$0x0] =	vst.idx.add.f32.msk $0xffff, v19  }
0x9d: {  	s17 =	sshll.u32 @!p1 s0, $0x9;
	[tilespmem:v22+s26+$0x0] =	vst.idx.add.f32.msk $0xffff, v18  }
0x9e: {  	s17 =	sadd.s32 @!p1 s17, s10;
	[tilespmem:v20+s19+$0x0] =	vst.idx.add.f32.msk @!p0 $0xffff, v21;
	p0 =	seq.s32 s14, $0x0  }
.Ltmp7:
0x9f: {  	s17 =	sshrl.u32 @!p1 s17, $0x3;
	(pc) =	sbr.rel @p0 .LBB2_11-.Ltmp7, $4  }
0xa0: {  	s19 =	simm.s32 @!p1 $0x0;
	s18 =	sadd.s32 @!p1 s3, s17  }
0xa1: {  	[tilespmem:s19], [sflag:$0x3] =	stream.linear.gather @!p1 [hbm4b:s18+s19], $0x200, $0x38;
	[tilespmem:$0x14800] =	vst v63  }
0xa2: {  	s17 =	sadd.s32 @!p1 s4, s17;
	s18 =	simm.s32 @!p1 $0x400  }
0xa3: {  	[tilespmem:s18], [sflag:$0x3] =	stream.linear.gather @!p1 [hbm4b:s17+s19], $0x200, $0x38;
	[tilespmem:$0x14800] =	vst v63  }
.LBB2_8:
0xa4: {  	_ =	swait.ge [sflag:s25], $0x800  }
0xa5: {  	[sflag:s25] =	ssyncset.done $0x0  }
0xa6: {  	[sflag:s25] =	ssyncadd.s32 $0xFFFFF800  }
0xa7: {  	_ =	swait.ge [sflag:s25], $0x800  }
0xa8: {  	[sflag:s25] =	ssyncset.done $0x0  }
0xa9: {  	[sflag:s25] =	ssyncadd.s32 $0xFFFFF800  }
0xaa: {  	_ =	swait.ge [sflag:s25], $0x800  }
0xab: {  	[sflag:s25] =	ssyncset.done $0x0  }
0xac: {  	[sflag:s25] =	ssyncadd.s32 $0xFFFFF800  }
0xad: {  	_ =	swait.ge [sflag:s25], $0x800  }
0xae: {  	p0 =	seq.s32 s0, $0x30;
	[sflag:s25] =	ssyncset.done $0x0  }
0xaf: {  	s14 =	simm.s32 @!p0 $0x3;
	[sflag:s25] =	ssyncadd.s32 $0xFFFFF800  }
0xb0: {  	_ =	swait.ge @!p0 [sflag:s14], $0x200  }
0xb1: {  	[sflag:s14] =	ssyncset.done @!p0 $0x0  }
0xb2: {  	[sflag:s14] =	ssyncadd.s32 @!p0 $0xFFFFFE00  }
0xb3: {  	_ =	swait.ge @!p0 [sflag:s14], $0x200  }
0xb4: {  	s17 =	simm.s32 @!p0 $0x0;
	[sflag:s14] =	ssyncset.done @!p0 $0x0  }
0xb5: {  	s18 =	simm.s32 @!p0 $0x800;
	[sflag:s14] =	ssyncadd.s32 @!p0 $0xFFFFFE00;
	s14 =	simm.s32 @!p0 $0x80  }
0xb6: {  	[tilespmem:s18], [sflag:$0x1] =	stream.indirect.gather @!p0 [hbm4b:s7+s14], $0x10, s17, s14, $0xb8;
	[tilespmem:$0x14800] =	vst v63  }
0xb7: {  	s17 =	simm.s32 @!p0 $0x1000  }
0xb8: {  	[tilespmem:s17], [sflag:$0x1] =	stream.indirect.gather @!p0 [hbm4b:s7+s14], $0x10, s14, s14, $0xb8;
	[tilespmem:$0x14800] =	vst v63  }
0xb9: {  	s18 =	simm.s32 @!p0 $0x1800;
	s17 =	simm.s32 @!p0 $0x100  }
0xba: {  	[tilespmem:s18], [sflag:$0x1] =	stream.indirect.gather @!p0 [hbm4b:s7+s14], $0x10, s17, s14, $0xb8;
	[tilespmem:$0x14800] =	vst v63  }
0xbb: {  	s17 =	simm.s32 @!p0 $0x180;
	s18 =	simm.s32 @!p0 $0x2000  }
0xbc: {  	[tilespmem:s18], [sflag:$0x1] =	stream.indirect.gather @!p0 [hbm4b:s7+s14], $0x10, s17, s14, $0xb8;
	[tilespmem:$0x14800] =	vst v63  }
0xbd: {  	s20 =	simm.s32 $0x0;
	s14 =	simm.s32 $0x0  }
0xbe: {  	s19 =	simm.s32 $0x0;
	s17 =	sand.u32 $0x3FFFFF80, s20;
	s21 =	sand.u32 $0x70, s14  }
0xbf: {  	s19 =	sand.u32 $0x3FFFF800, s19;
	s17 =	sor.u32 s21, s17;
	s18 =	sshll.u32 s21, $0x4  }
0xc0: {  	v20 =	vld [tilespmem:s17+$0x600];
	s22 =	sor.u32 s18, s19  }
0xc1: {  	v18 =	vld [tilespmem:s22+$0x28F0]  }
0xc2: {  	v19 =	vld [tilespmem:s22+$0x28E0]  }
0xc3: {  	v24 =	vld [tilespmem:s22+$0x28D0]  }
0xc4: {  	v21 =	vld [tilespmem:s22+$0x2840]  }
0xc5: {  	v22 =	vld [tilespmem:s22+$0x2830]  }
0xc6: {  	v23 =	vld [tilespmem:s22+$0x2820]  }
0xc7: {  	v25 =	vld [tilespmem:s22+$0x2810]  }
0xc8: {  	v26 =	vld [tilespmem:s22+$0x2800]  }
0xc9: {  	v28 =	vld [tilespmem:s22+$0x2850];
	v27 =	vperm.xlane v20, v1  }
0xca: {  	v30 =	vld [tilespmem:s22+$0x2860];
	v29 =	vperm.xlane v20, v2  }
0xcb: {  	v32 =	vld [tilespmem:s22+$0x2870];
	v31 =	vperm.xlane v20, v3;
	v27 =	vshll.u32 v27, $0x4  }
0xcc: {  	v34 =	vld [tilespmem:s22+$0x2880];
	v33 =	vperm.xlane v20, v4;
	v29 =	vshll.u32 v29, $0x4;
	v27 =	vor.u32 v17, v27  }
0xcd: {  	v36 =	vld [tilespmem:s22+$0x2890];
	v35 =	vperm.xlane v20, v5;
	v31 =	vshll.u32 v31, $0x4;
	v29 =	vor.u32 v17, v29  }
0xce: {  	v38 =	vld [tilespmem:s22+$0x28A0];
	v37 =	vperm.xlane v20, v6;
	v33 =	vshll.u32 v33, $0x4;
	v31 =	vor.u32 v17, v31  }
0xcf: {  	v40 =	vld [tilespmem:s22+$0x28B0];
	v39 =	vperm.xlane v20, v7;
	v35 =	vshll.u32 v35, $0x4;
	v33 =	vor.u32 v17, v33  }
0xd0: {  	v42 =	vld [tilespmem:s22+$0x28C0];
	v41 =	vperm.xlane v20, v8;
	v37 =	vshll.u32 v37, $0x4;
	v35 =	vor.u32 v17, v35  }
0xd1: {  	v43 =	vperm.xlane v20, v9;
	v39 =	vshll.u32 v39, $0x4;
	v37 =	vor.u32 v17, v37;
	[tilespmem:v27+s26+$0x0] =	vst.idx.add.f32.msk $0xffff, v26  }
0xd2: {  	v59 =	vperm.xlane v20, v10;
	v58 =	vshll.u32 v41, $0x4;
	v39 =	vor.u32 v17, v39;
	[tilespmem:v29+s26+$0x0] =	vst.idx.add.f32.msk $0xffff, v25  }
0xd3: {  	v61 =	vperm.xlane v20, v11;
	v60 =	vshll.u32 v43, $0x4;
	v26 =	vor.u32 v17, v58;
	[tilespmem:v31+s26+$0x0] =	vst.idx.add.f32.msk $0xffff, v23  }
0xd4: {  	v27 =	vshll.u32 v59, $0x4;
	v25 =	vor.u32 v17, v60;
	v23 =	vperm.xlane v20, v12;
	[tilespmem:v33+s26+$0x0] =	vst.idx.add.f32.msk $0xffff, v22  }
0xd5: {  	v29 =	vshll.u32 v61, $0x4;
	v27 =	vor.u32 v17, v27;
	[tilespmem:v35+s26+$0x0] =	vst.idx.add.f32.msk $0xffff, v21  }
0xd6: {  	v29 =	vor.u32 v17, v29;
	v22 =	vperm.xlane v20, v13;
	v23 =	vshll.u32 v23, $0x4;
	[tilespmem:v37+s26+$0x0] =	vst.idx.add.f32.msk $0xffff, v28  }
0xd7: {  	v21 =	vperm.xlane v20, v14;
	v23 =	vor.u32 v17, v23;
	[tilespmem:v39+s26+$0x0] =	vst.idx.add.f32.msk $0xffff, v30  }
0xd8: {  	v22 =	vshll.u32 v22, $0x4;
	[tilespmem:v26+s26+$0x0] =	vst.idx.add.f32.msk $0xffff, v32  }
0xd9: {  	v21 =	vshll.u32 v21, $0x4;
	v22 =	vor.u32 v17, v22;
	[tilespmem:v25+s26+$0x0] =	vst.idx.add.f32.msk $0xffff, v34  }
0xda: {  	v62 =	vor.u32 v17, v21;
	v21 =	vperm.xlane v20, v15;
	[tilespmem:v27+s26+$0x0] =	vst.idx.add.f32.msk $0xffff, v36  }
0xdb: {  	v63 =	vperm.xlane v20, v16;
	[tilespmem:v29+s26+$0x0] =	vst.idx.add.f32.msk $0xffff, v38  }
0xdc: {  	s23 =	sand.u32 $0xF, s14;
	[tilespmem:v23+s26+$0x0] =	vst.idx.add.f32.msk $0xffff, v40;
	v23 =	vshll.u32 v21, $0x4  }
0xdd: {  	p0 =	sne.s32 s23, s1;
	v25 =	vshll.u32 v63, $0x4;
	v23 =	vor.u32 v17, v23  }
0xde: {  	v27 =	vshll.u32 @!p0 v20, $0x4;
	v20 =	vand.u32 @!p0 $0xF, v20;
	[tilespmem:v22+s26+$0x0] =	vst.idx.add.f32.msk $0xffff, v42;
	v22 =	vor.u32 v17, v25  }
0xdf: {  	v20 =	vor.u32 @!p0 v20, v27  }
0xe0: {  	s17 =	simm.s32 $0x1;
	s18 =	simm.s32 @!p0 $0xC800;
	v21 =	vimm.f32 @!p0 $1.000000000e+00;
	[tilespmem:v62+s26+$0x0] =	vst.idx.add.f32.msk $0xffff, v24  }
.LBB2_9:
0xe1: {  	s19 =	sshll.u32 s17, $0x4  }
0xe2: {  	[tilespmem:v23+s26+$0x0] =	vst.idx.add.f32.msk $0xffff, v19;
	s14 =	sadd.s32 $0x10, s14;
	s20 =	smov.u32 s17;
	s17 =	sadd.s32 $0x1, s17  }
0xe3: {  	s21 =	sand.u32 $0x70, s14;
	s19 =	sand.u32 $0x3FFFFF80, s19;
	s22 =	sshll.u32 s20, $0x8;
	[tilespmem:v22+s26+$0x0] =	vst.idx.add.f32.msk $0xffff, v18  }
0xe4: {  	s19 =	sor.u32 s21, s19;
	s22 =	sand.u32 $0x3FFFF800, s22;
	s21 =	sshll.u32 s21, $0x4;
	[tilespmem:v20+s18+$0x0] =	vst.idx.add.f32.msk @!p0 $0xffff, v21  }
0xe5: {  	p1 =	sne.s32 s17, $0x20;
	v21 =	vld [tilespmem:s19+$0x600];
	s19 =	sor.u32 s21, s22  }
0xe6: {  	v18 =	vld [tilespmem:s19+$0x28F0]  }
0xe7: {  	v19 =	vld [tilespmem:s19+$0x28E0]  }
0xe8: {  	s18 =	sand.u32 $0xF, s20;
	v24 =	vld [tilespmem:s19+$0x28D0]  }
0xe9: {  	p0 =	sne.s32 s18, s1;
	v22 =	vld [tilespmem:s19+$0x2840]  }
0xea: {  	s18 =	simm.s32 @!p0 $0xC800;
	v20 =	vperm.xlane v21, v1;
	v23 =	vperm.xlane v21, v2;
	v25 =	vld [tilespmem:s19+$0x2830];
	v26 =	vshll.u32 @!p0 v21, $0x4  }
0xeb: {  	v27 =	vperm.xlane v21, v3;
	v29 =	vperm.xlane v21, v4;
	v30 =	vand.u32 @!p0 $0xF, v21;
	v28 =	vld [tilespmem:s19+$0x2820]  }
0xec: {  	v32 =	vperm.xlane v21, v5;
	v31 =	vld [tilespmem:s19+$0x2810];
	v20 =	vshll.u32 v20, $0x4;
	v23 =	vshll.u32 v23, $0x4  }
0xed: {  	v33 =	vld [tilespmem:s19+$0x2800];
	v34 =	vor.u32 v17, v20;
	v20 =	vshll.u32 v27, $0x4;
	v27 =	vshll.u32 v29, $0x4  }
0xee: {  	v32 =	vshll.u32 v32, $0x4;
	v29 =	vperm.xlane v21, v6;
	v23 =	vor.u32 v17, v23;
	v35 =	vld [tilespmem:s19+$0x2850]  }
0xef: {  	v36 =	vperm.xlane v21, v7;
	v38 =	vperm.xlane v21, v8;
	v39 =	vor.u32 v17, v20;
	v37 =	vld [tilespmem:s19+$0x2860]  }
0xf0: {  	v20 =	vperm.xlane v21, v9;
	v27 =	vor.u32 v17, v27;
	v29 =	vshll.u32 v29, $0x4;
	v40 =	vld [tilespmem:s19+$0x2870]  }
0xf1: {  	v36 =	vshll.u32 v36, $0x4;
	v38 =	vshll.u32 v38, $0x4;
	v32 =	vor.u32 v17, v32;
	v41 =	vld [tilespmem:s19+$0x2880]  }
0xf2: {  	v42 =	vperm.xlane v21, v10;
	v29 =	vor.u32 v17, v29;
	v44 =	vshll.u32 v20, $0x4;
	v43 =	vld [tilespmem:s19+$0x2890]  }
0xf3: {  	v45 =	vperm.xlane v21, v11;
	v47 =	vperm.xlane v21, v12;
	v20 =	vor.u32 @!p0 v30, v26;
	v46 =	vld [tilespmem:s19+$0x28A0]  }
0xf4: {  	v48 =	vperm.xlane v21, v14;
	v42 =	vshll.u32 v42, $0x4;
	v30 =	vperm.xlane v21, v13;
	v26 =	vld [tilespmem:s19+$0x28B0]  }
0xf5: {  	v50 =	vperm.xlane v21, v15;
	v45 =	vshll.u32 v45, $0x4;
	v47 =	vshll.u32 v47, $0x4;
	v49 =	vld [tilespmem:s19+$0x28C0]  }
0xf6: {  	v30 =	vshll.u32 v30, $0x4;
	[tilespmem:v34+s26+$0x0] =	vst.idx.add.f32.msk $0xffff, v33;
	v33 =	vor.u32 v17, v36;
	v34 =	vshll.u32 v48, $0x4  }
0xf7: {  	v36 =	vperm.xlane v21, v16;
	[tilespmem:v23+s26+$0x0] =	vst.idx.add.f32.msk $0xffff, v31;
	v23 =	vor.u32 v17, v38;
	v31 =	vshll.u32 v50, $0x4  }
0xf8: {  	v21 =	vimm.f32 @!p0 $1.000000000e+00;
	[tilespmem:v39+s26+$0x0] =	vst.idx.add.f32.msk $0xffff, v28;
	v28 =	vor.u32 v17, v44  }
0xf9: {  	[tilespmem:v27+s26+$0x0] =	vst.idx.add.f32.msk $0xffff, v25;
	v25 =	vor.u32 v17, v42;
	v27 =	vshll.u32 v36, $0x4  }
0xfa: {  	[tilespmem:v32+s26+$0x0] =	vst.idx.add.f32.msk $0xffff, v22;
	v32 =	vor.u32 v17, v45  }
0xfb: {  	[tilespmem:v29+s26+$0x0] =	vst.idx.add.f32.msk $0xffff, v35;
	v29 =	vor.u32 v17, v47  }
0xfc: {  	v30 =	vor.u32 v17, v30;
	[tilespmem:v33+s26+$0x0] =	vst.idx.add.f32.msk $0xffff, v37  }
0xfd: {  	v33 =	vor.u32 v17, v34;
	[tilespmem:v23+s26+$0x0] =	vst.idx.add.f32.msk $0xffff, v40  }
0xfe: {  	v23 =	vor.u32 v17, v31;
	[tilespmem:v28+s26+$0x0] =	vst.idx.add.f32.msk $0xffff, v41  }
.Ltmp8:
0xff: {  	v22 =	vor.u32 v17, v27;
	[tilespmem:v25+s26+$0x0] =	vst.idx.add.f32.msk $0xffff, v43;
	(pc) =	sbr.rel @p1 .LBB2_9-.Ltmp8, $4  }
0x100: {  	[tilespmem:v32+s26+$0x0] =	vst.idx.add.f32.msk $0xffff, v46  }
0x101: {  	[tilespmem:v29+s26+$0x0] =	vst.idx.add.f32.msk $0xffff, v26  }
0x102: {  	[tilespmem:v30+s26+$0x0] =	vst.idx.add.f32.msk $0xffff, v49  }
0x103: {  	[tilespmem:v33+s26+$0x0] =	vst.idx.add.f32.msk $0xffff, v24  }
0x104: {  	_ =	sdelay $0x1  }
0x105: {  	p1 =	sgt.u32 s0, $0x2E  }
0x106: {  	s14 =	sshll.u32 @!p1 s0, $0x9  }
0x107: {  	[tilespmem:v23+s26+$0x0] =	vst.idx.add.f32.msk $0xffff, v19;
	s14 =	sadd.s32 @!p1 s14, s10  }
.Ltmp9:
0x108: {  	[tilespmem:v22+s26+$0x0] =	vst.idx.add.f32.msk $0xffff, v18;
	s14 =	sshrl.u32 @!p1 s14, $0x3;
	(pc) =	sbr.rel .LBB2_11-.Ltmp9, $4  }
0x109: {  	s19 =	simm.s32 @!p1 $0x200;
	[tilespmem:v20+s18+$0x0] =	vst.idx.add.f32.msk @!p0 $0xffff, v21;
	s18 =	simm.s32 @!p1 $0x0;
	s17 =	sadd.s32 @!p1 s3, s14  }
0x10a: {  	[tilespmem:s19], [sflag:$0x4] =	stream.linear.gather @!p1 [hbm4b:s17+s18], $0x200, $0x38;
	[tilespmem:$0x14800] =	vst v63  }
0x10b: {  	s14 =	sadd.s32 @!p1 s4, s14;
	s17 =	simm.s32 @!p1 $0x600  }
0x10c: {  	[tilespmem:s17], [sflag:$0x4] =	stream.linear.gather @!p1 [hbm4b:s14+s18], $0x200, $0x38;
	[tilespmem:$0x14800] =	vst v63  }
.LBB2_13:
0x10d: {  	_ =	sfence.sel $0x180000  }
0x10e: {  	[bflag:$0x0] =	sbarrier.arrive $0xFFFF  }
0x10f: {  	_ =	strace $0x90000047  }
0x110: {  	[bflag:$0x2] =	sbarrier.arrive $0xFFFF  }
0x111: {  	p0 =	sne.s32 s1, $0x0;
	s0 =	rddreg [dreg:$0x1]  }
0x112: {  	s0 =	sadd.s32 @!p0 $0x100000, s0  }
0x113: {  	[sflag:s0] =	ssyncadd.tile.s32 @!p0 $0x1;
	_ =	shalt  }
.Lfunc_end2:
_tile_overlayer_lowered:
.L_overlay_start_2:
0x114: {  	(tag) =	ssettag $0x2  }
0x115: {  	s0 =	rddreg [dreg:$0x0];
	s2 =	stileid.u32  }
0x116: {  	s1 =	rddreg [dreg:$0x1];
	p0 =	sne.s32 s2, $0x0  }
0x117: {  	s3 =	rddreg [dreg:$0x2];
	[bflag:$0x3] =	sbarrier.arrive $0xFFFF;
	s2 =	simm.s32 @!p0 $0x1C05  }
0x118: {  	[timem:s3], [sflag:s2] =	dma.local @!p0 [hbm:s0], s1  }
0x119: {  	s0 =	simm.s32 @!p0 $0x5  }
0x11a: {  	_ =	swait.ge @!p0 [sflag:s0], s1  }
0x11b: {  	s1 =	ssub.s32 @!p0 $0x0, s1;
	[sflag:s0] =	ssyncset.done @!p0 $0x0  }
0x11c: {  	[sflag:s0] =	ssyncadd.s32 @!p0 s1  }
0x11d: {  	[bflag:$0x3] =	sbarrier.arrive $0xFFFF  }
0x11e: {  	_ =	shalt  }

// kernel: kernel.9.cloned.1.call-start
scs
__scs_entry_jumppad:
0x0: {  	(pc) =	sbr.rel $0x88, $3  }
0x1: {  	(tag) =	ssettag $0x0;
	lr =	simm.s32 $0x1  }
0x2: {  	[smem:$0x3F9A] =	sst lr;
	_ =	strace $0xD0000000  }
0x3: {  	_ = 	snop  }
0x4: {  	_ = 	snop  }
0x5: {  	_ = 	snop  }
0x6: {  	_ = 	snop  }
0x7: {  	_ = 	snop  }
__scs_overlays_trampoline_lowered:
0x8: {  	[smem:$0x3FA9] =	sst s0  }
0x9: {  	[smem:$0x3FAA] =	sst s1  }
0xa: {  	[smem:$0x3FAB] =	sst s2  }
0xb: {  	[smem:$0x3FAC] =	sst s3  }
0xc: {  	[smem:$0x3FAD] =	sst s4  }
0xd: {  	[smem:$0x3FAE] =	sst s5  }
0xe: {  	[smem:$0x3FAF] =	sst s6  }
0xf: {  	[smem:$0x3FB0] =	sst s7  }
0x10: {  	[smem:$0x3FB1] =	sst s8  }
0x11: {  	[smem:$0x3FB2] =	sst s9;
	s0 =	simm.s32 @!p0 $0x0  }
0x12: {  	s1 =	sld [smem:$0x3F98];
	s0 =	simm.s32 @p0 $0x1  }
0x13: {  	[smem:$0x3FB3] =	sst s0;
	s0 =	simm.s32 @!p1 $0x0  }
0x14: {  	s2 =	sld [smem:$0x3F97];
	s0 =	simm.s32 @p1 $0x1  }
0x15: {  	[smem:$0x3FB4] =	sst s0;
	s0 =	simm.s32 @!p2 $0x0  }
0x16: {  	s3 =	sld [smem:$0x3FDB];
	s0 =	simm.s32 @p2 $0x1  }
0x17: {  	s4 =	simm.s32 $0x1BF5;
	[smem:$0x3FB6] =	sst s0  }
0x18: {  	s0 =	sld [smem:$0x3F99];
	_ =	swait.ge [sflag:s4], $0x0  }
0x19: {  	s7 =	sld [smem:$0x3F9A]  }
0x1a: {  	s8 =	sadd.s32 $0xFFFFE003, lr  }
0x1b: {  	s9 =	sadd.s32 $0xFFFFFEF7, lr;
	s5 =	simm.s32 $0xFFFFFFFF;
	p2 =	slt.u32 s8, $0xFFFFF086  }
0x1c: {  	p1 =	slt.u32 s9, $0xF7A;
	s5 =	simm.s32 @!p2 $0x0  }
0x1d: {  	s5 =	simm.s32 @p1 $0x1;
	p0 =	seq.s32 s7, s2  }
0x1e: {  	s7 =	smul.u32 @!p0 $0xF7A, s2;
	p2 =	seq.s32 @!p0 s5, $0x0  }
0x1f: {  	s9 =	smul.u32 $0xF7A, s1;
	s8 =	simm.s32 @!p0 $0x1BF5;
	p2 =	por !p2, p0  }
0x20: {  	[sflag:s8] =	ssyncset.s32 @!p0 $0xFFFFF086;
	s6 =	sadd.s32 @!p0 s3, s7;
	s7 =	simm.s32 @!p0 $0x108  }
0x21: {  	s3 =	sadd.s32 s3, s9;
	s6 =	sadd.s32 @!p0 $0x88, s6;
	s7 =	simm.s32 @p2 $0x1082  }
0x22: {  	[simem:s7], [sflag:s8] =	dma.local @!p0 [hbm:s6], $0xF7A  }
0x23: {  	s9 =	sor.u32 $0xD0000000, s2;
	s6 =	simm.s32 $0x108;
	_ =	swait.ge @!p0 [sflag:s8], $0x0  }
0x24: {  	s3 =	sadd.s32 $0x88, s3;
	s6 =	simm.s32 @!p1 $0x1082;
	[sflag:s4] =	ssyncset.s32 $0xFFFFF086  }
0x25: {  	[simem:s6], [sflag:s4] =	dma.local [hbm:s3], $0xF7A  }
0x26: {  	[smem:$0x3F9A] =	sst s1;
	(tag) =	ssettag s2;
	_ =	strace s9  }
0x27: {  	s1 =	sld [smem:$0x3FAA]  }
0x28: {  	s2 =	sld [smem:$0x3FAB]  }
0x29: {  	s4 =	sld [smem:$0x3FAD]  }
0x2a: {  	p0 =	seq.s32 s5, $0x0;
	s5 =	sld [smem:$0x3FAE]  }
0x2b: {  	s6 =	sld [smem:$0x3FAF]  }
0x2c: {  	s7 =	sld [smem:$0x3FB0]  }
0x2d: {  	s3 =	simm.s32 $0x108;
	s8 =	sld [smem:$0x3FB1]  }
0x2e: {  	s3 =	simm.s32 @!p0 $0x1082;
	s9 =	sld [smem:$0x3FB2]  }
0x2f: {  	lr =	sadd.s32 s0, s3;
	s0 =	sld [smem:$0x3FA9]  }
0x30: {  	s3 =	sld [smem:$0x3FAC]  }
0x31: {  	[smem:$0x3FB5] =	sst s10  }
0x32: {  	s10 =	sld [smem:$0x3FB3];
	_ =	sdelay $0x3  }
0x33: {  	p0 =	seq.s32 s10, $0x1;
	s10 =	sld [smem:$0x3FB5];
	_ =	sdelay $0x3  }
0x34: {  	[smem:$0x3FB5] =	sst s10  }
0x35: {  	s10 =	sld [smem:$0x3FB4];
	_ =	sdelay $0x3  }
0x36: {  	p1 =	seq.s32 s10, $0x1;
	s10 =	sld [smem:$0x3FB5];
	_ =	sdelay $0x3  }
0x37: {  	[smem:$0x3FB5] =	sst s10  }
0x38: {  	s10 =	sld [smem:$0x3FB6]  }
0x39: {  	_ = 	snop;
	(pc) =	sbr.ind lr, $3  }
0x3a: {  	_ = 	snop  }
0x3b: {  	_ = 	snop  }
0x3c: {  	p2 =	seq.s32 s10, $0x1;
	s10 =	sld [smem:$0x3FB5]  }
0x3d: {  	_ =	shalt  }
0x3e: {  	_ =	shalt  }
0x3f: {  	_ =	shalt  }
0x40: {  	_ =	shalt  }
0x41: {  	_ =	shalt  }
0x42: {  	_ =	shalt  }
0x43: {  	_ =	shalt  }
0x44: {  	_ =	shalt  }
0x45: {  	_ =	shalt  }
0x46: {  	_ =	shalt  }
0x47: {  	_ =	shalt  }
0x48: {  	_ =	shalt  }
0x49: {  	_ =	shalt  }
0x4a: {  	_ =	shalt  }
0x4b: {  	_ =	shalt  }
0x4c: {  	_ =	shalt  }
0x4d: {  	_ =	shalt  }
0x4e: {  	_ =	shalt  }
0x4f: {  	_ =	shalt  }
0x50: {  	_ =	shalt  }
0x51: {  	_ =	shalt  }
0x52: {  	_ =	shalt  }
0x53: {  	_ =	shalt  }
0x54: {  	_ =	shalt  }
0x55: {  	_ =	shalt  }
0x56: {  	_ =	shalt  }
0x57: {  	_ =	shalt  }
0x58: {  	_ =	shalt  }
0x59: {  	_ =	shalt  }
0x5a: {  	_ =	shalt  }
0x5b: {  	_ =	shalt  }
0x5c: {  	_ =	shalt  }
0x5d: {  	_ =	shalt  }
0x5e: {  	_ =	shalt  }
0x5f: {  	_ =	shalt  }
0x60: {  	_ =	shalt  }
0x61: {  	_ =	shalt  }
0x62: {  	_ =	shalt  }
0x63: {  	_ =	shalt  }
0x64: {  	_ =	shalt  }
0x65: {  	_ =	shalt  }
0x66: {  	_ =	shalt  }
0x67: {  	_ =	shalt  }
0x68: {  	_ =	shalt  }
0x69: {  	_ =	shalt  }
0x6a: {  	_ =	shalt  }
0x6b: {  	_ =	shalt  }
0x6c: {  	_ =	shalt  }
0x6d: {  	_ =	shalt  }
0x6e: {  	_ =	shalt  }
0x6f: {  	_ =	shalt  }
0x70: {  	_ =	shalt  }
0x71: {  	_ =	shalt  }
0x72: {  	_ =	shalt  }
0x73: {  	_ =	shalt  }
0x74: {  	_ =	shalt  }
0x75: {  	_ =	shalt  }
0x76: {  	_ =	shalt  }
0x77: {  	_ =	shalt  }
0x78: {  	_ =	shalt  }
0x79: {  	_ =	shalt  }
0x7a: {  	_ =	shalt  }
0x7b: {  	_ =	shalt  }
0x7c: {  	_ =	shalt  }
0x7d: {  	_ =	shalt  }
0x7e: {  	_ =	shalt  }
0x7f: {  	_ =	shalt  }
0x80: {  	_ =	shalt  }
0x81: {  	_ =	shalt  }
0x82: {  	_ =	shalt  }
0x83: {  	_ =	shalt  }
0x84: {  	_ =	shalt  }
0x85: {  	_ =	shalt  }
0x86: {  	_ =	shalt  }
0x87: {  	_ =	shalt  }
.Lfunc_end0:
.L_simem_size_0:
called_computation.1_lowered:
.L_overlay_start_0:
0x88: {  	s2 =	sld [smem:$0x3FD9]  }
0x89: {  	s3 =	sld [smem:$0x3FFE];
	_ =	sdelay $0x1  }
0x8a: {  	s1 =	srdreg.scid  }
0x8b: {  	s0 =	sand.u32 $0x1, s1  }
0x8c: {  	s16 =	sshll.u32 s0, $0xA;
	s2 =	sadd.s32 s3, s2  }
0x8d: {  	s2 =	sadd.s32 s2, s16  }
0x8e: {  	[smem:$0x3FC1] =	sst s2  }
0x8f: {  	_ = 	snop  }
0x90: {  	(tm) =	ssettm $0x1  }
0x91: {  	s17 =	sld [smem:$0x3FFB];
	_ =	sdelay $0x3  }
0x92: {  	_ =	strace s17  }
0x93: {  	s2 =	sld [smem:$0x3FFC];
	_ =	sdelay $0x3  }
0x94: {  	_ =	strace s2  }
0x95: {  	s2 =	sld [smem:$0x3FFD];
	_ =	sdelay $0x3  }
0x96: {  	_ =	strace s2  }
0x97: {  	_ =	strace $0x8FFFFFFF  }
0x98: {  	s18 =	sld [smem:$0x3FDB];
	_ =	sdelay $0x1  }
0x99: {  	s19 =	simm.s32 $_scs_section_size  }
0x9a: {  	s4 =	simm.s32 $_size__tile_overlayer_lowered;
	s5 =	simm.s32 $_tile_overlayer_lowered  }
0x9b: {  	s22 =	simm.s32 $0x1BFF;
	s21 =	sshll.u32 s5, $0x1;
	s2 =	sadd.s32 s19, s18  }
0x9c: {  	s6 =	simm.s32 $0x0;
	s20 =	sshll.u32 s4, $0x1;
	s4 =	sadd.s32 s21, s2  }
0x9d: {  	[timem:s6], [sflag:s22] =	dma.local [hbm:s4], s20  }
0x9e: {  	_ =	swait.ge [sflag:s22], s20  }
0x9f: {  	s3 =	ssub.s32 $0x0, s20;
	[sflag:s22] =	ssyncset.done $0x0  }
0xa0: {  	[sflag:s22] =	ssyncadd.s32 s3;
	_ =	sdelay $0x1  }
0xa1: {  	s23 =	simm.s32 $0x1B8B  }
0xa2: {  	_ =	swait.ge [sflag:s23], $0x1  }
0xa3: {  	[sflag:s23] =	ssyncset.done $0x0  }
0xa4: {  	s25 =	simm.s32 $0x1B8E;
	s24 =	sld [smem:$0x3FFE];
	[sflag:s23] =	ssyncadd.s32 $0xFFFFFFFF  }
0xa5: {  	s26 =	simm.s32 $execute0_lowered;
	[smem:$0x3FD2] =	sst s25  }
0xa6: {  	s4 =	sshll.u32 s26, $0x1;
	_ =	strace $0x80000049;
	[dreg:$0x1] =	wrdreg $0xFFFFFFFF  }
0xa7: {  	s28 =	simm.s32 $_size_execute0_lowered;
	s2 =	sadd.s32 s2, s4;
	[dreg:$0x0] =	wrdreg $0x0  }
0xa8: {  	s4 =	sshll.u32 s28, $0x1;
	[dreg:$0x2] =	wrdreg s2  }
0xa9: {  	[dreg:$0x3] =	wrdreg s4  }
0xaa: {  	[dreg:$0x4] =	wrdreg $0xC0  }
0xab: {  	_ =	task [dreg:s6], $0x5FFFF  }
0xac: {  	[dreg:$0x1] =	wrdreg $0xFFFFFFFF  }
0xad: {  	[dreg:$0x0] =	wrdreg $0x60  }
0xae: {  	[dreg:$0x2] =	wrdreg s24  }
0xaf: {  	[dreg:$0x3] =	wrdreg $0x9  }
0xb0: {  	_ =	task.clear_ibuf [dreg:s6], $0x4FFFF;
	_ =	strace $0x90000049  }
0xb1: {  	s29 =	simm.s32 $0x9;
	_ =	strace $0x8000004B  }
0xb2: {  	_ =	swait.ge [sflag:s29], $0x1  }
0xb3: {  	[sflag:s29] =	ssyncadd.s32 $0xFFFFFFFF  }
0xb4: {  	_ =	strace $0x9000004B  }
0xb5: {  	_ =	sfence  }
0xb6: {  	s30 =	sld [smem:$0x0];
	_ =	sdelay $0x2  }
0xb7: {  	s31 =	sshll.u32 s1, $0xD;
	s1 =	sshrl.u32 s1, $0x2  }
0xb8: {  	s3 =	sand.u32 $0x4000, s31;
	s1 =	sadd.s32 s1, s30  }
0xb9: {  	s0 =	sor.u32 s3, s0;
	s1 =	sshll.u32 s1, $0x11  }
0xba: {  	s0 =	sor.u32 s1, s0  }
0xbb: {  	s0 =	sadd.s32 $0x8F2B, s0  }
0xbc: {  	[sflag:s0] =	ssyncadd.remote.s32 $0x1  }
0xbd: {  	_ =	sfence.sel $0xFFFF  }
0xbe: {  	[dreg:$0x0] =	wrdreg $0xFFFFFFFF;
	(pc) =	sbr.abs _section_cstart, $3  }
0xbf: {  	[dreg:$0x1] =	wrdreg $0xFFFFFFFF  }
0xc0: {  	_ =	task.clear_ibuf [dreg:s6], $0x2FFFF;
	_ =	strace $0x9FFFFFFF  }
0xc1: {  	(tm) =	ssettm $0x7FFFFFFF  }
tec
execute0_lowered:
.L_overlay_start_1:
0x0: {  	(tag) =	ssettag $0x1  }
0x1: {  	s0 =	rddreg [dreg:$0x0];
	s1 =	simm.s32 $0x0;
	s2 =	srdreg.scid  }
0x2: {  	s15 =	simm.s32 $0x3;
	s16 =	simm.s32 $0x80;
	s28 =	simm.s32 $0x5  }
0x3: {  	s30 =	simm.s32 $0x1;
	s31 =	simm.s32 $0x4;
	s14 =	simm.s32 $0x280  }
0x4: {  	s17 =	simm.s32 $0x5800;
	s18 =	simm.s32 $0x300;
	s19 =	simm.s32 $0x6800  }
0x5: {  	s20 =	simm.s32 $0x380;
	s21 =	simm.s32 $0x7800;
	[smem:$0x7FF] =	sst s1  }
0x6: {  	s1 =	stileid.u32;
	s2 =	sand.u32 $0x1, s2;
	s3 =	sadd.s32 $0x44800, s0  }
0x7: {  	s4 =	sadd.s32 $0x44200, s0;
	_ =	strace $0x8000004A;
	s5 =	sshll.u32 s1, $0xD  }
0x8: {  	s7 =	sshll.u32 s2, $0x11;
	s8 =	sshll.u32 s1, $0xB;
	s9 =	smul.u32 $0x280, s2  }
0x9: {  	s22 =	ssub.s32 $0x2, s2;
	s11 =	smul.u32 $0x1400, s2;
	s2 =	sshll.u32 s2, $0xF  }
0xa: {  	s6 =	sadd.s32 s5, s0;
	s5 =	sor.u32 s5, s7;
	s10 =	sadd.s32 s8, s0  }
0xb: {  	s23 =	sshrl.u32 s22, $0x1;
	s5 =	sshrl.u32 s5, $0x3;
	s24 =	sadd.s32 s3, s9  }
0xc: {  	s25 =	sadd.s32 s4, s9;
	s9 =	sor.u32 $0x40, s9;
	s7 =	sadd.s32 $0xE00, s6  }
0xd: {  	v0 =	vimm.f32 $0.0e+00;
	s2 =	sadd.s32 s2, s10;
	s10 =	sadd.s32 $0x400, s11;
	[dreg:$0x2] =	wrdreg s24  }
0xe: {  	v59 =	vimm.s32 $0x0;
	v60 =	vimm.s32 $0x1;
	v61 =	vimm.s32 $0x2;
	s0 =	sadd.s32 s5, s0;
	s5 =	ssub.s32 s22, s23;
	[dreg:$0x3] =	wrdreg s25  }
.Ltmp0:
0xf: {  	v62 =	vimm.s32 $0x3;
	v63 =	vimm.s32 $0x4;
	v52 =	vimm.s32 $0x5;
	s26 =	sadd.s32 s3, s9;
	s29 =	sadd.s32 s4, s9;
	(pc) =	sbr.rel .LBB2_1-.Ltmp0, $4  }
0x10: {  	v54 =	vimm.s32 $0x6;
	v8 =	vimm.s32 $0x7;
	v9 =	vimm.s32 $0x8;
	s2 =	sadd.s32 $0x20E00, s2;
	s23 =	simm.s32 $0x200;
	[dreg:$0x4] =	wrdreg s26  }
0x11: {  	v10 =	vimm.s32 $0x9;
	v11 =	vimm.s32 $0xA;
	v12 =	vimm.s32 $0xB;
	s25 =	simm.s32 $0x2;
	s22 =	simm.s32 $0x0;
	[dreg:$0x5] =	wrdreg s29  }
0x12: {  	v13 =	vimm.s32 $0xC;
	v14 =	vimm.s32 $0xD;
	v15 =	vlaneseq.u32;
	[dreg:$0x6] =	wrdreg s2;
	s0 =	sadd.s32 $0x30E00, s0;
	s13 =	smax.u32 s5, $0x1  }
0x13: {  	v16 =	vimm.s32 $0xE;
	v17 =	vimm.s32 $0xF;
	v18 =	vor.u32 $0x10, v15;
	s26 =	simm.s32 $0x8800;
	[dreg:$0x7] =	wrdreg s0;
	s0 =	simm.s32 $0x4800  }
.LBB2_12:
0x14: {  	s2 =	simm.s32 $0x0;
	s5 =	rddreg [dreg:$0x6]  }
0x15: {  	[hbm4b:s5+s2] =	stream.linear.scatter [tilespmem:s26], [sflag:$0x5], $0x4000, $0x38;
	[tilespmem:$0xE800] =	vst v63  }
0x16: {  	s22 =	sadd.s32 $0x1, s22;
	_ =	swait.ge [sflag:s28], $0x4000  }
0x17: {  	s6 =	simm.s32 $0xC800;
	p0 =	sne.s32 s22, s13;
	[sflag:s28] =	ssyncset.done $0x0  }
.Ltmp1:
0x18: {  	s29 =	rddreg [dreg:$0x7];
	[sflag:s28] =	ssyncadd.s32 $0xFFFFC000;
	(pc) =	sbr.rel @!p0 .LBB2_13-.Ltmp1, $4  }
0x19: {  	[hbm4b:s29+s2] =	stream.linear.scatter [tilespmem:s6], [sflag:$0x5], $0x2000, $0x38;
	[tilespmem:$0xE800] =	vst v63  }
0x1a: {  	_ =	swait.ge [sflag:s28], $0x2000  }
0x1b: {  	[sflag:s28] =	ssyncset.done $0x0  }
0x1c: {  	v0 =	vimm.f32 $0.0e+00;
	[sflag:s28] =	ssyncadd.s32 $0xFFFFE000  }
.LBB2_1:
0x1d: {  	s2 =	simm.s32 $0x8810  }
0x1e: {  	[tilespmem:s2+$0xFFFFFFF0] =	vst v0  }
0x1f: {  	s5 =	simm.s32 $0x40;
	s6 =	simm.s32 $0x0;
	[tilespmem:s2+$0x0] =	vst v0  }
.LBB2_2:
0x20: {  	p0 =	sne.s32 s5, $0x7FC0  }
0x21: {  	[tilespmem:s6+$0xC800] =	vst v0;
	s2 =	sadd.s32 $0x20, s2;
	s6 =	smov.u32 s5;
	s5 =	sadd.s32 $0x40, s5  }
.Ltmp2:
0x22: {  	[tilespmem:s2+$0xFFFFFFF0] =	vst v0;
	(pc) =	sbr.rel @p0 .LBB2_2-.Ltmp2, $2  }
0x23: {  	_ =	sdelay $0x2  }
0x24: {  	s6 =	sshra.s32 s6, $0x2;
	[tilespmem:s2+$0x0] =	vst v0  }
0x25: {  	[tilespmem:s6+$0xC800] =	vst v0;
	s24 =	simm.s32 $0x0;
	s2 =	rddreg [dreg:$0x2]  }
0x26: {  	[tilespmem:s24], [sflag:$0x3] =	stream.linear.gather [hbm4b:s2+s24], $0x200, $0x38;
	[tilespmem:$0xE800] =	vst v63  }
0x27: {  	s11 =	rddreg [dreg:$0x3];
	s5 =	simm.s32 $0x400  }
0x28: {  	[tilespmem:s5], [sflag:$0x3] =	stream.linear.gather [hbm4b:s11+s24], $0x200, $0x38;
	[tilespmem:$0xE800] =	vst v63  }
0x29: {  	_ =	swait.ge [sflag:s15], $0x200  }
0x2a: {  	[sflag:s15] =	ssyncset.done $0x0  }
0x2b: {  	[sflag:s15] =	ssyncadd.s32 $0xFFFFFE00  }
0x2c: {  	_ =	swait.ge [sflag:s15], $0x200  }
0x2d: {  	[sflag:s15] =	ssyncset.done $0x0  }
0x2e: {  	s12 =	simm.s32 $0x800;
	[sflag:s15] =	ssyncadd.s32 $0xFFFFFE00  }
0x2f: {  	[tilespmem:s12], [sflag:$0x1] =	stream.indirect.gather [hbm4b:s7+s16], $0x20, s24, s16, $0xb8;
	[tilespmem:$0xE800] =	vst v63  }
0x30: {  	s29 =	simm.s32 $0x1800  }
0x31: {  	[tilespmem:s29], [sflag:$0x1] =	stream.indirect.gather [hbm4b:s7+s16], $0x20, s16, s16, $0xb8;
	[tilespmem:$0xE800] =	vst v63  }
0x32: {  	s6 =	simm.s32 $0x2800;
	s5 =	simm.s32 $0x100  }
0x33: {  	[tilespmem:s6], [sflag:$0x1] =	stream.indirect.gather [hbm4b:s7+s16], $0x20, s5, s16, $0xb8;
	[tilespmem:$0xE800] =	vst v63  }
0x34: {  	s8 =	simm.s32 $0x180;
	s9 =	simm.s32 $0x3800  }
0x35: {  	[tilespmem:s9], [sflag:$0x1] =	stream.indirect.gather [hbm4b:s7+s16], $0x20, s8, s16, $0xb8;
	[tilespmem:$0xE800] =	vst v63  }
.Ltmp3:
0x36: {  	_ = 	snop;
	(pc) =	sbr.rel .LBB2_4-.Ltmp3, $4  }
0x37: {  	s11 =	rddreg [dreg:$0x4]  }
0x38: {  	[tilespmem:s23], [sflag:$0x4] =	stream.linear.gather [hbm4b:s11+s24], $0x200, $0x38;
	[tilespmem:$0xE800] =	vst v63  }
0x39: {  	s12 =	rddreg [dreg:$0x5];
	s29 =	simm.s32 $0x600  }
0x3a: {  	[tilespmem:s29], [sflag:$0x4] =	stream.linear.gather [hbm4b:s12+s24], $0x200, $0x38;
	[tilespmem:$0xE800] =	vst v63  }
.LBB2_11:
0x3b: {  	s24 =	sadd.s32 $0x1, s24  }
0x3c: {  	p0 =	sne.s32 s24, $0xA  }
.Ltmp4:
0x3d: {  	_ = 	snop;
	(pc) =	sbr.rel @!p0 .LBB2_12-.Ltmp4, $1  }
0x3e: {  	_ =	sdelay $0x3  }
.LBB2_4:
0x3f: {  	s29 =	sand.u32 $0x1, s24  }
0x40: {  	p0 =	seq.s32 s29, $0x1  }
.Ltmp5:
0x41: {  	_ = 	snop;
	(pc) =	sbr.rel @p0 .LBB2_8-.Ltmp5, $1  }
0x42: {  	_ =	sdelay $0x3  }
0x43: {  	_ =	swait.ge [sflag:s30], $0x1000  }
0x44: {  	[sflag:s30] =	ssyncset.done $0x0  }
0x45: {  	[sflag:s30] =	ssyncadd.s32 $0xFFFFF000  }
0x46: {  	_ =	swait.ge [sflag:s30], $0x1000  }
0x47: {  	[sflag:s30] =	ssyncset.done $0x0  }
0x48: {  	[sflag:s30] =	ssyncadd.s32 $0xFFFFF000  }
0x49: {  	_ =	swait.ge [sflag:s30], $0x1000  }
0x4a: {  	[sflag:s30] =	ssyncset.done $0x0  }
0x4b: {  	[sflag:s30] =	ssyncadd.s32 $0xFFFFF000  }
0x4c: {  	_ =	swait.ge [sflag:s30], $0x1000  }
0x4d: {  	[sflag:s30] =	ssyncset.done $0x0  }
0x4e: {  	[sflag:s30] =	ssyncadd.s32 $0xFFFFF000  }
0x4f: {  	_ =	swait.ge [sflag:s31], $0x200  }
0x50: {  	[sflag:s31] =	ssyncset.done $0x0  }
0x51: {  	[sflag:s31] =	ssyncadd.s32 $0xFFFFFE00  }
0x52: {  	_ =	swait.ge [sflag:s31], $0x200  }
0x53: {  	[sflag:s31] =	ssyncset.done $0x0  }
0x54: {  	[sflag:s31] =	ssyncadd.s32 $0xFFFFFE00  }
0x55: {  	[tilespmem:s0], [sflag:$0x2] =	stream.indirect.gather [hbm4b:s7+s16], $0x20, s23, s16, $0xb8;
	[tilespmem:$0xE800] =	vst v63  }
0x56: {  	s2 =	simm.s32 $0x0;
	s5 =	simm.s32 $0x0  }
0x57: {  	[tilespmem:s17], [sflag:$0x2] =	stream.indirect.gather [hbm4b:s7+s16], $0x20, s14, s16, $0xb8;
	[tilespmem:$0xE800] =	vst v63  }
0x58: {  	s8 =	simm.s32 $0x0;
	s6 =	sand.u32 $0x70, s2;
	s5 =	sand.u32 $0x3FFFFF80, s5  }
0x59: {  	[tilespmem:s19], [sflag:$0x2] =	stream.indirect.gather [hbm4b:s7+s16], $0x20, s18, s16, $0xb8;
	[tilespmem:$0xE800] =	vst v63  }
0x5a: {  	s11 =	sand.u32 $0xFFFFF000, s8;
	s9 =	sshll.u32 s6, $0x5;
	s5 =	sor.u32 s6, s5  }
0x5b: {  	[tilespmem:s21], [sflag:$0x2] =	stream.indirect.gather [hbm4b:s7+s16], $0x20, s20, s16, $0xb8;
	[tilespmem:$0xE800] =	vst v63  }
0x5c: {  	s12 =	sor.u32 s9, s11;
	v25 =	vld [tilespmem:s5+$0x400]  }
0x5d: {  	v26 =	vld [tilespmem:s12+$0x8C0]  }
0x5e: {  	v27 =	vld [tilespmem:s12+$0x860]  }
0x5f: {  	v28 =	vld [tilespmem:s12+$0x990]  }
0x60: {  	v19 =	vld [tilespmem:s12+$0x9E0]  }
0x61: {  	v20 =	vld [tilespmem:s12+$0x9D0]  }
0x62: {  	v21 =	vld [tilespmem:s12+$0x9B0]  }
0x63: {  	v29 =	vld [tilespmem:s12+$0x980]  }
0x64: {  	v22 =	vld [tilespmem:s12+$0x9A0]  }
0x65: {  	v30 =	vld [tilespmem:s12+$0x960]  }
0x66: {  	v31 =	vld [tilespmem:s12+$0x970]  }
0x67: {  	v32 =	vld [tilespmem:s12+$0x950]  }
0x68: {  	v33 =	vld [tilespmem:s12+$0x940]  }
0x69: {  	v34 =	vld [tilespmem:s12+$0x930]  }
0x6a: {  	v35 =	vld [tilespmem:s12+$0x920]  }
0x6b: {  	v36 =	vld [tilespmem:s12+$0x8F0]  }
0x6c: {  	v37 =	vld [tilespmem:s12+$0x8B0]  }
0x6d: {  	v38 =	vld [tilespmem:s12+$0x910]  }
0x6e: {  	v39 =	vld [tilespmem:s12+$0x8D0]  }
0x6f: {  	v40 =	vld [tilespmem:s12+$0x8A0]  }
0x70: {  	v41 =	vld [tilespmem:s12+$0x890]  }
0x71: {  	v42 =	vld [tilespmem:s12+$0x880]  }
0x72: {  	v43 =	vld [tilespmem:s12+$0x870]  }
0x73: {  	v44 =	vld [tilespmem:s12+$0x850]  }
0x74: {  	v45 =	vld [tilespmem:s12+$0x840]  }
0x75: {  	v46 =	vld [tilespmem:s12+$0x830];
	v23 =	vperm.xlane v25, v59  }
0x76: {  	v47 =	vld [tilespmem:s12+$0x820]  }
0x77: {  	v48 =	vld [tilespmem:s12+$0x810];
	v24 =	vperm.xlane v25, v60;
	v23 =	vshll.u32 v23, $0x5  }
0x78: {  	v50 =	vld [tilespmem:s12+$0x800];
	v49 =	vor.u32 v15, v23  }
0x79: {  	v53 =	vld [tilespmem:s12+$0x8E0];
	v51 =	vperm.xlane v25, v61;
	v52 =	vor.u32 v18, v23;
	v23 =	vshll.u32 v24, $0x5  }
0x7a: {  	v55 =	vld [tilespmem:s12+$0x900];
	v54 =	vor.u32 v15, v23  }
0x7b: {  	v56 =	vperm.xlane v25, v62;
	v51 =	vshll.u32 v51, $0x5;
	v24 =	vld [tilespmem:s12+$0x9C0];
	v57 =	vor.u32 v18, v23  }
0x7c: {  	v58 =	vor.u32 v15, v51;
	v23 =	vld [tilespmem:s12+$0x9F0]  }
0x7d: {  	v4 =	vperm.xlane v25, v63;
	v3 =	vshll.u32 v56, $0x5;
	v51 =	vor.u32 v18, v51;
	[tilespmem:v49+s26+$0x0] =	vst.idx.add.f32.msk $0xffff, v50  }
0x7e: {  	v5 =	vor.u32 v15, v3;
	[tilespmem:v52+s26+$0x0] =	vst.idx.add.f32.msk $0xffff, v48;
	v52 =	vimm.s32 $0x5  }
0x7f: {  	v50 =	vshll.u32 v4, $0x5;
	v49 =	vor.u32 v18, v3;
	[tilespmem:v54+s26+$0x0] =	vst.idx.add.f32.msk $0xffff, v47;
	v56 =	vperm.xlane v25, v52  }
0x80: {  	v54 =	vimm.s32 $0x6;
	[tilespmem:v57+s26+$0x0] =	vst.idx.add.f32.msk $0xffff, v46;
	v57 =	vor.u32 v15, v50  }
0x81: {  	v0 =	vperm.xlane v25, v54;
	v50 =	vor.u32 v18, v50;
	[tilespmem:v58+s26+$0x0] =	vst.idx.add.f32.msk $0xffff, v45;
	v47 =	vshll.u32 v56, $0x5  }
0x82: {  	[tilespmem:v51+s26+$0x0] =	vst.idx.add.f32.msk $0xffff, v44;
	v1 =	vor.u32 v15, v47  }
0x83: {  	v45 =	vshll.u32 v0, $0x5;
	v47 =	vor.u32 v18, v47;
	[tilespmem:v5+s26+$0x0] =	vst.idx.add.f32.msk $0xffff, v27;
	v27 =	vperm.xlane v25, v8  }
0x84: {  	v2 =	vor.u32 v15, v45;
	[tilespmem:v49+s26+$0x0] =	vst.idx.add.f32.msk $0xffff, v43  }
0x85: {  	v3 =	vperm.xlane v25, v9;
	v45 =	vor.u32 v18, v45;
	[tilespmem:v57+s26+$0x0] =	vst.idx.add.f32.msk $0xffff, v42;
	v27 =	vshll.u32 v27, $0x5  }
0x86: {  	[tilespmem:v50+s26+$0x0] =	vst.idx.add.f32.msk $0xffff, v41;
	v4 =	vor.u32 v15, v27  }
0x87: {  	v5 =	vperm.xlane v25, v10;
	v42 =	vshll.u32 v3, $0x5;
	v27 =	vor.u32 v18, v27;
	[tilespmem:v1+s26+$0x0] =	vst.idx.add.f32.msk $0xffff, v40  }
0x88: {  	v46 =	vor.u32 v15, v42;
	[tilespmem:v47+s26+$0x0] =	vst.idx.add.f32.msk $0xffff, v37  }
0x89: {  	v42 =	vor.u32 v18, v42;
	v40 =	vshll.u32 v5, $0x5;
	[tilespmem:v2+s26+$0x0] =	vst.idx.add.f32.msk $0xffff, v26;
	v26 =	vperm.xlane v25, v11  }
0x8a: {  	v47 =	vor.u32 v15, v40;
	[tilespmem:v45+s26+$0x0] =	vst.idx.add.f32.msk $0xffff, v39  }
0x8b: {  	v40 =	vor.u32 v18, v40;
	[tilespmem:v4+s26+$0x0] =	vst.idx.add.f32.msk $0xffff, v53;
	v26 =	vshll.u32 v26, $0x5  }
0x8c: {  	v48 =	vperm.xlane v25, v12;
	[tilespmem:v27+s26+$0x0] =	vst.idx.add.f32.msk $0xffff, v36;
	v27 =	vor.u32 v15, v26  }
0x8d: {  	v26 =	vor.u32 v18, v26;
	[tilespmem:v46+s26+$0x0] =	vst.idx.add.f32.msk $0xffff, v55  }
0x8e: {  	v50 =	vshll.u32 v48, $0x5;
	[tilespmem:v42+s26+$0x0] =	vst.idx.add.f32.msk $0xffff, v38  }
0x8f: {  	v49 =	vperm.xlane v25, v13;
	v51 =	vor.u32 v15, v50;
	[tilespmem:v47+s26+$0x0] =	vst.idx.add.f32.msk $0xffff, v35  }
0x90: {  	v55 =	vor.u32 v18, v50;
	[tilespmem:v40+s26+$0x0] =	vst.idx.add.f32.msk $0xffff, v34  }
0x91: {  	v53 =	vshll.u32 v49, $0x5;
	[tilespmem:v27+s26+$0x0] =	vst.idx.add.f32.msk $0xffff, v33  }
0x92: {  	v56 =	vor.u32 v15, v53;
	[tilespmem:v26+s26+$0x0] =	vst.idx.add.f32.msk $0xffff, v32;
	v26 =	vperm.xlane v25, v14  }
0x93: {  	s2 =	sand.u32 $0xF, s2;
	v27 =	vor.u32 v18, v53  }
0x94: {  	p0 =	sne.s32 s2, s1;
	v58 =	vperm.xlane v25, v17;
	v57 =	vperm.xlane v25, v16;
	[tilespmem:v51+s26+$0x0] =	vst.idx.add.f32.msk $0xffff, v30;
	v26 =	vshll.u32 v26, $0x5  }
0x95: {  	v30 =	vshll.u32 @!p0 v25, $0x4;
	[tilespmem:v55+s26+$0x0] =	vst.idx.add.f32.msk $0xffff, v31;
	v31 =	vand.u32 @!p0 $0xF, v25;
	v32 =	vor.u32 v15, v26  }
0x96: {  	v25 =	vor.u32 @!p0 v31, v30;
	v30 =	vshll.u32 v57, $0x5;
	v31 =	vor.u32 v18, v26  }
0x97: {  	[tilespmem:v56+s26+$0x0] =	vst.idx.add.f32.msk $0xffff, v29;
	v29 =	vor.u32 v15, v30  }
0x98: {  	v33 =	vshll.u32 v58, $0x5;
	[tilespmem:v27+s26+$0x0] =	vst.idx.add.f32.msk $0xffff, v28;
	v28 =	vor.u32 v18, v30  }
0x99: {  	s2 =	simm.s32 $0x1;
	s5 =	simm.s32 $0x10;
	v26 =	vor.u32 v18, v33;
	v27 =	vor.u32 v15, v33  }
.LBB2_6:
0x9a: {  	s6 =	sand.u32 $0x70, s5;
	s8 =	sshll.u32 s2, $0x4;
	s9 =	sshll.u32 s2, $0xB;
	[tilespmem:v32+s26+$0x0] =	vst.idx.add.f32.msk $0xffff, v22  }
0x9b: {  	s8 =	sand.u32 $0x3FFFFF80, s8;
	s9 =	sshra.s32 s9, $0x2;
	s11 =	sshll.u32 s6, $0x5;
	[tilespmem:v31+s26+$0x0] =	vst.idx.add.f32.msk $0xffff, v21  }
0x9c: {  	s6 =	sor.u32 s6, s8;
	[tilespmem:v29+s26+$0x0] =	vst.idx.add.f32.msk $0xffff, v24;
	s8 =	smov.u32 s2;
	s2 =	sadd.s32 $0x1, s2  }
0x9d: {  	p1 =	sne.s32 s2, $0x20;
	[tilespmem:v28+s26+$0x0] =	vst.idx.add.f32.msk $0xffff, v20  }
0x9e: {  	s12 =	simm.s32 @!p0 $0xC800;
	[tilespmem:v27+s26+$0x0] =	vst.idx.add.f32.msk $0xffff, v19;
	v19 =	vimm.f32 @!p0 $1.000000000e+00  }
0x9f: {  	[tilespmem:v26+s26+$0x0] =	vst.idx.add.f32.msk $0xffff, v23  }
0xa0: {  	s9 =	sand.u32 $0xFFFFF000, s9;
	[tilespmem:v25+s12+$0x0] =	vst.idx.add.f32.msk @!p0 $0xffff, v19  }
0xa1: {  	v23 =	vld [tilespmem:s6+$0x400];
	s6 =	sor.u32 s11, s9  }
0xa2: {  	v28 =	vld [tilespmem:s6+$0x8C0]  }
0xa3: {  	v31 =	vld [tilespmem:s6+$0x860]  }
0xa4: {  	s8 =	sand.u32 $0xF, s8;
	v26 =	vld [tilespmem:s6+$0x990]  }
0xa5: {  	p0 =	sne.s32 s8, s1;
	v19 =	vld [tilespmem:s6+$0x9E0]  }
0xa6: {  	v22 =	vperm.xlane v23, v59;
	v24 =	vperm.xlane v23, v61;
	v20 =	vld [tilespmem:s6+$0x9D0];
	v25 =	vshll.u32 @!p0 v23, $0x4  }
0xa7: {  	v32 =	vperm.xlane v23, v60;
	v29 =	vperm.xlane v23, v62;
	v33 =	vand.u32 @!p0 $0xF, v23;
	v21 =	vld [tilespmem:s6+$0x9B0]  }
0xa8: {  	v30 =	vperm.xlane v23, v52;
	v27 =	vld [tilespmem:s6+$0x980];
	v34 =	vshll.u32 v22, $0x5;
	v24 =	vshll.u32 v24, $0x5  }
0xa9: {  	v35 =	vperm.xlane v23, v54;
	v37 =	vshll.u32 v29, $0x5;
	v22 =	vld [tilespmem:s6+$0x9A0];
	v36 =	vor.u32 v15, v24  }
0xaa: {  	v38 =	vperm.xlane v23, v63;
	v40 =	vshll.u32 v30, $0x5;
	v39 =	vor.u32 v18, v24;
	v29 =	vld [tilespmem:s6+$0x960]  }
0xab: {  	v41 =	vperm.xlane v23, v9;
	v35 =	vshll.u32 v35, $0x5;
	v24 =	vperm.xlane v23, v8;
	v30 =	vld [tilespmem:s6+$0x970]  }
0xac: {  	v42 =	vperm.xlane v23, v10;
	v43 =	vperm.xlane v23, v11;
	v38 =	vshll.u32 v38, $0x5;
	v44 =	vld [tilespmem:s6+$0x950]  }
0xad: {  	v41 =	vshll.u32 v41, $0x5;
	v46 =	vor.u32 v15, v38;
	v47 =	vshll.u32 v24, $0x5;
	v45 =	vld [tilespmem:s6+$0x940]  }
0xae: {  	v42 =	vshll.u32 v42, $0x5;
	v43 =	vshll.u32 v43, $0x5;
	v38 =	vor.u32 v18, v38;
	v48 =	vld [tilespmem:s6+$0x930]  }
0xaf: {  	v50 =	vperm.xlane v23, v13;
	v25 =	vor.u32 @!p0 v33, v25;
	v24 =	vperm.xlane v23, v12;
	v49 =	vld [tilespmem:s6+$0x920]  }
0xb0: {  	v51 =	vperm.xlane v23, v14;
	v52 =	vperm.xlane v23, v16;
	v33 =	vld [tilespmem:s6+$0x8F0]  }
0xb1: {  	v50 =	vshll.u32 v50, $0x5;
	v23 =	vperm.xlane v23, v17;
	v54 =	vshll.u32 v24, $0x5;
	v53 =	vld [tilespmem:s6+$0x8B0]  }
0xb2: {  	v51 =	vshll.u32 v51, $0x5;
	v52 =	vshll.u32 v52, $0x5;
	v55 =	vld [tilespmem:s6+$0x910]  }
0xb3: {  	v57 =	vshll.u32 v23, $0x5;
	v56 =	vld [tilespmem:s6+$0x8D0]  }
0xb4: {  	v58 =	vld [tilespmem:s6+$0x8A0]  }
0xb5: {  	v59 =	vld [tilespmem:s6+$0x890]  }
0xb6: {  	v60 =	vld [tilespmem:s6+$0x880]  }
0xb7: {  	v61 =	vld [tilespmem:s6+$0x870]  }
0xb8: {  	v62 =	vld [tilespmem:s6+$0x850]  }
0xb9: {  	v63 =	vld [tilespmem:s6+$0x840]  }
0xba: {  	v0 =	vld [tilespmem:s6+$0x830]  }
0xbb: {  	v1 =	vld [tilespmem:s6+$0x820]  }
0xbc: {  	v3 =	vor.u32 v15, v34;
	v2 =	vld [tilespmem:s6+$0x810]  }
0xbd: {  	v34 =	vor.u32 v18, v34;
	v23 =	vshll.u32 v32, $0x5;
	v4 =	vld [tilespmem:s6+$0x800]  }
0xbe: {  	v5 =	vor.u32 v15, v23;
	v32 =	vld [tilespmem:s6+$0x8E0]  }
0xbf: {  	v6 =	vld [tilespmem:s6+$0x900]  }
0xc0: {  	v7 =	vor.u32 v18, v23;
	v24 =	vld [tilespmem:s6+$0x9C0]  }
0xc1: {  	v23 =	vld [tilespmem:s6+$0x9F0]  }
0xc2: {  	[tilespmem:v3+s26+$0x0] =	vst.idx.add.f32.msk $0xffff, v4;
	v3 =	vor.u32 v15, v37  }
0xc3: {  	[tilespmem:v34+s26+$0x0] =	vst.idx.add.f32.msk $0xffff, v2;
	v2 =	vor.u32 v18, v37  }
0xc4: {  	[tilespmem:v5+s26+$0x0] =	vst.idx.add.f32.msk $0xffff, v1  }
0xc5: {  	[tilespmem:v7+s26+$0x0] =	vst.idx.add.f32.msk $0xffff, v0  }
0xc6: {  	v0 =	vor.u32 v15, v40;
	[tilespmem:v36+s26+$0x0] =	vst.idx.add.f32.msk $0xffff, v63;
	v63 =	vimm.s32 $0x4  }
0xc7: {  	v1 =	vor.u32 v18, v40;
	[tilespmem:v39+s26+$0x0] =	vst.idx.add.f32.msk $0xffff, v62;
	v62 =	vimm.s32 $0x3  }
0xc8: {  	[tilespmem:v3+s26+$0x0] =	vst.idx.add.f32.msk $0xffff, v31;
	v3 =	vor.u32 v15, v35  }
0xc9: {  	[tilespmem:v2+s26+$0x0] =	vst.idx.add.f32.msk $0xffff, v61;
	v61 =	vimm.s32 $0x2;
	v2 =	vor.u32 v18, v35  }
0xca: {  	v4 =	vor.u32 v15, v47;
	[tilespmem:v46+s26+$0x0] =	vst.idx.add.f32.msk $0xffff, v60;
	v60 =	vimm.s32 $0x1  }
0xcb: {  	v5 =	vor.u32 v18, v47;
	[tilespmem:v38+s26+$0x0] =	vst.idx.add.f32.msk $0xffff, v59;
	v59 =	vimm.s32 $0x0  }
0xcc: {  	[tilespmem:v0+s26+$0x0] =	vst.idx.add.f32.msk $0xffff, v58;
	v0 =	vor.u32 v15, v41  }
0xcd: {  	[tilespmem:v1+s26+$0x0] =	vst.idx.add.f32.msk $0xffff, v53;
	v1 =	vor.u32 v18, v41  }
0xce: {  	[tilespmem:v3+s26+$0x0] =	vst.idx.add.f32.msk $0xffff, v28;
	v3 =	vor.u32 v15, v42  }
0xcf: {  	[tilespmem:v2+s26+$0x0] =	vst.idx.add.f32.msk $0xffff, v56;
	v2 =	vor.u32 v18, v42  }
0xd0: {  	[tilespmem:v4+s26+$0x0] =	vst.idx.add.f32.msk $0xffff, v32;
	v4 =	vor.u32 v15, v43  }
0xd1: {  	[tilespmem:v5+s26+$0x0] =	vst.idx.add.f32.msk $0xffff, v33;
	v5 =	vor.u32 v18, v43  }
0xd2: {  	[tilespmem:v0+s26+$0x0] =	vst.idx.add.f32.msk $0xffff, v6;
	v0 =	vor.u32 v15, v54  }
0xd3: {  	[tilespmem:v1+s26+$0x0] =	vst.idx.add.f32.msk $0xffff, v55;
	v1 =	vor.u32 v18, v54;
	v54 =	vimm.s32 $0x6  }
0xd4: {  	[tilespmem:v3+s26+$0x0] =	vst.idx.add.f32.msk $0xffff, v49;
	v3 =	vor.u32 v15, v50  }
0xd5: {  	[tilespmem:v2+s26+$0x0] =	vst.idx.add.f32.msk $0xffff, v48;
	v2 =	vor.u32 v18, v50  }
0xd6: {  	v32 =	vor.u32 v15, v51;
	[tilespmem:v4+s26+$0x0] =	vst.idx.add.f32.msk $0xffff, v45  }
.Ltmp6:
0xd7: {  	v31 =	vor.u32 v18, v51;
	[tilespmem:v5+s26+$0x0] =	vst.idx.add.f32.msk $0xffff, v44;
	(pc) =	sbr.rel @p1 .LBB2_6-.Ltmp6, $4  }
0xd8: {  	[tilespmem:v0+s26+$0x0] =	vst.idx.add.f32.msk $0xffff, v29;
	v29 =	vor.u32 v15, v52  }
0xd9: {  	v28 =	vor.u32 v18, v52;
	v52 =	vimm.s32 $0x5;
	[tilespmem:v1+s26+$0x0] =	vst.idx.add.f32.msk $0xffff, v30  }
0xda: {  	[tilespmem:v3+s26+$0x0] =	vst.idx.add.f32.msk $0xffff, v27;
	v27 =	vor.u32 v15, v57  }
0xdb: {  	s5 =	sadd.s32 $0x10, s5;
	[tilespmem:v2+s26+$0x0] =	vst.idx.add.f32.msk $0xffff, v26;
	v26 =	vor.u32 v18, v57  }
0xdc: {  	_ =	sdelay $0x3  }
0xdd: {  	[tilespmem:v32+s26+$0x0] =	vst.idx.add.f32.msk $0xffff, v22  }
0xde: {  	[tilespmem:v31+s26+$0x0] =	vst.idx.add.f32.msk $0xffff, v21  }
0xdf: {  	[tilespmem:v29+s26+$0x0] =	vst.idx.add.f32.msk $0xffff, v24  }
0xe0: {  	[tilespmem:v28+s26+$0x0] =	vst.idx.add.f32.msk $0xffff, v20  }
0xe1: {  	p1 =	sgt.u32 s24, $0x7;
	[tilespmem:v27+s26+$0x0] =	vst.idx.add.f32.msk $0xffff, v19  }
0xe2: {  	v0 =	vimm.f32 @!p0 $1.000000000e+00;
	s5 =	simm.s32 @!p0 $0xC800;
	s2 =	sshll.u32 @!p1 s24, $0x9;
	[tilespmem:v26+s26+$0x0] =	vst.idx.add.f32.msk $0xffff, v23  }
0xe3: {  	s2 =	sadd.s32 @!p1 s2, s10;
	[tilespmem:v25+s5+$0x0] =	vst.idx.add.f32.msk @!p0 $0xffff, v0;
	p0 =	seq.s32 s29, $0x0  }
.Ltmp7:
0xe4: {  	s2 =	sshrl.u32 @!p1 s2, $0x3;
	(pc) =	sbr.rel @p0 .LBB2_11-.Ltmp7, $4  }
0xe5: {  	s6 =	simm.s32 @!p1 $0x0;
	s5 =	sadd.s32 @!p1 s3, s2  }
0xe6: {  	[tilespmem:s6], [sflag:$0x3] =	stream.linear.gather @!p1 [hbm4b:s5+s6], $0x200, $0x38;
	[tilespmem:$0xE800] =	vst v63  }
0xe7: {  	s2 =	sadd.s32 @!p1 s4, s2;
	s5 =	simm.s32 @!p1 $0x400  }
0xe8: {  	[tilespmem:s5], [sflag:$0x3] =	stream.linear.gather @!p1 [hbm4b:s2+s6], $0x200, $0x38;
	[tilespmem:$0xE800] =	vst v63  }
.LBB2_8:
0xe9: {  	_ =	swait.ge [sflag:s25], $0x1000  }
0xea: {  	[sflag:s25] =	ssyncset.done $0x0  }
0xeb: {  	[sflag:s25] =	ssyncadd.s32 $0xFFFFF000  }
0xec: {  	_ =	swait.ge [sflag:s25], $0x1000  }
0xed: {  	[sflag:s25] =	ssyncset.done $0x0  }
0xee: {  	[sflag:s25] =	ssyncadd.s32 $0xFFFFF000  }
0xef: {  	_ =	swait.ge [sflag:s25], $0x1000  }
0xf0: {  	[sflag:s25] =	ssyncset.done $0x0  }
0xf1: {  	[sflag:s25] =	ssyncadd.s32 $0xFFFFF000  }
0xf2: {  	_ =	swait.ge [sflag:s25], $0x1000  }
0xf3: {  	p0 =	seq.s32 s24, $0x9;
	[sflag:s25] =	ssyncset.done $0x0  }
0xf4: {  	s2 =	simm.s32 @!p0 $0x3;
	[sflag:s25] =	ssyncadd.s32 $0xFFFFF000  }
0xf5: {  	_ =	swait.ge @!p0 [sflag:s2], $0x200  }
0xf6: {  	[sflag:s2] =	ssyncset.done @!p0 $0x0  }
0xf7: {  	[sflag:s2] =	ssyncadd.s32 @!p0 $0xFFFFFE00  }
0xf8: {  	_ =	swait.ge @!p0 [sflag:s2], $0x200  }
0xf9: {  	s5 =	simm.s32 @!p0 $0x0;
	[sflag:s2] =	ssyncset.done @!p0 $0x0  }
0xfa: {  	s6 =	simm.s32 @!p0 $0x800;
	[sflag:s2] =	ssyncadd.s32 @!p0 $0xFFFFFE00;
	s2 =	simm.s32 @!p0 $0x80  }
0xfb: {  	[tilespmem:s6], [sflag:$0x1] =	stream.indirect.gather @!p0 [hbm4b:s7+s2], $0x20, s5, s2, $0xb8;
	[tilespmem:$0xE800] =	vst v63  }
0xfc: {  	s5 =	simm.s32 @!p0 $0x1800  }
0xfd: {  	[tilespmem:s5], [sflag:$0x1] =	stream.indirect.gather @!p0 [hbm4b:s7+s2], $0x20, s2, s2, $0xb8;
	[tilespmem:$0xE800] =	vst v63  }
0xfe: {  	s6 =	simm.s32 @!p0 $0x2800;
	s5 =	simm.s32 @!p0 $0x100  }
0xff: {  	[tilespmem:s6], [sflag:$0x1] =	stream.indirect.gather @!p0 [hbm4b:s7+s2], $0x20, s5, s2, $0xb8;
	[tilespmem:$0xE800] =	vst v63  }
0x100: {  	s5 =	simm.s32 @!p0 $0x180;
	s6 =	simm.s32 @!p0 $0x3800  }
0x101: {  	[tilespmem:s6], [sflag:$0x1] =	stream.indirect.gather @!p0 [hbm4b:s7+s2], $0x20, s5, s2, $0xb8;
	[tilespmem:$0xE800] =	vst v63  }
0x102: {  	s9 =	simm.s32 $0x0;
	s2 =	simm.s32 $0x0  }
0x103: {  	s8 =	simm.s32 $0x0;
	s5 =	sand.u32 $0x3FFFFF80, s9;
	s11 =	sand.u32 $0x70, s2  }
0x104: {  	s12 =	sand.u32 $0xFFFFF000, s8;
	s9 =	sshll.u32 s11, $0x5;
	s5 =	sor.u32 s11, s5  }
0x105: {  	v0 =	vld [tilespmem:s5+$0x600];
	s29 =	sor.u32 s9, s12  }
0x106: {  	v1 =	vld [tilespmem:s29+$0x48C0]  }
0x107: {  	v2 =	vld [tilespmem:s29+$0x4860]  }
0x108: {  	v3 =	vld [tilespmem:s29+$0x4990]  }
0x109: {  	v19 =	vld [tilespmem:s29+$0x49E0]  }
0x10a: {  	v20 =	vld [tilespmem:s29+$0x49D0]  }
0x10b: {  	v21 =	vld [tilespmem:s29+$0x49B0]  }
0x10c: {  	v4 =	vld [tilespmem:s29+$0x4980]  }
0x10d: {  	v22 =	vld [tilespmem:s29+$0x49A0]  }
0x10e: {  	v5 =	vld [tilespmem:s29+$0x4960]  }
0x10f: {  	v6 =	vld [tilespmem:s29+$0x4970]  }
0x110: {  	v7 =	vld [tilespmem:s29+$0x4950]  }
0x111: {  	v25 =	vld [tilespmem:s29+$0x4940]  }
0x112: {  	v26 =	vld [tilespmem:s29+$0x4930]  }
0x113: {  	v27 =	vld [tilespmem:s29+$0x4920]  }
0x114: {  	v28 =	vld [tilespmem:s29+$0x48F0]  }
0x115: {  	v29 =	vld [tilespmem:s29+$0x48B0]  }
0x116: {  	v30 =	vld [tilespmem:s29+$0x4910]  }
0x117: {  	v31 =	vld [tilespmem:s29+$0x48D0]  }
0x118: {  	v32 =	vld [tilespmem:s29+$0x48A0]  }
0x119: {  	v33 =	vld [tilespmem:s29+$0x4890]  }
0x11a: {  	v34 =	vld [tilespmem:s29+$0x4880]  }
0x11b: {  	v35 =	vld [tilespmem:s29+$0x4870]  }
0x11c: {  	v36 =	vld [tilespmem:s29+$0x4850]  }
0x11d: {  	v37 =	vld [tilespmem:s29+$0x4840]  }
0x11e: {  	v38 =	vld [tilespmem:s29+$0x4830];
	v23 =	vperm.xlane v0, v59  }
0x11f: {  	v39 =	vld [tilespmem:s29+$0x4820]  }
0x120: {  	v40 =	vld [tilespmem:s29+$0x4810];
	v24 =	vperm.xlane v0, v60;
	v23 =	vshll.u32 v23, $0x5  }
0x121: {  	v42 =	vld [tilespmem:s29+$0x4800];
	v41 =	vor.u32 v15, v23  }
0x122: {  	v45 =	vld [tilespmem:s29+$0x48E0];
	v43 =	vperm.xlane v0, v61;
	v44 =	vor.u32 v18, v23;
	v23 =	vshll.u32 v24, $0x5  }
0x123: {  	v47 =	vld [tilespmem:s29+$0x4900];
	v46 =	vor.u32 v15, v23  }
0x124: {  	v48 =	vperm.xlane v0, v62;
	v43 =	vshll.u32 v43, $0x5;
	v24 =	vld [tilespmem:s29+$0x49C0];
	v49 =	vor.u32 v18, v23  }
0x125: {  	v50 =	vor.u32 v15, v43;
	v23 =	vld [tilespmem:s29+$0x49F0]  }
0x126: {  	v53 =	vperm.xlane v0, v63;
	v51 =	vshll.u32 v48, $0x5;
	v43 =	vor.u32 v18, v43;
	[tilespmem:v41+s26+$0x0] =	vst.idx.add.f32.msk $0xffff, v42  }
0x127: {  	v55 =	vor.u32 v15, v51;
	[tilespmem:v44+s26+$0x0] =	vst.idx.add.f32.msk $0xffff, v40  }
0x128: {  	v56 =	vperm.xlane v0, v52;
	v42 =	vshll.u32 v53, $0x5;
	v41 =	vor.u32 v18, v51;
	[tilespmem:v46+s26+$0x0] =	vst.idx.add.f32.msk $0xffff, v39  }
0x129: {  	v57 =	vor.u32 v15, v42;
	[tilespmem:v49+s26+$0x0] =	vst.idx.add.f32.msk $0xffff, v38  }
0x12a: {  	v58 =	vperm.xlane v0, v54;
	v42 =	vor.u32 v18, v42;
	v39 =	vshll.u32 v56, $0x5;
	[tilespmem:v50+s26+$0x0] =	vst.idx.add.f32.msk $0xffff, v37  }
0x12b: {  	[tilespmem:v43+s26+$0x0] =	vst.idx.add.f32.msk $0xffff, v36;
	v43 =	vor.u32 v15, v39  }
0x12c: {  	v44 =	vperm.xlane v0, v8;
	v37 =	vshll.u32 v58, $0x5;
	v39 =	vor.u32 v18, v39;
	[tilespmem:v55+s26+$0x0] =	vst.idx.add.f32.msk $0xffff, v2  }
0x12d: {  	v46 =	vor.u32 v15, v37;
	[tilespmem:v41+s26+$0x0] =	vst.idx.add.f32.msk $0xffff, v35  }
0x12e: {  	v48 =	vperm.xlane v0, v9;
	v37 =	vor.u32 v18, v37;
	v2 =	vshll.u32 v44, $0x5;
	[tilespmem:v57+s26+$0x0] =	vst.idx.add.f32.msk $0xffff, v34  }
0x12f: {  	v49 =	vor.u32 v15, v2;
	[tilespmem:v42+s26+$0x0] =	vst.idx.add.f32.msk $0xffff, v33  }
0x130: {  	v50 =	vperm.xlane v0, v10;
	v2 =	vor.u32 v18, v2;
	v34 =	vshll.u32 v48, $0x5;
	[tilespmem:v43+s26+$0x0] =	vst.idx.add.f32.msk $0xffff, v32  }
0x131: {  	[tilespmem:v39+s26+$0x0] =	vst.idx.add.f32.msk $0xffff, v29;
	v29 =	vor.u32 v15, v34  }
0x132: {  	v51 =	vperm.xlane v0, v11;
	v32 =	vshll.u32 v50, $0x5;
	v34 =	vor.u32 v18, v34;
	[tilespmem:v46+s26+$0x0] =	vst.idx.add.f32.msk $0xffff, v1  }
0x133: {  	[tilespmem:v37+s26+$0x0] =	vst.idx.add.f32.msk $0xffff, v31;
	v31 =	vor.u32 v15, v32  }
0x134: {  	v53 =	vperm.xlane v0, v12;
	v1 =	vshll.u32 v51, $0x5;
	v32 =	vor.u32 v18, v32;
	[tilespmem:v49+s26+$0x0] =	vst.idx.add.f32.msk $0xffff, v45  }
0x135: {  	v55 =	vor.u32 v15, v1;
	[tilespmem:v2+s26+$0x0] =	vst.idx.add.f32.msk $0xffff, v28  }
0x136: {  	v1 =	vor.u32 v18, v1;
	v28 =	vperm.xlane v0, v13;
	[tilespmem:v29+s26+$0x0] =	vst.idx.add.f32.msk $0xffff, v47;
	v29 =	vshll.u32 v53, $0x5  }
0x137: {  	[tilespmem:v34+s26+$0x0] =	vst.idx.add.f32.msk $0xffff, v30;
	v30 =	vor.u32 v15, v29  }
0x138: {  	[tilespmem:v31+s26+$0x0] =	vst.idx.add.f32.msk $0xffff, v27;
	v27 =	vshll.u32 v28, $0x5;
	v28 =	vor.u32 v18, v29  }
0x139: {  	v57 =	vperm.xlane v0, v14;
	[tilespmem:v32+s26+$0x0] =	vst.idx.add.f32.msk $0xffff, v26  }
0x13a: {  	s2 =	sand.u32 $0xF, s2;
	v26 =	vor.u32 v15, v27;
	[tilespmem:v55+s26+$0x0] =	vst.idx.add.f32.msk $0xffff, v25  }
0x13b: {  	p0 =	sne.s32 s2, s1;
	v56 =	vor.u32 v18, v27;
	[tilespmem:v1+s26+$0x0] =	vst.idx.add.f32.msk $0xffff, v7;
	v7 =	vperm.xlane v0, v16;
	v1 =	vshll.u32 v57, $0x5  }
0x13c: {  	[tilespmem:v30+s26+$0x0] =	vst.idx.add.f32.msk $0xffff, v5;
	v5 =	vshll.u32 @!p0 v0, $0x4;
	v32 =	vor.u32 v15, v1;
	v31 =	vor.u32 v18, v1  }
0x13d: {  	[tilespmem:v28+s26+$0x0] =	vst.idx.add.f32.msk $0xffff, v6;
	v6 =	vand.u32 @!p0 $0xF, v0;
	v0 =	vperm.xlane v0, v17;
	v58 =	vshll.u32 v7, $0x5  }
0x13e: {  	v29 =	vor.u32 v15, v58  }
0x13f: {  	[tilespmem:v26+s26+$0x0] =	vst.idx.add.f32.msk $0xffff, v4;
	v25 =	vor.u32 @!p0 v6, v5;
	v28 =	vor.u32 v18, v58;
	v0 =	vshll.u32 v0, $0x5  }
0x140: {  	s2 =	simm.s32 $0x1;
	s5 =	simm.s32 $0x10;
	[tilespmem:v56+s26+$0x0] =	vst.idx.add.f32.msk $0xffff, v3;
	v27 =	vor.u32 v15, v0;
	v26 =	vor.u32 v18, v0  }
.LBB2_9:
0x141: {  	s6 =	sand.u32 $0x70, s5;
	s8 =	sshll.u32 s2, $0x4;
	s9 =	sshll.u32 s2, $0xB;
	[tilespmem:v32+s26+$0x0] =	vst.idx.add.f32.msk $0xffff, v22  }
0x142: {  	s8 =	sand.u32 $0x3FFFFF80, s8;
	s9 =	sshra.s32 s9, $0x2;
	s11 =	sshll.u32 s6, $0x5;
	[tilespmem:v31+s26+$0x0] =	vst.idx.add.f32.msk $0xffff, v21  }
0x143: {  	s6 =	sor.u32 s6, s8;
	[tilespmem:v29+s26+$0x0] =	vst.idx.add.f32.msk $0xffff, v24;
	s8 =	smov.u32 s2;
	s2 =	sadd.s32 $0x1, s2  }
0x144: {  	p1 =	sne.s32 s2, $0x20;
	[tilespmem:v28+s26+$0x0] =	vst.idx.add.f32.msk $0xffff, v20  }
0x145: {  	v0 =	vimm.f32 @!p0 $1.000000000e+00;
	s12 =	simm.s32 @!p0 $0xC800;
	[tilespmem:v27+s26+$0x0] =	vst.idx.add.f32.msk $0xffff, v19  }
0x146: {  	[tilespmem:v26+s26+$0x0] =	vst.idx.add.f32.msk $0xffff, v23  }
0x147: {  	s9 =	sand.u32 $0xFFFFF000, s9;
	[tilespmem:v25+s12+$0x0] =	vst.idx.add.f32.msk @!p0 $0xffff, v0  }
0x148: {  	v0 =	vld [tilespmem:s6+$0x600];
	s6 =	sor.u32 s11, s9  }
0x149: {  	v28 =	vld [tilespmem:s6+$0x48C0]  }
0x14a: {  	v1 =	vld [tilespmem:s6+$0x4860]  }
0x14b: {  	s8 =	sand.u32 $0xF, s8;
	v26 =	vld [tilespmem:s6+$0x4990]  }
0x14c: {  	p0 =	sne.s32 s8, s1;
	v19 =	vld [tilespmem:s6+$0x49E0]  }
0x14d: {  	v2 =	vperm.xlane v0, v59;
	v3 =	vperm.xlane v0, v61;
	v20 =	vld [tilespmem:s6+$0x49D0];
	v4 =	vshll.u32 @!p0 v0, $0x4  }
0x14e: {  	v5 =	vperm.xlane v0, v60;
	v6 =	vperm.xlane v0, v62;
	v7 =	vand.u32 @!p0 $0xF, v0;
	v21 =	vld [tilespmem:s6+$0x49B0]  }
0x14f: {  	v23 =	vperm.xlane v0, v52;
	v27 =	vld [tilespmem:s6+$0x4980];
	v2 =	vshll.u32 v2, $0x5;
	v3 =	vshll.u32 v3, $0x5  }
0x150: {  	v24 =	vperm.xlane v0, v54;
	v6 =	vshll.u32 v6, $0x5;
	v22 =	vld [tilespmem:s6+$0x49A0];
	v31 =	vor.u32 v15, v3  }
0x151: {  	v25 =	vperm.xlane v0, v63;
	v32 =	vshll.u32 v23, $0x5;
	v3 =	vor.u32 v18, v3;
	v29 =	vld [tilespmem:s6+$0x4960]  }
0x152: {  	v33 =	vperm.xlane v0, v9;
	v23 =	vperm.xlane v0, v8;
	v34 =	vshll.u32 v24, $0x5;
	v30 =	vld [tilespmem:s6+$0x4970]  }
0x153: {  	v35 =	vperm.xlane v0, v11;
	v24 =	vperm.xlane v0, v10;
	v25 =	vshll.u32 v25, $0x5;
	v36 =	vld [tilespmem:s6+$0x4950]  }
0x154: {  	v33 =	vshll.u32 v33, $0x5;
	v38 =	vor.u32 v15, v25;
	v39 =	vshll.u32 v23, $0x5;
	v37 =	vld [tilespmem:s6+$0x4940]  }
0x155: {  	v35 =	vshll.u32 v35, $0x5;
	v41 =	vor.u32 v18, v25;
	v42 =	vshll.u32 v24, $0x5;
	v40 =	vld [tilespmem:s6+$0x4930]  }
0x156: {  	v25 =	vor.u32 @!p0 v7, v4;
	v23 =	vperm.xlane v0, v12;
	v24 =	vperm.xlane v0, v13;
	v43 =	vld [tilespmem:s6+$0x4920]  }
0x157: {  	v44 =	vperm.xlane v0, v16;
	v7 =	vperm.xlane v0, v14;
	v4 =	vld [tilespmem:s6+$0x48F0]  }
0x158: {  	v0 =	vperm.xlane v0, v17;
	v46 =	vshll.u32 v23, $0x5;
	v47 =	vshll.u32 v24, $0x5;
	v45 =	vld [tilespmem:s6+$0x48B0]  }
0x159: {  	v44 =	vshll.u32 v44, $0x5;
	v7 =	vshll.u32 v7, $0x5;
	v48 =	vld [tilespmem:s6+$0x4910]  }
0x15a: {  	v0 =	vshll.u32 v0, $0x5;
	v49 =	vld [tilespmem:s6+$0x48D0]  }
0x15b: {  	v50 =	vld [tilespmem:s6+$0x48A0]  }
0x15c: {  	v51 =	vld [tilespmem:s6+$0x4890]  }
0x15d: {  	v52 =	vld [tilespmem:s6+$0x4880]  }
0x15e: {  	v53 =	vld [tilespmem:s6+$0x4870]  }
0x15f: {  	v54 =	vld [tilespmem:s6+$0x4850]  }
0x160: {  	v55 =	vld [tilespmem:s6+$0x4840]  }
0x161: {  	v56 =	vld [tilespmem:s6+$0x4830]  }
0x162: {  	v57 =	vld [tilespmem:s6+$0x4820]  }
0x163: {  	v59 =	vor.u32 v15, v2;
	v58 =	vld [tilespmem:s6+$0x4810]  }
0x164: {  	v5 =	vshll.u32 v5, $0x5;
	v2 =	vor.u32 v18, v2;
	v60 =	vld [tilespmem:s6+$0x4800]  }
0x165: {  	v62 =	vor.u32 v15, v5;
	v61 =	vld [tilespmem:s6+$0x48E0]  }
0x166: {  	v63 =	vld [tilespmem:s6+$0x4900]  }
0x167: {  	v5 =	vor.u32 v18, v5;
	v24 =	vld [tilespmem:s6+$0x49C0]  }
0x168: {  	v23 =	vld [tilespmem:s6+$0x49F0]  }
0x169: {  	[tilespmem:v59+s26+$0x0] =	vst.idx.add.f32.msk $0xffff, v60;
	v60 =	vimm.s32 $0x1;
	v59 =	vor.u32 v15, v6  }
0x16a: {  	[tilespmem:v2+s26+$0x0] =	vst.idx.add.f32.msk $0xffff, v58;
	v2 =	vor.u32 v18, v6  }
0x16b: {  	[tilespmem:v62+s26+$0x0] =	vst.idx.add.f32.msk $0xffff, v57;
	v62 =	vimm.s32 $0x3  }
0x16c: {  	[tilespmem:v5+s26+$0x0] =	vst.idx.add.f32.msk $0xffff, v56  }
0x16d: {  	v5 =	vor.u32 v15, v32;
	[tilespmem:v31+s26+$0x0] =	vst.idx.add.f32.msk $0xffff, v55  }
0x16e: {  	[tilespmem:v3+s26+$0x0] =	vst.idx.add.f32.msk $0xffff, v54;
	v54 =	vimm.s32 $0x6;
	v3 =	vor.u32 v18, v32  }
0x16f: {  	[tilespmem:v59+s26+$0x0] =	vst.idx.add.f32.msk $0xffff, v1;
	v59 =	vimm.s32 $0x0;
	v1 =	vor.u32 v15, v34  }
0x170: {  	[tilespmem:v2+s26+$0x0] =	vst.idx.add.f32.msk $0xffff, v53;
	v2 =	vor.u32 v18, v34  }
0x171: {  	v6 =	vor.u32 v15, v39;
	[tilespmem:v38+s26+$0x0] =	vst.idx.add.f32.msk $0xffff, v52;
	v52 =	vimm.s32 $0x5  }
0x172: {  	v31 =	vor.u32 v18, v39;
	[tilespmem:v41+s26+$0x0] =	vst.idx.add.f32.msk $0xffff, v51  }
0x173: {  	[tilespmem:v5+s26+$0x0] =	vst.idx.add.f32.msk $0xffff, v50;
	v5 =	vor.u32 v15, v33  }
0x174: {  	[tilespmem:v3+s26+$0x0] =	vst.idx.add.f32.msk $0xffff, v45;
	v3 =	vor.u32 v18, v33  }
0x175: {  	[tilespmem:v1+s26+$0x0] =	vst.idx.add.f32.msk $0xffff, v28;
	v1 =	vor.u32 v15, v42  }
0x176: {  	[tilespmem:v2+s26+$0x0] =	vst.idx.add.f32.msk $0xffff, v49;
	v2 =	vor.u32 v18, v42  }
0x177: {  	[tilespmem:v6+s26+$0x0] =	vst.idx.add.f32.msk $0xffff, v61;
	v61 =	vimm.s32 $0x2;
	v6 =	vor.u32 v15, v35  }
0x178: {  	[tilespmem:v31+s26+$0x0] =	vst.idx.add.f32.msk $0xffff, v4;
	v4 =	vor.u32 v18, v35  }
0x179: {  	[tilespmem:v5+s26+$0x0] =	vst.idx.add.f32.msk $0xffff, v63;
	v63 =	vimm.s32 $0x4;
	v5 =	vor.u32 v15, v46  }
0x17a: {  	[tilespmem:v3+s26+$0x0] =	vst.idx.add.f32.msk $0xffff, v48;
	v3 =	vor.u32 v18, v46  }
0x17b: {  	[tilespmem:v1+s26+$0x0] =	vst.idx.add.f32.msk $0xffff, v43;
	v1 =	vor.u32 v15, v47  }
0x17c: {  	[tilespmem:v2+s26+$0x0] =	vst.idx.add.f32.msk $0xffff, v40;
	v2 =	vor.u32 v18, v47  }
0x17d: {  	v32 =	vor.u32 v15, v7;
	[tilespmem:v6+s26+$0x0] =	vst.idx.add.f32.msk $0xffff, v37  }
.Ltmp8:
0x17e: {  	v31 =	vor.u32 v18, v7;
	[tilespmem:v4+s26+$0x0] =	vst.idx.add.f32.msk $0xffff, v36;
	(pc) =	sbr.rel @p1 .LBB2_9-.Ltmp8, $4  }
0x17f: {  	[tilespmem:v5+s26+$0x0] =	vst.idx.add.f32.msk $0xffff, v29;
	v29 =	vor.u32 v15, v44  }
0x180: {  	v28 =	vor.u32 v18, v44;
	[tilespmem:v3+s26+$0x0] =	vst.idx.add.f32.msk $0xffff, v30  }
0x181: {  	[tilespmem:v1+s26+$0x0] =	vst.idx.add.f32.msk $0xffff, v27;
	v27 =	vor.u32 v15, v0  }
0x182: {  	s5 =	sadd.s32 $0x10, s5;
	[tilespmem:v2+s26+$0x0] =	vst.idx.add.f32.msk $0xffff, v26;
	v26 =	vor.u32 v18, v0  }
0x183: {  	_ =	sdelay $0x3  }
0x184: {  	[tilespmem:v32+s26+$0x0] =	vst.idx.add.f32.msk $0xffff, v22  }
0x185: {  	[tilespmem:v31+s26+$0x0] =	vst.idx.add.f32.msk $0xffff, v21  }
0x186: {  	p1 =	sgt.u32 s24, $0x7;
	[tilespmem:v29+s26+$0x0] =	vst.idx.add.f32.msk $0xffff, v24  }
0x187: {  	s2 =	sshll.u32 @!p1 s24, $0x9;
	[tilespmem:v28+s26+$0x0] =	vst.idx.add.f32.msk $0xffff, v20  }
0x188: {  	s2 =	sadd.s32 @!p1 s2, s10;
	[tilespmem:v27+s26+$0x0] =	vst.idx.add.f32.msk $0xffff, v19  }
.Ltmp9:
0x189: {  	v0 =	vimm.f32 @!p0 $1.000000000e+00;
	s5 =	simm.s32 @!p0 $0xC800;
	s2 =	sshrl.u32 @!p1 s2, $0x3;
	[tilespmem:v26+s26+$0x0] =	vst.idx.add.f32.msk $0xffff, v23;
	(pc) =	sbr.rel .LBB2_11-.Ltmp9, $4  }
0x18a: {  	s6 =	simm.s32 @!p1 $0x0;
	s8 =	simm.s32 @!p1 $0x200;
	[tilespmem:v25+s5+$0x0] =	vst.idx.add.f32.msk @!p0 $0xffff, v0;
	s5 =	sadd.s32 @!p1 s3, s2  }
0x18b: {  	[tilespmem:s8], [sflag:$0x4] =	stream.linear.gather @!p1 [hbm4b:s5+s6], $0x200, $0x38;
	[tilespmem:$0xE800] =	vst v63  }
0x18c: {  	s2 =	sadd.s32 @!p1 s4, s2;
	s5 =	simm.s32 @!p1 $0x600  }
0x18d: {  	[tilespmem:s5], [sflag:$0x4] =	stream.linear.gather @!p1 [hbm4b:s2+s6], $0x200, $0x38;
	[tilespmem:$0xE800] =	vst v63  }
.LBB2_13:
0x18e: {  	_ =	sfence.sel $0x180000  }
0x18f: {  	[bflag:$0x0] =	sbarrier.arrive $0xFFFF  }
0x190: {  	_ =	strace $0x9000004A  }
0x191: {  	[bflag:$0x2] =	sbarrier.arrive $0xFFFF  }
0x192: {  	p0 =	sne.s32 s1, $0x0;
	s0 =	rddreg [dreg:$0x1]  }
0x193: {  	s0 =	sadd.s32 @!p0 $0x100000, s0  }
0x194: {  	[sflag:s0] =	ssyncadd.tile.s32 @!p0 $0x1;
	_ =	shalt  }
.Lfunc_end2:
_tile_overlayer_lowered:
.L_overlay_start_2:
0x195: {  	(tag) =	ssettag $0x2  }
0x196: {  	s0 =	rddreg [dreg:$0x0];
	s2 =	stileid.u32  }
0x197: {  	s1 =	rddreg [dreg:$0x1];
	p0 =	sne.s32 s2, $0x0  }
0x198: {  	s3 =	rddreg [dreg:$0x2];
	[bflag:$0x3] =	sbarrier.arrive $0xFFFF;
	s2 =	simm.s32 @!p0 $0x1C05  }
0x199: {  	[timem:s3], [sflag:s2] =	dma.local @!p0 [hbm:s0], s1  }
0x19a: {  	s0 =	simm.s32 @!p0 $0x5  }
0x19b: {  	_ =	swait.ge @!p0 [sflag:s0], s1  }
0x19c: {  	s1 =	ssub.s32 @!p0 $0x0, s1;
	[sflag:s0] =	ssyncset.done @!p0 $0x0  }
0x19d: {  	[sflag:s0] =	ssyncadd.s32 @!p0 s1  }
0x19e: {  	[bflag:$0x3] =	sbarrier.arrive $0xFFFF  }
0x19f: {  	_ =	shalt  }

</sc_bundles>
